<compile_context>
chip_gen: v7x
topology: tpu7x:2x2x1
jax: 0.10.2.dev20260603
libtpu: 0.0.44.dev20260713+nightly
codegen_flags: <defaults>
</compile_context>

<pallas_src>
import functools

import jax
import jax.numpy as jnp
from jax import lax
from jax.experimental import pallas as pl
from jax.experimental.pallas import tpu as pltpu
from jax.experimental.pallas import tpu_sc as plsc

B = 16384
F = 26
D = 32
NUM_CORES = 2
NUM_SUBCORES = 16
NW = NUM_CORES * NUM_SUBCORES
BW = B // NW
NBLK = BW // 128

_mesh = plsc.VectorSubcoreMesh(core_axis_name="c", subcore_axis_name="s")


@functools.partial(
    pl.kernel,
    mesh=_mesh,
    out_type=jax.ShapeDtypeStruct((F, D // 8, B // 128, 8, 128), jnp.float32),
    scratch_types=[
        pltpu.VMEM((4, NBLK, 8, 128), jnp.int32),
        pltpu.VMEM((BW, D), jnp.float32),
        pltpu.VMEM((BW, D), jnp.float32),
        pltpu.VMEM((D, BW), jnp.float32),
        pltpu.VMEM((D, BW), jnp.float32),
        pltpu.SemaphoreType.DMA,
        pltpu.SemaphoreType.DMA,
        pltpu.SemaphoreType.DMA,
        pltpu.SemaphoreType.DMA,
        pltpu.SemaphoreType.DMA,
    ],
    compiler_params=pltpu.CompilerParams(
        use_tc_tiling_on_sc=False, needs_layout_passes=False),
)
def _gather_sc(idx_hbm, table_hbm, y_hbm,
               idx_all, rows0, rows1, bufT0, bufT1,
               sem_i, sg0, sg1, so0, so1):
    wid = lax.axis_index("s") * NUM_CORES + lax.axis_index("c")
    b0 = wid * BW
    blk0 = wid * NBLK
    rows = (rows0, rows1)
    bufT = (bufT0, bufT1)
    sem_g = (sg0, sg1)
    sem_o = (so0, so1)

    pltpu.sync_copy(idx_hbm.at[:, pl.ds(blk0, NBLK)], idx_all)

    lanes = lax.broadcasted_iota(jnp.int32, (16,), 0)
    pat = [(lanes + s) & 15 for s in range(16)]

    @plsc.parallel_loop(0, 128, 1, unroll=2)
    def _(tt):
        fb = tt >> 5
        jj = (tt >> 3) & 3
        fi = tt & 7
        for l in range(8):
            v = idx_all[fb, jj, fi, pl.ds(l * 16, 16)]
            c = v >> 14
            q = (v >> 12) & 3
            r = v & 4095
            idx_all[fb, jj, fi, pl.ds(l * 16, 16)] = (
                (c << 14) + (r << 2) + q)

    def transpose(rows_v, bufT_v):
        @plsc.parallel_loop(0, BW // 16, 1, unroll=4)
        def _(bb):
            b_vec = lanes + bb * 16
            for h in range(2):
                for s in range(16):
                    d_vec = pat[s] if h == 0 else pat[s] + 16
                    v = plsc.load_gather(rows_v, [b_vec, d_vec])
                    plsc.store_scatter(bufT_v, [d_vec, b_vec], v)

    def emit_tiles(f, bufT_v, sem):
        def wbody(t, carry):
            db = t // NBLK
            j = t % NBLK
            pltpu.async_copy(
                bufT_v.at[pl.ds(db * 8, 8), pl.ds(j * 128, 128)],
                y_hbm.at[f, db, blk0 + j],
                sem,
            )
            return carry

        lax.fori_loop(0, (D // 8) * NBLK, wbody, 0)

    def sem_wait(buf_v, sem):
        pltpu.make_async_copy(table_hbm.at[pl.ds(0, BW)], buf_v, sem).wait()

    def enqueue_gather(f, p):
        fb = f // 8
        fi = f % 8
        for j in range(NBLK):
            pltpu.async_copy(
                table_hbm.at[idx_all.at[fb, j, fi]],
                rows[p].at[pl.ds(j * 128, 128)],
                sem_g[p],
            )

    enqueue_gather(0, 0)

    def fbody(t, carry):
        f0 = 2 * t
        enqueue_gather(f0 + 1, 1)
        sem_wait(rows[0], sem_g[0])

        @pl.when(t >= 1)
        def _():
            sem_wait(rows[0], sem_o[0])

        transpose(rows[0], bufT[0])
        emit_tiles(f0, bufT[0], sem_o[0])

        @pl.when(t + 1 < F // 2)
        def _():
            enqueue_gather(f0 + 2, 0)

        sem_wait(rows[1], sem_g[1])

        @pl.when(t >= 1)
        def _():
            sem_wait(rows[1], sem_o[1])

        transpose(rows[1], bufT[1])
        emit_tiles(f0 + 1, bufT[1], sem_o[1])
        return carry

    lax.fori_loop(0, F // 2, fbody, 0)
    sem_wait(rows[0], sem_o[0])
    sem_wait(rows[1], sem_o[1])


_TBLK = 16384
_TQ = _TBLK // 4
_TGRID = (1000000 + _TBLK - 1) // _TBLK


def _tc_transpose_body(x_ref, o_ref):
    for q in range(4):
        o_ref[:, pl.ds(32 * q, 32)] = jnp.transpose(
            x_ref[:, pl.ds(q * _TQ, _TQ)])


def _table_rows_linear(table):
    t_t = jnp.transpose(table)
    out = pl.pallas_call(
        _tc_transpose_body,
        grid=(_TGRID,),
        in_specs=[pl.BlockSpec((32, _TBLK), lambda i: (0, i))],
        out_specs=pl.BlockSpec((_TQ, 128), lambda i: (i, 0)),
        out_shape=jax.ShapeDtypeStruct((_TGRID * _TQ, 128), jnp.float32),
    )(t_t)
    return out.reshape(_TGRID * _TBLK, 32)


def kernel(indices, table):
    idx_t = jnp.transpose(indices).astype(jnp.int32)
    idx32 = jnp.concatenate(
        [idx_t, jnp.zeros((32 - F, B), jnp.int32)], axis=0)
    idx4 = idx32.reshape(4, 8, B // 128, 128).transpose(0, 2, 1, 3)
    y = _gather_sc(idx4, _table_rows_linear(table))
    return y.transpose(2, 4, 0, 1, 3).reshape(B, F, D)

# --- scband reference (transcript-rebuilt; emitter-appended) ---
"""Pipeline reference for scband-pigment-model-9990093931113 (READ-ONLY COPY).

The authoritative reference and input builder live on the scoring server;
editing this copy changes nothing except your own understanding.
"""

import jax, jax.numpy as jnp
import numpy as np


def setup_inputs(seed: int = 0) -> dict:
    key = jax.random.key(seed)
    k_idx, k_tab = jax.random.split(key)
    indices = jax.random.randint(k_idx, (16384, 26), 0, 1000000, dtype=jnp.int64)
    # Learned pigment embedding table (num_embeddings x embedding_dim)
    table = jax.random.normal(k_tab, (1000000, 32), dtype=jnp.float32) * 0.02
    return {"indices": indices, "table": table}


def reference(indices, table):
    # Embedding lookup: gather pigment embedding rows by ID.
    # [B, F] int64 indices -> [B, F, D] float32 embeddings
    emb = jnp.take(table, indices, axis=0)
    return emb

if __name__ == "__main__":
    import jax
    _d = setup_inputs()
    print(jax.jit(kernel)(*tuple(_d.values())))

</pallas_src>

<mosaic_0001>
#map = affine_map<(d0, d1) -> (0, 0, 0, 0)>
#map1 = affine_map<(d0, d1) -> (0, 0)>
#map2 = affine_map<(d0, d1) -> (0, 0, 0, 0, 0)>
module attributes {stable_mosaic.version = 14 : i64} {
  func.func @_gather_sc(%arg0: i32, %arg1: i32, %arg2: memref<4x128x8x128xi32, #tpu.memory_space<hbm>>, %arg3: memref<1015808x32xf32, #tpu.memory_space<hbm>>, %arg4: memref<26x4x128x8x128xf32, #tpu.memory_space<hbm>>, %arg5: memref<4x4x8x128xi32, #tpu.memory_space<vmem>>, %arg6: memref<512x32xf32, #tpu.memory_space<vmem>>, %arg7: memref<512x32xf32, #tpu.memory_space<vmem>>, %arg8: memref<32x512xf32, #tpu.memory_space<vmem>>, %arg9: memref<32x512xf32, #tpu.memory_space<vmem>>, %arg10: memref<!tpu.dma_semaphore, #tpu.memory_space<semaphore_mem>>, %arg11: memref<!tpu.dma_semaphore, #tpu.memory_space<semaphore_mem>>, %arg12: memref<!tpu.dma_semaphore, #tpu.memory_space<semaphore_mem>>, %arg13: memref<!tpu.dma_semaphore, #tpu.memory_space<semaphore_mem>>, %arg14: memref<!tpu.dma_semaphore, #tpu.memory_space<semaphore_mem>>) attributes {dimension_semantics = [#tpu.dimension_semantics<core_parallel>, #tpu.dimension_semantics<subcore_parallel>], iteration_bounds = array<i64: 2, 16>, scalar_prefetch = 0 : i64, scratch_operands = 10 : i64, tpu.core_type = #tpu.core_type<sc_vector_subcore>, window_params = [{transform_indices = #map}, {transform_indices = #map1}, {transform_indices = #map2}]} {
    %mul3A = arith.constant 2 : i32
    %mul3A_0 = arith.muli %arg1, %mul3A : i32
    %add3A = arith.addi %mul3A_0, %arg0 : i32
    %mul3A_1 = arith.constant 512 : i32
    %mul3A_2 = arith.muli %add3A, %mul3A_1 : i32
    %mul3A_3 = arith.constant 4 : i32
    %mul3A_4 = arith.muli %add3A, %mul3A_3 : i32
    "tpu.region"() ({
      %run_scoped3A = tpu.sem_alloc : memref<!tpu.dma_semaphore, #tpu.memory_space<semaphore_mem>>
      %dma_start3A_165 = arith.constant 0 : i32
      %dma_start3A_166 = arith.constant 0 : i32
      %dma_start3A_167 = arith.constant 0 : i32
      %dma_start3A_168 = tpu.memref_slice %arg2[%dma_start3A_165, %mul3A_4, %dma_start3A_166, %dma_start3A_167] : memref<4x128x8x128xi32, #tpu.memory_space<hbm>> -> memref<4x4x8x128xi32, #tpu.memory_space<hbm>>
      %dma_start3A_169 = arith.constant 0 : i32
      %dma_start3A_170 = arith.constant 0 : i32
      %dma_start3A_171 = arith.constant 0 : i32
      %dma_start3A_172 = tpu.memref_slice %arg2[%dma_start3A_169, %mul3A_4, %dma_start3A_170, %dma_start3A_171] : memref<4x128x8x128xi32, #tpu.memory_space<hbm>> -> memref<4x4x8x128xi32, #tpu.memory_space<hbm>>
      tpu.enqueue_dma source(%dma_start3A_172 : memref<4x4x8x128xi32, #tpu.memory_space<hbm>>) target(%arg5 : memref<4x4x8x128xi32, #tpu.memory_space<vmem>>) target_semaphore(%run_scoped3A : memref<!tpu.dma_semaphore, #tpu.memory_space<semaphore_mem>>)
      %dma_wait3A_173 = arith.constant 0 : i32
      %dma_wait3A_174 = arith.constant 0 : i32
      %dma_wait3A_175 = arith.constant 0 : i32
      %dma_wait3A_176 = tpu.memref_slice %arg2[%dma_wait3A_173, %mul3A_4, %dma_wait3A_174, %dma_wait3A_175] : memref<4x128x8x128xi32, #tpu.memory_space<hbm>> -> memref<4x4x8x128xi32, #tpu.memory_space<hbm>>
      %dma_wait3A_177 = arith.constant 0 : i32
      %dma_wait3A_178 = arith.constant 0 : i32
      %dma_wait3A_179 = arith.constant 0 : i32
      %dma_wait3A_180 = tpu.memref_slice %arg2[%dma_wait3A_177, %mul3A_4, %dma_wait3A_178, %dma_wait3A_179] : memref<4x128x8x128xi32, #tpu.memory_space<hbm>> -> memref<4x4x8x128xi32, #tpu.memory_space<hbm>>
      tpu.wait_dma2 semaphore(%run_scoped3A : memref<!tpu.dma_semaphore, #tpu.memory_space<semaphore_mem>>) src(%dma_wait3A_180 : memref<4x4x8x128xi32, #tpu.memory_space<hbm>>) dst(%arg5 : memref<4x4x8x128xi32, #tpu.memory_space<vmem>>)
      tpu.yield
    }) : () -> ()
    %iota3A = tpu.iota {dimensions = array<i32: 0>} : vector<16xi32>
    %add3A_5 = arith.constant 0 : i32
    %add3A_6 = vector.broadcast %add3A_5 : i32 to vector<16xi32>
    %add3A_7 = arith.addi %iota3A, %add3A_6 : vector<16xi32>
    %and3A = arith.constant 15 : i32
    %and3A_8 = vector.broadcast %and3A : i32 to vector<16xi32>
    %and3A_9 = arith.andi %add3A_7, %and3A_8 : vector<16xi32>
    %add3A_10 = arith.constant 1 : i32
    %add3A_11 = vector.broadcast %add3A_10 : i32 to vector<16xi32>
    %add3A_12 = arith.addi %iota3A, %add3A_11 : vector<16xi32>
    %and3A_13 = arith.constant 15 : i32
    %and3A_14 = vector.broadcast %and3A_13 : i32 to vector<16xi32>
    %and3A_15 = arith.andi %add3A_12, %and3A_14 : vector<16xi32>
    %add3A_16 = arith.constant 2 : i32
    %add3A_17 = vector.broadcast %add3A_16 : i32 to vector<16xi32>
    %add3A_18 = arith.addi %iota3A, %add3A_17 : vector<16xi32>
    %and3A_19 = arith.constant 15 : i32
    %and3A_20 = vector.broadcast %and3A_19 : i32 to vector<16xi32>
    %and3A_21 = arith.andi %add3A_18, %and3A_20 : vector<16xi32>
    %add3A_22 = arith.constant 3 : i32
    %add3A_23 = vector.broadcast %add3A_22 : i32 to vector<16xi32>
    %add3A_24 = arith.addi %iota3A, %add3A_23 : vector<16xi32>
    %and3A_25 = arith.constant 15 : i32
    %and3A_26 = vector.broadcast %and3A_25 : i32 to vector<16xi32>
    %and3A_27 = arith.andi %add3A_24, %and3A_26 : vector<16xi32>
    %add3A_28 = arith.constant 4 : i32
    %add3A_29 = vector.broadcast %add3A_28 : i32 to vector<16xi32>
    %add3A_30 = arith.addi %iota3A, %add3A_29 : vector<16xi32>
    %and3A_31 = arith.constant 15 : i32
    %and3A_32 = vector.broadcast %and3A_31 : i32 to vector<16xi32>
    %and3A_33 = arith.andi %add3A_30, %and3A_32 : vector<16xi32>
    %add3A_34 = arith.constant 5 : i32
    %add3A_35 = vector.broadcast %add3A_34 : i32 to vector<16xi32>
    %add3A_36 = arith.addi %iota3A, %add3A_35 : vector<16xi32>
    %and3A_37 = arith.constant 15 : i32
    %and3A_38 = vector.broadcast %and3A_37 : i32 to vector<16xi32>
    %and3A_39 = arith.andi %add3A_36, %and3A_38 : vector<16xi32>
    %add3A_40 = arith.constant 6 : i32
    %add3A_41 = vector.broadcast %add3A_40 : i32 to vector<16xi32>
    %add3A_42 = arith.addi %iota3A, %add3A_41 : vector<16xi32>
    %and3A_43 = arith.constant 15 : i32
    %and3A_44 = vector.broadcast %and3A_43 : i32 to vector<16xi32>
    %and3A_45 = arith.andi %add3A_42, %and3A_44 : vector<16xi32>
    %add3A_46 = arith.constant 7 : i32
    %add3A_47 = vector.broadcast %add3A_46 : i32 to vector<16xi32>
    %add3A_48 = arith.addi %iota3A, %add3A_47 : vector<16xi32>
    %and3A_49 = arith.constant 15 : i32
    %and3A_50 = vector.broadcast %and3A_49 : i32 to vector<16xi32>
    %and3A_51 = arith.andi %add3A_48, %and3A_50 : vector<16xi32>
    %add3A_52 = arith.constant 8 : i32
    %add3A_53 = vector.broadcast %add3A_52 : i32 to vector<16xi32>
    %add3A_54 = arith.addi %iota3A, %add3A_53 : vector<16xi32>
    %and3A_55 = arith.constant 15 : i32
    %and3A_56 = vector.broadcast %and3A_55 : i32 to vector<16xi32>
    %and3A_57 = arith.andi %add3A_54, %and3A_56 : vector<16xi32>
    %add3A_58 = arith.constant 9 : i32
    %add3A_59 = vector.broadcast %add3A_58 : i32 to vector<16xi32>
    %add3A_60 = arith.addi %iota3A, %add3A_59 : vector<16xi32>
    %and3A_61 = arith.constant 15 : i32
    %and3A_62 = vector.broadcast %and3A_61 : i32 to vector<16xi32>
    %and3A_63 = arith.andi %add3A_60, %and3A_62 : vector<16xi32>
    %add3A_64 = arith.constant 10 : i32
    %add3A_65 = vector.broadcast %add3A_64 : i32 to vector<16xi32>
    %add3A_66 = arith.addi %iota3A, %add3A_65 : vector<16xi32>
    %and3A_67 = arith.constant 15 : i32
    %and3A_68 = vector.broadcast %and3A_67 : i32 to vector<16xi32>
    %and3A_69 = arith.andi %add3A_66, %and3A_68 : vector<16xi32>
    %add3A_70 = arith.constant 11 : i32
    %add3A_71 = vector.broadcast %add3A_70 : i32 to vector<16xi32>
    %add3A_72 = arith.addi %iota3A, %add3A_71 : vector<16xi32>
    %and3A_73 = arith.constant 15 : i32
    %and3A_74 = vector.broadcast %and3A_73 : i32 to vector<16xi32>
    %and3A_75 = arith.andi %add3A_72, %and3A_74 : vector<16xi32>
    %add3A_76 = arith.constant 12 : i32
    %add3A_77 = vector.broadcast %add3A_76 : i32 to vector<16xi32>
    %add3A_78 = arith.addi %iota3A, %add3A_77 : vector<16xi32>
    %and3A_79 = arith.constant 15 : i32
    %and3A_80 = vector.broadcast %and3A_79 : i32 to vector<16xi32>
    %and3A_81 = arith.andi %add3A_78, %and3A_80 : vector<16xi32>
    %add3A_82 = arith.constant 13 : i32
    %add3A_83 = vector.broadcast %add3A_82 : i32 to vector<16xi32>
    %add3A_84 = arith.addi %iota3A, %add3A_83 : vector<16xi32>
    %and3A_85 = arith.constant 15 : i32
    %and3A_86 = vector.broadcast %and3A_85 : i32 to vector<16xi32>
    %and3A_87 = arith.andi %add3A_84, %and3A_86 : vector<16xi32>
    %add3A_88 = arith.constant 14 : i32
    %add3A_89 = vector.broadcast %add3A_88 : i32 to vector<16xi32>
    %add3A_90 = arith.addi %iota3A, %add3A_89 : vector<16xi32>
    %and3A_91 = arith.constant 15 : i32
    %and3A_92 = vector.broadcast %and3A_91 : i32 to vector<16xi32>
    %and3A_93 = arith.andi %add3A_90, %and3A_92 : vector<16xi32>
    %add3A_94 = arith.constant 15 : i32
    %add3A_95 = vector.broadcast %add3A_94 : i32 to vector<16xi32>
    %add3A_96 = arith.addi %iota3A, %add3A_95 : vector<16xi32>
    %and3A_97 = arith.constant 15 : i32
    %and3A_98 = vector.broadcast %and3A_97 : i32 to vector<16xi32>
    %and3A_99 = arith.andi %add3A_96, %and3A_98 : vector<16xi32>
    %parallel_loop3A = arith.constant 0 : i32
    %parallel_loop3A_100 = arith.constant 128 : i32
    %parallel_loop3A_101 = arith.constant 1 : i32
    scf.for %parallel_loop3A_165 = %parallel_loop3A to %parallel_loop3A_100 step %parallel_loop3A_101  : i32 {
      %parallel_loop3A_166 = arith.constant 5 : i32
      %parallel_loop3A_167 = arith.shrsi %parallel_loop3A_165, %parallel_loop3A_166 : i32
      %parallel_loop3A_168 = arith.constant 3 : i32
      %parallel_loop3A_169 = arith.shrsi %parallel_loop3A_165, %parallel_loop3A_168 : i32
      %parallel_loop3A_170 = arith.constant 3 : i32
      %parallel_loop3A_171 = arith.andi %parallel_loop3A_169, %parallel_loop3A_170 : i32
      %parallel_loop3A_172 = arith.constant 7 : i32
      %parallel_loop3A_173 = arith.andi %parallel_loop3A_165, %parallel_loop3A_172 : i32
      %parallel_loop3A_174 = arith.index_cast %parallel_loop3A_167 : i32 to index
      %parallel_loop3A_175 = arith.index_cast %parallel_loop3A_171 : i32 to index
      %parallel_loop3A_176 = arith.index_cast %parallel_loop3A_173 : i32 to index
      %parallel_loop3A_177 = arith.constant 0 : index
      %parallel_loop3A_178 = tpu.vector_load %arg5[%parallel_loop3A_174, %parallel_loop3A_175, %parallel_loop3A_176, %parallel_loop3A_177] {strides = array<i32>} : memref<4x4x8x128xi32, #tpu.memory_space<vmem>>, vector<16xi32>,
      %parallel_loop3A_179 = arith.constant 14 : i32
      %parallel_loop3A_180 = vector.broadcast %parallel_loop3A_179 : i32 to vector<16xi32>
      %parallel_loop3A_181 = arith.shrsi %parallel_loop3A_178, %parallel_loop3A_180 : vector<16xi32>
      %parallel_loop3A_182 = arith.constant 12 : i32
      %parallel_loop3A_183 = vector.broadcast %parallel_loop3A_182 : i32 to vector<16xi32>
      %parallel_loop3A_184 = arith.shrsi %parallel_loop3A_178, %parallel_loop3A_183 : vector<16xi32>
      %parallel_loop3A_185 = arith.constant 3 : i32
      %parallel_loop3A_186 = vector.broadcast %parallel_loop3A_185 : i32 to vector<16xi32>
      %parallel_loop3A_187 = arith.andi %parallel_loop3A_184, %parallel_loop3A_186 : vector<16xi32>
      %parallel_loop3A_188 = arith.constant 4095 : i32
      %parallel_loop3A_189 = vector.broadcast %parallel_loop3A_188 : i32 to vector<16xi32>
      %parallel_loop3A_190 = arith.andi %parallel_loop3A_178, %parallel_loop3A_189 : vector<16xi32>
      %parallel_loop3A_191 = arith.constant 14 : i32
      %parallel_loop3A_192 = vector.broadcast %parallel_loop3A_191 : i32 to vector<16xi32>
      %parallel_loop3A_193 = arith.shli %parallel_loop3A_181, %parallel_loop3A_192 : vector<16xi32>
      %parallel_loop3A_194 = arith.constant 2 : i32
      %parallel_loop3A_195 = vector.broadcast %parallel_loop3A_194 : i32 to vector<16xi32>
      %parallel_loop3A_196 = arith.shli %parallel_loop3A_190, %parallel_loop3A_195 : vector<16xi32>
      %parallel_loop3A_197 = arith.addi %parallel_loop3A_193, %parallel_loop3A_196 : vector<16xi32>
      %parallel_loop3A_198 = arith.addi %parallel_loop3A_197, %parallel_loop3A_187 : vector<16xi32>
      %parallel_loop3A_199 = arith.index_cast %parallel_loop3A_167 : i32 to index
      %parallel_loop3A_200 = arith.index_cast %parallel_loop3A_171 : i32 to index
      %parallel_loop3A_201 = arith.index_cast %parallel_loop3A_173 : i32 to index
      %parallel_loop3A_202 = arith.constant 0 : index
      %parallel_loop3A_203 = tpu.vector_load %arg5[%parallel_loop3A_199, %parallel_loop3A_200, %parallel_loop3A_201, %parallel_loop3A_202] {strides = array<i32>} : memref<4x4x8x128xi32, #tpu.memory_space<vmem>>, vector<16xi32>,
      tpu.vector_store %arg5[%parallel_loop3A_199, %parallel_loop3A_200, %parallel_loop3A_201, %parallel_loop3A_202], %parallel_loop3A_198 {strides = array<i32>} : memref<4x4x8x128xi32, #tpu.memory_space<vmem>>, vector<16xi32>,
      %parallel_loop3A_204 = arith.index_cast %parallel_loop3A_167 : i32 to index
      %parallel_loop3A_205 = arith.index_cast %parallel_loop3A_171 : i32 to index
      %parallel_loop3A_206 = arith.index_cast %parallel_loop3A_173 : i32 to index
      %parallel_loop3A_207 = arith.constant 16 : index
      %parallel_loop3A_208 = tpu.vector_load %arg5[%parallel_loop3A_204, %parallel_loop3A_205, %parallel_loop3A_206, %parallel_loop3A_207] {strides = array<i32>} : memref<4x4x8x128xi32, #tpu.memory_space<vmem>>, vector<16xi32>,
      %parallel_loop3A_209 = arith.constant 14 : i32
      %parallel_loop3A_210 = vector.broadcast %parallel_loop3A_209 : i32 to vector<16xi32>
      %parallel_loop3A_211 = arith.shrsi %parallel_loop3A_208, %parallel_loop3A_210 : vector<16xi32>
      %parallel_loop3A_212 = arith.constant 12 : i32
      %parallel_loop3A_213 = vector.broadcast %parallel_loop3A_212 : i32 to vector<16xi32>
      %parallel_loop3A_214 = arith.shrsi %parallel_loop3A_208, %parallel_loop3A_213 : vector<16xi32>
      %parallel_loop3A_215 = arith.constant 3 : i32
      %parallel_loop3A_216 = vector.broadcast %parallel_loop3A_215 : i32 to vector<16xi32>
      %parallel_loop3A_217 = arith.andi %parallel_loop3A_214, %parallel_loop3A_216 : vector<16xi32>
      %parallel_loop3A_218 = arith.constant 4095 : i32
      %parallel_loop3A_219 = vector.broadcast %parallel_loop3A_218 : i32 to vector<16xi32>
      %parallel_loop3A_220 = arith.andi %parallel_loop3A_208, %parallel_loop3A_219 : vector<16xi32>
      %parallel_loop3A_221 = arith.constant 14 : i32
      %parallel_loop3A_222 = vector.broadcast %parallel_loop3A_221 : i32 to vector<16xi32>
      %parallel_loop3A_223 = arith.shli %parallel_loop3A_211, %parallel_loop3A_222 : vector<16xi32>
      %parallel_loop3A_224 = arith.constant 2 : i32
      %parallel_loop3A_225 = vector.broadcast %parallel_loop3A_224 : i32 to vector<16xi32>
      %parallel_loop3A_226 = arith.shli %parallel_loop3A_220, %parallel_loop3A_225 : vector<16xi32>
      %parallel_loop3A_227 = arith.addi %parallel_loop3A_223, %parallel_loop3A_226 : vector<16xi32>
      %parallel_loop3A_228 = arith.addi %parallel_loop3A_227, %parallel_loop3A_217 : vector<16xi32>
      %parallel_loop3A_229 = arith.index_cast %parallel_loop3A_167 : i32 to index
      %parallel_loop3A_230 = arith.index_cast %parallel_loop3A_171 : i32 to index
      %parallel_loop3A_231 = arith.index_cast %parallel_loop3A_173 : i32 to index
      %parallel_loop3A_232 = arith.constant 16 : index
      %parallel_loop3A_233 = tpu.vector_load %arg5[%parallel_loop3A_229, %parallel_loop3A_230, %parallel_loop3A_231, %parallel_loop3A_232] {strides = array<i32>} : memref<4x4x8x128xi32, #tpu.memory_space<vmem>>, vector<16xi32>,
      tpu.vector_store %arg5[%parallel_loop3A_229, %parallel_loop3A_230, %parallel_loop3A_231, %parallel_loop3A_232], %parallel_loop3A_228 {strides = array<i32>} : memref<4x4x8x128xi32, #tpu.memory_space<vmem>>, vector<16xi32>,
      %parallel_loop3A_234 = arith.index_cast %parallel_loop3A_167 : i32 to index
      %parallel_loop3A_235 = arith.index_cast %parallel_loop3A_171 : i32 to index
      %parallel_loop3A_236 = arith.index_cast %parallel_loop3A_173 : i32 to index
      %parallel_loop3A_237 = arith.constant 32 : index
      %parallel_loop3A_238 = tpu.vector_load %arg5[%parallel_loop3A_234, %parallel_loop3A_235, %parallel_loop3A_236, %parallel_loop3A_237] {strides = array<i32>} : memref<4x4x8x128xi32, #tpu.memory_space<vmem>>, vector<16xi32>,
      %parallel_loop3A_239 = arith.constant 14 : i32
      %parallel_loop3A_240 = vector.broadcast %parallel_loop3A_239 : i32 to vector<16xi32>
      %parallel_loop3A_241 = arith.shrsi %parallel_loop3A_238, %parallel_loop3A_240 : vector<16xi32>
      %parallel_loop3A_242 = arith.constant 12 : i32
      %parallel_loop3A_243 = vector.broadcast %parallel_loop3A_242 : i32 to vector<16xi32>
      %parallel_loop3A_244 = arith.shrsi %parallel_loop3A_238, %parallel_loop3A_243 : vector<16xi32>
      %parallel_loop3A_245 = arith.constant 3 : i32
      %parallel_loop3A_246 = vector.broadcast %parallel_loop3A_245 : i32 to vector<16xi32>
      %parallel_loop3A_247 = arith.andi %parallel_loop3A_244, %parallel_loop3A_246 : vector<16xi32>
      %parallel_loop3A_248 = arith.constant 4095 : i32
      %parallel_loop3A_249 = vector.broadcast %parallel_loop3A_248 : i32 to vector<16xi32>
      %parallel_loop3A_250 = arith.andi %parallel_loop3A_238, %parallel_loop3A_249 : vector<16xi32>
      %parallel_loop3A_251 = arith.constant 14 : i32
      %parallel_loop3A_252 = vector.broadcast %parallel_loop3A_251 : i32 to vector<16xi32>
      %parallel_loop3A_253 = arith.shli %parallel_loop3A_241, %parallel_loop3A_252 : vector<16xi32>
      %parallel_loop3A_254 = arith.constant 2 : i32
      %parallel_loop3A_255 = vector.broadcast %parallel_loop3A_254 : i32 to vector<16xi32>
      %parallel_loop3A_256 = arith.shli %parallel_loop3A_250, %parallel_loop3A_255 : vector<16xi32>
      %parallel_loop3A_257 = arith.addi %parallel_loop3A_253, %parallel_loop3A_256 : vector<16xi32>
      %parallel_loop3A_258 = arith.addi %parallel_loop3A_257, %parallel_loop3A_247 : vector<16xi32>
      %parallel_loop3A_259 = arith.index_cast %parallel_loop3A_167 : i32 to index
      %parallel_loop3A_260 = arith.index_cast %parallel_loop3A_171 : i32 to index
      %parallel_loop3A_261 = arith.index_cast %parallel_loop3A_173 : i32 to index
      %parallel_loop3A_262 = arith.constant 32 : index
      %parallel_loop3A_263 = tpu.vector_load %arg5[%parallel_loop3A_259, %parallel_loop3A_260, %parallel_loop3A_261, %parallel_loop3A_262] {strides = array<i32>} : memref<4x4x8x128xi32, #tpu.memory_space<vmem>>, vector<16xi32>,
      tpu.vector_store %arg5[%parallel_loop3A_259, %parallel_loop3A_260, %parallel_loop3A_261, %parallel_loop3A_262], %parallel_loop3A_258 {strides = array<i32>} : memref<4x4x8x128xi32, #tpu.memory_space<vmem>>, vector<16xi32>,
      %parallel_loop3A_264 = arith.index_cast %parallel_loop3A_167 : i32 to index
      %parallel_loop3A_265 = arith.index_cast %parallel_loop3A_171 : i32 to index
      %parallel_loop3A_266 = arith.index_cast %parallel_loop3A_173 : i32 to index
      %parallel_loop3A_267 = arith.constant 48 : index
      %parallel_loop3A_268 = tpu.vector_load %arg5[%parallel_loop3A_264, %parallel_loop3A_265, %parallel_loop3A_266, %parallel_loop3A_267] {strides = array<i32>} : memref<4x4x8x128xi32, #tpu.memory_space<vmem>>, vector<16xi32>,
      %parallel_loop3A_269 = arith.constant 14 : i32
      %parallel_loop3A_270 = vector.broadcast %parallel_loop3A_269 : i32 to vector<16xi32>
      %parallel_loop3A_271 = arith.shrsi %parallel_loop3A_268, %parallel_loop3A_270 : vector<16xi32>
      %parallel_loop3A_272 = arith.constant 12 : i32
      %parallel_loop3A_273 = vector.broadcast %parallel_loop3A_272 : i32 to vector<16xi32>
      %parallel_loop3A_274 = arith.shrsi %parallel_loop3A_268, %parallel_loop3A_273 : vector<16xi32>
      %parallel_loop3A_275 = arith.constant 3 : i32
      %parallel_loop3A_276 = vector.broadcast %parallel_loop3A_275 : i32 to vector<16xi32>
      %parallel_loop3A_277 = arith.andi %parallel_loop3A_274, %parallel_loop3A_276 : vector<16xi32>
      %parallel_loop3A_278 = arith.constant 4095 : i32
      %parallel_loop3A_279 = vector.broadcast %parallel_loop3A_278 : i32 to vector<16xi32>
      %parallel_loop3A_280 = arith.andi %parallel_loop3A_268, %parallel_loop3A_279 : vector<16xi32>
      %parallel_loop3A_281 = arith.constant 14 : i32
      %parallel_loop3A_282 = vector.broadcast %parallel_loop3A_281 : i32 to vector<16xi32>
      %parallel_loop3A_283 = arith.shli %parallel_loop3A_271, %parallel_loop3A_282 : vector<16xi32>
      %parallel_loop3A_284 = arith.constant 2 : i32
      %parallel_loop3A_285 = vector.broadcast %parallel_loop3A_284 : i32 to vector<16xi32>
      %parallel_loop3A_286 = arith.shli %parallel_loop3A_280, %parallel_loop3A_285 : vector<16xi32>
      %parallel_loop3A_287 = arith.addi %parallel_loop3A_283, %parallel_loop3A_286 : vector<16xi32>
      %parallel_loop3A_288 = arith.addi %parallel_loop3A_287, %parallel_loop3A_277 : vector<16xi32>
      %parallel_loop3A_289 = arith.index_cast %parallel_loop3A_167 : i32 to index
      %parallel_loop3A_290 = arith.index_cast %parallel_loop3A_171 : i32 to index
      %parallel_loop3A_291 = arith.index_cast %parallel_loop3A_173 : i32 to index
      %parallel_loop3A_292 = arith.constant 48 : index
      %parallel_loop3A_293 = tpu.vector_load %arg5[%parallel_loop3A_289, %parallel_loop3A_290, %parallel_loop3A_291, %parallel_loop3A_292] {strides = array<i32>} : memref<4x4x8x128xi32, #tpu.memory_space<vmem>>, vector<16xi32>,
      tpu.vector_store %arg5[%parallel_loop3A_289, %parallel_loop3A_290, %parallel_loop3A_291, %parallel_loop3A_292], %parallel_loop3A_288 {strides = array<i32>} : memref<4x4x8x128xi32, #tpu.memory_space<vmem>>, vector<16xi32>,
      %parallel_loop3A_294 = arith.index_cast %parallel_loop3A_167 : i32 to index
      %parallel_loop3A_295 = arith.index_cast %parallel_loop3A_171 : i32 to index
      %parallel_loop3A_296 = arith.index_cast %parallel_loop3A_173 : i32 to index
      %parallel_loop3A_297 = arith.constant 64 : index
      %parallel_loop3A_298 = tpu.vector_load %arg5[%parallel_loop3A_294, %parallel_loop3A_295, %parallel_loop3A_296, %parallel_loop3A_297] {strides = array<i32>} : memref<4x4x8x128xi32, #tpu.memory_space<vmem>>, vector<16xi32>,
      %parallel_loop3A_299 = arith.constant 14 : i32
      %parallel_loop3A_300 = vector.broadcast %parallel_loop3A_299 : i32 to vector<16xi32>
      %parallel_loop3A_301 = arith.shrsi %parallel_loop3A_298, %parallel_loop3A_300 : vector<16xi32>
      %parallel_loop3A_302 = arith.constant 12 : i32
      %parallel_loop3A_303 = vector.broadcast %parallel_loop3A_302 : i32 to vector<16xi32>
      %parallel_loop3A_304 = arith.shrsi %parallel_loop3A_298, %parallel_loop3A_303 : vector<16xi32>
      %parallel_loop3A_305 = arith.constant 3 : i32
      %parallel_loop3A_306 = vector.broadcast %parallel_loop3A_305 : i32 to vector<16xi32>
      %parallel_loop3A_307 = arith.andi %parallel_loop3A_304, %parallel_loop3A_306 : vector<16xi32>
      %parallel_loop3A_308 = arith.constant 4095 : i32
      %parallel_loop3A_309 = vector.broadcast %parallel_loop3A_308 : i32 to vector<16xi32>
      %parallel_loop3A_310 = arith.andi %parallel_loop3A_298, %parallel_loop3A_309 : vector<16xi32>
      %parallel_loop3A_311 = arith.constant 14 : i32
      %parallel_loop3A_312 = vector.broadcast %parallel_loop3A_311 : i32 to vector<16xi32>
      %parallel_loop3A_313 = arith.shli %parallel_loop3A_301, %parallel_loop3A_312 : vector<16xi32>
      %parallel_loop3A_314 = arith.constant 2 : i32
      %parallel_loop3A_315 = vector.broadcast %parallel_loop3A_314 : i32 to vector<16xi32>
      %parallel_loop3A_316 = arith.shli %parallel_loop3A_310, %parallel_loop3A_315 : vector<16xi32>
      %parallel_loop3A_317 = arith.addi %parallel_loop3A_313, %parallel_loop3A_316 : vector<16xi32>
      %parallel_loop3A_318 = arith.addi %parallel_loop3A_317, %parallel_loop3A_307 : vector<16xi32>
      %parallel_loop3A_319 = arith.index_cast %parallel_loop3A_167 : i32 to index
      %parallel_loop3A_320 = arith.index_cast %parallel_loop3A_171 : i32 to index
      %parallel_loop3A_321 = arith.index_cast %parallel_loop3A_173 : i32 to index
      %parallel_loop3A_322 = arith.constant 64 : index
      %parallel_loop3A_323 = tpu.vector_load %arg5[%parallel_loop3A_319, %parallel_loop3A_320, %parallel_loop3A_321, %parallel_loop3A_322] {strides = array<i32>} : memref<4x4x8x128xi32, #tpu.memory_space<vmem>>, vector<16xi32>,
      tpu.vector_store %arg5[%parallel_loop3A_319, %parallel_loop3A_320, %parallel_loop3A_321, %parallel_loop3A_322], %parallel_loop3A_318 {strides = array<i32>} : memref<4x4x8x128xi32, #tpu.memory_space<vmem>>, vector<16xi32>,
      %parallel_loop3A_324 = arith.index_cast %parallel_loop3A_167 : i32 to index
      %parallel_loop3A_325 = arith.index_cast %parallel_loop3A_171 : i32 to index
      %parallel_loop3A_326 = arith.index_cast %parallel_loop3A_173 : i32 to index
      %parallel_loop3A_327 = arith.constant 80 : index
      %parallel_loop3A_328 = tpu.vector_load %arg5[%parallel_loop3A_324, %parallel_loop3A_325, %parallel_loop3A_326, %parallel_loop3A_327] {strides = array<i32>} : memref<4x4x8x128xi32, #tpu.memory_space<vmem>>, vector<16xi32>,
      %parallel_loop3A_329 = arith.constant 14 : i32
      %parallel_loop3A_330 = vector.broadcast %parallel_loop3A_329 : i32 to vector<16xi32>
      %parallel_loop3A_331 = arith.shrsi %parallel_loop3A_328, %parallel_loop3A_330 : vector<16xi32>
      %parallel_loop3A_332 = arith.constant 12 : i32
      %parallel_loop3A_333 = vector.broadcast %parallel_loop3A_332 : i32 to vector<16xi32>
      %parallel_loop3A_334 = arith.shrsi %parallel_loop3A_328, %parallel_loop3A_333 : vector<16xi32>
      %parallel_loop3A_335 = arith.constant 3 : i32
      %parallel_loop3A_336 = vector.broadcast %parallel_loop3A_335 : i32 to vector<16xi32>
      %parallel_loop3A_337 = arith.andi %parallel_loop3A_334, %parallel_loop3A_336 : vector<16xi32>
      %parallel_loop3A_338 = arith.constant 4095 : i32
      %parallel_loop3A_339 = vector.broadcast %parallel_loop3A_338 : i32 to vector<16xi32>
      %parallel_loop3A_340 = arith.andi %parallel_loop3A_328, %parallel_loop3A_339 : vector<16xi32>
      %parallel_loop3A_341 = arith.constant 14 : i32
      %parallel_loop3A_342 = vector.broadcast %parallel_loop3A_341 : i32 to vector<16xi32>
      %parallel_loop3A_343 = arith.shli %parallel_loop3A_331, %parallel_loop3A_342 : vector<16xi32>
      %parallel_loop3A_344 = arith.constant 2 : i32
      %parallel_loop3A_345 = vector.broadcast %parallel_loop3A_344 : i32 to vector<16xi32>
      %parallel_loop3A_346 = arith.shli %parallel_loop3A_340, %parallel_loop3A_345 : vector<16xi32>
      %parallel_loop3A_347 = arith.addi %parallel_loop3A_343, %parallel_loop3A_346 : vector<16xi32>
      %parallel_loop3A_348 = arith.addi %parallel_loop3A_347, %parallel_loop3A_337 : vector<16xi32>
      %parallel_loop3A_349 = arith.index_cast %parallel_loop3A_167 : i32 to index
      %parallel_loop3A_350 = arith.index_cast %parallel_loop3A_171 : i32 to index
      %parallel_loop3A_351 = arith.index_cast %parallel_loop3A_173 : i32 to index
      %parallel_loop3A_352 = arith.constant 80 : index
      %parallel_loop3A_353 = tpu.vector_load %arg5[%parallel_loop3A_349, %parallel_loop3A_350, %parallel_loop3A_351, %parallel_loop3A_352] {strides = array<i32>} : memref<4x4x8x128xi32, #tpu.memory_space<vmem>>, vector<16xi32>,
      tpu.vector_store %arg5[%parallel_loop3A_349, %parallel_loop3A_350, %parallel_loop3A_351, %parallel_loop3A_352], %parallel_loop3A_348 {strides = array<i32>} : memref<4x4x8x128xi32, #tpu.memory_space<vmem>>, vector<16xi32>,
      %parallel_loop3A_354 = arith.index_cast %parallel_loop3A_167 : i32 to index
      %parallel_loop3A_355 = arith.index_cast %parallel_loop3A_171 : i32 to index
      %parallel_loop3A_356 = arith.index_cast %parallel_loop3A_173 : i32 to index
      %parallel_loop3A_357 = arith.constant 96 : index
      %parallel_loop3A_358 = tpu.vector_load %arg5[%parallel_loop3A_354, %parallel_loop3A_355, %parallel_loop3A_356, %parallel_loop3A_357] {strides = array<i32>} : memref<4x4x8x128xi32, #tpu.memory_space<vmem>>, vector<16xi32>,
      %parallel_loop3A_359 = arith.constant 14 : i32
      %parallel_loop3A_360 = vector.broadcast %parallel_loop3A_359 : i32 to vector<16xi32>
      %parallel_loop3A_361 = arith.shrsi %parallel_loop3A_358, %parallel_loop3A_360 : vector<16xi32>
      %parallel_loop3A_362 = arith.constant 12 : i32
      %parallel_loop3A_363 = vector.broadcast %parallel_loop3A_362 : i32 to vector<16xi32>
      %parallel_loop3A_364 = arith.shrsi %parallel_loop3A_358, %parallel_loop3A_363 : vector<16xi32>
      %parallel_loop3A_365 = arith.constant 3 : i32
      %parallel_loop3A_366 = vector.broadcast %parallel_loop3A_365 : i32 to vector<16xi32>
      %parallel_loop3A_367 = arith.andi %parallel_loop3A_364, %parallel_loop3A_366 : vector<16xi32>
      %parallel_loop3A_368 = arith.constant 4095 : i32
      %parallel_loop3A_369 = vector.broadcast %parallel_loop3A_368 : i32 to vector<16xi32>
      %parallel_loop3A_370 = arith.andi %parallel_loop3A_358, %parallel_loop3A_369 : vector<16xi32>
      %parallel_loop3A_371 = arith.constant 14 : i32
      %parallel_loop3A_372 = vector.broadcast %parallel_loop3A_371 : i32 to vector<16xi32>
      %parallel_loop3A_373 = arith.shli %parallel_loop3A_361, %parallel_loop3A_372 : vector<16xi32>
      %parallel_loop3A_374 = arith.constant 2 : i32
      %parallel_loop3A_375 = vector.broadcast %parallel_loop3A_374 : i32 to vector<16xi32>
      %parallel_loop3A_376 = arith.shli %parallel_loop3A_370, %parallel_loop3A_375 : vector<16xi32>
      %parallel_loop3A_377 = arith.addi %parallel_loop3A_373, %parallel_loop3A_376 : vector<16xi32>
      %parallel_loop3A_378 = arith.addi %parallel_loop3A_377, %parallel_loop3A_367 : vector<16xi32>
      %parallel_loop3A_379 = arith.index_cast %parallel_loop3A_167 : i32 to index
      %parallel_loop3A_380 = arith.index_cast %parallel_loop3A_171 : i32 to index
      %parallel_loop3A_381 = arith.index_cast %parallel_loop3A_173 : i32 to index
      %parallel_loop3A_382 = arith.constant 96 : index
      %parallel_loop3A_383 = tpu.vector_load %arg5[%parallel_loop3A_379, %parallel_loop3A_380, %parallel_loop3A_381, %parallel_loop3A_382] {strides = array<i32>} : memref<4x4x8x128xi32, #tpu.memory_space<vmem>>, vector<16xi32>,
      tpu.vector_store %arg5[%parallel_loop3A_379, %parallel_loop3A_380, %parallel_loop3A_381, %parallel_loop3A_382], %parallel_loop3A_378 {strides = array<i32>} : memref<4x4x8x128xi32, #tpu.memory_space<vmem>>, vector<16xi32>,
      %parallel_loop3A_384 = arith.index_cast %parallel_loop3A_167 : i32 to index
      %parallel_loop3A_385 = arith.index_cast %parallel_loop3A_171 : i32 to index
      %parallel_loop3A_386 = arith.index_cast %parallel_loop3A_173 : i32 to index
      %parallel_loop3A_387 = arith.constant 112 : index
      %parallel_loop3A_388 = tpu.vector_load %arg5[%parallel_loop3A_384, %parallel_loop3A_385, %parallel_loop3A_386, %parallel_loop3A_387] {strides = array<i32>} : memref<4x4x8x128xi32, #tpu.memory_space<vmem>>, vector<16xi32>,
      %parallel_loop3A_389 = arith.constant 14 : i32
      %parallel_loop3A_390 = vector.broadcast %parallel_loop3A_389 : i32 to vector<16xi32>
      %parallel_loop3A_391 = arith.shrsi %parallel_loop3A_388, %parallel_loop3A_390 : vector<16xi32>
      %parallel_loop3A_392 = arith.constant 12 : i32
      %parallel_loop3A_393 = vector.broadcast %parallel_loop3A_392 : i32 to vector<16xi32>
      %parallel_loop3A_394 = arith.shrsi %parallel_loop3A_388, %parallel_loop3A_393 : vector<16xi32>
      %parallel_loop3A_395 = arith.constant 3 : i32
      %parallel_loop3A_396 = vector.broadcast %parallel_loop3A_395 : i32 to vector<16xi32>
      %parallel_loop3A_397 = arith.andi %parallel_loop3A_394, %parallel_loop3A_396 : vector<16xi32>
      %parallel_loop3A_398 = arith.constant 4095 : i32
      %parallel_loop3A_399 = vector.broadcast %parallel_loop3A_398 : i32 to vector<16xi32>
      %parallel_loop3A_400 = arith.andi %parallel_loop3A_388, %parallel_loop3A_399 : vector<16xi32>
      %parallel_loop3A_401 = arith.constant 14 : i32
      %parallel_loop3A_402 = vector.broadcast %parallel_loop3A_401 : i32 to vector<16xi32>
      %parallel_loop3A_403 = arith.shli %parallel_loop3A_391, %parallel_loop3A_402 : vector<16xi32>
      %parallel_loop3A_404 = arith.constant 2 : i32
      %parallel_loop3A_405 = vector.broadcast %parallel_loop3A_404 : i32 to vector<16xi32>
      %parallel_loop3A_406 = arith.shli %parallel_loop3A_400, %parallel_loop3A_405 : vector<16xi32>
      %parallel_loop3A_407 = arith.addi %parallel_loop3A_403, %parallel_loop3A_406 : vector<16xi32>
      %parallel_loop3A_408 = arith.addi %parallel_loop3A_407, %parallel_loop3A_397 : vector<16xi32>
      %parallel_loop3A_409 = arith.index_cast %parallel_loop3A_167 : i32 to index
      %parallel_loop3A_410 = arith.index_cast %parallel_loop3A_171 : i32 to index
      %parallel_loop3A_411 = arith.index_cast %parallel_loop3A_173 : i32 to index
      %parallel_loop3A_412 = arith.constant 112 : index
      %parallel_loop3A_413 = tpu.vector_load %arg5[%parallel_loop3A_409, %parallel_loop3A_410, %parallel_loop3A_411, %parallel_loop3A_412] {strides = array<i32>} : memref<4x4x8x128xi32, #tpu.memory_space<vmem>>, vector<16xi32>,
      tpu.vector_store %arg5[%parallel_loop3A_409, %parallel_loop3A_410, %parallel_loop3A_411, %parallel_loop3A_412], %parallel_loop3A_408 {strides = array<i32>} : memref<4x4x8x128xi32, #tpu.memory_space<vmem>>, vector<16xi32>,
    } {sc.loop_unroll_factor = 2 : i64, sc.parallel_access}
    %dma_start3A = arith.constant 0 : i32
    %dma_start3A_102 = arith.constant 0 : i32
    %dma_start3A_103 = arith.constant 0 : i32
    %dma_start3A_104 = arith.constant 0 : i32
    %dma_start3A_105 = arith.constant 0 : i32
    %dma_start3A_106 = tpu.memref_slice %arg6[%dma_start3A_104, %dma_start3A_105] : memref<512x32xf32, #tpu.memory_space<vmem>> -> memref<128x32xf32, #tpu.memory_space<vmem>>
    %dma_start3A_107 = arith.constant 0 : i32
    %dma_start3A_108 = tpu.memref_slice %arg5[%dma_start3A, %dma_start3A_102, %dma_start3A_103, %dma_start3A_107] : memref<4x4x8x128xi32, #tpu.memory_space<vmem>> -> memref<1x1x1x128xi32, #tpu.memory_space<vmem>>
    %dma_start3A_109 = tpu.memref_squeeze %dma_start3A_108 : memref<1x1x1x128xi32, #tpu.memory_space<vmem>> -> memref<128xi32, #tpu.memory_space<vmem>>
    %dma_start3A_110 = arith.constant 0 : i32
    %dma_start3A_111 = arith.constant 0 : i32
    %dma_start3A_112 = tpu.memref_slice %arg3[%dma_start3A_110, %dma_start3A_111] : memref<1015808x32xf32, #tpu.memory_space<hbm>> -> memref<1015808x32xf32, #tpu.memory_space<hbm>>
    tpu.enqueue_indirect_dma source(%dma_start3A_112 : memref<1015808x32xf32, #tpu.memory_space<hbm>>) target(%dma_start3A_106 : memref<128x32xf32, #tpu.memory_space<vmem>>) offsets(%dma_start3A_109 : memref<128xi32, #tpu.memory_space<vmem>>) semaphore(%arg11 : memref<!tpu.dma_semaphore, #tpu.memory_space<semaphore_mem>>)
    %dma_start3A_113 = arith.constant 0 : i32
    %dma_start3A_114 = arith.constant 1 : i32
    %dma_start3A_115 = arith.constant 0 : i32
    %dma_start3A_116 = arith.constant 128 : i32
    %dma_start3A_117 = arith.constant 0 : i32
    %dma_start3A_118 = tpu.memref_slice %arg6[%dma_start3A_116, %dma_start3A_117] : memref<512x32xf32, #tpu.memory_space<vmem>> -> memref<128x32xf32, #tpu.memory_space<vmem>>
    %dma_start3A_119 = arith.constant 0 : i32
    %dma_start3A_120 = tpu.memref_slice %arg5[%dma_start3A_113, %dma_start3A_114, %dma_start3A_115, %dma_start3A_119] : memref<4x4x8x128xi32, #tpu.memory_space<vmem>> -> memref<1x1x1x128xi32, #tpu.memory_space<vmem>>
    %dma_start3A_121 = tpu.memref_squeeze %dma_start3A_120 : memref<1x1x1x128xi32, #tpu.memory_space<vmem>> -> memref<128xi32, #tpu.memory_space<vmem>>
    %dma_start3A_122 = arith.constant 0 : i32
    %dma_start3A_123 = arith.constant 0 : i32
    %dma_start3A_124 = tpu.memref_slice %arg3[%dma_start3A_122, %dma_start3A_123] : memref<1015808x32xf32, #tpu.memory_space<hbm>> -> memref<1015808x32xf32, #tpu.memory_space<hbm>>
    tpu.enqueue_indirect_dma source(%dma_start3A_124 : memref<1015808x32xf32, #tpu.memory_space<hbm>>) target(%dma_start3A_118 : memref<128x32xf32, #tpu.memory_space<vmem>>) offsets(%dma_start3A_121 : memref<128xi32, #tpu.memory_space<vmem>>) semaphore(%arg11 : memref<!tpu.dma_semaphore, #tpu.memory_space<semaphore_mem>>)
    %dma_start3A_125 = arith.constant 0 : i32
    %dma_start3A_126 = arith.constant 2 : i32
    %dma_start3A_127 = arith.constant 0 : i32
    %dma_start3A_128 = arith.constant 256 : i32
    %dma_start3A_129 = arith.constant 0 : i32
    %dma_start3A_130 = tpu.memref_slice %arg6[%dma_start3A_128, %dma_start3A_129] : memref<512x32xf32, #tpu.memory_space<vmem>> -> memref<128x32xf32, #tpu.memory_space<vmem>>
    %dma_start3A_131 = arith.constant 0 : i32
    %dma_start3A_132 = tpu.memref_slice %arg5[%dma_start3A_125, %dma_start3A_126, %dma_start3A_127, %dma_start3A_131] : memref<4x4x8x128xi32, #tpu.memory_space<vmem>> -> memref<1x1x1x128xi32, #tpu.memory_space<vmem>>
    %dma_start3A_133 = tpu.memref_squeeze %dma_start3A_132 : memref<1x1x1x128xi32, #tpu.memory_space<vmem>> -> memref<128xi32, #tpu.memory_space<vmem>>
    %dma_start3A_134 = arith.constant 0 : i32
    %dma_start3A_135 = arith.constant 0 : i32
    %dma_start3A_136 = tpu.memref_slice %arg3[%dma_start3A_134, %dma_start3A_135] : memref<1015808x32xf32, #tpu.memory_space<hbm>> -> memref<1015808x32xf32, #tpu.memory_space<hbm>>
    tpu.enqueue_indirect_dma source(%dma_start3A_136 : memref<1015808x32xf32, #tpu.memory_space<hbm>>) target(%dma_start3A_130 : memref<128x32xf32, #tpu.memory_space<vmem>>) offsets(%dma_start3A_133 : memref<128xi32, #tpu.memory_space<vmem>>) semaphore(%arg11 : memref<!tpu.dma_semaphore, #tpu.memory_space<semaphore_mem>>)
    %dma_start3A_137 = arith.constant 0 : i32
    %dma_start3A_138 = arith.constant 3 : i32
    %dma_start3A_139 = arith.constant 0 : i32
    %dma_start3A_140 = arith.constant 384 : i32
    %dma_start3A_141 = arith.constant 0 : i32
    %dma_start3A_142 = tpu.memref_slice %arg6[%dma_start3A_140, %dma_start3A_141] : memref<512x32xf32, #tpu.memory_space<vmem>> -> memref<128x32xf32, #tpu.memory_space<vmem>>
    %dma_start3A_143 = arith.constant 0 : i32
    %dma_start3A_144 = tpu.memref_slice %arg5[%dma_start3A_137, %dma_start3A_138, %dma_start3A_139, %dma_start3A_143] : memref<4x4x8x128xi32, #tpu.memory_space<vmem>> -> memref<1x1x1x128xi32, #tpu.memory_space<vmem>>
    %dma_start3A_145 = tpu.memref_squeeze %dma_start3A_144 : memref<1x1x1x128xi32, #tpu.memory_space<vmem>> -> memref<128xi32, #tpu.memory_space<vmem>>
    %dma_start3A_146 = arith.constant 0 : i32
    %dma_start3A_147 = arith.constant 0 : i32
    %dma_start3A_148 = tpu.memref_slice %arg3[%dma_start3A_146, %dma_start3A_147] : memref<1015808x32xf32, #tpu.memory_space<hbm>> -> memref<1015808x32xf32, #tpu.memory_space<hbm>>
    tpu.enqueue_indirect_dma source(%dma_start3A_148 : memref<1015808x32xf32, #tpu.memory_space<hbm>>) target(%dma_start3A_142 : memref<128x32xf32, #tpu.memory_space<vmem>>) offsets(%dma_start3A_145 : memref<128xi32, #tpu.memory_space<vmem>>) semaphore(%arg11 : memref<!tpu.dma_semaphore, #tpu.memory_space<semaphore_mem>>)
    %scan3A = arith.constant 0 : i32
    %scan3A_149 = arith.constant 0 : i32
    %scan3A_150 = arith.constant 13 : i32
    %scan3A_151 = arith.addi %scan3A_149, %scan3A_150 : i32
    %scan3A_152 = arith.constant 1 : i32
    scf.for %scan3A_165 = %scan3A_149 to %scan3A_151 step %scan3A_152  : i32 {
      %mul3A_166 = arith.constant 2 : i32
      %mul3A_167 = arith.muli %mul3A_166, %scan3A_165 : i32
      %add3A_168 = arith.constant 1 : i32
      %add3A_169 = arith.addi %mul3A_167, %add3A_168 : i32
      %jit3A = arith.constant 8 : i32
      %div3A = arith.divsi %add3A_169, %jit3A : i32
      %sign3A = arith.constant 0 : i32
      %sign3A_170 = arith.cmpi sgt, %add3A_169, %sign3A : i32
      %sign3A_171 = arith.extui %sign3A_170 : i1 to i32
      %sign3A_172 = arith.constant 0 : i32
      %sign3A_173 = arith.cmpi slt, %add3A_169, %sign3A_172 : i32
      %sign3A_174 = arith.extui %sign3A_173 : i1 to i32
      %sign3A_175 = arith.subi %sign3A_171, %sign3A_174 : i32
      %sign3A_176 = arith.constant 0 : i32
      %sign3A_177 = arith.cmpi sgt, %jit3A, %sign3A_176 : i32
      %sign3A_178 = arith.extui %sign3A_177 : i1 to i32
      %sign3A_179 = arith.constant 0 : i32
      %sign3A_180 = arith.cmpi slt, %jit3A, %sign3A_179 : i32
      %sign3A_181 = arith.extui %sign3A_180 : i1 to i32
      %sign3A_182 = arith.subi %sign3A_178, %sign3A_181 : i32
      %ne3A = arith.cmpi ne, %sign3A_175, %sign3A_182 : i32
      %rem3A = arith.remsi %add3A_169, %jit3A : i32
      %ne3A_183 = arith.constant 0 : i32
      %ne3A_184 = arith.cmpi ne, %rem3A, %ne3A_183 : i32
      %and3A_185 = arith.andi %ne3A, %ne3A_184 : i1
      %sub3A = arith.constant 1 : i32
      %sub3A_186 = arith.subi %div3A, %sub3A : i32
      %select_n3A = arith.select %and3A_185, %sub3A_186, %div3A : i32
      %jit3A_187 = arith.constant 8 : i32
      %eq3A = arith.constant 0 : i32
      %eq3A_188 = arith.cmpi eq, %jit3A_187, %eq3A : i32
      %jit3A_189 = arith.constant 1 : i32
      %select_n3A_190 = arith.select %eq3A_188, %jit3A_189, %jit3A_187 : i32
      %rem3A_191 = arith.remsi %add3A_169, %select_n3A_190 : i32
      %ne3A_192 = arith.constant 0 : i32
      %ne3A_193 = arith.cmpi ne, %rem3A_191, %ne3A_192 : i32
      %lt3A = arith.constant 0 : i32
      %lt3A_194 = arith.cmpi slt, %rem3A_191, %lt3A : i32
      %lt3A_195 = arith.constant 0 : i32
      %lt3A_196 = arith.cmpi slt, %select_n3A_190, %lt3A_195 : i32
      %ne3A_197 = arith.xori %lt3A_194, %lt3A_196 : i1
      %and3A_198 = arith.andi %ne3A_197, %ne3A_193 : i1
      %add3A_199 = arith.addi %rem3A_191, %select_n3A_190 : i32
      %select_n3A_200 = arith.select %and3A_198, %add3A_199, %rem3A_191 : i32
      %dma_start3A_201 = arith.constant 0 : i32
      %dma_start3A_202 = arith.constant 0 : i32
      %dma_start3A_203 = arith.constant 0 : i32
      %dma_start3A_204 = tpu.memref_slice %arg7[%dma_start3A_202, %dma_start3A_203] : memref<512x32xf32, #tpu.memory_space<vmem>> -> memref<128x32xf32, #tpu.memory_space<vmem>>
      %dma_start3A_205 = arith.constant 0 : i32
      %dma_start3A_206 = tpu.memref_slice %arg5[%select_n3A, %dma_start3A_201, %select_n3A_200, %dma_start3A_205] : memref<4x4x8x128xi32, #tpu.memory_space<vmem>> -> memref<1x1x1x128xi32, #tpu.memory_space<vmem>>
      %dma_start3A_207 = tpu.memref_squeeze %dma_start3A_206 : memref<1x1x1x128xi32, #tpu.memory_space<vmem>> -> memref<128xi32, #tpu.memory_space<vmem>>
      %dma_start3A_208 = arith.constant 0 : i32
      %dma_start3A_209 = arith.constant 0 : i32
      %dma_start3A_210 = tpu.memref_slice %arg3[%dma_start3A_208, %dma_start3A_209] : memref<1015808x32xf32, #tpu.memory_space<hbm>> -> memref<1015808x32xf32, #tpu.memory_space<hbm>>
      tpu.enqueue_indirect_dma source(%dma_start3A_210 : memref<1015808x32xf32, #tpu.memory_space<hbm>>) target(%dma_start3A_204 : memref<128x32xf32, #tpu.memory_space<vmem>>) offsets(%dma_start3A_207 : memref<128xi32, #tpu.memory_space<vmem>>) semaphore(%arg12 : memref<!tpu.dma_semaphore, #tpu.memory_space<semaphore_mem>>)
      %dma_start3A_211 = arith.constant 1 : i32
      %dma_start3A_212 = arith.constant 128 : i32
      %dma_start3A_213 = arith.constant 0 : i32
      %dma_start3A_214 = tpu.memref_slice %arg7[%dma_start3A_212, %dma_start3A_213] : memref<512x32xf32, #tpu.memory_space<vmem>> -> memref<128x32xf32, #tpu.memory_space<vmem>>
      %dma_start3A_215 = arith.constant 0 : i32
      %dma_start3A_216 = tpu.memref_slice %arg5[%select_n3A, %dma_start3A_211, %select_n3A_200, %dma_start3A_215] : memref<4x4x8x128xi32, #tpu.memory_space<vmem>> -> memref<1x1x1x128xi32, #tpu.memory_space<vmem>>
      %dma_start3A_217 = tpu.memref_squeeze %dma_start3A_216 : memref<1x1x1x128xi32, #tpu.memory_space<vmem>> -> memref<128xi32, #tpu.memory_space<vmem>>
      %dma_start3A_218 = arith.constant 0 : i32
      %dma_start3A_219 = arith.constant 0 : i32
      %dma_start3A_220 = tpu.memref_slice %arg3[%dma_start3A_218, %dma_start3A_219] : memref<1015808x32xf32, #tpu.memory_space<hbm>> -> memref<1015808x32xf32, #tpu.memory_space<hbm>>
      tpu.enqueue_indirect_dma source(%dma_start3A_220 : memref<1015808x32xf32, #tpu.memory_space<hbm>>) target(%dma_start3A_214 : memref<128x32xf32, #tpu.memory_space<vmem>>) offsets(%dma_start3A_217 : memref<128xi32, #tpu.memory_space<vmem>>) semaphore(%arg12 : memref<!tpu.dma_semaphore, #tpu.memory_space<semaphore_mem>>)
      %dma_start3A_221 = arith.constant 2 : i32
      %dma_start3A_222 = arith.constant 256 : i32
      %dma_start3A_223 = arith.constant 0 : i32
      %dma_start3A_224 = tpu.memref_slice %arg7[%dma_start3A_222, %dma_start3A_223] : memref<512x32xf32, #tpu.memory_space<vmem>> -> memref<128x32xf32, #tpu.memory_space<vmem>>
      %dma_start3A_225 = arith.constant 0 : i32
      %dma_start3A_226 = tpu.memref_slice %arg5[%select_n3A, %dma_start3A_221, %select_n3A_200, %dma_start3A_225] : memref<4x4x8x128xi32, #tpu.memory_space<vmem>> -> memref<1x1x1x128xi32, #tpu.memory_space<vmem>>
      %dma_start3A_227 = tpu.memref_squeeze %dma_start3A_226 : memref<1x1x1x128xi32, #tpu.memory_space<vmem>> -> memref<128xi32, #tpu.memory_space<vmem>>
      %dma_start3A_228 = arith.constant 0 : i32
      %dma_start3A_229 = arith.constant 0 : i32
      %dma_start3A_230 = tpu.memref_slice %arg3[%dma_start3A_228, %dma_start3A_229] : memref<1015808x32xf32, #tpu.memory_space<hbm>> -> memref<1015808x32xf32, #tpu.memory_space<hbm>>
      tpu.enqueue_indirect_dma source(%dma_start3A_230 : memref<1015808x32xf32, #tpu.memory_space<hbm>>) target(%dma_start3A_224 : memref<128x32xf32, #tpu.memory_space<vmem>>) offsets(%dma_start3A_227 : memref<128xi32, #tpu.memory_space<vmem>>) semaphore(%arg12 : memref<!tpu.dma_semaphore, #tpu.memory_space<semaphore_mem>>)
      %dma_start3A_231 = arith.constant 3 : i32
      %dma_start3A_232 = arith.constant 384 : i32
      %dma_start3A_233 = arith.constant 0 : i32
      %dma_start3A_234 = tpu.memref_slice %arg7[%dma_start3A_232, %dma_start3A_233] : memref<512x32xf32, #tpu.memory_space<vmem>> -> memref<128x32xf32, #tpu.memory_space<vmem>>
      %dma_start3A_235 = arith.constant 0 : i32
      %dma_start3A_236 = tpu.memref_slice %arg5[%select_n3A, %dma_start3A_231, %select_n3A_200, %dma_start3A_235] : memref<4x4x8x128xi32, #tpu.memory_space<vmem>> -> memref<1x1x1x128xi32, #tpu.memory_space<vmem>>
      %dma_start3A_237 = tpu.memref_squeeze %dma_start3A_236 : memref<1x1x1x128xi32, #tpu.memory_space<vmem>> -> memref<128xi32, #tpu.memory_space<vmem>>
      %dma_start3A_238 = arith.constant 0 : i32
      %dma_start3A_239 = arith.constant 0 : i32
      %dma_start3A_240 = tpu.memref_slice %arg3[%dma_start3A_238, %dma_start3A_239] : memref<1015808x32xf32, #tpu.memory_space<hbm>> -> memref<1015808x32xf32, #tpu.memory_space<hbm>>
      tpu.enqueue_indirect_dma source(%dma_start3A_240 : memref<1015808x32xf32, #tpu.memory_space<hbm>>) target(%dma_start3A_234 : memref<128x32xf32, #tpu.memory_space<vmem>>) offsets(%dma_start3A_237 : memref<128xi32, #tpu.memory_space<vmem>>) semaphore(%arg12 : memref<!tpu.dma_semaphore, #tpu.memory_space<semaphore_mem>>)
      %dma_wait3A_241 = arith.constant 0 : i32
      %dma_wait3A_242 = arith.constant 0 : i32
      %dma_wait3A_243 = tpu.memref_slice %arg3[%dma_wait3A_241, %dma_wait3A_242] : memref<1015808x32xf32, #tpu.memory_space<hbm>> -> memref<512x32xf32, #tpu.memory_space<hbm>>
      %dma_wait3A_244 = arith.constant 0 : i32
      %dma_wait3A_245 = arith.constant 0 : i32
      %dma_wait3A_246 = tpu.memref_slice %arg3[%dma_wait3A_244, %dma_wait3A_245] : memref<1015808x32xf32, #tpu.memory_space<hbm>> -> memref<512x32xf32, #tpu.memory_space<hbm>>
      tpu.wait_dma2 semaphore(%arg11 : memref<!tpu.dma_semaphore, #tpu.memory_space<semaphore_mem>>) src(%dma_wait3A_246 : memref<512x32xf32, #tpu.memory_space<hbm>>) dst(%arg6 : memref<512x32xf32, #tpu.memory_space<vmem>>)
      %ge3A = arith.constant 1 : i32
      %ge3A_247 = arith.cmpi sge, %scan3A_165, %ge3A : i32
      %convert_element_type3A = arith.extui %ge3A_247 : i1 to i32
      %cond3A = arith.constant 0 : i32
      %cond3A_248 = arith.cmpi ne, %convert_element_type3A, %cond3A : i32
      scf.if %cond3A_248 {
        %dma_wait3A_287 = arith.constant 0 : i32
        %dma_wait3A_288 = arith.constant 0 : i32
        %dma_wait3A_289 = tpu.memref_slice %arg3[%dma_wait3A_287, %dma_wait3A_288] : memref<1015808x32xf32, #tpu.memory_space<hbm>> -> memref<512x32xf32, #tpu.memory_space<hbm>>
        %dma_wait3A_290 = arith.constant 0 : i32
        %dma_wait3A_291 = arith.constant 0 : i32
        %dma_wait3A_292 = tpu.memref_slice %arg3[%dma_wait3A_290, %dma_wait3A_291] : memref<1015808x32xf32, #tpu.memory_space<hbm>> -> memref<512x32xf32, #tpu.memory_space<hbm>>
        tpu.wait_dma2 semaphore(%arg13 : memref<!tpu.dma_semaphore, #tpu.memory_space<semaphore_mem>>) src(%dma_wait3A_292 : memref<512x32xf32, #tpu.memory_space<hbm>>) dst(%arg6 : memref<512x32xf32, #tpu.memory_space<vmem>>)
      } else {
      }
      %parallel_loop3A_249 = arith.constant 0 : i32
      %parallel_loop3A_250 = arith.constant 32 : i32
      %parallel_loop3A_251 = arith.constant 1 : i32
      scf.for %parallel_loop3A_287 = %parallel_loop3A_249 to %parallel_loop3A_250 step %parallel_loop3A_251  : i32 {
        %parallel_loop3A_288 = arith.constant 16 : i32
        %parallel_loop3A_289 = arith.muli %parallel_loop3A_287, %parallel_loop3A_288 : i32
        %parallel_loop3A_290 = vector.broadcast %parallel_loop3A_289 : i32 to vector<16xi32>
        %parallel_loop3A_291 = arith.addi %iota3A, %parallel_loop3A_290 : vector<16xi32>
        %parallel_loop3A_292 = tpu.vector_load_idx %arg6[%parallel_loop3A_291, %and3A_9] : memref<512x32xf32, #tpu.memory_space<vmem>>[vector<16xi32>, vector<16xi32>], vector<16xf32>,
        tpu.vector_store_idx %arg8[%and3A_9, %parallel_loop3A_291], %parallel_loop3A_292 : memref<32x512xf32, #tpu.memory_space<vmem>>[vector<16xi32>, vector<16xi32>], vector<16xf32>,
        %parallel_loop3A_293 = tpu.vector_load_idx %arg6[%parallel_loop3A_291, %and3A_15] : memref<512x32xf32, #tpu.memory_space<vmem>>[vector<16xi32>, vector<16xi32>], vector<16xf32>,
        tpu.vector_store_idx %arg8[%and3A_15, %parallel_loop3A_291], %parallel_loop3A_293 : memref<32x512xf32, #tpu.memory_space<vmem>>[vector<16xi32>, vector<16xi32>], vector<16xf32>,
        %parallel_loop3A_294 = tpu.vector_load_idx %arg6[%parallel_loop3A_291, %and3A_21] : memref<512x32xf32, #tpu.memory_space<vmem>>[vector<16xi32>, vector<16xi32>], vector<16xf32>,
        tpu.vector_store_idx %arg8[%and3A_21, %parallel_loop3A_291], %parallel_loop3A_294 : memref<32x512xf32, #tpu.memory_space<vmem>>[vector<16xi32>, vector<16xi32>], vector<16xf32>,
        %parallel_loop3A_295 = tpu.vector_load_idx %arg6[%parallel_loop3A_291, %and3A_27] : memref<512x32xf32, #tpu.memory_space<vmem>>[vector<16xi32>, vector<16xi32>], vector<16xf32>,
        tpu.vector_store_idx %arg8[%and3A_27, %parallel_loop3A_291], %parallel_loop3A_295 : memref<32x512xf32, #tpu.memory_space<vmem>>[vector<16xi32>, vector<16xi32>], vector<16xf32>,
        %parallel_loop3A_296 = tpu.vector_load_idx %arg6[%parallel_loop3A_291, %and3A_33] : memref<512x32xf32, #tpu.memory_space<vmem>>[vector<16xi32>, vector<16xi32>], vector<16xf32>,
        tpu.vector_store_idx %arg8[%and3A_33, %parallel_loop3A_291], %parallel_loop3A_296 : memref<32x512xf32, #tpu.memory_space<vmem>>[vector<16xi32>, vector<16xi32>], vector<16xf32>,
        %parallel_loop3A_297 = tpu.vector_load_idx %arg6[%parallel_loop3A_291, %and3A_39] : memref<512x32xf32, #tpu.memory_space<vmem>>[vector<16xi32>, vector<16xi32>], vector<16xf32>,
        tpu.vector_store_idx %arg8[%and3A_39, %parallel_loop3A_291], %parallel_loop3A_297 : memref<32x512xf32, #tpu.memory_space<vmem>>[vector<16xi32>, vector<16xi32>], vector<16xf32>,
        %parallel_loop3A_298 = tpu.vector_load_idx %arg6[%parallel_loop3A_291, %and3A_45] : memref<512x32xf32, #tpu.memory_space<vmem>>[vector<16xi32>, vector<16xi32>], vector<16xf32>,
        tpu.vector_store_idx %arg8[%and3A_45, %parallel_loop3A_291], %parallel_loop3A_298 : memref<32x512xf32, #tpu.memory_space<vmem>>[vector<16xi32>, vector<16xi32>], vector<16xf32>,
        %parallel_loop3A_299 = tpu.vector_load_idx %arg6[%parallel_loop3A_291, %and3A_51] : memref<512x32xf32, #tpu.memory_space<vmem>>[vector<16xi32>, vector<16xi32>], vector<16xf32>,
        tpu.vector_store_idx %arg8[%and3A_51, %parallel_loop3A_291], %parallel_loop3A_299 : memref<32x512xf32, #tpu.memory_space<vmem>>[vector<16xi32>, vector<16xi32>], vector<16xf32>,
        %parallel_loop3A_300 = tpu.vector_load_idx %arg6[%parallel_loop3A_291, %and3A_57] : memref<512x32xf32, #tpu.memory_space<vmem>>[vector<16xi32>, vector<16xi32>], vector<16xf32>,
        tpu.vector_store_idx %arg8[%and3A_57, %parallel_loop3A_291], %parallel_loop3A_300 : memref<32x512xf32, #tpu.memory_space<vmem>>[vector<16xi32>, vector<16xi32>], vector<16xf32>,
        %parallel_loop3A_301 = tpu.vector_load_idx %arg6[%parallel_loop3A_291, %and3A_63] : memref<512x32xf32, #tpu.memory_space<vmem>>[vector<16xi32>, vector<16xi32>], vector<16xf32>,
        tpu.vector_store_idx %arg8[%and3A_63, %parallel_loop3A_291], %parallel_loop3A_301 : memref<32x512xf32, #tpu.memory_space<vmem>>[vector<16xi32>, vector<16xi32>], vector<16xf32>,
        %parallel_loop3A_302 = tpu.vector_load_idx %arg6[%parallel_loop3A_291, %and3A_69] : memref<512x32xf32, #tpu.memory_space<vmem>>[vector<16xi32>, vector<16xi32>], vector<16xf32>,
        tpu.vector_store_idx %arg8[%and3A_69, %parallel_loop3A_291], %parallel_loop3A_302 : memref<32x512xf32, #tpu.memory_space<vmem>>[vector<16xi32>, vector<16xi32>], vector<16xf32>,
        %parallel_loop3A_303 = tpu.vector_load_idx %arg6[%parallel_loop3A_291, %and3A_75] : memref<512x32xf32, #tpu.memory_space<vmem>>[vector<16xi32>, vector<16xi32>], vector<16xf32>,
        tpu.vector_store_idx %arg8[%and3A_75, %parallel_loop3A_291], %parallel_loop3A_303 : memref<32x512xf32, #tpu.memory_space<vmem>>[vector<16xi32>, vector<16xi32>], vector<16xf32>,
        %parallel_loop3A_304 = tpu.vector_load_idx %arg6[%parallel_loop3A_291, %and3A_81] : memref<512x32xf32, #tpu.memory_space<vmem>>[vector<16xi32>, vector<16xi32>], vector<16xf32>,
        tpu.vector_store_idx %arg8[%and3A_81, %parallel_loop3A_291], %parallel_loop3A_304 : memref<32x512xf32, #tpu.memory_space<vmem>>[vector<16xi32>, vector<16xi32>], vector<16xf32>,
        %parallel_loop3A_305 = tpu.vector_load_idx %arg6[%parallel_loop3A_291, %and3A_87] : memref<512x32xf32, #tpu.memory_space<vmem>>[vector<16xi32>, vector<16xi32>], vector<16xf32>,
        tpu.vector_store_idx %arg8[%and3A_87, %parallel_loop3A_291], %parallel_loop3A_305 : memref<32x512xf32, #tpu.memory_space<vmem>>[vector<16xi32>, vector<16xi32>], vector<16xf32>,
        %parallel_loop3A_306 = tpu.vector_load_idx %arg6[%parallel_loop3A_291, %and3A_93] : memref<512x32xf32, #tpu.memory_space<vmem>>[vector<16xi32>, vector<16xi32>], vector<16xf32>,
        tpu.vector_store_idx %arg8[%and3A_93, %parallel_loop3A_291], %parallel_loop3A_306 : memref<32x512xf32, #tpu.memory_space<vmem>>[vector<16xi32>, vector<16xi32>], vector<16xf32>,
        %parallel_loop3A_307 = tpu.vector_load_idx %arg6[%parallel_loop3A_291, %and3A_99] : memref<512x32xf32, #tpu.memory_space<vmem>>[vector<16xi32>, vector<16xi32>], vector<16xf32>,
        tpu.vector_store_idx %arg8[%and3A_99, %parallel_loop3A_291], %parallel_loop3A_307 : memref<32x512xf32, #tpu.memory_space<vmem>>[vector<16xi32>, vector<16xi32>], vector<16xf32>,
        %parallel_loop3A_308 = arith.constant 16 : i32
        %parallel_loop3A_309 = vector.broadcast %parallel_loop3A_308 : i32 to vector<16xi32>
        %parallel_loop3A_310 = arith.addi %and3A_9, %parallel_loop3A_309 : vector<16xi32>
        %parallel_loop3A_311 = tpu.vector_load_idx %arg6[%parallel_loop3A_291, %parallel_loop3A_310] : memref<512x32xf32, #tpu.memory_space<vmem>>[vector<16xi32>, vector<16xi32>], vector<16xf32>,
        tpu.vector_store_idx %arg8[%parallel_loop3A_310, %parallel_loop3A_291], %parallel_loop3A_311 : memref<32x512xf32, #tpu.memory_space<vmem>>[vector<16xi32>, vector<16xi32>], vector<16xf32>,
        %parallel_loop3A_312 = arith.constant 16 : i32
        %parallel_loop3A_313 = vector.broadcast %parallel_loop3A_312 : i32 to vector<16xi32>
        %parallel_loop3A_314 = arith.addi %and3A_15, %parallel_loop3A_313 : vector<16xi32>
        %parallel_loop3A_315 = tpu.vector_load_idx %arg6[%parallel_loop3A_291, %parallel_loop3A_314] : memref<512x32xf32, #tpu.memory_space<vmem>>[vector<16xi32>, vector<16xi32>], vector<16xf32>,
        tpu.vector_store_idx %arg8[%parallel_loop3A_314, %parallel_loop3A_291], %parallel_loop3A_315 : memref<32x512xf32, #tpu.memory_space<vmem>>[vector<16xi32>, vector<16xi32>], vector<16xf32>,
        %parallel_loop3A_316 = arith.constant 16 : i32
        %parallel_loop3A_317 = vector.broadcast %parallel_loop3A_316 : i32 to vector<16xi32>
        %parallel_loop3A_318 = arith.addi %and3A_21, %parallel_loop3A_317 : vector<16xi32>
        %parallel_loop3A_319 = tpu.vector_load_idx %arg6[%parallel_loop3A_291, %parallel_loop3A_318] : memref<512x32xf32, #tpu.memory_space<vmem>>[vector<16xi32>, vector<16xi32>], vector<16xf32>,
        tpu.vector_store_idx %arg8[%parallel_loop3A_318, %parallel_loop3A_291], %parallel_loop3A_319 : memref<32x512xf32, #tpu.memory_space<vmem>>[vector<16xi32>, vector<16xi32>], vector<16xf32>,
        %parallel_loop3A_320 = arith.constant 16 : i32
        %parallel_loop3A_321 = vector.broadcast %parallel_loop3A_320 : i32 to vector<16xi32>
        %parallel_loop3A_322 = arith.addi %and3A_27, %parallel_loop3A_321 : vector<16xi32>
        %parallel_loop3A_323 = tpu.vector_load_idx %arg6[%parallel_loop3A_291, %parallel_loop3A_322] : memref<512x32xf32, #tpu.memory_space<vmem>>[vector<16xi32>, vector<16xi32>], vector<16xf32>,
        tpu.vector_store_idx %arg8[%parallel_loop3A_322, %parallel_loop3A_291], %parallel_loop3A_323 : memref<32x512xf32, #tpu.memory_space<vmem>>[vector<16xi32>, vector<16xi32>], vector<16xf32>,
        %parallel_loop3A_324 = arith.constant 16 : i32
        %parallel_loop3A_325 = vector.broadcast %parallel_loop3A_324 : i32 to vector<16xi32>
        %parallel_loop3A_326 = arith.addi %and3A_33, %parallel_loop3A_325 : vector<16xi32>
        %parallel_loop3A_327 = tpu.vector_load_idx %arg6[%parallel_loop3A_291, %parallel_loop3A_326] : memref<512x32xf32, #tpu.memory_space<vmem>>[vector<16xi32>, vector<16xi32>], vector<16xf32>,
        tpu.vector_store_idx %arg8[%parallel_loop3A_326, %parallel_loop3A_291], %parallel_loop3A_327 : memref<32x512xf32, #tpu.memory_space<vmem>>[vector<16xi32>, vector<16xi32>], vector<16xf32>,
        %parallel_loop3A_328 = arith.constant 16 : i32
        %parallel_loop3A_329 = vector.broadcast %parallel_loop3A_328 : i32 to vector<16xi32>
        %parallel_loop3A_330 = arith.addi %and3A_39, %parallel_loop3A_329 : vector<16xi32>
        %parallel_loop3A_331 = tpu.vector_load_idx %arg6[%parallel_loop3A_291, %parallel_loop3A_330] : memref<512x32xf32, #tpu.memory_space<vmem>>[vector<16xi32>, vector<16xi32>], vector<16xf32>,
        tpu.vector_store_idx %arg8[%parallel_loop3A_330, %parallel_loop3A_291], %parallel_loop3A_331 : memref<32x512xf32, #tpu.memory_space<vmem>>[vector<16xi32>, vector<16xi32>], vector<16xf32>,
        %parallel_loop3A_332 = arith.constant 16 : i32
        %parallel_loop3A_333 = vector.broadcast %parallel_loop3A_332 : i32 to vector<16xi32>
        %parallel_loop3A_334 = arith.addi %and3A_45, %parallel_loop3A_333 : vector<16xi32>
        %parallel_loop3A_335 = tpu.vector_load_idx %arg6[%parallel_loop3A_291, %parallel_loop3A_334] : memref<512x32xf32, #tpu.memory_space<vmem>>[vector<16xi32>, vector<16xi32>], vector<16xf32>,
        tpu.vector_store_idx %arg8[%parallel_loop3A_334, %parallel_loop3A_291], %parallel_loop3A_335 : memref<32x512xf32, #tpu.memory_space<vmem>>[vector<16xi32>, vector<16xi32>], vector<16xf32>,
        %parallel_loop3A_336 = arith.constant 16 : i32
        %parallel_loop3A_337 = vector.broadcast %parallel_loop3A_336 : i32 to vector<16xi32>
        %parallel_loop3A_338 = arith.addi %and3A_51, %parallel_loop3A_337 : vector<16xi32>
        %parallel_loop3A_339 = tpu.vector_load_idx %arg6[%parallel_loop3A_291, %parallel_loop3A_338] : memref<512x32xf32, #tpu.memory_space<vmem>>[vector<16xi32>, vector<16xi32>], vector<16xf32>,
        tpu.vector_store_idx %arg8[%parallel_loop3A_338, %parallel_loop3A_291], %parallel_loop3A_339 : memref<32x512xf32, #tpu.memory_space<vmem>>[vector<16xi32>, vector<16xi32>], vector<16xf32>,
        %parallel_loop3A_340 = arith.constant 16 : i32
        %parallel_loop3A_341 = vector.broadcast %parallel_loop3A_340 : i32 to vector<16xi32>
        %parallel_loop3A_342 = arith.addi %and3A_57, %parallel_loop3A_341 : vector<16xi32>
        %parallel_loop3A_343 = tpu.vector_load_idx %arg6[%parallel_loop3A_291, %parallel_loop3A_342] : memref<512x32xf32, #tpu.memory_space<vmem>>[vector<16xi32>, vector<16xi32>], vector<16xf32>,
        tpu.vector_store_idx %arg8[%parallel_loop3A_342, %parallel_loop3A_291], %parallel_loop3A_343 : memref<32x512xf32, #tpu.memory_space<vmem>>[vector<16xi32>, vector<16xi32>], vector<16xf32>,
        %parallel_loop3A_344 = arith.constant 16 : i32
        %parallel_loop3A_345 = vector.broadcast %parallel_loop3A_344 : i32 to vector<16xi32>
        %parallel_loop3A_346 = arith.addi %and3A_63, %parallel_loop3A_345 : vector<16xi32>
        %parallel_loop3A_347 = tpu.vector_load_idx %arg6[%parallel_loop3A_291, %parallel_loop3A_346] : memref<512x32xf32, #tpu.memory_space<vmem>>[vector<16xi32>, vector<16xi32>], vector<16xf32>,
        tpu.vector_store_idx %arg8[%parallel_loop3A_346, %parallel_loop3A_291], %parallel_loop3A_347 : memref<32x512xf32, #tpu.memory_space<vmem>>[vector<16xi32>, vector<16xi32>], vector<16xf32>,
        %parallel_loop3A_348 = arith.constant 16 : i32
        %parallel_loop3A_349 = vector.broadcast %parallel_loop3A_348 : i32 to vector<16xi32>
        %parallel_loop3A_350 = arith.addi %and3A_69, %parallel_loop3A_349 : vector<16xi32>
        %parallel_loop3A_351 = tpu.vector_load_idx %arg6[%parallel_loop3A_291, %parallel_loop3A_350] : memref<512x32xf32, #tpu.memory_space<vmem>>[vector<16xi32>, vector<16xi32>], vector<16xf32>,
        tpu.vector_store_idx %arg8[%parallel_loop3A_350, %parallel_loop3A_291], %parallel_loop3A_351 : memref<32x512xf32, #tpu.memory_space<vmem>>[vector<16xi32>, vector<16xi32>], vector<16xf32>,
        %parallel_loop3A_352 = arith.constant 16 : i32
        %parallel_loop3A_353 = vector.broadcast %parallel_loop3A_352 : i32 to vector<16xi32>
        %parallel_loop3A_354 = arith.addi %and3A_75, %parallel_loop3A_353 : vector<16xi32>
        %parallel_loop3A_355 = tpu.vector_load_idx %arg6[%parallel_loop3A_291, %parallel_loop3A_354] : memref<512x32xf32, #tpu.memory_space<vmem>>[vector<16xi32>, vector<16xi32>], vector<16xf32>,
        tpu.vector_store_idx %arg8[%parallel_loop3A_354, %parallel_loop3A_291], %parallel_loop3A_355 : memref<32x512xf32, #tpu.memory_space<vmem>>[vector<16xi32>, vector<16xi32>], vector<16xf32>,
        %parallel_loop3A_356 = arith.constant 16 : i32
        %parallel_loop3A_357 = vector.broadcast %parallel_loop3A_356 : i32 to vector<16xi32>
        %parallel_loop3A_358 = arith.addi %and3A_81, %parallel_loop3A_357 : vector<16xi32>
        %parallel_loop3A_359 = tpu.vector_load_idx %arg6[%parallel_loop3A_291, %parallel_loop3A_358] : memref<512x32xf32, #tpu.memory_space<vmem>>[vector<16xi32>, vector<16xi32>], vector<16xf32>,
        tpu.vector_store_idx %arg8[%parallel_loop3A_358, %parallel_loop3A_291], %parallel_loop3A_359 : memref<32x512xf32, #tpu.memory_space<vmem>>[vector<16xi32>, vector<16xi32>], vector<16xf32>,
        %parallel_loop3A_360 = arith.constant 16 : i32
        %parallel_loop3A_361 = vector.broadcast %parallel_loop3A_360 : i32 to vector<16xi32>
        %parallel_loop3A_362 = arith.addi %and3A_87, %parallel_loop3A_361 : vector<16xi32>
        %parallel_loop3A_363 = tpu.vector_load_idx %arg6[%parallel_loop3A_291, %parallel_loop3A_362] : memref<512x32xf32, #tpu.memory_space<vmem>>[vector<16xi32>, vector<16xi32>], vector<16xf32>,
        tpu.vector_store_idx %arg8[%parallel_loop3A_362, %parallel_loop3A_291], %parallel_loop3A_363 : memref<32x512xf32, #tpu.memory_space<vmem>>[vector<16xi32>, vector<16xi32>], vector<16xf32>,
        %parallel_loop3A_364 = arith.constant 16 : i32
        %parallel_loop3A_365 = vector.broadcast %parallel_loop3A_364 : i32 to vector<16xi32>
        %parallel_loop3A_366 = arith.addi %and3A_93, %parallel_loop3A_365 : vector<16xi32>
        %parallel_loop3A_367 = tpu.vector_load_idx %arg6[%parallel_loop3A_291, %parallel_loop3A_366] : memref<512x32xf32, #tpu.memory_space<vmem>>[vector<16xi32>, vector<16xi32>], vector<16xf32>,
        tpu.vector_store_idx %arg8[%parallel_loop3A_366, %parallel_loop3A_291], %parallel_loop3A_367 : memref<32x512xf32, #tpu.memory_space<vmem>>[vector<16xi32>, vector<16xi32>], vector<16xf32>,
        %parallel_loop3A_368 = arith.constant 16 : i32
        %parallel_loop3A_369 = vector.broadcast %parallel_loop3A_368 : i32 to vector<16xi32>
        %parallel_loop3A_370 = arith.addi %and3A_99, %parallel_loop3A_369 : vector<16xi32>
        %parallel_loop3A_371 = tpu.vector_load_idx %arg6[%parallel_loop3A_291, %parallel_loop3A_370] : memref<512x32xf32, #tpu.memory_space<vmem>>[vector<16xi32>, vector<16xi32>], vector<16xf32>,
        tpu.vector_store_idx %arg8[%parallel_loop3A_370, %parallel_loop3A_291], %parallel_loop3A_371 : memref<32x512xf32, #tpu.memory_space<vmem>>[vector<16xi32>, vector<16xi32>], vector<16xf32>,
      } {sc.loop_unroll_factor = 4 : i64, sc.parallel_access}
      %scan3A_252 = arith.constant 0 : i32
      %scan3A_253 = arith.constant 0 : i32
      %scan3A_254 = arith.constant 16 : i32
      %scan3A_255 = arith.addi %scan3A_253, %scan3A_254 : i32
      %scan3A_256 = arith.constant 1 : i32
      scf.for %scan3A_287 = %scan3A_253 to %scan3A_255 step %scan3A_256  : i32 {
        %jit3A_288 = arith.constant 4 : i32
        %div3A_289 = arith.divsi %scan3A_287, %jit3A_288 : i32
        %sign3A_290 = arith.constant 0 : i32
        %sign3A_291 = arith.cmpi sgt, %scan3A_287, %sign3A_290 : i32
        %sign3A_292 = arith.extui %sign3A_291 : i1 to i32
        %sign3A_293 = arith.constant 0 : i32
        %sign3A_294 = arith.cmpi slt, %scan3A_287, %sign3A_293 : i32
        %sign3A_295 = arith.extui %sign3A_294 : i1 to i32
        %sign3A_296 = arith.subi %sign3A_292, %sign3A_295 : i32
        %sign3A_297 = arith.constant 0 : i32
        %sign3A_298 = arith.cmpi sgt, %jit3A_288, %sign3A_297 : i32
        %sign3A_299 = arith.extui %sign3A_298 : i1 to i32
        %sign3A_300 = arith.constant 0 : i32
        %sign3A_301 = arith.cmpi slt, %jit3A_288, %sign3A_300 : i32
        %sign3A_302 = arith.extui %sign3A_301 : i1 to i32
        %sign3A_303 = arith.subi %sign3A_299, %sign3A_302 : i32
        %ne3A_304 = arith.cmpi ne, %sign3A_296, %sign3A_303 : i32
        %rem3A_305 = arith.remsi %scan3A_287, %jit3A_288 : i32
        %ne3A_306 = arith.constant 0 : i32
        %ne3A_307 = arith.cmpi ne, %rem3A_305, %ne3A_306 : i32
        %and3A_308 = arith.andi %ne3A_304, %ne3A_307 : i1
        %sub3A_309 = arith.constant 1 : i32
        %sub3A_310 = arith.subi %div3A_289, %sub3A_309 : i32
        %select_n3A_311 = arith.select %and3A_308, %sub3A_310, %div3A_289 : i32
        %jit3A_312 = arith.constant 4 : i32
        %eq3A_313 = arith.constant 0 : i32
        %eq3A_314 = arith.cmpi eq, %jit3A_312, %eq3A_313 : i32
        %jit3A_315 = arith.constant 1 : i32
        %select_n3A_316 = arith.select %eq3A_314, %jit3A_315, %jit3A_312 : i32
        %rem3A_317 = arith.remsi %scan3A_287, %select_n3A_316 : i32
        %ne3A_318 = arith.constant 0 : i32
        %ne3A_319 = arith.cmpi ne, %rem3A_317, %ne3A_318 : i32
        %lt3A_320 = arith.constant 0 : i32
        %lt3A_321 = arith.cmpi slt, %rem3A_317, %lt3A_320 : i32
        %lt3A_322 = arith.constant 0 : i32
        %lt3A_323 = arith.cmpi slt, %select_n3A_316, %lt3A_322 : i32
        %ne3A_324 = arith.xori %lt3A_321, %lt3A_323 : i1
        %and3A_325 = arith.andi %ne3A_324, %ne3A_319 : i1
        %add3A_326 = arith.addi %rem3A_317, %select_n3A_316 : i32
        %select_n3A_327 = arith.select %and3A_325, %add3A_326, %rem3A_317 : i32
        %mul3A_328 = arith.constant 8 : i32
        %mul3A_329 = arith.muli %select_n3A_311, %mul3A_328 : i32
        %mul3A_330 = arith.constant 128 : i32
        %mul3A_331 = arith.muli %select_n3A_327, %mul3A_330 : i32
        %add3A_332 = arith.addi %mul3A_4, %select_n3A_327 : i32
        %dma_start3A_333 = tpu.memref_slice %arg8[%mul3A_329, %mul3A_331] : memref<32x512xf32, #tpu.memory_space<vmem>> -> memref<8x128xf32, #tpu.memory_space<vmem>>
        %dma_start3A_334 = arith.constant 0 : i32
        %dma_start3A_335 = arith.constant 0 : i32
        %dma_start3A_336 = tpu.memref_slice %arg4[%mul3A_167, %select_n3A_311, %add3A_332, %dma_start3A_334, %dma_start3A_335] : memref<26x4x128x8x128xf32, #tpu.memory_space<hbm>> -> memref<1x1x1x8x128xf32, #tpu.memory_space<hbm>>
        %dma_start3A_337 = tpu.memref_squeeze %dma_start3A_336 : memref<1x1x1x8x128xf32, #tpu.memory_space<hbm>> -> memref<8x128xf32, #tpu.memory_space<hbm>>
        %dma_start3A_338 = arith.constant 0 : i32
        %dma_start3A_339 = arith.constant 0 : i32
        %dma_start3A_340 = tpu.memref_slice %arg4[%mul3A_167, %select_n3A_311, %add3A_332, %dma_start3A_338, %dma_start3A_339] : memref<26x4x128x8x128xf32, #tpu.memory_space<hbm>> -> memref<1x1x1x8x128xf32, #tpu.memory_space<hbm>>
        %dma_start3A_341 = tpu.memref_squeeze %dma_start3A_340 : memref<1x1x1x8x128xf32, #tpu.memory_space<hbm>> -> memref<8x128xf32, #tpu.memory_space<hbm>>
        %dma_start3A_342 = tpu.memref_slice %arg8[%mul3A_329, %mul3A_331] : memref<32x512xf32, #tpu.memory_space<vmem>> -> memref<8x128xf32, #tpu.memory_space<vmem>>
        tpu.enqueue_dma source(%dma_start3A_342 : memref<8x128xf32, #tpu.memory_space<vmem>>) target(%dma_start3A_341 : memref<8x128xf32, #tpu.memory_space<hbm>>) target_semaphore(%arg13 : memref<!tpu.dma_semaphore, #tpu.memory_space<semaphore_mem>>)
      }
      %scan3A_257 = arith.constant 16 : i32
      %add3A_258 = arith.constant 1 : i32
      %add3A_259 = arith.addi %scan3A_165, %add3A_258 : i32
      %lt3A_260 = arith.constant 13 : i32
      %lt3A_261 = arith.cmpi slt, %add3A_259, %lt3A_260 : i32
      %convert_element_type3A_262 = arith.extui %lt3A_261 : i1 to i32
      %cond3A_263 = arith.constant 0 : i32
      %cond3A_264 = arith.cmpi ne, %convert_element_type3A_262, %cond3A_263 : i32
      scf.if %cond3A_264 {
        %add3A_287 = arith.constant 2 : i32
        %add3A_288 = arith.addi %mul3A_167, %add3A_287 : i32
        %jit3A_289 = arith.constant 8 : i32
        %div3A_290 = arith.divsi %add3A_288, %jit3A_289 : i32
        %sign3A_291 = arith.constant 0 : i32
        %sign3A_292 = arith.cmpi sgt, %add3A_288, %sign3A_291 : i32
        %sign3A_293 = arith.extui %sign3A_292 : i1 to i32
        %sign3A_294 = arith.constant 0 : i32
        %sign3A_295 = arith.cmpi slt, %add3A_288, %sign3A_294 : i32
        %sign3A_296 = arith.extui %sign3A_295 : i1 to i32
        %sign3A_297 = arith.subi %sign3A_293, %sign3A_296 : i32
        %sign3A_298 = arith.constant 0 : i32
        %sign3A_299 = arith.cmpi sgt, %jit3A_289, %sign3A_298 : i32
        %sign3A_300 = arith.extui %sign3A_299 : i1 to i32
        %sign3A_301 = arith.constant 0 : i32
        %sign3A_302 = arith.cmpi slt, %jit3A_289, %sign3A_301 : i32
        %sign3A_303 = arith.extui %sign3A_302 : i1 to i32
        %sign3A_304 = arith.subi %sign3A_300, %sign3A_303 : i32
        %ne3A_305 = arith.cmpi ne, %sign3A_297, %sign3A_304 : i32
        %rem3A_306 = arith.remsi %add3A_288, %jit3A_289 : i32
        %ne3A_307 = arith.constant 0 : i32
        %ne3A_308 = arith.cmpi ne, %rem3A_306, %ne3A_307 : i32
        %and3A_309 = arith.andi %ne3A_305, %ne3A_308 : i1
        %sub3A_310 = arith.constant 1 : i32
        %sub3A_311 = arith.subi %div3A_290, %sub3A_310 : i32
        %select_n3A_312 = arith.select %and3A_309, %sub3A_311, %div3A_290 : i32
        %jit3A_313 = arith.constant 8 : i32
        %eq3A_314 = arith.constant 0 : i32
        %eq3A_315 = arith.cmpi eq, %jit3A_313, %eq3A_314 : i32
        %jit3A_316 = arith.constant 1 : i32
        %select_n3A_317 = arith.select %eq3A_315, %jit3A_316, %jit3A_313 : i32
        %rem3A_318 = arith.remsi %add3A_288, %select_n3A_317 : i32
        %ne3A_319 = arith.constant 0 : i32
        %ne3A_320 = arith.cmpi ne, %rem3A_318, %ne3A_319 : i32
        %lt3A_321 = arith.constant 0 : i32
        %lt3A_322 = arith.cmpi slt, %rem3A_318, %lt3A_321 : i32
        %lt3A_323 = arith.constant 0 : i32
        %lt3A_324 = arith.cmpi slt, %select_n3A_317, %lt3A_323 : i32
        %ne3A_325 = arith.xori %lt3A_322, %lt3A_324 : i1
        %and3A_326 = arith.andi %ne3A_325, %ne3A_320 : i1
        %add3A_327 = arith.addi %rem3A_318, %select_n3A_317 : i32
        %select_n3A_328 = arith.select %and3A_326, %add3A_327, %rem3A_318 : i32
        %dma_start3A_329 = arith.constant 0 : i32
        %dma_start3A_330 = arith.constant 0 : i32
        %dma_start3A_331 = arith.constant 0 : i32
        %dma_start3A_332 = tpu.memref_slice %arg6[%dma_start3A_330, %dma_start3A_331] : memref<512x32xf32, #tpu.memory_space<vmem>> -> memref<128x32xf32, #tpu.memory_space<vmem>>
        %dma_start3A_333 = arith.constant 0 : i32
        %dma_start3A_334 = tpu.memref_slice %arg5[%select_n3A_312, %dma_start3A_329, %select_n3A_328, %dma_start3A_333] : memref<4x4x8x128xi32, #tpu.memory_space<vmem>> -> memref<1x1x1x128xi32, #tpu.memory_space<vmem>>
        %dma_start3A_335 = tpu.memref_squeeze %dma_start3A_334 : memref<1x1x1x128xi32, #tpu.memory_space<vmem>> -> memref<128xi32, #tpu.memory_space<vmem>>
        %dma_start3A_336 = arith.constant 0 : i32
        %dma_start3A_337 = arith.constant 0 : i32
        %dma_start3A_338 = tpu.memref_slice %arg3[%dma_start3A_336, %dma_start3A_337] : memref<1015808x32xf32, #tpu.memory_space<hbm>> -> memref<1015808x32xf32, #tpu.memory_space<hbm>>
        tpu.enqueue_indirect_dma source(%dma_start3A_338 : memref<1015808x32xf32, #tpu.memory_space<hbm>>) target(%dma_start3A_332 : memref<128x32xf32, #tpu.memory_space<vmem>>) offsets(%dma_start3A_335 : memref<128xi32, #tpu.memory_space<vmem>>) semaphore(%arg11 : memref<!tpu.dma_semaphore, #tpu.memory_space<semaphore_mem>>)
        %dma_start3A_339 = arith.constant 1 : i32
        %dma_start3A_340 = arith.constant 128 : i32
        %dma_start3A_341 = arith.constant 0 : i32
        %dma_start3A_342 = tpu.memref_slice %arg6[%dma_start3A_340, %dma_start3A_341] : memref<512x32xf32, #tpu.memory_space<vmem>> -> memref<128x32xf32, #tpu.memory_space<vmem>>
        %dma_start3A_343 = arith.constant 0 : i32
        %dma_start3A_344 = tpu.memref_slice %arg5[%select_n3A_312, %dma_start3A_339, %select_n3A_328, %dma_start3A_343] : memref<4x4x8x128xi32, #tpu.memory_space<vmem>> -> memref<1x1x1x128xi32, #tpu.memory_space<vmem>>
        %dma_start3A_345 = tpu.memref_squeeze %dma_start3A_344 : memref<1x1x1x128xi32, #tpu.memory_space<vmem>> -> memref<128xi32, #tpu.memory_space<vmem>>
        %dma_start3A_346 = arith.constant 0 : i32
        %dma_start3A_347 = arith.constant 0 : i32
        %dma_start3A_348 = tpu.memref_slice %arg3[%dma_start3A_346, %dma_start3A_347] : memref<1015808x32xf32, #tpu.memory_space<hbm>> -> memref<1015808x32xf32, #tpu.memory_space<hbm>>
        tpu.enqueue_indirect_dma source(%dma_start3A_348 : memref<1015808x32xf32, #tpu.memory_space<hbm>>) target(%dma_start3A_342 : memref<128x32xf32, #tpu.memory_space<vmem>>) offsets(%dma_start3A_345 : memref<128xi32, #tpu.memory_space<vmem>>) semaphore(%arg11 : memref<!tpu.dma_semaphore, #tpu.memory_space<semaphore_mem>>)
        %dma_start3A_349 = arith.constant 2 : i32
        %dma_start3A_350 = arith.constant 256 : i32
        %dma_start3A_351 = arith.constant 0 : i32
        %dma_start3A_352 = tpu.memref_slice %arg6[%dma_start3A_350, %dma_start3A_351] : memref<512x32xf32, #tpu.memory_space<vmem>> -> memref<128x32xf32, #tpu.memory_space<vmem>>
        %dma_start3A_353 = arith.constant 0 : i32
        %dma_start3A_354 = tpu.memref_slice %arg5[%select_n3A_312, %dma_start3A_349, %select_n3A_328, %dma_start3A_353] : memref<4x4x8x128xi32, #tpu.memory_space<vmem>> -> memref<1x1x1x128xi32, #tpu.memory_space<vmem>>
        %dma_start3A_355 = tpu.memref_squeeze %dma_start3A_354 : memref<1x1x1x128xi32, #tpu.memory_space<vmem>> -> memref<128xi32, #tpu.memory_space<vmem>>
        %dma_start3A_356 = arith.constant 0 : i32
        %dma_start3A_357 = arith.constant 0 : i32
        %dma_start3A_358 = tpu.memref_slice %arg3[%dma_start3A_356, %dma_start3A_357] : memref<1015808x32xf32, #tpu.memory_space<hbm>> -> memref<1015808x32xf32, #tpu.memory_space<hbm>>
        tpu.enqueue_indirect_dma source(%dma_start3A_358 : memref<1015808x32xf32, #tpu.memory_space<hbm>>) target(%dma_start3A_352 : memref<128x32xf32, #tpu.memory_space<vmem>>) offsets(%dma_start3A_355 : memref<128xi32, #tpu.memory_space<vmem>>) semaphore(%arg11 : memref<!tpu.dma_semaphore, #tpu.memory_space<semaphore_mem>>)
        %dma_start3A_359 = arith.constant 3 : i32
        %dma_start3A_360 = arith.constant 384 : i32
        %dma_start3A_361 = arith.constant 0 : i32
        %dma_start3A_362 = tpu.memref_slice %arg6[%dma_start3A_360, %dma_start3A_361] : memref<512x32xf32, #tpu.memory_space<vmem>> -> memref<128x32xf32, #tpu.memory_space<vmem>>
        %dma_start3A_363 = arith.constant 0 : i32
        %dma_start3A_364 = tpu.memref_slice %arg5[%select_n3A_312, %dma_start3A_359, %select_n3A_328, %dma_start3A_363] : memref<4x4x8x128xi32, #tpu.memory_space<vmem>> -> memref<1x1x1x128xi32, #tpu.memory_space<vmem>>
        %dma_start3A_365 = tpu.memref_squeeze %dma_start3A_364 : memref<1x1x1x128xi32, #tpu.memory_space<vmem>> -> memref<128xi32, #tpu.memory_space<vmem>>
        %dma_start3A_366 = arith.constant 0 : i32
        %dma_start3A_367 = arith.constant 0 : i32
        %dma_start3A_368 = tpu.memref_slice %arg3[%dma_start3A_366, %dma_start3A_367] : memref<1015808x32xf32, #tpu.memory_space<hbm>> -> memref<1015808x32xf32, #tpu.memory_space<hbm>>
        tpu.enqueue_indirect_dma source(%dma_start3A_368 : memref<1015808x32xf32, #tpu.memory_space<hbm>>) target(%dma_start3A_362 : memref<128x32xf32, #tpu.memory_space<vmem>>) offsets(%dma_start3A_365 : memref<128xi32, #tpu.memory_space<vmem>>) semaphore(%arg11 : memref<!tpu.dma_semaphore, #tpu.memory_space<semaphore_mem>>)
      } else {
      }
      %dma_wait3A_265 = arith.constant 0 : i32
      %dma_wait3A_266 = arith.constant 0 : i32
      %dma_wait3A_267 = tpu.memref_slice %arg3[%dma_wait3A_265, %dma_wait3A_266] : memref<1015808x32xf32, #tpu.memory_space<hbm>> -> memref<512x32xf32, #tpu.memory_space<hbm>>
      %dma_wait3A_268 = arith.constant 0 : i32
      %dma_wait3A_269 = arith.constant 0 : i32
      %dma_wait3A_270 = tpu.memref_slice %arg3[%dma_wait3A_268, %dma_wait3A_269] : memref<1015808x32xf32, #tpu.memory_space<hbm>> -> memref<512x32xf32, #tpu.memory_space<hbm>>
      tpu.wait_dma2 semaphore(%arg12 : memref<!tpu.dma_semaphore, #tpu.memory_space<semaphore_mem>>) src(%dma_wait3A_270 : memref<512x32xf32, #tpu.memory_space<hbm>>) dst(%arg7 : memref<512x32xf32, #tpu.memory_space<vmem>>)
      %ge3A_271 = arith.constant 1 : i32
      %ge3A_272 = arith.cmpi sge, %scan3A_165, %ge3A_271 : i32
      %convert_element_type3A_273 = arith.extui %ge3A_272 : i1 to i32
      %cond3A_274 = arith.constant 0 : i32
      %cond3A_275 = arith.cmpi ne, %convert_element_type3A_273, %cond3A_274 : i32
      scf.if %cond3A_275 {
        %dma_wait3A_287 = arith.constant 0 : i32
        %dma_wait3A_288 = arith.constant 0 : i32
        %dma_wait3A_289 = tpu.memref_slice %arg3[%dma_wait3A_287, %dma_wait3A_288] : memref<1015808x32xf32, #tpu.memory_space<hbm>> -> memref<512x32xf32, #tpu.memory_space<hbm>>
        %dma_wait3A_290 = arith.constant 0 : i32
        %dma_wait3A_291 = arith.constant 0 : i32
        %dma_wait3A_292 = tpu.memref_slice %arg3[%dma_wait3A_290, %dma_wait3A_291] : memref<1015808x32xf32, #tpu.memory_space<hbm>> -> memref<512x32xf32, #tpu.memory_space<hbm>>
        tpu.wait_dma2 semaphore(%arg14 : memref<!tpu.dma_semaphore, #tpu.memory_space<semaphore_mem>>) src(%dma_wait3A_292 : memref<512x32xf32, #tpu.memory_space<hbm>>) dst(%arg7 : memref<512x32xf32, #tpu.memory_space<vmem>>)
      } else {
      }
      %parallel_loop3A_276 = arith.constant 0 : i32
      %parallel_loop3A_277 = arith.constant 32 : i32
      %parallel_loop3A_278 = arith.constant 1 : i32
      scf.for %parallel_loop3A_287 = %parallel_loop3A_276 to %parallel_loop3A_277 step %parallel_loop3A_278  : i32 {
        %parallel_loop3A_288 = arith.constant 16 : i32
        %parallel_loop3A_289 = arith.muli %parallel_loop3A_287, %parallel_loop3A_288 : i32
        %parallel_loop3A_290 = vector.broadcast %parallel_loop3A_289 : i32 to vector<16xi32>
        %parallel_loop3A_291 = arith.addi %iota3A, %parallel_loop3A_290 : vector<16xi32>
        %parallel_loop3A_292 = tpu.vector_load_idx %arg7[%parallel_loop3A_291, %and3A_9] : memref<512x32xf32, #tpu.memory_space<vmem>>[vector<16xi32>, vector<16xi32>], vector<16xf32>,
        tpu.vector_store_idx %arg9[%and3A_9, %parallel_loop3A_291], %parallel_loop3A_292 : memref<32x512xf32, #tpu.memory_space<vmem>>[vector<16xi32>, vector<16xi32>], vector<16xf32>,
        %parallel_loop3A_293 = tpu.vector_load_idx %arg7[%parallel_loop3A_291, %and3A_15] : memref<512x32xf32, #tpu.memory_space<vmem>>[vector<16xi32>, vector<16xi32>], vector<16xf32>,
        tpu.vector_store_idx %arg9[%and3A_15, %parallel_loop3A_291], %parallel_loop3A_293 : memref<32x512xf32, #tpu.memory_space<vmem>>[vector<16xi32>, vector<16xi32>], vector<16xf32>,
        %parallel_loop3A_294 = tpu.vector_load_idx %arg7[%parallel_loop3A_291, %and3A_21] : memref<512x32xf32, #tpu.memory_space<vmem>>[vector<16xi32>, vector<16xi32>], vector<16xf32>,
        tpu.vector_store_idx %arg9[%and3A_21, %parallel_loop3A_291], %parallel_loop3A_294 : memref<32x512xf32, #tpu.memory_space<vmem>>[vector<16xi32>, vector<16xi32>], vector<16xf32>,
        %parallel_loop3A_295 = tpu.vector_load_idx %arg7[%parallel_loop3A_291, %and3A_27] : memref<512x32xf32, #tpu.memory_space<vmem>>[vector<16xi32>, vector<16xi32>], vector<16xf32>,
        tpu.vector_store_idx %arg9[%and3A_27, %parallel_loop3A_291], %parallel_loop3A_295 : memref<32x512xf32, #tpu.memory_space<vmem>>[vector<16xi32>, vector<16xi32>], vector<16xf32>,
        %parallel_loop3A_296 = tpu.vector_load_idx %arg7[%parallel_loop3A_291, %and3A_33] : memref<512x32xf32, #tpu.memory_space<vmem>>[vector<16xi32>, vector<16xi32>], vector<16xf32>,
        tpu.vector_store_idx %arg9[%and3A_33, %parallel_loop3A_291], %parallel_loop3A_296 : memref<32x512xf32, #tpu.memory_space<vmem>>[vector<16xi32>, vector<16xi32>], vector<16xf32>,
        %parallel_loop3A_297 = tpu.vector_load_idx %arg7[%parallel_loop3A_291, %and3A_39] : memref<512x32xf32, #tpu.memory_space<vmem>>[vector<16xi32>, vector<16xi32>], vector<16xf32>,
        tpu.vector_store_idx %arg9[%and3A_39, %parallel_loop3A_291], %parallel_loop3A_297 : memref<32x512xf32, #tpu.memory_space<vmem>>[vector<16xi32>, vector<16xi32>], vector<16xf32>,
        %parallel_loop3A_298 = tpu.vector_load_idx %arg7[%parallel_loop3A_291, %and3A_45] : memref<512x32xf32, #tpu.memory_space<vmem>>[vector<16xi32>, vector<16xi32>], vector<16xf32>,
        tpu.vector_store_idx %arg9[%and3A_45, %parallel_loop3A_291], %parallel_loop3A_298 : memref<32x512xf32, #tpu.memory_space<vmem>>[vector<16xi32>, vector<16xi32>], vector<16xf32>,
        %parallel_loop3A_299 = tpu.vector_load_idx %arg7[%parallel_loop3A_291, %and3A_51] : memref<512x32xf32, #tpu.memory_space<vmem>>[vector<16xi32>, vector<16xi32>], vector<16xf32>,
        tpu.vector_store_idx %arg9[%and3A_51, %parallel_loop3A_291], %parallel_loop3A_299 : memref<32x512xf32, #tpu.memory_space<vmem>>[vector<16xi32>, vector<16xi32>], vector<16xf32>,
        %parallel_loop3A_300 = tpu.vector_load_idx %arg7[%parallel_loop3A_291, %and3A_57] : memref<512x32xf32, #tpu.memory_space<vmem>>[vector<16xi32>, vector<16xi32>], vector<16xf32>,
        tpu.vector_store_idx %arg9[%and3A_57, %parallel_loop3A_291], %parallel_loop3A_300 : memref<32x512xf32, #tpu.memory_space<vmem>>[vector<16xi32>, vector<16xi32>], vector<16xf32>,
        %parallel_loop3A_301 = tpu.vector_load_idx %arg7[%parallel_loop3A_291, %and3A_63] : memref<512x32xf32, #tpu.memory_space<vmem>>[vector<16xi32>, vector<16xi32>], vector<16xf32>,
        tpu.vector_store_idx %arg9[%and3A_63, %parallel_loop3A_291], %parallel_loop3A_301 : memref<32x512xf32, #tpu.memory_space<vmem>>[vector<16xi32>, vector<16xi32>], vector<16xf32>,
        %parallel_loop3A_302 = tpu.vector_load_idx %arg7[%parallel_loop3A_291, %and3A_69] : memref<512x32xf32, #tpu.memory_space<vmem>>[vector<16xi32>, vector<16xi32>], vector<16xf32>,
        tpu.vector_store_idx %arg9[%and3A_69, %parallel_loop3A_291], %parallel_loop3A_302 : memref<32x512xf32, #tpu.memory_space<vmem>>[vector<16xi32>, vector<16xi32>], vector<16xf32>,
        %parallel_loop3A_303 = tpu.vector_load_idx %arg7[%parallel_loop3A_291, %and3A_75] : memref<512x32xf32, #tpu.memory_space<vmem>>[vector<16xi32>, vector<16xi32>], vector<16xf32>,
        tpu.vector_store_idx %arg9[%and3A_75, %parallel_loop3A_291], %parallel_loop3A_303 : memref<32x512xf32, #tpu.memory_space<vmem>>[vector<16xi32>, vector<16xi32>], vector<16xf32>,
        %parallel_loop3A_304 = tpu.vector_load_idx %arg7[%parallel_loop3A_291, %and3A_81] : memref<512x32xf32, #tpu.memory_space<vmem>>[vector<16xi32>, vector<16xi32>], vector<16xf32>,
        tpu.vector_store_idx %arg9[%and3A_81, %parallel_loop3A_291], %parallel_loop3A_304 : memref<32x512xf32, #tpu.memory_space<vmem>>[vector<16xi32>, vector<16xi32>], vector<16xf32>,
        %parallel_loop3A_305 = tpu.vector_load_idx %arg7[%parallel_loop3A_291, %and3A_87] : memref<512x32xf32, #tpu.memory_space<vmem>>[vector<16xi32>, vector<16xi32>], vector<16xf32>,
        tpu.vector_store_idx %arg9[%and3A_87, %parallel_loop3A_291], %parallel_loop3A_305 : memref<32x512xf32, #tpu.memory_space<vmem>>[vector<16xi32>, vector<16xi32>], vector<16xf32>,
        %parallel_loop3A_306 = tpu.vector_load_idx %arg7[%parallel_loop3A_291, %and3A_93] : memref<512x32xf32, #tpu.memory_space<vmem>>[vector<16xi32>, vector<16xi32>], vector<16xf32>,
        tpu.vector_store_idx %arg9[%and3A_93, %parallel_loop3A_291], %parallel_loop3A_306 : memref<32x512xf32, #tpu.memory_space<vmem>>[vector<16xi32>, vector<16xi32>], vector<16xf32>,
        %parallel_loop3A_307 = tpu.vector_load_idx %arg7[%parallel_loop3A_291, %and3A_99] : memref<512x32xf32, #tpu.memory_space<vmem>>[vector<16xi32>, vector<16xi32>], vector<16xf32>,
        tpu.vector_store_idx %arg9[%and3A_99, %parallel_loop3A_291], %parallel_loop3A_307 : memref<32x512xf32, #tpu.memory_space<vmem>>[vector<16xi32>, vector<16xi32>], vector<16xf32>,
        %parallel_loop3A_308 = arith.constant 16 : i32
        %parallel_loop3A_309 = vector.broadcast %parallel_loop3A_308 : i32 to vector<16xi32>
        %parallel_loop3A_310 = arith.addi %and3A_9, %parallel_loop3A_309 : vector<16xi32>
        %parallel_loop3A_311 = tpu.vector_load_idx %arg7[%parallel_loop3A_291, %parallel_loop3A_310] : memref<512x32xf32, #tpu.memory_space<vmem>>[vector<16xi32>, vector<16xi32>], vector<16xf32>,
        tpu.vector_store_idx %arg9[%parallel_loop3A_310, %parallel_loop3A_291], %parallel_loop3A_311 : memref<32x512xf32, #tpu.memory_space<vmem>>[vector<16xi32>, vector<16xi32>], vector<16xf32>,
        %parallel_loop3A_312 = arith.constant 16 : i32
        %parallel_loop3A_313 = vector.broadcast %parallel_loop3A_312 : i32 to vector<16xi32>
        %parallel_loop3A_314 = arith.addi %and3A_15, %parallel_loop3A_313 : vector<16xi32>
        %parallel_loop3A_315 = tpu.vector_load_idx %arg7[%parallel_loop3A_291, %parallel_loop3A_314] : memref<512x32xf32, #tpu.memory_space<vmem>>[vector<16xi32>, vector<16xi32>], vector<16xf32>,
        tpu.vector_store_idx %arg9[%parallel_loop3A_314, %parallel_loop3A_291], %parallel_loop3A_315 : memref<32x512xf32, #tpu.memory_space<vmem>>[vector<16xi32>, vector<16xi32>], vector<16xf32>,
        %parallel_loop3A_316 = arith.constant 16 : i32
        %parallel_loop3A_317 = vector.broadcast %parallel_loop3A_316 : i32 to vector<16xi32>
        %parallel_loop3A_318 = arith.addi %and3A_21, %parallel_loop3A_317 : vector<16xi32>
        %parallel_loop3A_319 = tpu.vector_load_idx %arg7[%parallel_loop3A_291, %parallel_loop3A_318] : memref<512x32xf32, #tpu.memory_space<vmem>>[vector<16xi32>, vector<16xi32>], vector<16xf32>,
        tpu.vector_store_idx %arg9[%parallel_loop3A_318, %parallel_loop3A_291], %parallel_loop3A_319 : memref<32x512xf32, #tpu.memory_space<vmem>>[vector<16xi32>, vector<16xi32>], vector<16xf32>,
        %parallel_loop3A_320 = arith.constant 16 : i32
        %parallel_loop3A_321 = vector.broadcast %parallel_loop3A_320 : i32 to vector<16xi32>
        %parallel_loop3A_322 = arith.addi %and3A_27, %parallel_loop3A_321 : vector<16xi32>
        %parallel_loop3A_323 = tpu.vector_load_idx %arg7[%parallel_loop3A_291, %parallel_loop3A_322] : memref<512x32xf32, #tpu.memory_space<vmem>>[vector<16xi32>, vector<16xi32>], vector<16xf32>,
        tpu.vector_store_idx %arg9[%parallel_loop3A_322, %parallel_loop3A_291], %parallel_loop3A_323 : memref<32x512xf32, #tpu.memory_space<vmem>>[vector<16xi32>, vector<16xi32>], vector<16xf32>,
        %parallel_loop3A_324 = arith.constant 16 : i32
        %parallel_loop3A_325 = vector.broadcast %parallel_loop3A_324 : i32 to vector<16xi32>
        %parallel_loop3A_326 = arith.addi %and3A_33, %parallel_loop3A_325 : vector<16xi32>
        %parallel_loop3A_327 = tpu.vector_load_idx %arg7[%parallel_loop3A_291, %parallel_loop3A_326] : memref<512x32xf32, #tpu.memory_space<vmem>>[vector<16xi32>, vector<16xi32>], vector<16xf32>,
        tpu.vector_store_idx %arg9[%parallel_loop3A_326, %parallel_loop3A_291], %parallel_loop3A_327 : memref<32x512xf32, #tpu.memory_space<vmem>>[vector<16xi32>, vector<16xi32>], vector<16xf32>,
        %parallel_loop3A_328 = arith.constant 16 : i32
        %parallel_loop3A_329 = vector.broadcast %parallel_loop3A_328 : i32 to vector<16xi32>
        %parallel_loop3A_330 = arith.addi %and3A_39, %parallel_loop3A_329 : vector<16xi32>
        %parallel_loop3A_331 = tpu.vector_load_idx %arg7[%parallel_loop3A_291, %parallel_loop3A_330] : memref<512x32xf32, #tpu.memory_space<vmem>>[vector<16xi32>, vector<16xi32>], vector<16xf32>,
        tpu.vector_store_idx %arg9[%parallel_loop3A_330, %parallel_loop3A_291], %parallel_loop3A_331 : memref<32x512xf32, #tpu.memory_space<vmem>>[vector<16xi32>, vector<16xi32>], vector<16xf32>,
        %parallel_loop3A_332 = arith.constant 16 : i32
        %parallel_loop3A_333 = vector.broadcast %parallel_loop3A_332 : i32 to vector<16xi32>
        %parallel_loop3A_334 = arith.addi %and3A_45, %parallel_loop3A_333 : vector<16xi32>
        %parallel_loop3A_335 = tpu.vector_load_idx %arg7[%parallel_loop3A_291, %parallel_loop3A_334] : memref<512x32xf32, #tpu.memory_space<vmem>>[vector<16xi32>, vector<16xi32>], vector<16xf32>,
        tpu.vector_store_idx %arg9[%parallel_loop3A_334, %parallel_loop3A_291], %parallel_loop3A_335 : memref<32x512xf32, #tpu.memory_space<vmem>>[vector<16xi32>, vector<16xi32>], vector<16xf32>,
        %parallel_loop3A_336 = arith.constant 16 : i32
        %parallel_loop3A_337 = vector.broadcast %parallel_loop3A_336 : i32 to vector<16xi32>
        %parallel_loop3A_338 = arith.addi %and3A_51, %parallel_loop3A_337 : vector<16xi32>
        %parallel_loop3A_339 = tpu.vector_load_idx %arg7[%parallel_loop3A_291, %parallel_loop3A_338] : memref<512x32xf32, #tpu.memory_space<vmem>>[vector<16xi32>, vector<16xi32>], vector<16xf32>,
        tpu.vector_store_idx %arg9[%parallel_loop3A_338, %parallel_loop3A_291], %parallel_loop3A_339 : memref<32x512xf32, #tpu.memory_space<vmem>>[vector<16xi32>, vector<16xi32>], vector<16xf32>,
        %parallel_loop3A_340 = arith.constant 16 : i32
        %parallel_loop3A_341 = vector.broadcast %parallel_loop3A_340 : i32 to vector<16xi32>
        %parallel_loop3A_342 = arith.addi %and3A_57, %parallel_loop3A_341 : vector<16xi32>
        %parallel_loop3A_343 = tpu.vector_load_idx %arg7[%parallel_loop3A_291, %parallel_loop3A_342] : memref<512x32xf32, #tpu.memory_space<vmem>>[vector<16xi32>, vector<16xi32>], vector<16xf32>,
        tpu.vector_store_idx %arg9[%parallel_loop3A_342, %parallel_loop3A_291], %parallel_loop3A_343 : memref<32x512xf32, #tpu.memory_space<vmem>>[vector<16xi32>, vector<16xi32>], vector<16xf32>,
        %parallel_loop3A_344 = arith.constant 16 : i32
        %parallel_loop3A_345 = vector.broadcast %parallel_loop3A_344 : i32 to vector<16xi32>
        %parallel_loop3A_346 = arith.addi %and3A_63, %parallel_loop3A_345 : vector<16xi32>
        %parallel_loop3A_347 = tpu.vector_load_idx %arg7[%parallel_loop3A_291, %parallel_loop3A_346] : memref<512x32xf32, #tpu.memory_space<vmem>>[vector<16xi32>, vector<16xi32>], vector<16xf32>,
        tpu.vector_store_idx %arg9[%parallel_loop3A_346, %parallel_loop3A_291], %parallel_loop3A_347 : memref<32x512xf32, #tpu.memory_space<vmem>>[vector<16xi32>, vector<16xi32>], vector<16xf32>,
        %parallel_loop3A_348 = arith.constant 16 : i32
        %parallel_loop3A_349 = vector.broadcast %parallel_loop3A_348 : i32 to vector<16xi32>
        %parallel_loop3A_350 = arith.addi %and3A_69, %parallel_loop3A_349 : vector<16xi32>
        %parallel_loop3A_351 = tpu.vector_load_idx %arg7[%parallel_loop3A_291, %parallel_loop3A_350] : memref<512x32xf32, #tpu.memory_space<vmem>>[vector<16xi32>, vector<16xi32>], vector<16xf32>,
        tpu.vector_store_idx %arg9[%parallel_loop3A_350, %parallel_loop3A_291], %parallel_loop3A_351 : memref<32x512xf32, #tpu.memory_space<vmem>>[vector<16xi32>, vector<16xi32>], vector<16xf32>,
        %parallel_loop3A_352 = arith.constant 16 : i32
        %parallel_loop3A_353 = vector.broadcast %parallel_loop3A_352 : i32 to vector<16xi32>
        %parallel_loop3A_354 = arith.addi %and3A_75, %parallel_loop3A_353 : vector<16xi32>
        %parallel_loop3A_355 = tpu.vector_load_idx %arg7[%parallel_loop3A_291, %parallel_loop3A_354] : memref<512x32xf32, #tpu.memory_space<vmem>>[vector<16xi32>, vector<16xi32>], vector<16xf32>,
        tpu.vector_store_idx %arg9[%parallel_loop3A_354, %parallel_loop3A_291], %parallel_loop3A_355 : memref<32x512xf32, #tpu.memory_space<vmem>>[vector<16xi32>, vector<16xi32>], vector<16xf32>,
        %parallel_loop3A_356 = arith.constant 16 : i32
        %parallel_loop3A_357 = vector.broadcast %parallel_loop3A_356 : i32 to vector<16xi32>
        %parallel_loop3A_358 = arith.addi %and3A_81, %parallel_loop3A_357 : vector<16xi32>
        %parallel_loop3A_359 = tpu.vector_load_idx %arg7[%parallel_loop3A_291, %parallel_loop3A_358] : memref<512x32xf32, #tpu.memory_space<vmem>>[vector<16xi32>, vector<16xi32>], vector<16xf32>,
        tpu.vector_store_idx %arg9[%parallel_loop3A_358, %parallel_loop3A_291], %parallel_loop3A_359 : memref<32x512xf32, #tpu.memory_space<vmem>>[vector<16xi32>, vector<16xi32>], vector<16xf32>,
        %parallel_loop3A_360 = arith.constant 16 : i32
        %parallel_loop3A_361 = vector.broadcast %parallel_loop3A_360 : i32 to vector<16xi32>
        %parallel_loop3A_362 = arith.addi %and3A_87, %parallel_loop3A_361 : vector<16xi32>
        %parallel_loop3A_363 = tpu.vector_load_idx %arg7[%parallel_loop3A_291, %parallel_loop3A_362] : memref<512x32xf32, #tpu.memory_space<vmem>>[vector<16xi32>, vector<16xi32>], vector<16xf32>,
        tpu.vector_store_idx %arg9[%parallel_loop3A_362, %parallel_loop3A_291], %parallel_loop3A_363 : memref<32x512xf32, #tpu.memory_space<vmem>>[vector<16xi32>, vector<16xi32>], vector<16xf32>,
        %parallel_loop3A_364 = arith.constant 16 : i32
        %parallel_loop3A_365 = vector.broadcast %parallel_loop3A_364 : i32 to vector<16xi32>
        %parallel_loop3A_366 = arith.addi %and3A_93, %parallel_loop3A_365 : vector<16xi32>
        %parallel_loop3A_367 = tpu.vector_load_idx %arg7[%parallel_loop3A_291, %parallel_loop3A_366] : memref<512x32xf32, #tpu.memory_space<vmem>>[vector<16xi32>, vector<16xi32>], vector<16xf32>,
        tpu.vector_store_idx %arg9[%parallel_loop3A_366, %parallel_loop3A_291], %parallel_loop3A_367 : memref<32x512xf32, #tpu.memory_space<vmem>>[vector<16xi32>, vector<16xi32>], vector<16xf32>,
        %parallel_loop3A_368 = arith.constant 16 : i32
        %parallel_loop3A_369 = vector.broadcast %parallel_loop3A_368 : i32 to vector<16xi32>
        %parallel_loop3A_370 = arith.addi %and3A_99, %parallel_loop3A_369 : vector<16xi32>
        %parallel_loop3A_371 = tpu.vector_load_idx %arg7[%parallel_loop3A_291, %parallel_loop3A_370] : memref<512x32xf32, #tpu.memory_space<vmem>>[vector<16xi32>, vector<16xi32>], vector<16xf32>,
        tpu.vector_store_idx %arg9[%parallel_loop3A_370, %parallel_loop3A_291], %parallel_loop3A_371 : memref<32x512xf32, #tpu.memory_space<vmem>>[vector<16xi32>, vector<16xi32>], vector<16xf32>,
      } {sc.loop_unroll_factor = 4 : i64, sc.parallel_access}
      %add3A_279 = arith.constant 1 : i32
      %add3A_280 = arith.addi %mul3A_167, %add3A_279 : i32
      %scan3A_281 = arith.constant 0 : i32
      %scan3A_282 = arith.constant 0 : i32
      %scan3A_283 = arith.constant 16 : i32
      %scan3A_284 = arith.addi %scan3A_282, %scan3A_283 : i32
      %scan3A_285 = arith.constant 1 : i32
      scf.for %scan3A_287 = %scan3A_282 to %scan3A_284 step %scan3A_285  : i32 {
        %jit3A_288 = arith.constant 4 : i32
        %div3A_289 = arith.divsi %scan3A_287, %jit3A_288 : i32
        %sign3A_290 = arith.constant 0 : i32
        %sign3A_291 = arith.cmpi sgt, %scan3A_287, %sign3A_290 : i32
        %sign3A_292 = arith.extui %sign3A_291 : i1 to i32
        %sign3A_293 = arith.constant 0 : i32
        %sign3A_294 = arith.cmpi slt, %scan3A_287, %sign3A_293 : i32
        %sign3A_295 = arith.extui %sign3A_294 : i1 to i32
        %sign3A_296 = arith.subi %sign3A_292, %sign3A_295 : i32
        %sign3A_297 = arith.constant 0 : i32
        %sign3A_298 = arith.cmpi sgt, %jit3A_288, %sign3A_297 : i32
        %sign3A_299 = arith.extui %sign3A_298 : i1 to i32
        %sign3A_300 = arith.constant 0 : i32
        %sign3A_301 = arith.cmpi slt, %jit3A_288, %sign3A_300 : i32
        %sign3A_302 = arith.extui %sign3A_301 : i1 to i32
        %sign3A_303 = arith.subi %sign3A_299, %sign3A_302 : i32
        %ne3A_304 = arith.cmpi ne, %sign3A_296, %sign3A_303 : i32
        %rem3A_305 = arith.remsi %scan3A_287, %jit3A_288 : i32
        %ne3A_306 = arith.constant 0 : i32
        %ne3A_307 = arith.cmpi ne, %rem3A_305, %ne3A_306 : i32
        %and3A_308 = arith.andi %ne3A_304, %ne3A_307 : i1
        %sub3A_309 = arith.constant 1 : i32
        %sub3A_310 = arith.subi %div3A_289, %sub3A_309 : i32
        %select_n3A_311 = arith.select %and3A_308, %sub3A_310, %div3A_289 : i32
        %jit3A_312 = arith.constant 4 : i32
        %eq3A_313 = arith.constant 0 : i32
        %eq3A_314 = arith.cmpi eq, %jit3A_312, %eq3A_313 : i32
        %jit3A_315 = arith.constant 1 : i32
        %select_n3A_316 = arith.select %eq3A_314, %jit3A_315, %jit3A_312 : i32
        %rem3A_317 = arith.remsi %scan3A_287, %select_n3A_316 : i32
        %ne3A_318 = arith.constant 0 : i32
        %ne3A_319 = arith.cmpi ne, %rem3A_317, %ne3A_318 : i32
        %lt3A_320 = arith.constant 0 : i32
        %lt3A_321 = arith.cmpi slt, %rem3A_317, %lt3A_320 : i32
        %lt3A_322 = arith.constant 0 : i32
        %lt3A_323 = arith.cmpi slt, %select_n3A_316, %lt3A_322 : i32
        %ne3A_324 = arith.xori %lt3A_321, %lt3A_323 : i1
        %and3A_325 = arith.andi %ne3A_324, %ne3A_319 : i1
        %add3A_326 = arith.addi %rem3A_317, %select_n3A_316 : i32
        %select_n3A_327 = arith.select %and3A_325, %add3A_326, %rem3A_317 : i32
        %mul3A_328 = arith.constant 8 : i32
        %mul3A_329 = arith.muli %select_n3A_311, %mul3A_328 : i32
        %mul3A_330 = arith.constant 128 : i32
        %mul3A_331 = arith.muli %select_n3A_327, %mul3A_330 : i32
        %add3A_332 = arith.addi %mul3A_4, %select_n3A_327 : i32
        %dma_start3A_333 = tpu.memref_slice %arg9[%mul3A_329, %mul3A_331] : memref<32x512xf32, #tpu.memory_space<vmem>> -> memref<8x128xf32, #tpu.memory_space<vmem>>
        %dma_start3A_334 = arith.constant 0 : i32
        %dma_start3A_335 = arith.constant 0 : i32
        %dma_start3A_336 = tpu.memref_slice %arg4[%add3A_280, %select_n3A_311, %add3A_332, %dma_start3A_334, %dma_start3A_335] : memref<26x4x128x8x128xf32, #tpu.memory_space<hbm>> -> memref<1x1x1x8x128xf32, #tpu.memory_space<hbm>>
        %dma_start3A_337 = tpu.memref_squeeze %dma_start3A_336 : memref<1x1x1x8x128xf32, #tpu.memory_space<hbm>> -> memref<8x128xf32, #tpu.memory_space<hbm>>
        %dma_start3A_338 = arith.constant 0 : i32
        %dma_start3A_339 = arith.constant 0 : i32
        %dma_start3A_340 = tpu.memref_slice %arg4[%add3A_280, %select_n3A_311, %add3A_332, %dma_start3A_338, %dma_start3A_339] : memref<26x4x128x8x128xf32, #tpu.memory_space<hbm>> -> memref<1x1x1x8x128xf32, #tpu.memory_space<hbm>>
        %dma_start3A_341 = tpu.memref_squeeze %dma_start3A_340 : memref<1x1x1x8x128xf32, #tpu.memory_space<hbm>> -> memref<8x128xf32, #tpu.memory_space<hbm>>
        %dma_start3A_342 = tpu.memref_slice %arg9[%mul3A_329, %mul3A_331] : memref<32x512xf32, #tpu.memory_space<vmem>> -> memref<8x128xf32, #tpu.memory_space<vmem>>
        tpu.enqueue_dma source(%dma_start3A_342 : memref<8x128xf32, #tpu.memory_space<vmem>>) target(%dma_start3A_341 : memref<8x128xf32, #tpu.memory_space<hbm>>) target_semaphore(%arg14 : memref<!tpu.dma_semaphore, #tpu.memory_space<semaphore_mem>>)
      }
      %scan3A_286 = arith.constant 16 : i32
    }
    %scan3A_153 = arith.constant 13 : i32
    %dma_wait3A = arith.constant 0 : i32
    %dma_wait3A_154 = arith.constant 0 : i32
    %dma_wait3A_155 = tpu.memref_slice %arg3[%dma_wait3A, %dma_wait3A_154] : memref<1015808x32xf32, #tpu.memory_space<hbm>> -> memref<512x32xf32, #tpu.memory_space<hbm>>
    %dma_wait3A_156 = arith.constant 0 : i32
    %dma_wait3A_157 = arith.constant 0 : i32
    %dma_wait3A_158 = tpu.memref_slice %arg3[%dma_wait3A_156, %dma_wait3A_157] : memref<1015808x32xf32, #tpu.memory_space<hbm>> -> memref<512x32xf32, #tpu.memory_space<hbm>>
    tpu.wait_dma2 semaphore(%arg13 : memref<!tpu.dma_semaphore, #tpu.memory_space<semaphore_mem>>) src(%dma_wait3A_158 : memref<512x32xf32, #tpu.memory_space<hbm>>) dst(%arg6 : memref<512x32xf32, #tpu.memory_space<vmem>>)
    %dma_wait3A_159 = arith.constant 0 : i32
    %dma_wait3A_160 = arith.constant 0 : i32
    %dma_wait3A_161 = tpu.memref_slice %arg3[%dma_wait3A_159, %dma_wait3A_160] : memref<1015808x32xf32, #tpu.memory_space<hbm>> -> memref<512x32xf32, #tpu.memory_space<hbm>>
    %dma_wait3A_162 = arith.constant 0 : i32
    %dma_wait3A_163 = arith.constant 0 : i32
    %dma_wait3A_164 = tpu.memref_slice %arg3[%dma_wait3A_162, %dma_wait3A_163] : memref<1015808x32xf32, #tpu.memory_space<hbm>> -> memref<512x32xf32, #tpu.memory_space<hbm>>
    tpu.wait_dma2 semaphore(%arg14 : memref<!tpu.dma_semaphore, #tpu.memory_space<semaphore_mem>>) src(%dma_wait3A_164 : memref<512x32xf32, #tpu.memory_space<hbm>>) dst(%arg7 : memref<512x32xf32, #tpu.memory_space<vmem>>)
    return
  }
}

module attributes {stable_mosaic.version = 14 : i64} {
  func.func @_tc_transpose_body(%arg0: i32, %arg1: memref<32x16384xf32, #tpu.memory_space<vmem>>, %arg2: memref<4096x128xf32, #tpu.memory_space<vmem>>) attributes {dimension_semantics = [#tpu.dimension_semantics<arbitrary>], iteration_bounds = array<i64: 62>, scalar_prefetch = 0 : i64, scratch_operands = 0 : i64, tpu.core_type = #tpu.core_type<tc>, window_params = [{transform_indices = @transform_0, window_bounds = array<i64: 32, 16384>}, {transform_indices = @transform_1, window_bounds = array<i64: 4096, 128>}]} {
    %get3A = arith.constant 0 : index
    %get3A_0 = arith.constant 0 : index
    %get3A_1 = vector.load %arg1[%get3A, %get3A_0] : memref<32x16384xf32, #tpu.memory_space<vmem>>, vector<32x4096xf32>
    %transpose3A = tpu.transpose %get3A_1, [1, 0] : vector<32x4096xf32> -> vector<4096x32xf32>
    %swap3A = arith.constant 0 : index
    %swap3A_2 = arith.constant 0 : index
    %swap3A_3 = vector.load %arg2[%swap3A, %swap3A_2] : memref<4096x128xf32, #tpu.memory_space<vmem>>, vector<4096x32xf32>
    tpu.vector_store %arg2[%swap3A, %swap3A_2], %transpose3A {strides = array<i32>} : memref<4096x128xf32, #tpu.memory_space<vmem>>, vector<4096x32xf32>,
    %get3A_4 = arith.constant 0 : index
    %get3A_5 = arith.constant 4096 : index
    %get3A_6 = vector.load %arg1[%get3A_4, %get3A_5] : memref<32x16384xf32, #tpu.memory_space<vmem>>, vector<32x4096xf32>
    %transpose3A_7 = tpu.transpose %get3A_6, [1, 0] : vector<32x4096xf32> -> vector<4096x32xf32>
    %swap3A_8 = arith.constant 0 : index
    %swap3A_9 = arith.constant 32 : index
    %swap3A_10 = vector.load %arg2[%swap3A_8, %swap3A_9] : memref<4096x128xf32, #tpu.memory_space<vmem>>, vector<4096x32xf32>
    tpu.vector_store %arg2[%swap3A_8, %swap3A_9], %transpose3A_7 {strides = array<i32>} : memref<4096x128xf32, #tpu.memory_space<vmem>>, vector<4096x32xf32>,
    %get3A_11 = arith.constant 0 : index
    %get3A_12 = arith.constant 8192 : index
    %get3A_13 = vector.load %arg1[%get3A_11, %get3A_12] : memref<32x16384xf32, #tpu.memory_space<vmem>>, vector<32x4096xf32>
    %transpose3A_14 = tpu.transpose %get3A_13, [1, 0] : vector<32x4096xf32> -> vector<4096x32xf32>
    %swap3A_15 = arith.constant 0 : index
    %swap3A_16 = arith.constant 64 : index
    %swap3A_17 = vector.load %arg2[%swap3A_15, %swap3A_16] : memref<4096x128xf32, #tpu.memory_space<vmem>>, vector<4096x32xf32>
    tpu.vector_store %arg2[%swap3A_15, %swap3A_16], %transpose3A_14 {strides = array<i32>} : memref<4096x128xf32, #tpu.memory_space<vmem>>, vector<4096x32xf32>,
    %get3A_18 = arith.constant 0 : index
    %get3A_19 = arith.constant 12288 : index
    %get3A_20 = vector.load %arg1[%get3A_18, %get3A_19] : memref<32x16384xf32, #tpu.memory_space<vmem>>, vector<32x4096xf32>
    %transpose3A_21 = tpu.transpose %get3A_20, [1, 0] : vector<32x4096xf32> -> vector<4096x32xf32>
    %swap3A_22 = arith.constant 0 : index
    %swap3A_23 = arith.constant 96 : index
    %swap3A_24 = vector.load %arg2[%swap3A_22, %swap3A_23] : memref<4096x128xf32, #tpu.memory_space<vmem>>, vector<4096x32xf32>
    tpu.vector_store %arg2[%swap3A_22, %swap3A_23], %transpose3A_21 {strides = array<i32>} : memref<4096x128xf32, #tpu.memory_space<vmem>>, vector<4096x32xf32>,
    return
  }
  func.func @transform_0(%arg0: i32) -> (i32, i32) {
    %c0_i32 = arith.constant 0 : i32
    %c0_i32_0 = arith.constant 0 : i32
    return %c0_i32, %arg0 : i32, i32
  }
  func.func @transform_1(%arg0: i32) -> (i32, i32) {
    %c0_i32 = arith.constant 0 : i32
    %c0_i32_0 = arith.constant 0 : i32
    return %arg0, %c0_i32 : i32, i32
  }
}

</mosaic_0001>

<sc_bundles>
// kernel: kernel.4.cloned.1.call-start
scs
__scs_entry_jumppad:
0x0: {  	(pc) =	sbr.rel $0x88, $3  }
0x1: {  	(tag) =	ssettag $0x0;
	lr =	simm.s32 $0x1  }
0x2: {  	[smem:$0x3F9F] =	sst lr;
	_ =	strace $0xD0000000  }
0x3: {  	_ = 	snop  }
0x4: {  	_ = 	snop  }
0x5: {  	_ = 	snop  }
0x6: {  	_ = 	snop  }
0x7: {  	_ = 	snop  }
__scs_overlays_trampoline_lowered:
0x8: {  	[smem:$0x3FAE] =	sst s0  }
0x9: {  	[smem:$0x3FAF] =	sst s1  }
0xa: {  	[smem:$0x3FB0] =	sst s2  }
0xb: {  	[smem:$0x3FB1] =	sst s3  }
0xc: {  	[smem:$0x3FB2] =	sst s4  }
0xd: {  	[smem:$0x3FB3] =	sst s5  }
0xe: {  	[smem:$0x3FB4] =	sst s6  }
0xf: {  	[smem:$0x3FB5] =	sst s7  }
0x10: {  	[smem:$0x3FB6] =	sst s8  }
0x11: {  	[smem:$0x3FB7] =	sst s9;
	s0 =	simm.s32 @!p0 $0x0  }
0x12: {  	s1 =	sld [smem:$0x3F9D];
	s0 =	simm.s32 @p0 $0x1  }
0x13: {  	[smem:$0x3FB8] =	sst s0;
	s0 =	simm.s32 @!p1 $0x0  }
0x14: {  	s2 =	sld [smem:$0x3F9C];
	s0 =	simm.s32 @p1 $0x1  }
0x15: {  	[smem:$0x3FB9] =	sst s0;
	s0 =	simm.s32 @!p2 $0x0  }
0x16: {  	s3 =	sld [smem:$0x3FDB];
	s0 =	simm.s32 @p2 $0x1  }
0x17: {  	s4 =	simm.s32 $0x1BF5;
	[smem:$0x3FBB] =	sst s0  }
0x18: {  	s0 =	sld [smem:$0x3F9E];
	_ =	swait.ge [sflag:s4], $0x0  }
0x19: {  	s7 =	sld [smem:$0x3F9F]  }
0x1a: {  	s8 =	sadd.s32 $0xFFFFE003, lr  }
0x1b: {  	s9 =	sadd.s32 $0xFFFFFEF7, lr;
	s5 =	simm.s32 $0xFFFFFFFF;
	p2 =	slt.u32 s8, $0xFFFFF086  }
0x1c: {  	p1 =	slt.u32 s9, $0xF7A;
	s5 =	simm.s32 @!p2 $0x0  }
0x1d: {  	s5 =	simm.s32 @p1 $0x1;
	p0 =	seq.s32 s7, s2  }
0x1e: {  	s7 =	smul.u32 @!p0 $0xF7A, s2;
	p2 =	seq.s32 @!p0 s5, $0x0  }
0x1f: {  	s9 =	smul.u32 $0xF7A, s1;
	s8 =	simm.s32 @!p0 $0x1BF5;
	p2 =	por !p2, p0  }
0x20: {  	[sflag:s8] =	ssyncset.s32 @!p0 $0xFFFFF086;
	s6 =	sadd.s32 @!p0 s3, s7;
	s7 =	simm.s32 @!p0 $0x108  }
0x21: {  	s3 =	sadd.s32 s3, s9;
	s6 =	sadd.s32 @!p0 $0x88, s6;
	s7 =	simm.s32 @p2 $0x1082  }
0x22: {  	[simem:s7], [sflag:s8] =	dma.local @!p0 [hbm:s6], $0xF7A  }
0x23: {  	s9 =	sor.u32 $0xD0000000, s2;
	s6 =	simm.s32 $0x108;
	_ =	swait.ge @!p0 [sflag:s8], $0x0  }
0x24: {  	s3 =	sadd.s32 $0x88, s3;
	s6 =	simm.s32 @!p1 $0x1082;
	[sflag:s4] =	ssyncset.s32 $0xFFFFF086  }
0x25: {  	[simem:s6], [sflag:s4] =	dma.local [hbm:s3], $0xF7A  }
0x26: {  	[smem:$0x3F9F] =	sst s1;
	(tag) =	ssettag s2;
	_ =	strace s9  }
0x27: {  	s1 =	sld [smem:$0x3FAF]  }
0x28: {  	s2 =	sld [smem:$0x3FB0]  }
0x29: {  	s4 =	sld [smem:$0x3FB2]  }
0x2a: {  	p0 =	seq.s32 s5, $0x0;
	s5 =	sld [smem:$0x3FB3]  }
0x2b: {  	s6 =	sld [smem:$0x3FB4]  }
0x2c: {  	s7 =	sld [smem:$0x3FB5]  }
0x2d: {  	s3 =	simm.s32 $0x108;
	s8 =	sld [smem:$0x3FB6]  }
0x2e: {  	s3 =	simm.s32 @!p0 $0x1082;
	s9 =	sld [smem:$0x3FB7]  }
0x2f: {  	lr =	sadd.s32 s0, s3;
	s0 =	sld [smem:$0x3FAE]  }
0x30: {  	s3 =	sld [smem:$0x3FB1]  }
0x31: {  	[smem:$0x3FBA] =	sst s10  }
0x32: {  	s10 =	sld [smem:$0x3FB8];
	_ =	sdelay $0x3  }
0x33: {  	p0 =	seq.s32 s10, $0x1;
	s10 =	sld [smem:$0x3FBA];
	_ =	sdelay $0x3  }
0x34: {  	[smem:$0x3FBA] =	sst s10  }
0x35: {  	s10 =	sld [smem:$0x3FB9];
	_ =	sdelay $0x3  }
0x36: {  	p1 =	seq.s32 s10, $0x1;
	s10 =	sld [smem:$0x3FBA];
	_ =	sdelay $0x3  }
0x37: {  	[smem:$0x3FBA] =	sst s10  }
0x38: {  	s10 =	sld [smem:$0x3FBB]  }
0x39: {  	_ = 	snop;
	(pc) =	sbr.ind lr, $3  }
0x3a: {  	_ = 	snop  }
0x3b: {  	_ = 	snop  }
0x3c: {  	p2 =	seq.s32 s10, $0x1;
	s10 =	sld [smem:$0x3FBA]  }
0x3d: {  	_ =	shalt  }
0x3e: {  	_ =	shalt  }
0x3f: {  	_ =	shalt  }
0x40: {  	_ =	shalt  }
0x41: {  	_ =	shalt  }
0x42: {  	_ =	shalt  }
0x43: {  	_ =	shalt  }
0x44: {  	_ =	shalt  }
0x45: {  	_ =	shalt  }
0x46: {  	_ =	shalt  }
0x47: {  	_ =	shalt  }
0x48: {  	_ =	shalt  }
0x49: {  	_ =	shalt  }
0x4a: {  	_ =	shalt  }
0x4b: {  	_ =	shalt  }
0x4c: {  	_ =	shalt  }
0x4d: {  	_ =	shalt  }
0x4e: {  	_ =	shalt  }
0x4f: {  	_ =	shalt  }
0x50: {  	_ =	shalt  }
0x51: {  	_ =	shalt  }
0x52: {  	_ =	shalt  }
0x53: {  	_ =	shalt  }
0x54: {  	_ =	shalt  }
0x55: {  	_ =	shalt  }
0x56: {  	_ =	shalt  }
0x57: {  	_ =	shalt  }
0x58: {  	_ =	shalt  }
0x59: {  	_ =	shalt  }
0x5a: {  	_ =	shalt  }
0x5b: {  	_ =	shalt  }
0x5c: {  	_ =	shalt  }
0x5d: {  	_ =	shalt  }
0x5e: {  	_ =	shalt  }
0x5f: {  	_ =	shalt  }
0x60: {  	_ =	shalt  }
0x61: {  	_ =	shalt  }
0x62: {  	_ =	shalt  }
0x63: {  	_ =	shalt  }
0x64: {  	_ =	shalt  }
0x65: {  	_ =	shalt  }
0x66: {  	_ =	shalt  }
0x67: {  	_ =	shalt  }
0x68: {  	_ =	shalt  }
0x69: {  	_ =	shalt  }
0x6a: {  	_ =	shalt  }
0x6b: {  	_ =	shalt  }
0x6c: {  	_ =	shalt  }
0x6d: {  	_ =	shalt  }
0x6e: {  	_ =	shalt  }
0x6f: {  	_ =	shalt  }
0x70: {  	_ =	shalt  }
0x71: {  	_ =	shalt  }
0x72: {  	_ =	shalt  }
0x73: {  	_ =	shalt  }
0x74: {  	_ =	shalt  }
0x75: {  	_ =	shalt  }
0x76: {  	_ =	shalt  }
0x77: {  	_ =	shalt  }
0x78: {  	_ =	shalt  }
0x79: {  	_ =	shalt  }
0x7a: {  	_ =	shalt  }
0x7b: {  	_ =	shalt  }
0x7c: {  	_ =	shalt  }
0x7d: {  	_ =	shalt  }
0x7e: {  	_ =	shalt  }
0x7f: {  	_ =	shalt  }
0x80: {  	_ =	shalt  }
0x81: {  	_ =	shalt  }
0x82: {  	_ =	shalt  }
0x83: {  	_ =	shalt  }
0x84: {  	_ =	shalt  }
0x85: {  	_ =	shalt  }
0x86: {  	_ =	shalt  }
0x87: {  	_ =	shalt  }
.Lfunc_end0:
.L_simem_size_0:
called_computation_lowered:
.L_overlay_start_0:
0x88: {  	s2 =	sld [smem:$0x3FD9]  }
0x89: {  	s3 =	sld [smem:$0x3FFE];
	_ =	sdelay $0x1  }
0x8a: {  	s1 =	srdreg.scid  }
0x8b: {  	s0 =	sand.u32 $0x1, s1  }
0x8c: {  	s17 =	sshll.u32 s0, $0xA;
	s2 =	sadd.s32 s3, s2  }
0x8d: {  	s2 =	sadd.s32 s2, s17  }
0x8e: {  	[smem:$0x3FC6] =	sst s2  }
0x8f: {  	_ = 	snop  }
0x90: {  	s2 =	sld [smem:$0x3FD0];
	(tm) =	ssettm $0x1  }
0x91: {  	s18 =	sld [smem:$0x3FFB];
	_ =	sdelay $0x3  }
0x92: {  	_ =	strace s18  }
0x93: {  	s3 =	sld [smem:$0x3FFC];
	_ =	sdelay $0x3  }
0x94: {  	_ =	strace s3  }
0x95: {  	s3 =	sld [smem:$0x3FFD];
	_ =	sdelay $0x3  }
0x96: {  	_ =	strace s3  }
0x97: {  	_ =	strace $0x8FFFFFFF  }
0x98: {  	s19 =	sld [smem:$0x3FDB];
	_ =	sdelay $0x1  }
0x99: {  	s4 =	simm.s32 $_scs_section_size  }
0x9a: {  	s5 =	simm.s32 $_size__tile_overlayer_lowered;
	s6 =	simm.s32 $_tile_overlayer_lowered  }
0x9b: {  	s22 =	simm.s32 $0x1BFF;
	s21 =	sshll.u32 s6, $0x1;
	s3 =	sadd.s32 s4, s19  }
0x9c: {  	s7 =	simm.s32 $0x0;
	s20 =	sshll.u32 s5, $0x1;
	s5 =	sadd.s32 s21, s3  }
0x9d: {  	[timem:s7], [sflag:s22] =	dma.local [hbm:s5], s20  }
0x9e: {  	_ =	swait.ge [sflag:s22], s20  }
0x9f: {  	s4 =	ssub.s32 $0x0, s20;
	[sflag:s22] =	ssyncset.done $0x0  }
0xa0: {  	[sflag:s22] =	ssyncadd.s32 s4;
	_ =	sdelay $0x1  }
0xa1: {  	s23 =	simm.s32 $0x1B8B  }
0xa2: {  	_ =	swait.ge [sflag:s23], $0x1  }
0xa3: {  	[sflag:s23] =	ssyncset.done $0x0  }
0xa4: {  	s25 =	simm.s32 $0x1B8E;
	s24 =	sld [smem:$0x3FFE];
	[sflag:s23] =	ssyncadd.s32 $0xFFFFFFFF  }
0xa5: {  	s26 =	simm.s32 $execute0_lowered;
	[smem:$0x3FD2] =	sst s25  }
0xa6: {  	s5 =	sshll.u32 s26, $0x1;
	_ =	strace $0x80000046;
	[dreg:$0x1] =	wrdreg $0xFFFFFFFF  }
0xa7: {  	s28 =	simm.s32 $_size_execute0_lowered;
	s3 =	sadd.s32 s3, s5;
	[dreg:$0x0] =	wrdreg $0x0  }
0xa8: {  	s5 =	sshll.u32 s28, $0x1;
	[dreg:$0x2] =	wrdreg s3  }
0xa9: {  	[dreg:$0x3] =	wrdreg s5  }
0xaa: {  	[dreg:$0x4] =	wrdreg $0xC0  }
0xab: {  	_ =	task [dreg:s7], $0x5FFFF  }
0xac: {  	[dreg:$0x1] =	wrdreg $0xFFFFFFFF  }
0xad: {  	[dreg:$0x0] =	wrdreg $0x60  }
0xae: {  	[dreg:$0x2] =	wrdreg s24  }
0xaf: {  	[dreg:$0x3] =	wrdreg s2  }
0xb0: {  	[dreg:$0x4] =	wrdreg $0x9  }
0xb1: {  	_ =	task.clear_ibuf [dreg:s7], $0x5FFFF;
	_ =	strace $0x90000046  }
0xb2: {  	s29 =	simm.s32 $0x9;
	_ =	strace $0x80000048  }
0xb3: {  	_ =	swait.ge [sflag:s29], $0x1  }
0xb4: {  	[sflag:s29] =	ssyncadd.s32 $0xFFFFFFFF  }
0xb5: {  	_ =	strace $0x90000048  }
0xb6: {  	_ =	sfence  }
0xb7: {  	s30 =	sld [smem:$0x0];
	_ =	sdelay $0x2  }
0xb8: {  	s31 =	sshll.u32 s1, $0xD;
	s1 =	sshrl.u32 s1, $0x2  }
0xb9: {  	s3 =	sand.u32 $0x4000, s31;
	s1 =	sadd.s32 s1, s30  }
0xba: {  	s0 =	sor.u32 s3, s0;
	s1 =	sshll.u32 s1, $0x11  }
0xbb: {  	s0 =	sor.u32 s1, s0  }
0xbc: {  	s0 =	sadd.s32 $0x8F2B, s0  }
0xbd: {  	[sflag:s0] =	ssyncadd.remote.s32 $0x1  }
0xbe: {  	_ =	sfence.sel $0xFFFF  }
0xbf: {  	[dreg:$0x0] =	wrdreg $0xFFFFFFFF;
	(pc) =	sbr.abs _section_cstart, $3  }
0xc0: {  	[dreg:$0x1] =	wrdreg $0xFFFFFFFF  }
0xc1: {  	_ =	task.clear_ibuf [dreg:s7], $0x2FFFF;
	_ =	strace $0x9FFFFFFF  }
0xc2: {  	(tm) =	ssettm $0x7FFFFFFF  }
0xc3: {  	_ =	shalt  }
tec
execute0_lowered:
.L_overlay_start_1:
0x0: {  	(tag) =	ssettag $0x1  }
0x1: {  	vm15 =	vcmask $0x300;
	v0 =	vimm.s32 $0x1E07  }
0x2: {  	vm14 =	vcmask $0x704;
	vm13 =	vcmask $0xB08;
	vm12 =	vcmask $0xF0C  }
0x3: {  	vm11 =	vcmask $0x1310;
	vm10 =	vcmask $0x1714;
	vm9 =	vcmask $0x1B18  }
0x4: {  	vm8 =	vcmask $0x1F1C;
	vm7 =	vcmask $0x2320;
	vm6 =	vcmask $0x2724  }
0x5: {  	v1 =	vimm.s32 $0x7;
	vm4 =	vcmask $0x2B28;
	vm2 =	vcmask $0x2F2C  }
0x6: {  	vm1 =	vcmask $0x3330;
	v2 =	vimm.s32 $0xFEDCBA9;
	v3 =	vimm.s32 $0x87654321  }
0x7: {  	vm3 =	vcmask $0x3734;
	vm5 =	vcmask $0x3B38;
	v47 =	vimm.s32 $0x207  }
0x8: {  	v49 =	vimm.s32 $0x10FEDCBA;
	v50 =	vimm.s32 $0x98765432;
	v7 =	vimm.s32 $0x407  }
0x9: {  	v55 =	vimm.s32 $0x210FEDCB;
	v56 =	vimm.s32 $0xA9876543;
	v58 =	vimm.s32 $0x607  }
0xa: {  	v9 =	vimm.s32 $0x3210FEDC;
	v10 =	vimm.s32 $0xBA987654;
	v20 =	vimm.s32 $0x807  }
0xb: {  	v25 =	vimm.s32 $0x43210FED;
	v26 =	vimm.s32 $0xCBA98765;
	v28 =	vimm.s32 $0xA07  }
0xc: {  	v30 =	vimm.s32 $0x543210FE;
	v31 =	vimm.s32 $0xDCBA9876;
	v14 =	vimm.s32 $0xC07  }
0xd: {  	v15 =	vimm.s32 $0x6543210F;
	v16 =	vimm.s32 $0xEDCBA987;
	v37 =	vimm.s32 $0xE07  }
0xe: {  	v41 =	vimm.s32 $0xFEDCBA98;
	v42 =	vimm.s32 $0x76543210;
	v0 =	vsel vm15, $0x0, v0  }
0xf: {  	v1 =	vsel vm15, $0x200, v1;
	v2 =	vunpack.c.l.s4.s8 v2;
	v0 =	vsel vm14, $0x201, v0  }
0x10: {  	v3 =	vunpack.c.l.s4.s8 v3;
	v48 =	vsel vm15, $0x400, v47;
	v0 =	vsel vm13, $0x402, v0  }
0x11: {  	v52 =	vsel vm15, $0x600, v7;
	v7 =	vunpack.c.l.s4.s8 v56;
	v0 =	vsel vm12, $0x603, v0  }
0x12: {  	v60 =	vsel vm15, $0x800, v58;
	v9 =	vunpack.c.l.s4.s8 v9;
	v0 =	vsel vm11, $0x804, v0  }
0x13: {  	v10 =	vunpack.c.l.s4.s8 v10;
	v14 =	vsel vm15, $0xE00, v14;
	v0 =	vsel vm10, $0xA05, v0  }
0x14: {  	v15 =	vunpack.c.l.s4.s8 v15;
	v16 =	vunpack.c.l.s4.s8 v16;
	v0 =	vsel vm9, $0xC06, v0  }
0x15: {  	v43 =	vunpack.c.l.s4.s8 v42;
	v58 =	vimm.s32 $0x1607;
	v0 =	vsel vm8, $0xE07, v0  }
0x16: {  	v1 =	vsel vm14, $0x401, v1;
	v14 =	vsel vm14, $0x1001, v14;
	v0 =	vsel vm7, $0x1000, v0  }
0x17: {  	v1 =	vsel vm13, $0x602, v1;
	v63 =	vunpack.c.0.s8.s32 v10;
	v0 =	vsel vm6, $0x1201, v0  }
0x18: {  	v10 =	vsel vm15, $0xA00, v20;
	v14 =	vsel vm13, $0x1202, v14;
	v0 =	vsel vm4, $0x1402, v0  }
0x19: {  	v1 =	vsel vm12, $0x803, v1;
	v23 =	vsel vm14, $0xC01, v10;
	v0 =	vsel vm2, $0x1603, v0  }
0x1a: {  	v10 =	vunpack.c.l.s4.s8 v25;
	v1 =	vsel vm11, $0xA04, v1;
	v4 =	vsel vm1, $0x1804, v0  }
0x1b: {  	v5 =	vsel vm10, $0xC05, v1;
	v1 =	vunpack.c.0.s8.s32 v3;
	v45 =	vsel vm3, $0x1A05, v4  }
0x1c: {  	v44 =	vsel vm9, $0xE06, v5;
	v0 =	vunpack.c.0.s8.s32 v2;
	v3 =	vsel vm5, $0x1C06, v45  }
0x1d: {  	v33 =	vsel vm12, $0x1403, v14;
	v2 =	vsel vm8, $0x1007, v44;
	[tilespmem:$0x1FC00] =	vst v3;
	v3 =	vsel vm14, $0x601, v48  }
0x1e: {  	v2 =	vsel vm7, $0x1200, v2;
	v46 =	vcombine.low v1, v0;
	v3 =	vsel vm13, $0x802, v3  }
0x1f: {  	v5 =	vunpack.c.l.s4.s8 v50;
	v2 =	vsel vm6, $0x1401, v2;
	v3 =	vsel vm12, $0xA03, v3  }
0x20: {  	v2 =	vsel vm4, $0x1602, v2;
	v4 =	vand.u32 $0xF, v46;
	v3 =	vsel vm11, $0xC04, v3  }
0x21: {  	v51 =	vsel vm10, $0xE05, v3;
	v3 =	vunpack.c.0.s8.s32 v5;
	v5 =	vsel vm14, $0x801, v52  }
0x22: {  	v2 =	vsel vm2, $0x1803, v2;
	[tilespmem:$0x1FC10] =	vst v4;
	v4 =	vunpack.c.l.s4.s8 v49;
	v5 =	vsel vm13, $0xA02, v5  }
0x23: {  	v44 =	vimm.s32 $0x1007;
	v6 =	vsel vm1, $0x1A04, v2;
	v5 =	vsel vm12, $0xC03, v5  }
0x24: {  	v2 =	vunpack.c.0.s8.s32 v4;
	v4 =	vsel vm9, $0x1006, v51;
	v5 =	vsel vm11, $0xE04, v5  }
0x25: {  	v6 =	vsel vm3, $0x1C05, v6;
	v4 =	vsel vm8, $0x1207, v4;
	v5 =	vsel vm10, $0x1005, v5  }
0x26: {  	v6 =	vsel vm5, $0x1E06, v6;
	v4 =	vsel vm7, $0x1400, v4;
	v5 =	vsel vm9, $0x1206, v5  }
0x27: {  	[tilespmem:$0x1FC20] =	vst v6;
	v6 =	vunpack.c.l.s4.s8 v55;
	v4 =	vsel vm6, $0x1601, v4;
	v8 =	vsel vm8, $0x1407, v5  }
0x28: {  	v0 =	vcombine.low v0, v1;
	v4 =	vsel vm4, $0x1802, v4;
	v57 =	vsel vm7, $0x1600, v8  }
0x29: {  	v4 =	vsel vm2, $0x1A03, v4;
	v5 =	vunpack.c.0.s8.s32 v6;
	v6 =	vsel vm6, $0x1801, v57  }
0x2a: {  	v8 =	vunpack.c.0.s8.s32 v7;
	v59 =	vsel vm4, $0x1A02, v6;
	v6 =	vsel vm14, $0xA01, v60  }
0x2b: {  	v48 =	vimm.s32 $0x1207;
	v4 =	vsel vm1, $0x1C04, v4;
	v6 =	vsel vm13, $0xC02, v6  }
0x2c: {  	v4 =	vsel vm3, $0x1E05, v4;
	v61 =	vcombine.low v8, v5;
	v6 =	vsel vm12, $0xE03, v6  }
0x2d: {  	v53 =	vcombine.low v3, v2;
	v4 =	vsel vm5, $0x6, v4;
	v11 =	vsel vm11, $0x1004, v6  }
0x2e: {  	[tilespmem:$0x1FC40] =	vst v4;
	v4 =	vsel vm2, $0x1C03, v59;
	v7 =	vand.u32 $0xF, v61;
	v19 =	vsel vm10, $0x1205, v11  }
0x2f: {  	v62 =	vsel vm1, $0x1E04, v4;
	v4 =	vunpack.c.0.s8.s32 v9;
	v9 =	vsel vm9, $0x1406, v19  }
0x30: {  	v54 =	vand.u32 $0xF, v53;
	[tilespmem:$0x1FC50] =	vst v7;
	v7 =	vsel vm3, $0x5, v62;
	v9 =	vsel vm8, $0x1607, v9  }
0x31: {  	v2 =	vcombine.low v2, v3;
	[tilespmem:$0x1FC30] =	vst v54;
	v7 =	vsel vm5, $0x206, v7;
	v22 =	vsel vm7, $0x1800, v9  }
0x32: {  	v54 =	vimm.s32 $0x1407;
	[tilespmem:$0x1FC60] =	vst v7;
	v9 =	vsel vm13, $0xE02, v23;
	v7 =	vsel vm6, $0x1A01, v22  }
0x33: {  	v59 =	vcombine.low v5, v8;
	v9 =	vsel vm12, $0x1003, v9;
	v7 =	vsel vm4, $0x1C02, v7  }
0x34: {  	v11 =	vunpack.c.l.s4.s8 v26;
	v9 =	vsel vm11, $0x1204, v9;
	v7 =	vsel vm2, $0x1E03, v7  }
0x35: {  	v62 =	vimm.s32 $0x1807;
	v9 =	vsel vm10, $0x1405, v9;
	v12 =	vsel vm1, $0x4, v7  }
0x36: {  	v27 =	vsel vm9, $0x1606, v9;
	v9 =	vunpack.c.0.s8.s32 v11;
	v11 =	vsel vm15, $0xC00, v28  }
0x37: {  	v7 =	vunpack.c.0.s8.s32 v10;
	v10 =	vsel vm8, $0x1807, v27;
	v11 =	vsel vm14, $0xE01, v11  }
0x38: {  	v12 =	vsel vm3, $0x205, v12;
	v10 =	vsel vm7, $0x1A00, v10;
	v11 =	vsel vm13, $0x1002, v11  }
0x39: {  	v13 =	vcombine.low v9, v7;
	v12 =	vsel vm5, $0x406, v12;
	v11 =	vsel vm12, $0x1203, v11  }
0x3a: {  	v10 =	vsel vm6, $0x1C01, v10;
	[tilespmem:$0x1FC80] =	vst v12;
	v12 =	vunpack.c.l.s4.s8 v30;
	v11 =	vsel vm11, $0x1404, v11  }
0x3b: {  	v10 =	vsel vm4, $0x1E02, v10;
	v29 =	vand.u32 $0xF, v13;
	v11 =	vsel vm10, $0x1605, v11  }
0x3c: {  	v13 =	vunpack.c.l.s4.s8 v31;
	v10 =	vsel vm2, $0x3, v10;
	v11 =	vsel vm9, $0x1806, v11  }
0x3d: {  	v12 =	vunpack.c.0.s8.s32 v12;
	v10 =	vsel vm1, $0x204, v10;
	v11 =	vsel vm8, $0x1A07, v11  }
0x3e: {  	v13 =	vunpack.c.0.s8.s32 v13;
	v10 =	vsel vm3, $0x405, v10;
	v11 =	vsel vm7, $0x1C00, v11  }
0x3f: {  	v30 =	vimm.s32 $0x3E07;
	v10 =	vsel vm5, $0x606, v10;
	v11 =	vsel vm6, $0x1E01, v11  }
0x40: {  	[tilespmem:$0x1FC90] =	vst v29;
	v34 =	vcombine.low v13, v12;
	v32 =	vsel vm4, $0x2, v11;
	v11 =	vsel vm11, $0x1604, v33  }
0x41: {  	v29 =	vimm.s32 $0x1C07;
	[tilespmem:$0x1FCA0] =	vst v10;
	v10 =	vsel vm2, $0x203, v32;
	v11 =	vsel vm10, $0x1805, v11  }
0x42: {  	v14 =	vand.u32 $0xF, v34;
	v11 =	vsel vm9, $0x1A06, v11;
	v35 =	vsel vm1, $0x404, v10  }
0x43: {  	v10 =	vunpack.c.0.s8.s32 v15;
	v17 =	vsel vm8, $0x1C07, v11;
	v11 =	vunpack.c.0.s8.s32 v16  }
0x44: {  	[tilespmem:$0x1FCB0] =	vst v14;
	v14 =	vsel vm3, $0x605, v35;
	v16 =	vsel vm15, $0x1000, v37;
	v36 =	vsel vm7, $0x1E00, v17  }
0x45: {  	v25 =	vsel vm5, $0x806, v14;
	v40 =	vsel vm14, $0x1201, v16;
	v15 =	vsel vm6, $0x1, v36  }
0x46: {  	v16 =	vunpack.c.l.s4.s8 v41;
	v17 =	vsel vm15, $0x1200, v44;
	v15 =	vsel vm4, $0x202, v15  }
0x47: {  	v38 =	vcombine.low v11, v10;
	v39 =	vsel vm2, $0x403, v15;
	v15 =	vsel vm13, $0x1402, v40  }
0x48: {  	v17 =	vsel vm14, $0x1401, v17;
	v16 =	vunpack.c.0.s8.s32 v16;
	v15 =	vsel vm12, $0x1603, v15  }
0x49: {  	v46 =	vsel vm13, $0x1602, v17;
	v14 =	vsel vm1, $0x604, v39;
	v15 =	vsel vm11, $0x1804, v15  }
0x4a: {  	v28 =	vand.u32 $0xF, v38;
	v14 =	vsel vm3, $0x805, v14;
	v15 =	vsel vm10, $0x1A05, v15  }
0x4b: {  	v47 =	vsel vm5, $0xA06, v14;
	v14 =	vunpack.c.0.s8.s32 v43;
	v15 =	vsel vm9, $0x1C06, v15  }
0x4c: {  	v38 =	vimm.s32 $0x2007;
	v16 =	vand.u32 $0xF, v16;
	v15 =	vsel vm8, $0x1E07, v15  }
0x4d: {  	v26 =	vcombine.low v16, v14;
	v16 =	vsel vm15, $0x1400, v48;
	v15 =	vsel vm7, $0x0, v15  }
0x4e: {  	v16 =	vsel vm14, $0x1601, v16;
	v45 =	vsel vm6, $0x201, v15;
	v15 =	vsel vm12, $0x1803, v46  }
0x4f: {  	v16 =	vsel vm13, $0x1802, v16;
	v46 =	vand.u32 $0xF, v0;
	v15 =	vsel vm11, $0x1A04, v15  }
0x50: {  	v14 =	vsel vm4, $0x402, v45;
	v50 =	vsel vm12, $0x1A03, v16;
	v15 =	vsel vm10, $0x1C05, v15  }
0x51: {  	v14 =	vsel vm2, $0x603, v14;
	v51 =	vsel vm11, $0x1C04, v50;
	v15 =	vsel vm9, $0x1E06, v15  }
0x52: {  	v14 =	vsel vm1, $0x804, v14;
	v53 =	vsel vm10, $0x1E05, v51;
	v49 =	vsel vm8, $0x7, v15  }
0x53: {  	v14 =	vsel vm3, $0xA05, v14;
	v15 =	vimm.s32 $0x1A07;
	v1 =	vsel vm7, $0x200, v49  }
0x54: {  	v23 =	vsel vm5, $0xC06, v14;
	v14 =	vsel vm15, $0x1600, v54;
	v52 =	vsel vm6, $0x401, v1  }
0x55: {  	v1 =	vsel vm9, $0x6, v53;
	v14 =	vsel vm14, $0x1801, v14;
	v53 =	vand.u32 $0xF, v2  }
0x56: {  	v2 =	vsel vm15, $0x1800, v58;
	v0 =	vsel vm4, $0x602, v52;
	v1 =	vsel vm8, $0x207, v1  }
0x57: {  	v14 =	vsel vm13, $0x1A02, v14;
	v61 =	vsel vm14, $0x1A01, v2;
	v1 =	vsel vm7, $0x400, v1  }
0x58: {  	v2 =	vsel vm15, $0x1A00, v62;
	v55 =	vsel vm12, $0x1C03, v14;
	v1 =	vsel vm6, $0x601, v1  }
0x59: {  	v0 =	vsel vm2, $0x803, v0;
	v57 =	vsel vm11, $0x1E04, v55;
	v1 =	vsel vm4, $0x802, v1  }
0x5a: {  	v0 =	vsel vm1, $0xA04, v0;
	v56 =	vsel vm2, $0xA03, v1;
	v1 =	vsel vm10, $0x5, v57  }
0x5b: {  	v2 =	vsel vm14, $0x1C01, v2;
	v0 =	vsel vm3, $0xC05, v0;
	v1 =	vsel vm9, $0x206, v1  }
0x5c: {  	v2 =	vsel vm13, $0x1E02, v2;
	v42 =	vsel vm5, $0xE06, v0;
	v1 =	vsel vm8, $0x407, v1  }
0x5d: {  	v0 =	vsel vm1, $0xC04, v56;
	v60 =	vsel vm7, $0x600, v1;
	v1 =	vsel vm13, $0x1C02, v61  }
0x5e: {  	v2 =	vsel vm12, $0x3, v2;
	v0 =	vsel vm3, $0xE05, v0;
	v1 =	vsel vm12, $0x1E03, v1  }
0x5f: {  	v20 =	vsel vm5, $0x1006, v0;
	v0 =	vsel vm6, $0x801, v60;
	v1 =	vsel vm11, $0x4, v1  }
0x60: {  	v8 =	vsel vm11, $0x204, v2;
	v0 =	vsel vm4, $0xA02, v0;
	v1 =	vsel vm10, $0x205, v1  }
0x61: {  	v2 =	vsel vm15, $0x1C00, v15;
	v0 =	vsel vm2, $0xC03, v0;
	v1 =	vsel vm9, $0x406, v1  }
0x62: {  	v2 =	vsel vm14, $0x1E01, v2;
	v0 =	vsel vm1, $0xE04, v0;
	v1 =	vsel vm8, $0x607, v1  }
0x63: {  	v0 =	vsel vm3, $0x1005, v0;
	v6 =	vsel vm7, $0x800, v1;
	v1 =	vsel vm10, $0x405, v8  }
0x64: {  	v35 =	vsel vm5, $0x1206, v0;
	v0 =	vsel vm6, $0xA01, v6;
	v1 =	vsel vm9, $0x606, v1  }
0x65: {  	v2 =	vsel vm13, $0x2, v2;
	v0 =	vsel vm4, $0xC02, v0;
	v1 =	vsel vm8, $0x807, v1  }
0x66: {  	v17 =	vsel vm12, $0x203, v2;
	v0 =	vsel vm2, $0xE03, v0;
	v1 =	vsel vm7, $0xA00, v1  }
0x67: {  	v2 =	vsel vm15, $0x2000, v30;
	v0 =	vsel vm1, $0x1004, v0;
	v1 =	vsel vm6, $0xC01, v1  }
0x68: {  	v0 =	vsel vm3, $0x1205, v0;
	v16 =	vsel vm4, $0xE02, v1;
	v1 =	vsel vm11, $0x404, v17  }
0x69: {  	v34 =	vsel vm5, $0x1406, v0;
	v0 =	vsel vm2, $0x1003, v16;
	v1 =	vsel vm10, $0x605, v1  }
0x6a: {  	v2 =	vsel vm14, $0x2201, v2;
	v0 =	vsel vm1, $0x1204, v0;
	v1 =	vsel vm9, $0x806, v1  }
0x6b: {  	v0 =	vsel vm3, $0x1405, v0;
	v27 =	vsel vm8, $0xA07, v1;
	v1 =	vsel vm15, $0x1E00, v29  }
0x6c: {  	v55 =	vsel vm5, $0x1606, v0;
	v0 =	vsel vm7, $0xC00, v27;
	v1 =	vsel vm14, $0x1, v1  }
0x6d: {  	v2 =	vsel vm13, $0x2402, v2;
	v0 =	vsel vm6, $0xE01, v0;
	v1 =	vsel vm13, $0x202, v1  }
0x6e: {  	v2 =	vsel vm12, $0x2603, v2;
	v0 =	vsel vm4, $0x1002, v0;
	v1 =	vsel vm12, $0x403, v1  }
0x6f: {  	v2 =	vsel vm11, $0x2804, v2;
	v0 =	vsel vm2, $0x1203, v0;
	v1 =	vsel vm11, $0x604, v1  }
0x70: {  	v2 =	vsel vm10, $0x2A05, v2;
	v0 =	vsel vm1, $0x1404, v0;
	v1 =	vsel vm10, $0x805, v1  }
0x71: {  	v33 =	vsel vm9, $0x2C06, v2;
	v0 =	vsel vm3, $0x1605, v0;
	v32 =	vsel vm9, $0xA06, v1  }
0x72: {  	v1 =	vsel vm8, $0x2E07, v33;
	v48 =	vsel vm5, $0x1806, v0;
	v0 =	vsel vm8, $0xC07, v32  }
0x73: {  	v43 =	vimm.s32 $0x1C1B1A19;
	v1 =	vsel vm7, $0x3000, v1;
	v0 =	vsel vm7, $0xE00, v0  }
0x74: {  	v2 =	vsel vm15, $0x2200, v38;
	v1 =	vsel vm6, $0x3201, v1;
	v0 =	vsel vm6, $0x1001, v0  }
0x75: {  	v2 =	vsel vm14, $0x2401, v2;
	v1 =	vsel vm4, $0x3402, v1;
	v0 =	vsel vm4, $0x1202, v0  }
0x76: {  	v2 =	vsel vm13, $0x2602, v2;
	v1 =	vsel vm2, $0x3603, v1;
	v0 =	vsel vm2, $0x1403, v0  }
0x77: {  	v2 =	vsel vm12, $0x2803, v2;
	v1 =	vsel vm1, $0x3804, v1;
	v0 =	vsel vm1, $0x1604, v0  }
0x78: {  	v2 =	vsel vm11, $0x2A04, v2;
	v1 =	vsel vm3, $0x3A05, v1;
	v0 =	vsel vm3, $0x1805, v0  }
0x79: {  	v40 =	vsel vm5, $0x3C06, v1;
	v1 =	vunpack.c.0.s8.s32 v43;
	v0 =	vsel vm5, $0x1A06, v0  }
0x7a: {  	v44 =	vimm.s32 $0x101F1E1D;
	v41 =	vsel vm10, $0x2C05, v2;
	[tilespmem:$0x1FCE0] =	vst v0  }
0x7b: {  	v0 =	vsel vm9, $0x2E06, v41;
	[tilespmem:$0x1FD00] =	vst v1;
	v1 =	vunpack.c.0.s8.s32 v44  }
0x7c: {  	v45 =	vimm.s32 $0x2207;
	v0 =	vsel vm8, $0x3007, v0  }
0x7d: {  	[tilespmem:$0x1FD10] =	vst v1;
	v0 =	vsel vm7, $0x3200, v0;
	v1 =	vsel vm15, $0x2400, v45  }
0x7e: {  	v18 =	vlaneseq.u32;
	v0 =	vsel vm6, $0x3401, v0;
	v1 =	vsel vm14, $0x2601, v1  }
0x7f: {  	v5 =	vimm.s32 $0x1A191817;
	v0 =	vsel vm4, $0x3602, v0;
	v1 =	vsel vm13, $0x2802, v1  }
0x80: {  	v21 =	vcombine.low v63, v4;
	v0 =	vsel vm2, $0x3803, v0;
	v1 =	vsel vm12, $0x2A03, v1  }
0x81: {  	v63 =	vcombine.low v4, v63;
	v0 =	vsel vm1, $0x3A04, v0;
	v1 =	vsel vm11, $0x2C04, v1  }
0x82: {  	v4 =	vimm.s32 $0x16151413;
	v0 =	vsel vm3, $0x3C05, v0;
	v52 =	vsel vm10, $0x2E05, v1  }
0x83: {  	v24 =	vand.u32 $0xF, v21;
	v58 =	vsel vm5, $0x3E06, v0;
	v0 =	vsel vm9, $0x3006, v52  }
0x84: {  	v21 =	vand.u32 $0xF, v59;
	v59 =	vimm.s32 $0x15141312;
	v0 =	vsel vm8, $0x3207, v0  }
0x85: {  	v19 =	vcombine.low v7, v9;
	v22 =	vcombine.low v12, v13;
	v0 =	vsel vm7, $0x3400, v0  }
0x86: {  	v7 =	vimm.s32 $0x1F1E1D1C;
	v9 =	vimm.s32 $0x13121110;
	v0 =	vsel vm6, $0x3601, v0  }
0x87: {  	[tilespmem:$0x1FC70] =	vst v24;
	v13 =	vimm.s32 $0x2607;
	v24 =	vand.u32 $0xF, v22;
	v0 =	vsel vm4, $0x3802, v0  }
0x88: {  	v22 =	vimm.s32 $0x2E07;
	v51 =	vimm.s32 $0x2407;
	v0 =	vsel vm2, $0x3A03, v0  }
0x89: {  	[tilespmem:$0x1FCD0] =	vst v24;
	v24 =	vimm.s32 $0x3007;
	v54 =	vsel vm15, $0x2600, v51;
	v0 =	vsel vm1, $0x3C04, v0  }
0x8a: {  	v14 =	vand.u32 $0xF, v63;
	v61 =	vimm.s32 $0x1E1D1C1B;
	v0 =	vsel vm3, $0x3E05, v0  }
0x8b: {  	v1 =	vsel vm14, $0x2801, v54;
	v63 =	vsel vm5, $0x2006, v0;
	v0 =	vunpack.c.0.s8.s32 v61  }
0x8c: {  	v37 =	vand.u32 $0xF, v19;
	v62 =	vimm.s32 $0x1211101F;
	v1 =	vsel vm13, $0x2A02, v1  }
0x8d: {  	v19 =	vimm.s32 $0x2C07;
	v1 =	vsel vm12, $0x2C03, v1;
	[tilespmem:$0x1FD80] =	vst v0;
	v0 =	vunpack.c.0.s8.s32 v62  }
0x8e: {  	v31 =	vcombine.low v10, v11;
	v10 =	vimm.s32 $0x17161514;
	v1 =	vsel vm11, $0x2E04, v1  }
0x8f: {  	v11 =	vimm.s32 $0x1B1A1918;
	v1 =	vsel vm10, $0x3005, v1;
	[tilespmem:$0x1FD90] =	vst v0;
	v0 =	vunpack.c.0.s8.s32 v4  }
0x90: {  	v36 =	vimm.s32 $0x3607;
	v12 =	vunpack.c.0.s8.s32 v11;
	v1 =	vsel vm9, $0x3206, v1  }
0x91: {  	v39 =	vand.u32 $0xF, v31;
	v1 =	vsel vm8, $0x3407, v1;
	[tilespmem:$0x1FDA0] =	vst v0;
	v0 =	vunpack.c.0.s8.s32 v5  }
0x92: {  	v31 =	vimm.s32 $0x3207;
	v50 =	vimm.s32 $0x18171615;
	v1 =	vsel vm7, $0x3600, v1  }
0x93: {  	v49 =	vimm.s32 $0x14131211;
	v1 =	vsel vm6, $0x3801, v1;
	[tilespmem:$0x1FDB0] =	vst v0;
	v0 =	vunpack.c.0.s8.s32 v9  }
0x94: {  	[tilespmem:$0x1FCC0] =	vst v14;
	v14 =	vimm.s32 $0x2807;
	v2 =	vunpack.c.0.s8.s32 v49;
	v1 =	vsel vm4, $0x3A02, v1  }
0x95: {  	v57 =	vimm.s32 $0x11101F1E;
	v1 =	vsel vm2, $0x3C03, v1;
	[tilespmem:$0x1FDD0] =	vst v0;
	v0 =	vunpack.c.0.s8.s32 v10  }
0x96: {  	v56 =	vimm.s32 $0x1D1C1B1A;
	[tilespmem:$0x1FD20] =	vst v2;
	v2 =	vunpack.c.0.s8.s32 v50;
	v1 =	vsel vm1, $0x3E04, v1  }
0x97: {  	v6 =	vsel vm3, $0x2005, v1;
	v1 =	vsel vm15, $0x2A00, v14;
	[tilespmem:$0x1FDE0] =	vst v0;
	v0 =	vsel vm15, $0x2800, v13  }
0x98: {  	[tilespmem:$0x1FD30] =	vst v2;
	v2 =	vunpack.c.0.s8.s32 v56;
	v1 =	vsel vm14, $0x2C01, v1;
	v0 =	vsel vm14, $0x2A01, v0  }
0x99: {  	v15 =	vimm.s32 $0x2A07;
	v1 =	vsel vm13, $0x2E02, v1;
	v0 =	vsel vm13, $0x2C02, v0  }
0x9a: {  	[tilespmem:$0x1FD40] =	vst v2;
	v2 =	vunpack.c.0.s8.s32 v57;
	v1 =	vsel vm12, $0x3003, v1;
	v0 =	vsel vm12, $0x2E03, v0  }
0x9b: {  	v60 =	vimm.s32 $0x19181716;
	v1 =	vsel vm11, $0x3204, v1;
	v0 =	vsel vm11, $0x3004, v0  }
0x9c: {  	[tilespmem:$0x1FD50] =	vst v2;
	v2 =	vunpack.c.0.s8.s32 v59;
	v1 =	vsel vm10, $0x3405, v1;
	v0 =	vsel vm10, $0x3205, v0  }
0x9d: {  	v8 =	vunpack.c.0.s8.s32 v7;
	v1 =	vsel vm9, $0x3606, v1;
	v0 =	vsel vm9, $0x3406, v0  }
0x9e: {  	[tilespmem:$0x1FD60] =	vst v2;
	v2 =	vunpack.c.0.s8.s32 v60;
	v1 =	vsel vm8, $0x3807, v1;
	v0 =	vsel vm8, $0x3607, v0  }
0x9f: {  	v33 =	vimm.s32 $0x3407;
	v1 =	vsel vm7, $0x3A00, v1;
	v0 =	vsel vm7, $0x3800, v0  }
0xa0: {  	[tilespmem:$0x1FD70] =	vst v2;
	v2 =	vsel vm15, $0x2C00, v15;
	v1 =	vsel vm6, $0x3C01, v1;
	v0 =	vsel vm6, $0x3A01, v0  }
0xa1: {  	v2 =	vsel vm14, $0x2E01, v2;
	v1 =	vsel vm4, $0x3E02, v1;
	v0 =	vsel vm4, $0x3C02, v0  }
0xa2: {  	v2 =	vsel vm13, $0x3002, v2;
	v1 =	vsel vm2, $0x2003, v1;
	v0 =	vsel vm2, $0x3E03, v0  }
0xa3: {  	v2 =	vsel vm12, $0x3203, v2;
	v1 =	vsel vm1, $0x2204, v1;
	v0 =	vsel vm1, $0x2004, v0  }
0xa4: {  	v2 =	vsel vm11, $0x3404, v2;
	v16 =	vsel vm3, $0x2405, v1;
	v0 =	vsel vm3, $0x2205, v0  }
0xa5: {  	[tilespmem:$0x1FCF0] =	vst v40;
	v1 =	vsel vm15, $0x3000, v22;
	v40 =	vsel vm5, $0x2406, v0;
	v0 =	vsel vm15, $0x2E00, v19  }
0xa6: {  	v2 =	vsel vm10, $0x3605, v2;
	v1 =	vsel vm14, $0x3201, v1;
	v0 =	vsel vm14, $0x3001, v0  }
0xa7: {  	v2 =	vsel vm9, $0x3806, v2;
	v1 =	vsel vm13, $0x3402, v1;
	v0 =	vsel vm13, $0x3202, v0  }
0xa8: {  	v2 =	vsel vm8, $0x3A07, v2;
	v1 =	vsel vm12, $0x3603, v1;
	v0 =	vsel vm12, $0x3403, v0  }
0xa9: {  	v2 =	vsel vm7, $0x3C00, v2;
	v1 =	vsel vm11, $0x3804, v1;
	v0 =	vsel vm11, $0x3604, v0  }
0xaa: {  	v2 =	vsel vm6, $0x3E01, v2;
	v1 =	vsel vm10, $0x3A05, v1;
	v0 =	vsel vm10, $0x3805, v0  }
0xab: {  	v2 =	vsel vm4, $0x2002, v2;
	v1 =	vsel vm9, $0x3C06, v1;
	v0 =	vsel vm9, $0x3A06, v0  }
0xac: {  	v2 =	vsel vm2, $0x2203, v2;
	v1 =	vsel vm8, $0x3E07, v1;
	v0 =	vsel vm8, $0x3C07, v0  }
0xad: {  	v2 =	vsel vm1, $0x2404, v2;
	v1 =	vsel vm7, $0x2000, v1;
	v0 =	vsel vm7, $0x3E00, v0  }
0xae: {  	v17 =	vsel vm3, $0x2605, v2;
	v1 =	vsel vm6, $0x2201, v1;
	v0 =	vsel vm6, $0x2001, v0  }
0xaf: {  	v2 =	vsel vm15, $0x3200, v24;
	v1 =	vsel vm4, $0x2402, v1;
	v0 =	vsel vm4, $0x2202, v0  }
0xb0: {  	v2 =	vsel vm14, $0x3401, v2;
	v1 =	vsel vm2, $0x2603, v1;
	v0 =	vsel vm2, $0x2403, v0  }
0xb1: {  	v2 =	vsel vm13, $0x3602, v2;
	v1 =	vsel vm1, $0x2804, v1;
	v0 =	vsel vm1, $0x2604, v0  }
0xb2: {  	v2 =	vsel vm12, $0x3803, v2;
	v27 =	vsel vm3, $0x2A05, v1;
	v0 =	vsel vm3, $0x2805, v0  }
0xb3: {  	v1 =	vsel vm15, $0x3600, v33;
	v52 =	vsel vm5, $0x2A06, v0;
	v0 =	vsel vm15, $0x3400, v31  }
0xb4: {  	v2 =	vsel vm11, $0x3A04, v2;
	v1 =	vsel vm14, $0x3801, v1;
	v0 =	vsel vm14, $0x3601, v0  }
0xb5: {  	v2 =	vsel vm10, $0x3C05, v2;
	v1 =	vsel vm13, $0x3A02, v1;
	v0 =	vsel vm13, $0x3802, v0  }
0xb6: {  	v2 =	vsel vm9, $0x3E06, v2;
	v1 =	vsel vm12, $0x3C03, v1;
	v0 =	vsel vm12, $0x3A03, v0  }
0xb7: {  	v2 =	vsel vm8, $0x2007, v2;
	v1 =	vsel vm11, $0x3E04, v1;
	v0 =	vsel vm11, $0x3C04, v0  }
0xb8: {  	v2 =	vsel vm7, $0x2200, v2;
	v1 =	vsel vm10, $0x2005, v1;
	v0 =	vsel vm10, $0x3E05, v0  }
0xb9: {  	v2 =	vsel vm6, $0x2401, v2;
	v1 =	vsel vm9, $0x2206, v1;
	v0 =	vsel vm9, $0x2006, v0  }
0xba: {  	v2 =	vsel vm4, $0x2602, v2;
	v1 =	vsel vm8, $0x2407, v1;
	v0 =	vsel vm8, $0x2207, v0  }
0xbb: {  	v2 =	vsel vm2, $0x2803, v2;
	v1 =	vsel vm7, $0x2600, v1;
	v0 =	vsel vm7, $0x2400, v0  }
0xbc: {  	v2 =	vsel vm1, $0x2A04, v2;
	v1 =	vsel vm6, $0x2801, v1;
	v0 =	vsel vm6, $0x2601, v0  }
0xbd: {  	v29 =	vsel vm3, $0x2C05, v2;
	v1 =	vsel vm4, $0x2A02, v1;
	v0 =	vsel vm4, $0x2802, v0  }
0xbe: {  	v2 =	vsel vm15, $0x3800, v36;
	v1 =	vsel vm2, $0x2C03, v1;
	v0 =	vsel vm2, $0x2A03, v0  }
0xbf: {  	v2 =	vsel vm14, $0x3A01, v2;
	v1 =	vsel vm1, $0x2E04, v1;
	v0 =	vsel vm1, $0x2C04, v0  }
0xc0: {  	[tilespmem:$0x1FDF0] =	vst v12;
	v2 =	vsel vm13, $0x3C02, v2;
	v38 =	vsel vm3, $0x3005, v1;
	v0 =	vsel vm3, $0x2E05, v0  }
0xc1: {  	s0 =	rddreg [dreg:$0x0];
	s3 =	simm.s32 $0x0;
	[tilespmem:$0x1FDC0] =	vst v8;
	v2 =	vsel vm12, $0x3E03, v2;
	v56 =	vsel vm5, $0x3006, v0;
	v0 =	vsel vm5, $0x3206, v38  }
0xc2: {  	[smem:$0x7FF] =	sst s3;
	v54 =	vor.u32 $0x10, v18;
	v2 =	vsel vm11, $0x2004, v2;
	[tilespmem:$0x1FE00] =	vst v0  }
0xc3: {  	s1 =	rddreg [dreg:$0x1];
	v2 =	vsel vm10, $0x2205, v2;
	_ =	strace $0x80000047;
	[tilespmem:$0x1FE20] =	vst v54  }
0xc4: {  	v2 =	vsel vm9, $0x2406, v2;
	[tilespmem:$0x1FE30] =	vst v25  }
0xc5: {  	v2 =	vsel vm8, $0x2607, v2;
	[tilespmem:$0x1FE40] =	vst v28  }
0xc6: {  	v2 =	vsel vm7, $0x2800, v2;
	[tilespmem:$0x1FE50] =	vst v47  }
0xc7: {  	v2 =	vsel vm6, $0x2A01, v2;
	[tilespmem:$0x1FE60] =	vst v26  }
0xc8: {  	v2 =	vsel vm4, $0x2C02, v2;
	[tilespmem:$0x1FE70] =	vst v23  }
0xc9: {  	v2 =	vsel vm2, $0x2E03, v2;
	[tilespmem:$0x1FE80] =	vst v46  }
0xca: {  	v45 =	vimm.s32 $0x3C07;
	v2 =	vsel vm1, $0x3004, v2;
	[tilespmem:$0x1FE90] =	vst v42  }
0xcb: {  	v41 =	vsel vm3, $0x3205, v2;
	v2 =	vsel vm15, $0x3E00, v45;
	[tilespmem:$0x1FEA0] =	vst v53  }
0xcc: {  	v2 =	vsel vm14, $0x2001, v2;
	[tilespmem:$0x1FEB0] =	vst v20  }
0xcd: {  	v2 =	vsel vm13, $0x2202, v2;
	[tilespmem:$0x1FEC0] =	vst v21  }
0xce: {  	v2 =	vsel vm12, $0x2403, v2;
	[tilespmem:$0x1FED0] =	vst v35  }
0xcf: {  	v43 =	vimm.s32 $0x3807;
	v44 =	vimm.s32 $0x3A07;
	v2 =	vsel vm11, $0x2604, v2;
	[tilespmem:$0x1FEE0] =	vst v34  }
0xd0: {  	v62 =	vsel vm5, $0x2E06, v29;
	v32 =	vsel vm5, $0x2606, v16;
	v2 =	vsel vm10, $0x2805, v2;
	[tilespmem:$0x1FEF0] =	vst v37  }
0xd1: {  	v57 =	vsel vm5, $0x3406, v41;
	v2 =	vsel vm9, $0x2A06, v2;
	v1 =	vsel vm15, $0x3C00, v44;
	[tilespmem:$0x1FF00] =	vst v55  }
0xd2: {  	v2 =	vsel vm8, $0x2C07, v2;
	v1 =	vsel vm14, $0x3E01, v1;
	v0 =	vsel vm15, $0x3A00, v43;
	[tilespmem:$0x1FF10] =	vst v48  }
0xd3: {  	v2 =	vsel vm7, $0x2E00, v2;
	v1 =	vsel vm13, $0x2002, v1;
	v0 =	vsel vm14, $0x3C01, v0;
	[tilespmem:$0x1FF20] =	vst v39  }
0xd4: {  	v2 =	vsel vm6, $0x3001, v2;
	v1 =	vsel vm12, $0x2203, v1;
	[tilespmem:$0x1FF30] =	vst v58;
	v0 =	vsel vm13, $0x3E02, v0  }
0xd5: {  	v2 =	vsel vm4, $0x3202, v2;
	v1 =	vsel vm11, $0x2404, v1;
	[tilespmem:$0x1FF40] =	vst v63;
	v0 =	vsel vm12, $0x2003, v0  }
0xd6: {  	v2 =	vsel vm2, $0x3403, v2;
	v1 =	vsel vm10, $0x2605, v1;
	[tilespmem:$0x1FF50] =	vst v32;
	v0 =	vsel vm11, $0x2204, v0  }
0xd7: {  	s2 =	srdreg.scid;
	v2 =	vsel vm1, $0x3604, v2;
	v1 =	vsel vm9, $0x2806, v1;
	[tilespmem:$0x1FF60] =	vst v62;
	v0 =	vsel vm10, $0x2405, v0  }
0xd8: {  	s4 =	stileid.u32;
	s12 =	simm.s32 $0x4000;
	s14 =	simm.s32 $0x5000;
	v51 =	vsel vm3, $0x3805, v2;
	v1 =	vsel vm8, $0x2A07, v1;
	[tilespmem:$0x1FF70] =	vst v56;
	v0 =	vsel vm9, $0x2606, v0  }
0xd9: {  	s11 =	simm.s32 $0x80;
	s16 =	simm.s32 $0x6000;
	s18 =	simm.s32 $0x7000;
	v61 =	vsel vm5, $0x3A06, v51;
	v1 =	vsel vm7, $0x2C00, v1;
	[tilespmem:$0x1FF80] =	vst v57;
	v0 =	vsel vm8, $0x2807, v0  }
0xda: {  	s19 =	simm.s32 $0x8000;
	s20 =	simm.s32 $0x9000;
	s2 =	sand.u32 $0x1, s2;
	v30 =	vsel vm5, $0x2206, v6;
	v1 =	vsel vm6, $0x2E01, v1;
	[tilespmem:$0x1FFA0] =	vst v61;
	v0 =	vsel vm7, $0x2A00, v0  }
0xdb: {  	s21 =	simm.s32 $0xA000;
	s4 =	sshll.u32 s4, $0x3;
	s5 =	sshll.u32 s2, $0x2;
	v1 =	vsel vm4, $0x3002, v1;
	[tilespmem:$0x1FFB0] =	vst v30;
	v0 =	vsel vm6, $0x2C01, v0  }
0xdc: {  	s22 =	simm.s32 $0xB000;
	s23 =	simm.s32 $0x1;
	s4 =	sor.u32 s5, s4;
	v50 =	vsel vm5, $0x2C06, v27;
	v1 =	vsel vm2, $0x3203, v1;
	[tilespmem:$0x1FFC0] =	vst v40;
	v0 =	vsel vm4, $0x2E02, v0  }
0xdd: {  	s24 =	simm.s32 $0xC000;
	s2 =	ssub.s32 $0x2, s2;
	s5 =	sshll.u32 s4, $0x7;
	v59 =	vsel vm5, $0x2806, v17;
	v1 =	vsel vm1, $0x3404, v1;
	[tilespmem:$0x1FFD0] =	vst v50;
	v0 =	vsel vm2, $0x3003, v0  }
0xde: {  	s25 =	simm.s32 $0x2;
	s6 =	sshrl.u32 s2, $0x1;
	s7 =	sadd.s32 s5, s0;
	v49 =	vsel vm3, $0x3605, v1;
	[tilespmem:$0x1FFE0] =	vst v59;
	v0 =	vsel vm1, $0x3204, v0  }
0xdf: {  	s26 =	simm.s32 $0x4;
	s30 =	ssub.s32 s2, s6;
	s31 =	sadd.s32 $0x3E0600, s7;
	v60 =	vsel vm5, $0x3806, v49;
	[tilespmem:$0x1FFF0] =	vst v52;
	v0 =	vsel vm3, $0x3405, v0  }
0xe0: {  	s5 =	sadd.s32 $0x600, s0;
	s0 =	smax.u32 s30, $0x1;
	[dreg:$0x3] =	wrdreg s31;
	[tilespmem:$0x1FF90] =	vst v60;
	v0 =	vsel vm5, $0x3606, v0  }
0xe1: {  	vm0 =	vcmask $0x1F10;
	s28 =	simm.s32 $0x10000;
	s2 =	simm.s32 $0x0;
	[dreg:$0x4] =	wrdreg s0;
	[tilespmem:$0x1FE10] =	vst v0  }
.LBB2_1:
0xe2: {  	[dreg:$0x5] =	wrdreg s2  }
0xe3: {  	s0 =	rddreg [dreg:$0x3]  }
0xe4: {  	s30 =	simm.s32 $0x1000;
	s6 =	simm.s32 $0x20000;
	s31 =	simm.s32 $0x5  }
0xe5: {  	[tilespmem:s3], [sflag:$0x5] =	stream.strided.gather [hbm4b:s0+s30], $0x4000, s6, s30, $0x38;
	[tilespmem:$0x14000] =	vst v63  }
0xe6: {  	_ =	swait.ge [sflag:s31], $0x4000  }
0xe7: {  	[sflag:s31] =	ssyncset.done $0x0  }
0xe8: {  	[sflag:s31] =	ssyncadd.s32 $0xFFFFC000  }
0xe9: {  	v0 =	vld [tilespmem:s11+$0x70]  }
0xea: {  	v1 =	vld [tilespmem:s11+$0xFFFFFF90]  }
0xeb: {  	v2 =	vld [tilespmem:s11+$0xFFFFFFA0]  }
0xec: {  	v3 =	vld [tilespmem:s11+$0xFFFFFFB0]  }
0xed: {  	v4 =	vld [tilespmem:s11+$0xFFFFFFC0]  }
0xee: {  	v5 =	vld [tilespmem:s11+$0xFFFFFFD0]  }
0xef: {  	v7 =	vld [tilespmem:s11+$0xFFFFFFE0]  }
0xf0: {  	v10 =	vld [tilespmem:s11+$0xFFFFFFF0]  }
0xf1: {  	v12 =	vld [tilespmem:s11+$0x0]  }
0xf2: {  	v26 =	vld [tilespmem:s11+$0xFFFFFF80];
	v6 =	vshll.u32 v0, $0x2  }
0xf3: {  	v14 =	vld [tilespmem:s11+$0x20];
	v8 =	vand.u32 $0xFFFFC000, v0;
	v0 =	vshrl.u32 v0, $0xC;
	v9 =	vshll.u32 v1, $0x2  }
0xf4: {  	v18 =	vld [tilespmem:s11+$0x30];
	v11 =	vshll.u32 v3, $0x2;
	v13 =	vshll.u32 v5, $0x2;
	v16 =	vand.u32 $0xFFFFC000, v1  }
0xf5: {  	v20 =	vld [tilespmem:s11+$0x40];
	v19 =	vshrl.u32 v1, $0xC;
	v21 =	vand.u32 $0xFFFFC000, v2;
	v24 =	vshrl.u32 v2, $0xC  }
0xf6: {  	v23 =	vld [tilespmem:s11+$0x50];
	v27 =	vand.u32 $0xFFFFC000, v3;
	v30 =	vshrl.u32 v3, $0xC;
	v29 =	vand.u32 $0xFFFFC000, v4  }
0xf7: {  	v25 =	vld [tilespmem:s11+$0x60];
	v32 =	vshrl.u32 v4, $0xC;
	v34 =	vand.u32 $0xFFFFC000, v5;
	v36 =	vshll.u32 v26, $0x2  }
0xf8: {  	v60 =	vshrl.u32 v5, $0xC;
	v5 =	vand.u32 $0xFFFFC000, v7;
	v38 =	vshrl.u32 v7, $0xC  }
0xf9: {  	v39 =	vshrl.u32 v10, $0xC;
	v61 =	vand.u32 $0xFFFFC000, v12;
	v41 =	vshrl.u32 v12, $0xC  }
0xfa: {  	v44 =	vand.u32 $0xFFFFC000, v14;
	v45 =	vshrl.u32 v14, $0xC;
	v46 =	vand.u32 $0xFFFFC000, v18  }
0xfb: {  	v47 =	vand.u32 $0xFFFFC000, v20;
	v62 =	vshrl.u32 v20, $0xC;
	v49 =	vshrl.u32 v23, $0xC  }
0xfc: {  	v53 =	vshrl.u32 v25, $0xC;
	v6 =	vand.u32 $0x3FFC, v6;
	v0 =	vand.u32 $0x3, v0  }
0xfd: {  	v11 =	vand.u32 $0x3FFC, v11;
	v17 =	vand.u32 $0x3FFC, v13;
	v13 =	vshll.u32 v7, $0x2  }
0xfe: {  	v7 =	vand.u32 $0xFFFFC000, v10;
	v6 =	vor.u32 v8, v6;
	v8 =	vshll.u32 v2, $0x2  }
0xff: {  	v1 =	vand.u32 $0x3FFC, v13;
	v13 =	vshll.u32 v10, $0x2;
	v11 =	vor.u32 v27, v11  }
0x100: {  	v27 =	vand.u32 $0x3, v24;
	v24 =	vand.u32 $0x3, v60;
	v15 =	vor.u32 v0, v6  }
0x101: {  	v0 =	vand.u32 $0x3FFC, v9;
	v6 =	vand.u32 $0x3FFC, v8;
	v8 =	vshll.u32 v4, $0x2  }
0x102: {  	v9 =	vld [tilespmem:s11+$0x10];
	v22 =	vand.u32 $0x3FFC, v13;
	v13 =	vshll.u32 v12, $0x2;
	v4 =	vshll.u32 v23, $0x2  }
0x103: {  	v8 =	vand.u32 $0x3FFC, v8;
	v2 =	vand.u32 $0x3FFC, v13;
	v35 =	vand.u32 $0x3FFC, v4  }
0x104: {  	v4 =	vshll.u32 v25, $0x2;
	v7 =	vor.u32 v7, v22;
	v22 =	vand.u32 $0x3, v39  }
0x105: {  	[tilespmem:s11+$0x70] =	vst v15;
	v15 =	vand.u32 $0x3, v53;
	v37 =	vand.u32 $0x3FFC, v4;
	v4 =	vand.u32 $0x3FFC, v36  }
0x106: {  	v10 =	vor.u32 v29, v8;
	v8 =	vor.u32 v5, v1;
	v29 =	vand.u32 $0x3, v19  }
0x107: {  	v19 =	vand.u32 $0x3, v45;
	v13 =	vshll.u32 v9, $0x2;
	v42 =	vand.u32 $0xFFFFC000, v9  }
0x108: {  	v43 =	vshrl.u32 v9, $0xC;
	v9 =	vor.u32 v34, v17;
	v17 =	vand.u32 $0x3, v62  }
0x109: {  	v28 =	vand.u32 $0x3FFC, v13;
	v13 =	vshll.u32 v14, $0x2;
	v14 =	vor.u32 v16, v0  }
0x10a: {  	v16 =	vand.u32 $0x3, v49;
	v3 =	vand.u32 $0x3FFC, v13;
	v13 =	vshll.u32 v18, $0x2  }
0x10b: {  	v18 =	vshrl.u32 v18, $0xC;
	v5 =	vor.u32 v42, v28;
	v31 =	vand.u32 $0x3FFC, v13  }
0x10c: {  	v13 =	vshll.u32 v20, $0x2;
	v20 =	vand.u32 $0xFFFFC000, v23;
	v23 =	vand.u32 $0xFFFFC000, v25  }
0x10d: {  	v25 =	vand.u32 $0x3, v32;
	v18 =	vand.u32 $0x3, v18;
	v33 =	vand.u32 $0x3FFC, v13  }
0x10e: {  	v13 =	vand.u32 $0xFFFFC000, v26;
	v26 =	vshrl.u32 v26, $0xC;
	v1 =	vor.u32 v20, v35  }
0x10f: {  	v0 =	vor.u32 v23, v37;
	v23 =	vand.u32 $0x3, v38;
	v20 =	vand.u32 $0x3, v43  }
0x110: {  	v12 =	vor.u32 v13, v4;
	v13 =	vor.u32 v21, v6;
	v6 =	vor.u32 v61, v2  }
0x111: {  	v4 =	vor.u32 v44, v3;
	v3 =	vor.u32 v46, v31;
	v2 =	vor.u32 v47, v33  }
0x112: {  	v51 =	vmovc v40;
	v54 =	vmovc v48;
	s2 =	simm.s32 $0x0;
	s8 =	simm.s32 $0x180;
	s0 =	simm.s32 $0x80;
	v28 =	vand.u32 $0x3, v26;
	v26 =	vand.u32 $0x3, v30;
	v21 =	vand.u32 $0x3, v41  }
.LBB2_2:
0x113: {  	v30 =	vld [tilespmem:s8+$0x70];
	s2 =	sadd.s32 $0x2, s2;
	v12 =	vor.u32 v28, v12;
	v14 =	vor.u32 v29, v14;
	v13 =	vor.u32 v27, v13  }
0x114: {  	v11 =	vor.u32 v26, v11;
	v10 =	vor.u32 v25, v10;
	v9 =	vor.u32 v24, v9;
	v27 =	vld [tilespmem:s8+$0xFFFFFF90];
	p0 =	slt.u32 s2, $0x7E;
	[tilespmem:s0+$0xFFFFFF80] =	vst v12  }
0x115: {  	v8 =	vor.u32 v23, v8;
	v7 =	vor.u32 v22, v7;
	v6 =	vor.u32 v21, v6;
	v12 =	vld [tilespmem:s8+$0xFFFFFFA0];
	[tilespmem:s0+$0xFFFFFF90] =	vst v14  }
0x116: {  	v5 =	vor.u32 v20, v5;
	v4 =	vor.u32 v19, v4;
	v3 =	vor.u32 v18, v3;
	v14 =	vld [tilespmem:s8+$0xFFFFFFB0];
	[tilespmem:s0+$0xFFFFFFA0] =	vst v13  }
0x117: {  	v2 =	vor.u32 v17, v2;
	v1 =	vor.u32 v16, v1;
	v0 =	vor.u32 v15, v0;
	v13 =	vld [tilespmem:s8+$0xFFFFFFC0];
	[tilespmem:s0+$0xFFFFFFB0] =	vst v11  }
0x118: {  	v11 =	vld [tilespmem:s8+$0xFFFFFFD0];
	v15 =	vshll.u32 v30, $0x2;
	[tilespmem:s0+$0xFFFFFFC0] =	vst v10  }
0x119: {  	v16 =	vand.u32 $0xFFFFC000, v30;
	v17 =	vshrl.u32 v30, $0xC;
	v10 =	vld [tilespmem:s8+$0xFFFFFFE0];
	v15 =	vand.u32 $0x3FFC, v15;
	[tilespmem:s0+$0xFFFFFFD0] =	vst v9  }
0x11a: {  	v9 =	vshll.u32 v27, $0x2;
	v17 =	vand.u32 $0x3, v17;
	v18 =	vld [tilespmem:s8+$0xFFFFFFF0];
	v15 =	vor.u32 v16, v15;
	[tilespmem:s0+$0xFFFFFFE0] =	vst v8  }
0x11b: {  	v8 =	vshll.u32 v12, $0x2;
	v16 =	vshll.u32 v14, $0x2;
	v19 =	vld [tilespmem:s8+$0x0];
	v15 =	vor.u32 v17, v15;
	[tilespmem:s0+$0xFFFFFFF0] =	vst v7  }
0x11c: {  	v7 =	vand.u32 $0x3FFC, v9;
	v8 =	vand.u32 $0x3FFC, v8;
	v9 =	vshll.u32 v13, $0x2;
	v17 =	vld [tilespmem:s8+$0x10];
	[tilespmem:s8+$0x70] =	vst v15  }
0x11d: {  	v15 =	vand.u32 $0x3FFC, v16;
	v9 =	vand.u32 $0x3FFC, v9;
	v16 =	vshll.u32 v11, $0x2;
	v20 =	vld [tilespmem:s8+$0x20];
	[tilespmem:s0+$0x0] =	vst v6  }
0x11e: {  	v6 =	vand.u32 $0xFFFFC000, v27;
	v16 =	vand.u32 $0x3FFC, v16;
	v21 =	vshll.u32 v10, $0x2;
	v22 =	vld [tilespmem:s8+$0x30];
	[tilespmem:s0+$0x10] =	vst v5  }
0x11f: {  	v23 =	vshrl.u32 v27, $0xC;
	v5 =	vand.u32 $0x3FFC, v21;
	v21 =	vshll.u32 v18, $0x2;
	v24 =	vld [tilespmem:s8+$0x40];
	[tilespmem:s0+$0x20] =	vst v4  }
0x120: {  	v4 =	vand.u32 $0xFFFFC000, v12;
	v21 =	vand.u32 $0x3FFC, v21;
	v25 =	vshll.u32 v19, $0x2;
	v26 =	vld [tilespmem:s8+$0x50];
	[tilespmem:s0+$0x30] =	vst v3  }
0x121: {  	v27 =	vshrl.u32 v12, $0xC;
	v3 =	vand.u32 $0x3FFC, v25;
	v12 =	vshll.u32 v17, $0x2;
	v25 =	vld [tilespmem:s8+$0x60];
	[tilespmem:s0+$0x40] =	vst v2  }
0x122: {  	v28 =	vand.u32 $0xFFFFC000, v14;
	v2 =	vld [tilespmem:s8+$0xFFFFFF80];
	v29 =	vand.u32 $0x3FFC, v12;
	v12 =	vshll.u32 v20, $0x2;
	[tilespmem:s0+$0x50] =	vst v1  }
0x123: {  	v30 =	vshrl.u32 v14, $0xC;
	v1 =	vand.u32 $0x3FFC, v12;
	v12 =	vshll.u32 v22, $0x2;
	[tilespmem:s0+$0x60] =	vst v0;
	s0 =	smov.u32 s8  }
0x124: {  	v0 =	vand.u32 $0xFFFFC000, v13;
	v31 =	vand.u32 $0x3FFC, v12;
	v12 =	vshll.u32 v24, $0x2  }
0x125: {  	v32 =	vshrl.u32 v13, $0xC;
	v33 =	vand.u32 $0x3FFC, v12;
	v12 =	vshll.u32 v26, $0x2  }
0x126: {  	v34 =	vand.u32 $0xFFFFC000, v11;
	v35 =	vand.u32 $0x3FFC, v12;
	v12 =	vshll.u32 v25, $0x2  }
0x127: {  	v13 =	vand.u32 $0xFFFFC000, v2;
	v14 =	vshll.u32 v2, $0x2;
	v36 =	vand.u32 $0x3FFC, v12  }
0x128: {  	v38 =	vshrl.u32 v11, $0xC;
	v37 =	vshrl.u32 v2, $0xC;
	v2 =	vand.u32 $0x3FFC, v14  }
0x129: {  	v39 =	vand.u32 $0xFFFFC000, v10;
	v40 =	vshrl.u32 v10, $0xC;
	v41 =	vand.u32 $0xFFFFC000, v18  }
0x12a: {  	v18 =	vshrl.u32 v18, $0xC;
	v42 =	vand.u32 $0xFFFFC000, v19;
	v19 =	vshrl.u32 v19, $0xC  }
0x12b: {  	v43 =	vand.u32 $0xFFFFC000, v17;
	v17 =	vshrl.u32 v17, $0xC;
	v44 =	vand.u32 $0xFFFFC000, v20  }
0x12c: {  	v45 =	vshrl.u32 v20, $0xC;
	v20 =	vand.u32 $0xFFFFC000, v22;
	v46 =	vshrl.u32 v22, $0xC  }
0x12d: {  	v22 =	vand.u32 $0xFFFFC000, v24;
	v47 =	vshrl.u32 v24, $0xC;
	v24 =	vand.u32 $0xFFFFC000, v26  }
0x12e: {  	v48 =	vshrl.u32 v26, $0xC;
	v26 =	vand.u32 $0xFFFFC000, v25;
	v49 =	vshrl.u32 v25, $0xC  }
0x12f: {  	v14 =	vor.u32 v6, v7;
	v12 =	vor.u32 v13, v2;
	v13 =	vor.u32 v4, v8  }
0x130: {  	v11 =	vor.u32 v28, v15;
	v10 =	vor.u32 v0, v9;
	v9 =	vor.u32 v34, v16  }
0x131: {  	v7 =	vor.u32 v41, v21;
	v6 =	vor.u32 v42, v3;
	v8 =	vor.u32 v39, v5  }
0x132: {  	v3 =	vor.u32 v20, v31;
	v5 =	vor.u32 v43, v29;
	v4 =	vor.u32 v44, v1  }
0x133: {  	v0 =	vor.u32 v26, v36;
	v2 =	vor.u32 v22, v33;
	v1 =	vor.u32 v24, v35  }
.Ltmp0:
0x134: {  	v27 =	vand.u32 $0x3, v27;
	v28 =	vand.u32 $0x3, v37;
	v29 =	vand.u32 $0x3, v23;
	(pc) =	sbr.rel @p0 .LBB2_2-.Ltmp0, $4  }
0x135: {  	v25 =	vand.u32 $0x3, v32;
	v26 =	vand.u32 $0x3, v30;
	v24 =	vand.u32 $0x3, v38  }
0x136: {  	v21 =	vand.u32 $0x3, v19;
	v23 =	vand.u32 $0x3, v40;
	v22 =	vand.u32 $0x3, v18  }
0x137: {  	v20 =	vand.u32 $0x3, v17;
	v19 =	vand.u32 $0x3, v45;
	v18 =	vand.u32 $0x3, v46  }
0x138: {  	s8 =	sadd.s32 $0x100, s8;
	v16 =	vand.u32 $0x3, v48;
	v15 =	vand.u32 $0x3, v49;
	v17 =	vand.u32 $0x3, v47  }
0x139: {  	v12 =	vor.u32 v28, v12  }
0x13a: {  	v14 =	vor.u32 v29, v14;
	[tilespmem:s0+$0xFFFFFF80] =	vst v12  }
0x13b: {  	v62 =	vor.u32 v27, v13;
	[tilespmem:s0+$0xFFFFFF90] =	vst v14  }
0x13c: {  	v11 =	vor.u32 v26, v11;
	[tilespmem:s0+$0xFFFFFFA0] =	vst v62  }
0x13d: {  	v10 =	vor.u32 v25, v10;
	[tilespmem:s0+$0xFFFFFFB0] =	vst v11  }
0x13e: {  	v9 =	vor.u32 v24, v9;
	[tilespmem:s0+$0xFFFFFFC0] =	vst v10  }
0x13f: {  	v8 =	vor.u32 v23, v8;
	[tilespmem:s0+$0xFFFFFFD0] =	vst v9  }
0x140: {  	v7 =	vor.u32 v22, v7;
	[tilespmem:s0+$0xFFFFFFE0] =	vst v8  }
0x141: {  	v6 =	vor.u32 v21, v6;
	[tilespmem:s0+$0xFFFFFFF0] =	vst v7  }
0x142: {  	v5 =	vor.u32 v20, v5;
	[tilespmem:s0+$0x0] =	vst v6  }
0x143: {  	v4 =	vor.u32 v19, v4;
	[tilespmem:s0+$0x10] =	vst v5  }
0x144: {  	v3 =	vor.u32 v18, v3;
	[tilespmem:s0+$0x20] =	vst v4  }
0x145: {  	v2 =	vor.u32 v17, v2;
	[tilespmem:s0+$0x30] =	vst v3  }
0x146: {  	v1 =	vor.u32 v16, v1;
	[tilespmem:s0+$0x40] =	vst v2  }
0x147: {  	v0 =	vor.u32 v15, v0;
	[tilespmem:s0+$0x50] =	vst v1  }
0x148: {  	[tilespmem:s0+$0x60] =	vst v0  }
0x149: {  	v25 =	vld [tilespmem:$0x1FE30]  }
0x14a: {  	v28 =	vld [tilespmem:$0x1FE40]  }
0x14b: {  	v47 =	vld [tilespmem:$0x1FE50]  }
0x14c: {  	v26 =	vld [tilespmem:$0x1FE60]  }
0x14d: {  	v23 =	vld [tilespmem:$0x1FE70]  }
0x14e: {  	v46 =	vld [tilespmem:$0x1FE80]  }
0x14f: {  	v42 =	vld [tilespmem:$0x1FE90]  }
0x150: {  	v53 =	vld [tilespmem:$0x1FEA0]  }
0x151: {  	v20 =	vld [tilespmem:$0x1FEB0]  }
0x152: {  	s31 =	simm.s32 $0x0;
	v21 =	vld [tilespmem:$0x1FEC0]  }
0x153: {  	[tilespmem:s12], [sflag:$0x1] =	stream.indirect.gather [hbm4b:s5+s11], $0x20, s31, s11, $0xb8;
	v35 =	vld [tilespmem:$0x1FED0]  }
0x154: {  	s17 =	simm.s32 $0x400;
	v34 =	vld [tilespmem:$0x1FEE0]  }
0x155: {  	v37 =	vld [tilespmem:$0x1FEF0];
	[tilespmem:s14], [sflag:$0x1] =	stream.indirect.gather [hbm4b:s5+s11], $0x20, s17, s11, $0xb8  }
0x156: {  	s29 =	simm.s32 $0x800;
	v55 =	vld [tilespmem:$0x1FF00]  }
0x157: {  	v32 =	vld [tilespmem:$0x1FF50];
	[tilespmem:s16], [sflag:$0x1] =	stream.indirect.gather [hbm4b:s5+s11], $0x20, s29, s11, $0xb8  }
0x158: {  	s30 =	simm.s32 $0xC00;
	v39 =	vld [tilespmem:$0x1FF20]  }
0x159: {  	v44 =	vlaneseq.u32;
	v48 =	vmov v54;
	v40 =	vmov v51;
	v30 =	vld [tilespmem:$0x1FFB0];
	[tilespmem:s18], [sflag:$0x1] =	stream.indirect.gather [hbm4b:s5+s11], $0x20, s30, s11, $0xb8  }
.LBB2_5:
0x15a: {  	s0 =	sshllo.u32 s31, $0x1  }
0x15b: {  	s2 =	sshll.u32 s31, $0xA;
	s6 =	sshll.u32 s0, $0x7  }
0x15c: {  	s2 =	sand.u32 $0x3000, s2;
	s6 =	sand.u32 $0x380, s6  }
0x15d: {  	s2 =	sor.u32 s6, s2  }
0x15e: {  	[tilespmem:s19], [sflag:$0x2] =	stream.indirect.gather [hbm4b:s5+s11], $0x20, s2, s11, $0xb8;
	[tilespmem:$0x14000] =	vst v63  }
0x15f: {  	s6 =	sor.u32 $0x400, s2  }
0x160: {  	[tilespmem:s20], [sflag:$0x2] =	stream.indirect.gather [hbm4b:s5+s11], $0x20, s6, s11, $0xb8;
	[tilespmem:$0x14000] =	vst v63  }
0x161: {  	s15 =	sor.u32 $0x800, s2  }
0x162: {  	[tilespmem:s21], [sflag:$0x2] =	stream.indirect.gather [hbm4b:s5+s11], $0x20, s15, s11, $0xb8;
	[tilespmem:$0x14000] =	vst v63  }
0x163: {  	s2 =	sor.u32 $0xC00, s2  }
0x164: {  	[tilespmem:s22], [sflag:$0x2] =	stream.indirect.gather [hbm4b:s5+s11], $0x20, s2, s11, $0xb8;
	[tilespmem:$0x14000] =	vst v63  }
0x165: {  	_ =	swait.ge [sflag:s23], $0x4000  }
0x166: {  	p0 =	sne.s32 s31, $0x0;
	s17 =	simm.s32 $0x0;
	[sflag:s23] =	ssyncset.done $0x0  }
0x167: {  	s29 =	simm.s32 $0x10;
	v2 =	vor.u32 s17, v44;
	s6 =	simm.s32 @p0 $0x3;
	[sflag:s23] =	ssyncadd.s32 $0xFFFFC000  }
0x168: {  	v4 =	vor.u32 s29, v44;
	v0 =	vshll.u32 v2, $0x5;
	_ =	swait.ge @p0 [sflag:s6], $0x4000  }
0x169: {  	v6 =	vshll.u32 v4, $0x5;
	v5 =	vor.u32 v44, v0;
	v3 =	vld [tilespmem:$0x1FC00]  }
0x16a: {  	v9 =	vor.u32 v44, v6;
	_ =	sdelay $0x1  }
0x16b: {  	s30 =	simm.s32 $0x20;
	[sflag:s6] =	ssyncset.done @p0 $0x0  }
0x16c: {  	v7 =	vor.u32 s30, v44;
	v54 =	vand.u32 $0x1C8, v2;
	v19 =	vld [tilespmem:$0x1FC10];
	[sflag:s6] =	ssyncadd.s32 @p0 $0xFFFFC000  }
0x16d: {  	v8 =	vshll.u32 v7, $0x5;
	v4 =	vand.u32 $0x1D8, v4;
	v13 =	vld.idx.msk [tilespmem:v5+s12+$0x0], $0xffff;
	v14 =	vor.u32 v3, v54  }
0x16e: {  	v11 =	vor.u32 v44, v8;
	v9 =	vld.idx.msk [tilespmem:v9+s12+$0x0], $0xffff;
	v16 =	vor.u32 v3, v4  }
0x16f: {  	s8 =	simm.s32 $0x30  }
0x170: {  	v10 =	vor.u32 s8, v44  }
0x171: {  	v1 =	vshll.u32 v10, $0x5  }
0x172: {  	v12 =	vor.u32 v44, v1;
	[tilespmem:v14+s24+$0x0] =	vst.idx.msk $0xffff, v13  }
0x173: {  	v5 =	vand.u32 $0x1E8, v7;
	v7 =	vld.idx.msk [tilespmem:v11+s12+$0x0], $0xffff;
	v15 =	vor.u32 v19, v0;
	[tilespmem:v16+s24+$0x0] =	vst.idx.msk $0xffff, v9  }
0x174: {  	v11 =	vor.u32 v19, v6;
	v17 =	vor.u32 v3, v5;
	v31 =	vld [tilespmem:$0x1FC20];
	_ =	sdelay $0x2  }
0x175: {  	v2 =	vand.u32 $0x1F8, v10;
	v12 =	vld.idx.msk [tilespmem:v12+s12+$0x0], $0xffff  }
0x176: {  	v18 =	vor.u32 v3, v2;
	v13 =	vld.idx.msk [tilespmem:v15+s12+$0x0], $0xffff  }
0x177: {  	v11 =	vld.idx.msk [tilespmem:v11+s12+$0x0], $0xffff;
	[tilespmem:v17+s24+$0x0] =	vst.idx.msk $0xffff, v7;
	v9 =	vor.u32 v31, v54  }
0x178: {  	v10 =	vor.u32 v19, v8;
	v3 =	vld [tilespmem:$0x1FC30];
	v14 =	vor.u32 v31, v4;
	_ =	sdelay $0x2  }
0x179: {  	[tilespmem:v18+s24+$0x0] =	vst.idx.msk $0xffff, v12  }
0x17a: {  	v19 =	vor.u32 v19, v1;
	[tilespmem:v9+s24+$0x0] =	vst.idx.msk $0xffff, v13  }
0x17b: {  	v10 =	vld.idx.msk [tilespmem:v10+s12+$0x0], $0xffff;
	v7 =	vor.u32 v3, v0;
	[tilespmem:v14+s24+$0x0] =	vst.idx.msk $0xffff, v11  }
0x17c: {  	v16 =	vor.u32 v31, v5;
	v18 =	vor.u32 v31, v2;
	v15 =	vor.u32 v3, v6;
	v31 =	vld [tilespmem:$0x1FC40];
	_ =	sdelay $0x2  }
0x17d: {  	v17 =	vld.idx.msk [tilespmem:v19+s12+$0x0], $0xffff  }
0x17e: {  	v7 =	vld.idx.msk [tilespmem:v7+s12+$0x0], $0xffff  }
0x17f: {  	v12 =	vor.u32 v3, v8;
	v11 =	vld.idx.msk [tilespmem:v15+s12+$0x0], $0xffff;
	[tilespmem:v16+s24+$0x0] =	vst.idx.msk $0xffff, v10;
	v9 =	vor.u32 v31, v54  }
0x180: {  	v19 =	vor.u32 v3, v1;
	v3 =	vld [tilespmem:$0x1FC50];
	v13 =	vor.u32 v31, v4;
	_ =	sdelay $0x2  }
0x181: {  	[tilespmem:v18+s24+$0x0] =	vst.idx.msk $0xffff, v17  }
0x182: {  	v12 =	vld.idx.msk [tilespmem:v12+s12+$0x0], $0xffff;
	[tilespmem:v9+s24+$0x0] =	vst.idx.msk $0xffff, v7  }
0x183: {  	v17 =	vld.idx.msk [tilespmem:v19+s12+$0x0], $0xffff;
	v15 =	vor.u32 v31, v5;
	v10 =	vor.u32 v3, v0;
	[tilespmem:v13+s24+$0x0] =	vst.idx.msk $0xffff, v11  }
0x184: {  	v14 =	vor.u32 v3, v6;
	v16 =	vor.u32 v3, v8;
	v19 =	vor.u32 v3, v1;
	v3 =	vld [tilespmem:$0x1FC60];
	_ =	sdelay $0x3  }
0x185: {  	v18 =	vor.u32 v31, v2;
	v7 =	vld.idx.msk [tilespmem:v10+s12+$0x0], $0xffff  }
0x186: {  	v10 =	vld.idx.msk [tilespmem:v14+s12+$0x0], $0xffff;
	[tilespmem:v15+s24+$0x0] =	vst.idx.msk $0xffff, v12;
	v9 =	vor.u32 v3, v54  }
0x187: {  	v31 =	vld [tilespmem:$0x1FC70];
	v12 =	vor.u32 v3, v4;
	_ =	sdelay $0x2  }
0x188: {  	[tilespmem:v18+s24+$0x0] =	vst.idx.msk $0xffff, v17  }
0x189: {  	v13 =	vld.idx.msk [tilespmem:v16+s12+$0x0], $0xffff;
	[tilespmem:v9+s24+$0x0] =	vst.idx.msk $0xffff, v7  }
0x18a: {  	v17 =	vld.idx.msk [tilespmem:v19+s12+$0x0], $0xffff;
	v15 =	vor.u32 v3, v5;
	v11 =	vor.u32 v31, v0;
	[tilespmem:v12+s24+$0x0] =	vst.idx.msk $0xffff, v10  }
0x18b: {  	v14 =	vor.u32 v31, v6;
	v16 =	vor.u32 v31, v8;
	v19 =	vor.u32 v31, v1;
	v31 =	vld [tilespmem:$0x1FC80];
	_ =	sdelay $0x3  }
0x18c: {  	v18 =	vor.u32 v3, v2;
	v7 =	vld.idx.msk [tilespmem:v11+s12+$0x0], $0xffff  }
0x18d: {  	v10 =	vld.idx.msk [tilespmem:v14+s12+$0x0], $0xffff;
	[tilespmem:v15+s24+$0x0] =	vst.idx.msk $0xffff, v13;
	v9 =	vor.u32 v31, v54  }
0x18e: {  	v3 =	vld [tilespmem:$0x1FC90];
	v12 =	vor.u32 v31, v4  }
0x18f: {  	v13 =	vld.idx.msk [tilespmem:v16+s12+$0x0], $0xffff;
	v15 =	vor.u32 v31, v5;
	_ =	sdelay $0x1  }
0x190: {  	[tilespmem:v18+s24+$0x0] =	vst.idx.msk $0xffff, v17  }
0x191: {  	[tilespmem:v9+s24+$0x0] =	vst.idx.msk $0xffff, v7  }
0x192: {  	v17 =	vld.idx.msk [tilespmem:v19+s12+$0x0], $0xffff;
	v11 =	vor.u32 v3, v0;
	v14 =	vor.u32 v3, v6;
	[tilespmem:v12+s24+$0x0] =	vst.idx.msk $0xffff, v10  }
0x193: {  	v16 =	vor.u32 v3, v8;
	v19 =	vor.u32 v3, v1;
	v3 =	vld [tilespmem:$0x1FCA0];
	[tilespmem:v15+s24+$0x0] =	vst.idx.msk $0xffff, v13  }
0x194: {  	v18 =	vor.u32 v31, v2;
	v31 =	vld [tilespmem:$0x1FCB0];
	_ =	sdelay $0x3  }
0x195: {  	v7 =	vld.idx.msk [tilespmem:v11+s12+$0x0], $0xffff;
	v9 =	vor.u32 v3, v54  }
0x196: {  	v10 =	vld.idx.msk [tilespmem:v14+s12+$0x0], $0xffff;
	v12 =	vor.u32 v3, v4;
	v11 =	vor.u32 v31, v0  }
0x197: {  	v13 =	vld.idx.msk [tilespmem:v16+s12+$0x0], $0xffff;
	v15 =	vor.u32 v3, v5;
	v14 =	vor.u32 v31, v6  }
0x198: {  	[tilespmem:v18+s24+$0x0] =	vst.idx.msk $0xffff, v17;
	v16 =	vor.u32 v31, v8  }
0x199: {  	v17 =	vld.idx.msk [tilespmem:v19+s12+$0x0], $0xffff;
	v18 =	vor.u32 v3, v2  }
0x19a: {  	[tilespmem:v9+s24+$0x0] =	vst.idx.msk $0xffff, v7;
	v7 =	vor.u32 v31, v1  }
0x19b: {  	[tilespmem:v12+s24+$0x0] =	vst.idx.msk $0xffff, v10;
	v10 =	vor.u32 v25, v54;
	v9 =	vld.idx.msk [tilespmem:v11+s12+$0x0], $0xffff  }
0x19c: {  	[tilespmem:v15+s24+$0x0] =	vst.idx.msk $0xffff, v13;
	v12 =	vor.u32 v28, v0;
	v13 =	vor.u32 v25, v4;
	v11 =	vld.idx.msk [tilespmem:v14+s12+$0x0], $0xffff  }
0x19d: {  	v15 =	vor.u32 v28, v6;
	v14 =	vld.idx.msk [tilespmem:v16+s12+$0x0], $0xffff;
	v16 =	vor.u32 v25, v5  }
0x19e: {  	[tilespmem:v18+s24+$0x0] =	vst.idx.msk $0xffff, v17;
	v17 =	vor.u32 v28, v8  }
0x19f: {  	v18 =	vor.u32 v25, v2;
	v7 =	vld.idx.msk [tilespmem:v7+s12+$0x0], $0xffff  }
0x1a0: {  	[tilespmem:v10+s24+$0x0] =	vst.idx.msk $0xffff, v9;
	v9 =	vor.u32 v28, v1  }
0x1a1: {  	[tilespmem:v13+s24+$0x0] =	vst.idx.msk $0xffff, v11;
	v11 =	vor.u32 v47, v54;
	v10 =	vld.idx.msk [tilespmem:v12+s12+$0x0], $0xffff  }
0x1a2: {  	[tilespmem:v16+s24+$0x0] =	vst.idx.msk $0xffff, v14;
	v13 =	vor.u32 v26, v0;
	v14 =	vor.u32 v47, v4;
	v12 =	vld.idx.msk [tilespmem:v15+s12+$0x0], $0xffff  }
0x1a3: {  	v16 =	vor.u32 v26, v6;
	v15 =	vld.idx.msk [tilespmem:v17+s12+$0x0], $0xffff;
	v17 =	vor.u32 v47, v5  }
0x1a4: {  	[tilespmem:v18+s24+$0x0] =	vst.idx.msk $0xffff, v7;
	v7 =	vor.u32 v26, v8  }
0x1a5: {  	v18 =	vor.u32 v47, v2;
	v9 =	vld.idx.msk [tilespmem:v9+s12+$0x0], $0xffff  }
0x1a6: {  	[tilespmem:v11+s24+$0x0] =	vst.idx.msk $0xffff, v10;
	v10 =	vor.u32 v26, v1  }
0x1a7: {  	[tilespmem:v14+s24+$0x0] =	vst.idx.msk $0xffff, v12;
	v12 =	vor.u32 v23, v54;
	v11 =	vld.idx.msk [tilespmem:v13+s12+$0x0], $0xffff  }
0x1a8: {  	[tilespmem:v17+s24+$0x0] =	vst.idx.msk $0xffff, v15;
	v14 =	vor.u32 v46, v0;
	v15 =	vor.u32 v23, v4;
	v13 =	vld.idx.msk [tilespmem:v16+s12+$0x0], $0xffff  }
0x1a9: {  	v17 =	vor.u32 v23, v5;
	v16 =	vor.u32 v46, v6;
	v7 =	vld.idx.msk [tilespmem:v7+s12+$0x0], $0xffff  }
0x1aa: {  	[tilespmem:v18+s24+$0x0] =	vst.idx.msk $0xffff, v9  }
0x1ab: {  	v9 =	vor.u32 v46, v8;
	v18 =	vor.u32 v23, v2;
	v10 =	vld.idx.msk [tilespmem:v10+s12+$0x0], $0xffff  }
0x1ac: {  	[tilespmem:v12+s24+$0x0] =	vst.idx.msk $0xffff, v11;
	v11 =	vor.u32 v46, v1  }
0x1ad: {  	[tilespmem:v15+s24+$0x0] =	vst.idx.msk $0xffff, v13;
	v13 =	vor.u32 v42, v54;
	v12 =	vld.idx.msk [tilespmem:v14+s12+$0x0], $0xffff  }
0x1ae: {  	v15 =	vor.u32 v42, v4;
	v14 =	vld.idx.msk [tilespmem:v16+s12+$0x0], $0xffff;
	[tilespmem:v17+s24+$0x0] =	vst.idx.msk $0xffff, v7;
	v7 =	vor.u32 v53, v0;
	_ =	sdelay $0x1  }
0x1af: {  	v17 =	vor.u32 v42, v5;
	v9 =	vld.idx.msk [tilespmem:v9+s12+$0x0], $0xffff;
	[tilespmem:v18+s24+$0x0] =	vst.idx.msk $0xffff, v10  }
0x1b0: {  	v16 =	vor.u32 v53, v6;
	v18 =	vor.u32 v42, v2;
	v11 =	vld.idx.msk [tilespmem:v11+s12+$0x0], $0xffff  }
0x1b1: {  	v10 =	vor.u32 v53, v8;
	[tilespmem:v13+s24+$0x0] =	vst.idx.msk $0xffff, v12  }
0x1b2: {  	[tilespmem:v15+s24+$0x0] =	vst.idx.msk $0xffff, v14;
	v14 =	vor.u32 v20, v54;
	v13 =	vld.idx.msk [tilespmem:v7+s12+$0x0], $0xffff  }
0x1b3: {  	v12 =	vor.u32 v53, v1  }
0x1b4: {  	[tilespmem:v17+s24+$0x0] =	vst.idx.msk $0xffff, v9;
	v9 =	vor.u32 v21, v0  }
0x1b5: {  	v15 =	vld.idx.msk [tilespmem:v16+s12+$0x0], $0xffff;
	v16 =	vor.u32 v20, v4;
	v7 =	vor.u32 v30, v54;
	[tilespmem:v18+s24+$0x0] =	vst.idx.msk $0xffff, v11  }
0x1b6: {  	v19 =	vor.u32 v20, v5;
	v10 =	vld.idx.msk [tilespmem:v10+s12+$0x0], $0xffff;
	[tilespmem:$0x1FA40] =	vst v7  }
0x1b7: {  	v17 =	vor.u32 v21, v6;
	v7 =	vor.u32 v50, v2;
	[tilespmem:v14+s24+$0x0] =	vst.idx.msk $0xffff, v13  }
0x1b8: {  	v12 =	vld.idx.msk [tilespmem:v12+s12+$0x0], $0xffff;
	[tilespmem:$0x1FA50] =	vst v7;
	v7 =	vor.u32 v50, v54  }
0x1b9: {  	v18 =	vor.u32 v20, v2;
	v14 =	vld.idx.msk [tilespmem:v9+s12+$0x0], $0xffff;
	[tilespmem:$0x1FA60] =	vst v7  }
0x1ba: {  	[tilespmem:v16+s24+$0x0] =	vst.idx.msk $0xffff, v15  }
0x1bb: {  	v7 =	vor.u32 v52, v2;
	[tilespmem:v19+s24+$0x0] =	vst.idx.msk $0xffff, v10  }
0x1bc: {  	v16 =	vld.idx.msk [tilespmem:v17+s12+$0x0], $0xffff;
	[tilespmem:$0x1FA70] =	vst v7;
	v7 =	vor.u32 v50, v5  }
0x1bd: {  	[tilespmem:$0x1FA80] =	vst v7  }
0x1be: {  	v9 =	vld [tilespmem:$0x1FCC0];
	[tilespmem:v18+s24+$0x0] =	vst.idx.msk $0xffff, v12  }
0x1bf: {  	v41 =	vld [tilespmem:$0x1FDC0]  }
0x1c0: {  	v11 =	vor.u32 v21, v8;
	v51 =	vld [tilespmem:$0x1FDF0]  }
0x1c1: {  	v43 =	vld [tilespmem:$0x1FDD0]  }
0x1c2: {  	v13 =	vor.u32 v21, v1;
	v15 =	vor.u32 v35, v54;
	v56 =	vld [tilespmem:$0x1FDE0];
	_ =	sdelay $0x1  }
0x1c3: {  	v19 =	vor.u32 v35, v4  }
0x1c4: {  	v20 =	vor.u32 v35, v5;
	v11 =	vld.idx.msk [tilespmem:v11+s12+$0x0], $0xffff;
	v17 =	vor.u32 v9, v0  }
0x1c5: {  	v21 =	vor.u32 v9, v6  }
0x1c6: {  	v13 =	vld.idx.msk [tilespmem:v13+s12+$0x0], $0xffff;
	[tilespmem:v15+s24+$0x0] =	vst.idx.msk $0xffff, v14;
	v12 =	vsel vm0, v41, v51;
	v22 =	vsel vm0, v56, v43  }
0x1c7: {  	v18 =	vor.u32 v9, v8;
	v60 =	vld [tilespmem:$0x1FD00];
	v7 =	vcombine.low v12, v22  }
0x1c8: {  	v12 =	vor.u32 v9, v1;
	v9 =	vld [tilespmem:$0x1FD10];
	[tilespmem:v19+s24+$0x0] =	vst.idx.msk $0xffff, v16  }
0x1c9: {  	v23 =	vor.u32 v35, v2;
	[tilespmem:v20+s24+$0x0] =	vst.idx.msk $0xffff, v11;
	v24 =	vld.idx.msk [tilespmem:v17+s12+$0x0], $0xffff;
	v3 =	vor.u32 v7, v1  }
0x1ca: {  	v16 =	vor.u32 v34, v54;
	v21 =	vld.idx.msk [tilespmem:v21+s12+$0x0], $0xffff;
	[tilespmem:$0x1FA90] =	vst v3;
	v3 =	vor.u32 v7, v0  }
0x1cb: {  	[tilespmem:$0x1FAA0] =	vst v3  }
0x1cc: {  	v26 =	vor.u32 v34, v4;
	v3 =	vor.u32 v7, v8;
	v18 =	vld.idx.msk [tilespmem:v18+s12+$0x0], $0xffff;
	[tilespmem:$0x1FAB0] =	vst v7  }
0x1cd: {  	[tilespmem:$0x1FAC0] =	vst v3  }
0x1ce: {  	[tilespmem:v23+s24+$0x0] =	vst.idx.msk $0xffff, v13  }
0x1cf: {  	[tilespmem:v16+s24+$0x0] =	vst.idx.msk $0xffff, v24  }
0x1d0: {  	v38 =	vld [tilespmem:$0x1FD90]  }
0x1d1: {  	v53 =	vld [tilespmem:$0x1FDA0];
	[tilespmem:v26+s24+$0x0] =	vst.idx.msk $0xffff, v21  }
0x1d2: {  	v27 =	vor.u32 v34, v5;
	v20 =	vor.u32 v37, v0;
	v61 =	vld [tilespmem:$0x1FD80]  }
0x1d3: {  	v19 =	vor.u32 v37, v6;
	v57 =	vld [tilespmem:$0x1FDB0]  }
0x1d4: {  	v13 =	vor.u32 v37, v8;
	v11 =	vld [tilespmem:$0x1FCD0]  }
0x1d5: {  	v23 =	vor.u32 v34, v2;
	v12 =	vld.idx.msk [tilespmem:v12+s12+$0x0], $0xffff  }
0x1d6: {  	v16 =	vor.u32 v37, v1  }
0x1d7: {  	v29 =	vor.u32 v55, v54;
	v20 =	vld.idx.msk [tilespmem:v20+s12+$0x0], $0xffff;
	[tilespmem:v27+s24+$0x0] =	vst.idx.msk $0xffff, v18  }
0x1d8: {  	v19 =	vld.idx.msk [tilespmem:v19+s12+$0x0], $0xffff;
	v18 =	vor.u32 v55, v4;
	v28 =	vsel vm0, v53, v38;
	v26 =	vsel vm0, v61, v57  }
0x1d9: {  	v31 =	vor.u32 v55, v5;
	v13 =	vld.idx.msk [tilespmem:v13+s12+$0x0], $0xffff;
	v21 =	vor.u32 v11, v0;
	v10 =	vcombine.low v28, v26  }
0x1da: {  	v22 =	vmov v30;
	[tilespmem:v23+s24+$0x0] =	vst.idx.msk $0xffff, v12;
	v30 =	vor.u32 v11, v6  }
0x1db: {  	v23 =	vor.u32 v55, v2;
	v16 =	vld.idx.msk [tilespmem:v16+s12+$0x0], $0xffff;
	[tilespmem:$0x1FAD0] =	vst v10  }
0x1dc: {  	[tilespmem:v29+s24+$0x0] =	vst.idx.msk $0xffff, v20  }
0x1dd: {  	v7 =	vcombine.low v26, v28;
	[tilespmem:v18+s24+$0x0] =	vst.idx.msk $0xffff, v19  }
0x1de: {  	v26 =	vor.u32 v48, v54;
	[tilespmem:v31+s24+$0x0] =	vst.idx.msk $0xffff, v13;
	v21 =	vld.idx.msk [tilespmem:v21+s12+$0x0], $0xffff  }
0x1df: {  	v19 =	vld.idx.msk [tilespmem:v30+s12+$0x0], $0xffff;
	[tilespmem:$0x1FAE0] =	vst v7  }
0x1e0: {  	[tilespmem:v23+s24+$0x0] =	vst.idx.msk $0xffff, v16  }
0x1e1: {  	v10 =	vld [tilespmem:$0x1FD20]  }
0x1e2: {  	v12 =	vor.u32 v11, v8;
	v55 =	vld [tilespmem:$0x1FD40]  }
0x1e3: {  	v14 =	vor.u32 v59, v2;
	v24 =	vor.u32 v59, v54;
	v59 =	vld [tilespmem:$0x1FD70];
	[tilespmem:v26+s24+$0x0] =	vst.idx.msk $0xffff, v21  }
0x1e4: {  	v20 =	vor.u32 v11, v1;
	v42 =	vld [tilespmem:$0x1FD50]  }
0x1e5: {  	v18 =	vor.u32 v39, v0;
	v49 =	vld [tilespmem:$0x1FD60];
	_ =	sdelay $0x1  }
0x1e6: {  	v13 =	vor.u32 v48, v4;
	v12 =	vld.idx.msk [tilespmem:v12+s12+$0x0], $0xffff  }
0x1e7: {  	v25 =	vsel vm0, v9, v60;
	v27 =	vor.u32 v7, v1;
	v28 =	vor.u32 v7, v0;
	v3 =	vld [tilespmem:$0x1FCE0]  }
0x1e8: {  	v31 =	vor.u32 v7, v8;
	v30 =	vor.u32 v48, v5;
	v20 =	vld.idx.msk [tilespmem:v20+s12+$0x0], $0xffff;
	v7 =	vsel vm0, v55, v59  }
0x1e9: {  	v18 =	vld.idx.msk [tilespmem:v18+s12+$0x0], $0xffff;
	v11 =	vsel vm0, v10, v9;
	[tilespmem:$0x1FAF0] =	vst v7;
	v9 =	vsel vm0, v49, v42  }
0x1ea: {  	v29 =	vor.u32 v39, v6;
	v23 =	vor.u32 v48, v2;
	[tilespmem:$0x1FB00] =	vst v9  }
0x1eb: {  	v16 =	vor.u32 v39, v8;
	[tilespmem:v13+s24+$0x0] =	vst.idx.msk $0xffff, v19  }
0x1ec: {  	v26 =	vor.u32 v3, v54;
	v33 =	vcombine.low v7, v9;
	v9 =	vld [tilespmem:$0x1FD30]  }
0x1ed: {  	v21 =	vor.u32 v39, v1  }
0x1ee: {  	v36 =	vld [tilespmem:$0x1FE20];
	[tilespmem:v30+s24+$0x0] =	vst.idx.msk $0xffff, v12  }
0x1ef: {  	v19 =	vld.idx.msk [tilespmem:v29+s12+$0x0], $0xffff;
	[tilespmem:v23+s24+$0x0] =	vst.idx.msk $0xffff, v20  }
0x1f0: {  	v29 =	vor.u32 v3, v4;
	v16 =	vld.idx.msk [tilespmem:v16+s12+$0x0], $0xffff;
	[tilespmem:$0x1FB10] =	vst v33  }
0x1f1: {  	[tilespmem:v26+s24+$0x0] =	vst.idx.msk $0xffff, v18;
	v7 =	vsel vm0, v60, v9  }
0x1f2: {  	v21 =	vld.idx.msk [tilespmem:v21+s12+$0x0], $0xffff;
	[tilespmem:$0x1FB20] =	vst v11;
	v23 =	vsel vm0, v9, v10;
	v9 =	vcombine.low v7, v11  }
0x1f3: {  	[tilespmem:$0x1FB30] =	vst v7  }
0x1f4: {  	[tilespmem:$0x1FB40] =	vst v9  }
0x1f5: {  	[tilespmem:v29+s24+$0x0] =	vst.idx.msk $0xffff, v19  }
0x1f6: {  	v12 =	vor.u32 v36, v0;
	v9 =	vld [tilespmem:$0x1FCF0]  }
0x1f7: {  	v13 =	vor.u32 v36, v6  }
0x1f8: {  	v45 =	vor.u32 v3, v5  }
0x1f9: {  	v46 =	vor.u32 v3, v2  }
0x1fa: {  	v20 =	vor.u32 v36, v8;
	v7 =	vcombine.low v23, v25  }
0x1fb: {  	v18 =	vor.u32 v36, v1;
	v12 =	vld.idx.msk [tilespmem:v12+s12+$0x0], $0xffff;
	v19 =	vor.u32 v9, v54  }
0x1fc: {  	v10 =	vcombine.low v25, v23;
	v23 =	vor.u32 v7, v0;
	v13 =	vld.idx.msk [tilespmem:v13+s12+$0x0], $0xffff;
	v25 =	vor.u32 v9, v4  }
0x1fd: {  	[tilespmem:v45+s24+$0x0] =	vst.idx.msk $0xffff, v16;
	v16 =	vor.u32 v7, v6  }
0x1fe: {  	v48 =	vsel vm0, v42, v55;
	v50 =	vsel vm0, v59, v49;
	[tilespmem:v46+s24+$0x0] =	vst.idx.msk $0xffff, v21  }
0x1ff: {  	v29 =	vor.u32 v7, v8;
	v20 =	vld.idx.msk [tilespmem:v20+s12+$0x0], $0xffff;
	[tilespmem:$0x1FB50] =	vst v7;
	v26 =	vor.u32 v9, v5  }
0x200: {  	v21 =	vor.u32 v7, v1;
	v18 =	vld.idx.msk [tilespmem:v18+s12+$0x0], $0xffff;
	v47 =	vor.u32 v9, v2;
	[tilespmem:v19+s24+$0x0] =	vst.idx.msk $0xffff, v12  }
0x201: {  	v7 =	vcombine.low v50, v48;
	[tilespmem:v25+s24+$0x0] =	vst.idx.msk $0xffff, v13;
	v13 =	vor.u32 v58, v54;
	v19 =	vld.idx.msk [tilespmem:v23+s12+$0x0], $0xffff  }
0x202: {  	v25 =	vor.u32 v58, v4;
	v16 =	vld.idx.msk [tilespmem:v16+s12+$0x0], $0xffff  }
0x203: {  	v23 =	vor.u32 v7, v0;
	[tilespmem:$0x1FB60] =	vst v10  }
0x204: {  	v62 =	vor.u32 v63, v4;
	[tilespmem:v26+s24+$0x0] =	vst.idx.msk $0xffff, v20;
	v20 =	vor.u32 v7, v6  }
0x205: {  	v35 =	vsel vm0, v51, v56;
	[tilespmem:v47+s24+$0x0] =	vst.idx.msk $0xffff, v18;
	v26 =	vld.idx.msk [tilespmem:v29+s12+$0x0], $0xffff;
	v29 =	vor.u32 v58, v5  }
0x206: {  	v17 =	vor.u32 v52, v54;
	v50 =	vcombine.low v48, v50;
	[tilespmem:v13+s24+$0x0] =	vst.idx.msk $0xffff, v19  }
0x207: {  	v52 =	vor.u32 v58, v2;
	v51 =	vsel vm0, v57, v53;
	v21 =	vld.idx.msk [tilespmem:v21+s12+$0x0], $0xffff;
	[tilespmem:v25+s24+$0x0] =	vst.idx.msk $0xffff, v16  }
0x208: {  	v3 =	vor.u32 v50, v1;
	v13 =	vsel vm0, v38, v61;
	v53 =	vld.idx.msk [tilespmem:v23+s12+$0x0], $0xffff;
	[tilespmem:$0x1FB70] =	vst v7  }
0x209: {  	v18 =	vor.u32 v7, v8;
	v11 =	vcombine.low v51, v13;
	v61 =	vcombine.low v13, v51;
	v13 =	vld.idx.msk [tilespmem:v20+s12+$0x0], $0xffff  }
0x20a: {  	v25 =	vor.u32 v63, v54;
	v7 =	vor.u32 v7, v1;
	[tilespmem:v29+s24+$0x0] =	vst.idx.msk $0xffff, v26  }
0x20b: {  	v15 =	vor.u32 v32, v2;
	[tilespmem:$0x1FB80] =	vst v3  }
0x20c: {  	v32 =	vor.u32 v63, v2;
	v55 =	vor.u32 v10, v8;
	[tilespmem:v52+s24+$0x0] =	vst.idx.msk $0xffff, v21  }
0x20d: {  	v56 =	vor.u32 v10, v1;
	v42 =	vor.u32 v10, v6;
	v10 =	vor.u32 v11, v0;
	[tilespmem:$0x1FB90] =	vst v11  }
0x20e: {  	v37 =	vor.u32 v40, v2;
	[tilespmem:v62+s24+$0x0] =	vst.idx.msk $0xffff, v13;
	v13 =	vsel vm0, v43, v41  }
0x20f: {  	v34 =	vor.u32 v33, v1;
	[tilespmem:v25+s24+$0x0] =	vst.idx.msk $0xffff, v53;
	v25 =	vld.idx.msk [tilespmem:v7+s12+$0x0], $0xffff;
	v7 =	vcombine.low v13, v35  }
0x210: {  	v30 =	vor.u32 v22, v2;
	v60 =	vor.u32 v33, v0;
	v22 =	vor.u32 v50, v0  }
0x211: {  	v12 =	vor.u32 v50, v8;
	v29 =	vor.u32 v63, v5;
	v26 =	vld.idx.msk [tilespmem:v18+s12+$0x0], $0xffff;
	[tilespmem:$0x1FBA0] =	vst v7  }
0x212: {  	v20 =	vor.u32 v11, v1;
	v51 =	vcombine.low v35, v13;
	v21 =	vld.idx.msk [tilespmem:v10+s12+$0x0], $0xffff;
	[tilespmem:$0x1FBB0] =	vst v50  }
0x213: {  	v33 =	vor.u32 v11, v6;
	v23 =	vor.u32 v11, v8;
	v57 =	vor.u32 v61, v8;
	[tilespmem:$0x1FBC0] =	vst v61  }
0x214: {  	s9 =	simm.s32 $0x70;
	s8 =	simm.s32 $0x0;
	s2 =	sshll.u32 s31, $0x1;
	v47 =	vor.u32 v61, v1;
	v19 =	vor.u32 v61, v6;
	v18 =	vor.u32 v50, v6;
	[tilespmem:$0x1FBD0] =	vst v51  }
.LBB2_6:
0x215: {  	_ = 	snop  }
0x216: {  	[tilespmem:$0x1F950] =	vst v47;
	v47 =	vld [tilespmem:$0x1FFB0];
	_ =	sdelay $0x1  }
0x217: {  	s30 =	sadd.s32 $0xFFFFFFF0, s9;
	v9 =	vld [tilespmem:$0x1FBA0]  }
0x218: {  	s6 =	sadd.s32 $0xFFFFFFD0, s9;
	v36 =	vor.u32 s9, v44;
	v7 =	vlaneseq.u32;
	v10 =	vld [tilespmem:$0x1FC00];
	v59 =	vor.u32 s30, v44;
	[tilespmem:v29+s24+$0x0] =	vst.idx.msk $0xffff, v26  }
0x219: {  	v41 =	vor.u32 s6, v44;
	v53 =	vshll.u32 v36, $0x5;
	[tilespmem:v32+s24+$0x0] =	vst.idx.msk $0xffff, v25;
	v25 =	vshll.u32 v59, $0x5;
	v23 =	vld.idx.msk [tilespmem:v23+s12+$0x0], $0xffff  }
0x21a: {  	v50 =	vor.u32 v44, v53;
	v40 =	vor.u32 v47, v5;
	v35 =	vor.u32 v7, v25;
	v7 =	vld [tilespmem:$0x1FA40]  }
0x21b: {  	s29 =	sadd.s32 $0xFFFFFFE0, s9;
	v63 =	vshll.u32 v41, $0x5;
	v32 =	vld.idx.msk [tilespmem:v20+s12+$0x0], $0xffff  }
0x21c: {  	v3 =	vor.u32 v61, v0;
	v11 =	vld [tilespmem:$0x1FC10];
	v52 =	vor.u32 s29, v44;
	v58 =	vor.u32 v44, v63  }
0x21d: {  	v13 =	vld [tilespmem:$0x1FC30];
	[tilespmem:$0x1F930] =	vst v3;
	v29 =	vand.u32 $0x1F8, v36;
	v26 =	vshll.u32 v52, $0x5;
	v3 =	vor.u32 v9, v1  }
0x21e: {  	v38 =	vor.u32 v9, v8;
	v36 =	vor.u32 v9, v0;
	[tilespmem:$0x1F970] =	vst v3;
	v3 =	vor.u32 v9, v6;
	v9 =	vld [tilespmem:$0x1FB40]  }
0x21f: {  	v62 =	vor.u32 v44, v26;
	v48 =	vld.idx.msk [tilespmem:v50+s12+$0x0], $0xffff;
	[tilespmem:v40+s24+$0x0] =	vst.idx.msk $0xffff, v23  }
0x220: {  	[tilespmem:v30+s24+$0x0] =	vst.idx.msk $0xffff, v32;
	v32 =	vld [tilespmem:$0x1FF50]  }
0x221: {  	v43 =	vor.u32 v51, v0;
	v45 =	vor.u32 v51, v8;
	v46 =	vor.u32 v51, v1;
	v44 =	vld.idx.msk [tilespmem:v35+s12+$0x0], $0xffff  }
0x222: {  	v20 =	vand.u32 $0x1D8, v52;
	v23 =	vand.u32 $0x1C8, v41;
	v41 =	vor.u32 v10, v29;
	v35 =	vld [tilespmem:$0x1FFC0];
	[tilespmem:v7+s24+$0x0] =	vst.idx.msk $0xffff, v21  }
0x223: {  	v61 =	vor.u32 v11, v63;
	v49 =	vor.u32 v10, v20;
	v52 =	vor.u32 v10, v23;
	v40 =	vld.idx.msk [tilespmem:v58+s12+$0x0], $0xffff  }
0x224: {  	v50 =	vor.u32 v11, v25;
	v21 =	vand.u32 $0x1E8, v59;
	v58 =	vld.idx.msk [tilespmem:v62+s12+$0x0], $0xffff;
	v62 =	vor.u32 v11, v53  }
0x225: {  	v7 =	vor.u32 v47, v23;
	v59 =	vor.u32 v11, v26;
	v30 =	vor.u32 v10, v21;
	v11 =	vld [tilespmem:$0x1FC20]  }
0x226: {  	v46 =	vld.idx.msk [tilespmem:v46+s12+$0x0], $0xffff;
	[tilespmem:$0x1FA40] =	vst v7  }
0x227: {  	v39 =	vor.u32 v51, v6;
	v7 =	vld.idx.msk [tilespmem:v45+s12+$0x0], $0xffff;
	[tilespmem:v41+s24+$0x0] =	vst.idx.msk $0xffff, v48;
	v51 =	vor.u32 v35, v5  }
0x228: {  	v41 =	vld.idx.msk [tilespmem:v43+s12+$0x0], $0xffff;
	v43 =	vor.u32 v9, v8;
	v48 =	vor.u32 v9, v1;
	[tilespmem:v52+s24+$0x0] =	vst.idx.msk $0xffff, v40  }
0x229: {  	v52 =	vld.idx.msk [tilespmem:v62+s12+$0x0], $0xffff;
	v62 =	vor.u32 v35, v54;
	v40 =	vor.u32 v9, v6;
	[tilespmem:v49+s24+$0x0] =	vst.idx.msk $0xffff, v58  }
0x22a: {  	v45 =	vld [tilespmem:$0x1FB10];
	v49 =	vor.u32 v11, v29;
	v58 =	vor.u32 v9, v0;
	[tilespmem:v30+s24+$0x0] =	vst.idx.msk $0xffff, v44  }
0x22b: {  	v9 =	vor.u32 v11, v23;
	v30 =	vor.u32 v13, v53;
	v44 =	vor.u32 v13, v63;
	v50 =	vld.idx.msk [tilespmem:v50+s12+$0x0], $0xffff  }
0x22c: {  	v10 =	vor.u32 v11, v20;
	[tilespmem:v51+s24+$0x0] =	vst.idx.msk $0xffff, v7;
	v51 =	vor.u32 v11, v21;
	v11 =	vld [tilespmem:$0x1FB20]  }
0x22d: {  	[tilespmem:v37+s24+$0x0] =	vst.idx.msk $0xffff, v46;
	v46 =	vor.u32 v13, v25;
	v7 =	vor.u32 v13, v26;
	v13 =	vld [tilespmem:$0x1FB30]  }
0x22e: {  	v61 =	vld.idx.msk [tilespmem:v61+s12+$0x0], $0xffff  }
0x22f: {  	v59 =	vld.idx.msk [tilespmem:v59+s12+$0x0], $0xffff  }
0x230: {  	v48 =	vld.idx.msk [tilespmem:v48+s12+$0x0], $0xffff;
	[tilespmem:v62+s24+$0x0] =	vst.idx.msk $0xffff, v41  }
0x231: {  	[tilespmem:v49+s24+$0x0] =	vst.idx.msk $0xffff, v52;
	v49 =	vld.idx.msk [tilespmem:v58+s12+$0x0], $0xffff  }
0x232: {  	v58 =	vcombine.low v11, v13;
	v11 =	vld [tilespmem:$0x1FC40]  }
0x233: {  	v43 =	vld.idx.msk [tilespmem:v43+s12+$0x0], $0xffff  }
0x234: {  	v41 =	vor.u32 v32, v5;
	[tilespmem:v9+s24+$0x0] =	vst.idx.msk $0xffff, v61;
	v9 =	vld.idx.msk [tilespmem:v30+s12+$0x0], $0xffff  }
0x235: {  	[tilespmem:$0x1F960] =	vst v18;
	v30 =	vor.u32 v32, v54;
	v13 =	vld [tilespmem:$0x1FC50]  }
0x236: {  	[tilespmem:v10+s24+$0x0] =	vst.idx.msk $0xffff, v59  }
0x237: {  	v18 =	vld [tilespmem:$0x1FFE0];
	[tilespmem:v15+s24+$0x0] =	vst.idx.msk $0xffff, v48;
	v10 =	vor.u32 v11, v29  }
0x238: {  	v44 =	vld.idx.msk [tilespmem:v44+s12+$0x0], $0xffff;
	[tilespmem:v51+s24+$0x0] =	vst.idx.msk $0xffff, v50  }
0x239: {  	v46 =	vld.idx.msk [tilespmem:v46+s12+$0x0], $0xffff;
	[tilespmem:v41+s24+$0x0] =	vst.idx.msk $0xffff, v43  }
0x23a: {  	v52 =	vor.u32 v45, v8;
	[tilespmem:v30+s24+$0x0] =	vst.idx.msk $0xffff, v49;
	v30 =	vld.idx.msk [tilespmem:v34+s12+$0x0], $0xffff;
	v50 =	vor.u32 v13, v53  }
0x23b: {  	v51 =	vor.u32 v13, v63;
	v43 =	vor.u32 v13, v26;
	v48 =	vor.u32 v13, v25;
	v13 =	vld [tilespmem:$0x1FB00]  }
0x23c: {  	v59 =	vor.u32 v11, v23;
	[tilespmem:v10+s24+$0x0] =	vst.idx.msk $0xffff, v9;
	v9 =	vld [tilespmem:$0x1FAF0];
	_ =	sdelay $0x1  }
0x23d: {  	[tilespmem:$0x1F990] =	vst v3;
	v7 =	vld.idx.msk [tilespmem:v7+s12+$0x0], $0xffff;
	v3 =	vor.u32 v58, v0;
	v62 =	vor.u32 v11, v20  }
0x23e: {  	[tilespmem:$0x1F940] =	vst v3;
	v3 =	vor.u32 v58, v6;
	v52 =	vld.idx.msk [tilespmem:v52+s12+$0x0], $0xffff;
	v11 =	vor.u32 v11, v21  }
0x23f: {  	v61 =	vor.u32 v18, v5;
	[tilespmem:$0x1F9B0] =	vst v3;
	v10 =	vld.idx.msk [tilespmem:v60+s12+$0x0], $0xffff  }
0x240: {  	v3 =	vor.u32 v58, v1;
	[tilespmem:v59+s24+$0x0] =	vst.idx.msk $0xffff, v44;
	v44 =	vcombine.low v13, v9;
	v9 =	vld [tilespmem:$0x1FC60]  }
0x241: {  	[tilespmem:$0x1F980] =	vst v3;
	v13 =	vld [tilespmem:$0x1FC70]  }
0x242: {  	[tilespmem:v62+s24+$0x0] =	vst.idx.msk $0xffff, v7  }
0x243: {  	v16 =	vld [tilespmem:$0x1FFF0];
	[tilespmem:v11+s24+$0x0] =	vst.idx.msk $0xffff, v46  }
0x244: {  	v48 =	vld.idx.msk [tilespmem:v48+s12+$0x0], $0xffff;
	[tilespmem:v61+s24+$0x0] =	vst.idx.msk $0xffff, v52  }
0x245: {  	v34 =	vld.idx.msk [tilespmem:v50+s12+$0x0], $0xffff;
	[tilespmem:v14+s24+$0x0] =	vst.idx.msk $0xffff, v30;
	v3 =	vor.u32 v44, v1  }
0x246: {  	v49 =	vld.idx.msk [tilespmem:v51+s12+$0x0], $0xffff;
	v7 =	vor.u32 v9, v29;
	v51 =	vor.u32 v9, v23;
	v11 =	vor.u32 v13, v53  }
0x247: {  	v46 =	vor.u32 v13, v63;
	v52 =	vor.u32 v13, v26;
	v30 =	vor.u32 v13, v25;
	v13 =	vld [tilespmem:$0x1FC80]  }
0x248: {  	v43 =	vld.idx.msk [tilespmem:v43+s12+$0x0], $0xffff;
	[tilespmem:$0x1F9A0] =	vst v3;
	v3 =	vor.u32 v44, v6  }
0x249: {  	[tilespmem:$0x1F9F0] =	vst v3;
	v3 =	vld [tilespmem:$0x1FAC0];
	v59 =	vor.u32 v9, v20  }
0x24a: {  	v37 =	vor.u32 v58, v8;
	v31 =	vld.idx.msk [tilespmem:v31+s12+$0x0], $0xffff;
	[tilespmem:v24+s24+$0x0] =	vst.idx.msk $0xffff, v10;
	v62 =	vor.u32 v9, v21  }
0x24b: {  	v50 =	vor.u32 v16, v5;
	v10 =	vld.idx.msk [tilespmem:v27+s12+$0x0], $0xffff;
	v24 =	vor.u32 v44, v8;
	[tilespmem:v7+s24+$0x0] =	vst.idx.msk $0xffff, v34  }
0x24c: {  	v58 =	vor.u32 v44, v0;
	v7 =	vld.idx.msk [tilespmem:v28+s12+$0x0], $0xffff;
	[tilespmem:v51+s24+$0x0] =	vst.idx.msk $0xffff, v49;
	v34 =	vor.u32 v13, v29  }
0x24d: {  	v44 =	vor.u32 v13, v23;
	v51 =	vor.u32 v13, v20;
	v61 =	vor.u32 v13, v21;
	v13 =	vld [tilespmem:$0x1FA70]  }
0x24e: {  	[tilespmem:v59+s24+$0x0] =	vst.idx.msk $0xffff, v43;
	v28 =	vld.idx.msk [tilespmem:v46+s12+$0x0], $0xffff  }
0x24f: {  	[tilespmem:v62+s24+$0x0] =	vst.idx.msk $0xffff, v48;
	v46 =	vld.idx.msk [tilespmem:v52+s12+$0x0], $0xffff  }
0x250: {  	v30 =	vld.idx.msk [tilespmem:v30+s12+$0x0], $0xffff;
	[tilespmem:v50+s24+$0x0] =	vst.idx.msk $0xffff, v31  }
0x251: {  	v52 =	vld.idx.msk [tilespmem:v3+s12+$0x0], $0xffff  }
0x252: {  	v3 =	vld [tilespmem:$0x1FA90];
	_ =	sdelay $0x3  }
0x253: {  	v60 =	vmov v42;
	v42 =	vld [tilespmem:$0x1FB60]  }
0x254: {  	v14 =	vld [tilespmem:$0x1FC90]  }
0x255: {  	[tilespmem:v17+s24+$0x0] =	vst.idx.msk $0xffff, v7;
	v7 =	vld [tilespmem:$0x1FAD0]  }
0x256: {  	v11 =	vld.idx.msk [tilespmem:v11+s12+$0x0], $0xffff;
	[tilespmem:v13+s24+$0x0] =	vst.idx.msk $0xffff, v10  }
0x257: {  	v17 =	vld.idx.msk [tilespmem:v3+s12+$0x0], $0xffff  }
0x258: {  	v3 =	vld [tilespmem:$0x1FAA0]  }
0x259: {  	v43 =	vor.u32 v42, v0;
	v59 =	vor.u32 v14, v25  }
0x25a: {  	v49 =	vor.u32 v14, v63;
	v15 =	vor.u32 v7, v8;
	v8 =	vor.u32 v7, v0;
	v0 =	vmovc v63;
	v63 =	vld [tilespmem:$0x1FA80]  }
0x25b: {  	v9 =	vld [tilespmem:$0x1FAE0]  }
0x25c: {  	v13 =	vld [tilespmem:$0x1FAB0]  }
0x25d: {  	[tilespmem:v61+s24+$0x0] =	vst.idx.msk $0xffff, v30  }
0x25e: {  	[tilespmem:v51+s24+$0x0] =	vst.idx.msk $0xffff, v46;
	v46 =	vld.idx.msk [tilespmem:v59+s12+$0x0], $0xffff  }
0x25f: {  	v59 =	vld [tilespmem:$0x1FA60];
	[tilespmem:v34+s24+$0x0] =	vst.idx.msk $0xffff, v11  }
0x260: {  	v41 =	vor.u32 v45, v6;
	v11 =	vld.idx.msk [tilespmem:v3+s12+$0x0], $0xffff;
	[tilespmem:v44+s24+$0x0] =	vst.idx.msk $0xffff, v28  }
0x261: {  	v27 =	vor.u32 v9, v6;
	v10 =	vor.u32 v13, v6;
	v3 =	vor.u32 v7, v6;
	v6 =	vld.idx.msk [tilespmem:v49+s12+$0x0], $0xffff  }
0x262: {  	v31 =	vor.u32 v14, v26;
	[tilespmem:v63+s24+$0x0] =	vst.idx.msk $0xffff, v52;
	v49 =	vld [tilespmem:$0x1FCA0]  }
0x263: {  	v50 =	vld.idx.msk [tilespmem:v55+s12+$0x0], $0xffff  }
0x264: {  	v48 =	vor.u32 v14, v53;
	v55 =	vld [tilespmem:$0x1FA50];
	_ =	sdelay $0x1  }
0x265: {  	v61 =	vmov v19;
	v19 =	vld [tilespmem:$0x1FFA0]  }
0x266: {  	v31 =	vld.idx.msk [tilespmem:v31+s12+$0x0], $0xffff  }
0x267: {  	v62 =	vor.u32 v7, v1;
	v1 =	vmov v53;
	v53 =	vld [tilespmem:$0x1FCB0]  }
0x268: {  	v14 =	vld.idx.msk [tilespmem:v48+s12+$0x0], $0xffff;
	v28 =	vor.u32 v49, v29  }
0x269: {  	v63 =	vld [tilespmem:$0x1FF60]  }
0x26a: {  	v7 =	vld [tilespmem:$0x1FF40];
	[tilespmem:v59+s24+$0x0] =	vst.idx.msk $0xffff, v11  }
0x26b: {  	v59 =	vld [tilespmem:$0x1FF90];
	v34 =	vor.u32 v49, v23;
	[tilespmem:v55+s24+$0x0] =	vst.idx.msk $0xffff, v17  }
0x26c: {  	v30 =	vor.u32 v53, v0;
	v44 =	vor.u32 v49, v20;
	v51 =	vld.idx.msk [tilespmem:v56+s12+$0x0], $0xffff  }
0x26d: {  	v48 =	vor.u32 v53, v26;
	v49 =	vor.u32 v49, v21;
	[tilespmem:v28+s24+$0x0] =	vst.idx.msk $0xffff, v14;
	v14 =	vld.idx.msk [tilespmem:v43+s12+$0x0], $0xffff  }
0x26e: {  	v11 =	vor.u32 v63, v5;
	v17 =	vor.u32 v53, v25;
	v43 =	vld.idx.msk [tilespmem:v33+s12+$0x0], $0xffff  }
0x26f: {  	[tilespmem:$0x1F9E0] =	vst v62;
	v33 =	vld [tilespmem:$0x1FE30]  }
0x270: {  	[tilespmem:v34+s24+$0x0] =	vst.idx.msk $0xffff, v6;
	v6 =	vor.u32 v53, v1;
	v53 =	vld [tilespmem:$0x1FE40]  }
0x271: {  	v62 =	vor.u32 v63, v54;
	[tilespmem:v44+s24+$0x0] =	vst.idx.msk $0xffff, v31;
	v30 =	vld.idx.msk [tilespmem:v30+s12+$0x0], $0xffff  }
0x272: {  	v28 =	vor.u32 v63, v2;
	[tilespmem:v49+s24+$0x0] =	vst.idx.msk $0xffff, v46;
	v48 =	vld.idx.msk [tilespmem:v48+s12+$0x0], $0xffff  }
0x273: {  	v17 =	vld.idx.msk [tilespmem:v17+s12+$0x0], $0xffff;
	[tilespmem:v11+s24+$0x0] =	vst.idx.msk $0xffff, v50  }
0x274: {  	[tilespmem:$0x1FA20] =	vst v3;
	v3 =	vor.u32 v19, v4;
	v31 =	vor.u32 v47, v4;
	v52 =	vld.idx.msk [tilespmem:v12+s12+$0x0], $0xffff  }
0x275: {  	[tilespmem:$0x1FA30] =	vst v3;
	v3 =	vor.u32 v19, v2;
	v12 =	vld [tilespmem:$0x1FE10]  }
0x276: {  	v44 =	vor.u32 v33, v23;
	v56 =	vor.u32 v33, v20;
	[tilespmem:v62+s24+$0x0] =	vst.idx.msk $0xffff, v14;
	v62 =	vld [tilespmem:$0x1FF70]  }
0x277: {  	v50 =	vor.u32 v33, v21;
	[tilespmem:v28+s24+$0x0] =	vst.idx.msk $0xffff, v51;
	v34 =	vor.u32 v33, v29;
	v33 =	vld [tilespmem:$0x1FE50]  }
0x278: {  	[tilespmem:$0x1FA00] =	vst v3;
	v6 =	vld.idx.msk [tilespmem:v6+s12+$0x0], $0xffff  }
0x279: {  	v3 =	vor.u32 v59, v4;
	v46 =	vor.u32 v53, v0;
	[tilespmem:v31+s24+$0x0] =	vst.idx.msk $0xffff, v43;
	v51 =	vld.idx.msk [tilespmem:v22+s12+$0x0], $0xffff  }
0x27a: {  	[tilespmem:$0x1FA10] =	vst v3;
	v3 =	vor.u32 v59, v2;
	v11 =	vor.u32 v53, v26;
	v39 =	vld.idx.msk [tilespmem:v39+s12+$0x0], $0xffff  }
0x27b: {  	[tilespmem:$0x1F9C0] =	vst v3;
	v28 =	vor.u32 v53, v25;
	v22 =	vld [tilespmem:$0x1FE60];
	v14 =	vor.u32 v62, v5  }
0x27c: {  	v3 =	vor.u32 v12, v4;
	[tilespmem:v44+s24+$0x0] =	vst.idx.msk $0xffff, v30;
	v30 =	vor.u32 v53, v1;
	v53 =	vld [tilespmem:$0x1FF80]  }
0x27d: {  	[tilespmem:$0x1F9D0] =	vst v3;
	v3 =	vld [tilespmem:$0x1F930]  }
0x27e: {  	v31 =	vor.u32 v62, v54;
	[tilespmem:v56+s24+$0x0] =	vst.idx.msk $0xffff, v48;
	v43 =	vld.idx.msk [tilespmem:v46+s12+$0x0], $0xffff  }
0x27f: {  	v44 =	vor.u32 v35, v4;
	[tilespmem:v50+s24+$0x0] =	vst.idx.msk $0xffff, v17;
	v11 =	vld.idx.msk [tilespmem:v11+s12+$0x0], $0xffff  }
0x280: {  	v49 =	vor.u32 v33, v21;
	v28 =	vld.idx.msk [tilespmem:v28+s12+$0x0], $0xffff;
	[tilespmem:v14+s24+$0x0] =	vst.idx.msk $0xffff, v52  }
0x281: {  	v48 =	vor.u32 v33, v20;
	[tilespmem:v34+s24+$0x0] =	vst.idx.msk $0xffff, v6;
	v50 =	vor.u32 v22, v25;
	v6 =	vld.idx.msk [tilespmem:v57+s12+$0x0], $0xffff  }
0x282: {  	v57 =	vld [tilespmem:$0x1FE00]  }
0x283: {  	v46 =	vor.u32 v33, v23;
	v17 =	vor.u32 v22, v0;
	v30 =	vld.idx.msk [tilespmem:v30+s12+$0x0], $0xffff;
	[tilespmem:v31+s24+$0x0] =	vst.idx.msk $0xffff, v51  }
0x284: {  	v14 =	vor.u32 v22, v26;
	[tilespmem:v44+s24+$0x0] =	vst.idx.msk $0xffff, v39;
	v39 =	vor.u32 v22, v1;
	v22 =	vld [tilespmem:$0x1FE70]  }
0x285: {  	v51 =	vor.u32 v33, v29;
	v40 =	vld.idx.msk [tilespmem:v40+s12+$0x0], $0xffff;
	[tilespmem:v49+s24+$0x0] =	vst.idx.msk $0xffff, v28  }
0x286: {  	[tilespmem:v48+s24+$0x0] =	vst.idx.msk $0xffff, v11;
	v11 =	vor.u32 v32, v4;
	v49 =	vld.idx.msk [tilespmem:v50+s12+$0x0], $0xffff  }
0x287: {  	v52 =	vld.idx.msk [tilespmem:v3+s12+$0x0], $0xffff;
	v31 =	vor.u32 v57, v5  }
0x288: {  	[tilespmem:v46+s24+$0x0] =	vst.idx.msk $0xffff, v43;
	v3 =	vld [tilespmem:$0x1FE80]  }
0x289: {  	v17 =	vld.idx.msk [tilespmem:v17+s12+$0x0], $0xffff;
	v43 =	vor.u32 v57, v54  }
0x28a: {  	v44 =	vor.u32 v22, v23;
	v14 =	vld.idx.msk [tilespmem:v14+s12+$0x0], $0xffff;
	v48 =	vor.u32 v22, v20;
	[tilespmem:v51+s24+$0x0] =	vst.idx.msk $0xffff, v30  }
0x28b: {  	v51 =	vor.u32 v22, v29;
	v33 =	vor.u32 v57, v4;
	v39 =	vld.idx.msk [tilespmem:v39+s12+$0x0], $0xffff;
	[tilespmem:v11+s24+$0x0] =	vst.idx.msk $0xffff, v40  }
0x28c: {  	v28 =	vor.u32 v57, v2;
	v57 =	vor.u32 v22, v21;
	v22 =	vld [tilespmem:$0x1FEA0];
	[tilespmem:v31+s24+$0x0] =	vst.idx.msk $0xffff, v6  }
0x28d: {  	v46 =	vor.u32 v3, v0;
	v50 =	vor.u32 v3, v26;
	v11 =	vor.u32 v3, v1;
	v30 =	vld.idx.msk [tilespmem:v38+s12+$0x0], $0xffff  }
0x28e: {  	[tilespmem:v43+s24+$0x0] =	vst.idx.msk $0xffff, v52;
	v43 =	vor.u32 v53, v5;
	v38 =	vor.u32 v3, v25;
	v3 =	vld [tilespmem:$0x1FE90]  }
0x28f: {  	v36 =	vld.idx.msk [tilespmem:v36+s12+$0x0], $0xffff;
	[tilespmem:v44+s24+$0x0] =	vst.idx.msk $0xffff, v17;
	v17 =	vor.u32 v53, v54  }
0x290: {  	v56 =	vor.u32 v12, v2;
	v40 =	vld.idx.msk [tilespmem:v41+s12+$0x0], $0xffff  }
0x291: {  	v34 =	vor.u32 v53, v2;
	v2 =	vor.u32 v62, v2;
	[tilespmem:v48+s24+$0x0] =	vst.idx.msk $0xffff, v14;
	v52 =	vld [tilespmem:$0x1FEC0]  }
0x292: {  	v14 =	vor.u32 v18, v4;
	v31 =	vor.u32 v62, v4;
	[tilespmem:v57+s24+$0x0] =	vst.idx.msk $0xffff, v49;
	v41 =	vld.idx.msk [tilespmem:v46+s12+$0x0], $0xffff  }
0x293: {  	v44 =	vor.u32 v3, v23;
	v62 =	vor.u32 v3, v20;
	v38 =	vld.idx.msk [tilespmem:v38+s12+$0x0], $0xffff;
	[tilespmem:v43+s24+$0x0] =	vst.idx.msk $0xffff, v30  }
0x294: {  	v43 =	vor.u32 v3, v21;
	[tilespmem:v17+s24+$0x0] =	vst.idx.msk $0xffff, v36;
	v36 =	vor.u32 v3, v29;
	v3 =	vld [tilespmem:$0x1F940]  }
0x295: {  	v49 =	vld [tilespmem:$0x1FEB0]  }
0x296: {  	v57 =	vor.u32 v22, v25;
	v46 =	vld.idx.msk [tilespmem:v50+s12+$0x0], $0xffff  }
0x297: {  	[tilespmem:v51+s24+$0x0] =	vst.idx.msk $0xffff, v39;
	v17 =	vor.u32 v12, v5;
	v37 =	vld.idx.msk [tilespmem:v37+s12+$0x0], $0xffff  }
0x298: {  	v11 =	vld.idx.msk [tilespmem:v11+s12+$0x0], $0xffff;
	[tilespmem:v14+s24+$0x0] =	vst.idx.msk $0xffff, v40  }
0x299: {  	v27 =	vld.idx.msk [tilespmem:v27+s12+$0x0], $0xffff;
	v30 =	vor.u32 v22, v26  }
0x29a: {  	v48 =	vor.u32 v22, v0;
	v40 =	vor.u32 v12, v54;
	v12 =	vld [tilespmem:$0x1FFD0];
	[tilespmem:v43+s24+$0x0] =	vst.idx.msk $0xffff, v38  }
0x29b: {  	[tilespmem:v62+s24+$0x0] =	vst.idx.msk $0xffff, v46;
	v39 =	vld.idx.msk [tilespmem:v57+s12+$0x0], $0xffff  }
0x29c: {  	[tilespmem:v17+s24+$0x0] =	vst.idx.msk $0xffff, v37;
	v50 =	vld.idx.msk [tilespmem:v3+s12+$0x0], $0xffff  }
0x29d: {  	v17 =	vld [tilespmem:$0x1FEC0];
	[tilespmem:v44+s24+$0x0] =	vst.idx.msk $0xffff, v41;
	v44 =	vor.u32 v16, v4  }
0x29e: {  	v46 =	vor.u32 v63, v4;
	v63 =	vmov v7;
	v30 =	vld.idx.msk [tilespmem:v30+s12+$0x0], $0xffff  }
0x29f: {  	[tilespmem:v36+s24+$0x0] =	vst.idx.msk $0xffff, v11;
	v7 =	vor.u32 v12, v29;
	v41 =	vld.idx.msk [tilespmem:v48+s12+$0x0], $0xffff;
	v48 =	vor.u32 v49, v23  }
0x2a0: {  	v14 =	vor.u32 v22, v1;
	[tilespmem:$0x1FA50] =	vst v7;
	v11 =	vld.idx.msk [tilespmem:v24+s12+$0x0], $0xffff  }
0x2a1: {  	v55 =	vor.u32 v53, v4;
	v53 =	vor.u32 v49, v20;
	v24 =	vld [tilespmem:$0x1FEC0];
	[tilespmem:v40+s24+$0x0] =	vst.idx.msk $0xffff, v50  }
0x2a2: {  	v7 =	vor.u32 v12, v23;
	v17 =	vor.u32 v17, v26;
	[tilespmem:v44+s24+$0x0] =	vst.idx.msk $0xffff, v27;
	v22 =	vld.idx.msk [tilespmem:v58+s12+$0x0], $0xffff  }
0x2a3: {  	[tilespmem:$0x1FA60] =	vst v7;
	v4 =	vor.u32 v12, v4;
	v10 =	vld.idx.msk [tilespmem:v10+s12+$0x0], $0xffff  }
0x2a4: {  	v7 =	vor.u32 v16, v29;
	[tilespmem:v48+s24+$0x0] =	vst.idx.msk $0xffff, v41;
	v48 =	vld [tilespmem:$0x1FEC0]  }
0x2a5: {  	v14 =	vld.idx.msk [tilespmem:v14+s12+$0x0], $0xffff;
	[tilespmem:$0x1FA70] =	vst v7  }
0x2a6: {  	v57 =	vor.u32 v49, v21;
	v7 =	vld [tilespmem:$0x1FED0];
	[tilespmem:v53+s24+$0x0] =	vst.idx.msk $0xffff, v30  }
0x2a7: {  	v6 =	vor.u32 v19, v5;
	v38 =	vor.u32 v52, v0;
	v62 =	vor.u32 v49, v29;
	v17 =	vld.idx.msk [tilespmem:v17+s12+$0x0], $0xffff  }
0x2a8: {  	v5 =	vor.u32 v59, v5;
	v24 =	vor.u32 v24, v25;
	[tilespmem:v4+s24+$0x0] =	vst.idx.msk $0xffff, v10;
	v4 =	vld [tilespmem:$0x1FB80]  }
0x2a9: {  	v3 =	vor.u32 v59, v54;
	v12 =	vor.u32 v12, v21;
	v27 =	vor.u32 v48, v1  }
0x2aa: {  	[tilespmem:$0x1FA80] =	vst v12;
	v12 =	vld [tilespmem:$0x1FCC0]  }
0x2ab: {  	[tilespmem:v57+s24+$0x0] =	vst.idx.msk $0xffff, v39  }
0x2ac: {  	[tilespmem:v62+s24+$0x0] =	vst.idx.msk $0xffff, v14;
	v38 =	vld.idx.msk [tilespmem:v38+s12+$0x0], $0xffff  }
0x2ad: {  	v51 =	vor.u32 v19, v54;
	v30 =	vor.u32 v7, v23;
	v24 =	vld.idx.msk [tilespmem:v24+s12+$0x0], $0xffff;
	[tilespmem:v5+s24+$0x0] =	vst.idx.msk $0xffff, v11  }
0x2ae: {  	v53 =	vor.u32 v7, v20;
	[tilespmem:v3+s24+$0x0] =	vst.idx.msk $0xffff, v22;
	v3 =	vor.u32 v7, v29;
	v27 =	vld.idx.msk [tilespmem:v27+s12+$0x0], $0xffff  }
0x2af: {  	v11 =	vor.u32 v7, v21;
	v54 =	vld.idx.msk [tilespmem:v15+s12+$0x0], $0xffff;
	v10 =	vor.u32 v12, v1;
	v7 =	vor.u32 v13, v1  }
0x2b0: {  	[tilespmem:$0x1FA90] =	vst v7;
	v7 =	vor.u32 v13, v0;
	v4 =	vld.idx.msk [tilespmem:v4+s12+$0x0], $0xffff  }
0x2b1: {  	v52 =	vor.u32 v12, v0;
	v22 =	vld [tilespmem:$0x1FEE0];
	[tilespmem:$0x1FAA0] =	vst v7;
	v7 =	vor.u32 v13, v25  }
0x2b2: {  	v5 =	vor.u32 v12, v26;
	v15 =	vor.u32 v12, v25;
	v12 =	vld.idx.msk [tilespmem:v60+s12+$0x0], $0xffff;
	[tilespmem:$0x1FAC0] =	vst v7  }
0x2b3: {  	v7 =	vld [tilespmem:$0x1F960];
	[tilespmem:v3+s24+$0x0] =	vst.idx.msk $0xffff, v27  }
0x2b4: {  	v10 =	vld.idx.msk [tilespmem:v10+s12+$0x0], $0xffff  }
0x2b5: {  	[tilespmem:v2+s24+$0x0] =	vst.idx.msk $0xffff, v4;
	v4 =	vld [tilespmem:$0x1F950]  }
0x2b6: {  	v57 =	vld [tilespmem:$0x1FEF0];
	_ =	sdelay $0x1  }
0x2b7: {  	[tilespmem:v30+s24+$0x0] =	vst.idx.msk $0xffff, v38  }
0x2b8: {  	[tilespmem:v53+s24+$0x0] =	vst.idx.msk $0xffff, v17  }
0x2b9: {  	v5 =	vld.idx.msk [tilespmem:v5+s12+$0x0], $0xffff;
	v59 =	vor.u32 v22, v20;
	[tilespmem:v46+s24+$0x0] =	vst.idx.msk $0xffff, v12  }
0x2ba: {  	v30 =	vor.u32 v57, v26;
	v17 =	vor.u32 v16, v23;
	v16 =	vld.idx.msk [tilespmem:v7+s12+$0x0], $0xffff;
	v2 =	vor.u32 v22, v29  }
0x2bb: {  	v12 =	vor.u32 v57, v1;
	v7 =	vld [tilespmem:$0x1FF00]  }
0x2bc: {  	v4 =	vld.idx.msk [tilespmem:v4+s12+$0x0], $0xffff  }
0x2bd: {  	[tilespmem:v11+s24+$0x0] =	vst.idx.msk $0xffff, v24  }
0x2be: {  	v37 =	vor.u32 v35, v29;
	[tilespmem:v59+s24+$0x0] =	vst.idx.msk $0xffff, v5  }
0x2bf: {  	v14 =	vor.u32 v18, v29;
	v24 =	vor.u32 v18, v23;
	v18 =	vld.idx.msk [tilespmem:v30+s12+$0x0], $0xffff;
	[tilespmem:v2+s24+$0x0] =	vst.idx.msk $0xffff, v10  }
0x2c0: {  	v5 =	vor.u32 v7, v23;
	v30 =	vor.u32 v7, v20;
	v2 =	vmov v29;
	v12 =	vld.idx.msk [tilespmem:v12+s12+$0x0], $0xffff  }
0x2c1: {  	v35 =	vor.u32 v7, v21;
	[tilespmem:v28+s24+$0x0] =	vst.idx.msk $0xffff, v4;
	v4 =	vor.u32 v7, v2;
	v7 =	vld [tilespmem:$0x1F970]  }
0x2c2: {  	v19 =	vld.idx.msk [tilespmem:v52+s12+$0x0], $0xffff;
	v58 =	vor.u32 v22, v23  }
0x2c3: {  	v11 =	vor.u32 v57, v0;
	_ =	sdelay $0x1  }
0x2c4: {  	v13 =	vld [tilespmem:$0x1FCD0];
	_ =	sdelay $0x1  }
0x2c5: {  	v3 =	vld.idx.msk [tilespmem:v8+s12+$0x0], $0xffff;
	[tilespmem:v58+s24+$0x0] =	vst.idx.msk $0xffff, v19  }
0x2c6: {  	v11 =	vld.idx.msk [tilespmem:v11+s12+$0x0], $0xffff  }
0x2c7: {  	[tilespmem:v31+s24+$0x0] =	vst.idx.msk $0xffff, v16;
	v16 =	vld.idx.msk [tilespmem:v7+s12+$0x0], $0xffff  }
0x2c8: {  	v19 =	vor.u32 v13, v0;
	v7 =	vld [tilespmem:$0x1FF10];
	_ =	sdelay $0x1  }
0x2c9: {  	[tilespmem:v51+s24+$0x0] =	vst.idx.msk $0xffff, v3  }
0x2ca: {  	[tilespmem:v5+s24+$0x0] =	vst.idx.msk $0xffff, v11  }
0x2cb: {  	v3 =	vor.u32 v13, v26;
	v10 =	vor.u32 v13, v25;
	v11 =	vld.idx.msk [tilespmem:v61+s12+$0x0], $0xffff;
	[tilespmem:v30+s24+$0x0] =	vst.idx.msk $0xffff, v18  }
0x2cc: {  	v5 =	vor.u32 v13, v1;
	v13 =	vld.idx.msk [tilespmem:v19+s12+$0x0], $0xffff;
	[tilespmem:v4+s24+$0x0] =	vst.idx.msk $0xffff, v12;
	v18 =	vor.u32 v7, v23  }
0x2cd: {  	v19 =	vor.u32 v7, v20;
	v30 =	vor.u32 v7, v21;
	v12 =	vor.u32 v7, v2;
	v7 =	vld [tilespmem:$0x1F980];
	_ =	sdelay $0x4  }
0x2ce: {  	v60 =	vld.idx.msk [tilespmem:v15+s12+$0x0], $0xffff  }
0x2cf: {  	v3 =	vld.idx.msk [tilespmem:v3+s12+$0x0], $0xffff  }
0x2d0: {  	v5 =	vld.idx.msk [tilespmem:v5+s12+$0x0], $0xffff;
	[tilespmem:v34+s24+$0x0] =	vst.idx.msk $0xffff, v16  }
0x2d1: {  	v62 =	vor.u32 v22, v21;
	[tilespmem:v33+s24+$0x0] =	vst.idx.msk $0xffff, v11;
	v11 =	vld.idx.msk [tilespmem:v7+s12+$0x0], $0xffff  }
0x2d2: {  	v8 =	vor.u32 v57, v25;
	v7 =	vld [tilespmem:$0x1F990];
	_ =	sdelay $0x2  }
0x2d3: {  	v27 =	vor.u32 v9, v1;
	v31 =	vor.u32 v9, v25;
	v28 =	vor.u32 v9, v0;
	v9 =	vld [tilespmem:$0x1FF20]  }
0x2d4: {  	[tilespmem:v62+s24+$0x0] =	vst.idx.msk $0xffff, v60  }
0x2d5: {  	v8 =	vld.idx.msk [tilespmem:v8+s12+$0x0], $0xffff;
	_ =	sdelay $0x2  }
0x2d6: {  	[tilespmem:v18+s24+$0x0] =	vst.idx.msk $0xffff, v13;
	v13 =	vor.u32 v9, v1;
	v16 =	vld.idx.msk [tilespmem:v7+s12+$0x0], $0xffff  }
0x2d7: {  	v29 =	vor.u32 v9, v26;
	v7 =	vld [tilespmem:$0x1FCE0]  }
0x2d8: {  	[tilespmem:v35+s24+$0x0] =	vst.idx.msk $0xffff, v8  }
0x2d9: {  	v10 =	vld.idx.msk [tilespmem:v10+s12+$0x0], $0xffff;
	[tilespmem:v6+s24+$0x0] =	vst.idx.msk $0xffff, v54  }
0x2da: {  	[tilespmem:v12+s24+$0x0] =	vst.idx.msk $0xffff, v5  }
0x2db: {  	v12 =	vld.idx.msk [tilespmem:v13+s12+$0x0], $0xffff;
	[tilespmem:v19+s24+$0x0] =	vst.idx.msk $0xffff, v3  }
0x2dc: {  	v6 =	vmov v26;
	[tilespmem:v56+s24+$0x0] =	vst.idx.msk $0xffff, v11;
	v26 =	vld.idx.msk [tilespmem:v29+s12+$0x0], $0xffff;
	v19 =	vor.u32 v7, v23  }
0x2dd: {  	v29 =	vor.u32 v7, v20;
	v38 =	vor.u32 v7, v21;
	v11 =	vor.u32 v7, v2;
	v7 =	vld [tilespmem:$0x1F9A0];
	_ =	sdelay $0x6  }
0x2de: {  	v8 =	vor.u32 v9, v0;
	v4 =	vor.u32 v9, v25;
	v9 =	vld [tilespmem:$0x1FE20]  }
0x2df: {  	v13 =	vld.idx.msk [tilespmem:v7+s12+$0x0], $0xffff  }
0x2e0: {  	v7 =	vld [tilespmem:$0x1F9B0];
	_ =	sdelay $0x3  }
0x2e1: {  	v18 =	vld.idx.msk [tilespmem:v8+s12+$0x0], $0xffff;
	v3 =	vor.u32 v9, v6;
	_ =	sdelay $0x1  }
0x2e2: {  	[tilespmem:v30+s24+$0x0] =	vst.idx.msk $0xffff, v10  }
0x2e3: {  	v8 =	vmov v25;
	v10 =	vor.u32 v9, v0;
	[tilespmem:v55+s24+$0x0] =	vst.idx.msk $0xffff, v16  }
0x2e4: {  	v5 =	vor.u32 v9, v8;
	v16 =	vor.u32 v9, v1;
	v9 =	vld.idx.msk [tilespmem:v7+s12+$0x0], $0xffff;
	[tilespmem:v29+s24+$0x0] =	vst.idx.msk $0xffff, v26  }
0x2e5: {  	[tilespmem:v19+s24+$0x0] =	vst.idx.msk $0xffff, v18;
	v19 =	vld.idx.msk [tilespmem:v3+s12+$0x0], $0xffff  }
0x2e6: {  	v3 =	vld [tilespmem:$0x1F9C0];
	_ =	sdelay $0x5  }
0x2e7: {  	[tilespmem:v11+s24+$0x0] =	vst.idx.msk $0xffff, v12  }
0x2e8: {  	v16 =	vld.idx.msk [tilespmem:v16+s12+$0x0], $0xffff  }
0x2e9: {  	[tilespmem:v3+s24+$0x0] =	vst.idx.msk $0xffff, v13;
	v3 =	vld [tilespmem:$0x1F9D0];
	_ =	sdelay $0x7  }
0x2ea: {  	[tilespmem:v3+s24+$0x0] =	vst.idx.msk $0xffff, v9;
	v3 =	vld [tilespmem:$0x1F9E0];
	_ =	sdelay $0x6  }
0x2eb: {  	v22 =	vld [tilespmem:$0x1FCF0]  }
0x2ec: {  	v9 =	vld.idx.msk [tilespmem:v3+s12+$0x0], $0xffff  }
0x2ed: {  	v3 =	vld [tilespmem:$0x1F9F0];
	_ =	sdelay $0x2  }
0x2ee: {  	v18 =	vor.u32 v22, v23;
	v10 =	vld.idx.msk [tilespmem:v10+s12+$0x0], $0xffff;
	_ =	sdelay $0x2  }
0x2ef: {  	v7 =	vld [tilespmem:$0x1FB50];
	_ =	sdelay $0x1  }
0x2f0: {  	[tilespmem:v18+s24+$0x0] =	vst.idx.msk $0xffff, v10;
	v10 =	vld.idx.msk [tilespmem:v3+s12+$0x0], $0xffff  }
0x2f1: {  	v3 =	vld [tilespmem:$0x1FA00]  }
0x2f2: {  	v13 =	vor.u32 v22, v2  }
0x2f3: {  	v11 =	vor.u32 v7, v1;
	_ =	sdelay $0x3  }
0x2f4: {  	v4 =	vld.idx.msk [tilespmem:v4+s12+$0x0], $0xffff;
	[tilespmem:v13+s24+$0x0] =	vst.idx.msk $0xffff, v16  }
0x2f5: {  	v11 =	vld.idx.msk [tilespmem:v11+s12+$0x0], $0xffff  }
0x2f6: {  	[tilespmem:v3+s24+$0x0] =	vst.idx.msk $0xffff, v9;
	v3 =	vld [tilespmem:$0x1FA10]  }
0x2f7: {  	v25 =	vor.u32 v22, v20  }
0x2f8: {  	v26 =	vor.u32 v7, v6;
	_ =	sdelay $0x1  }
0x2f9: {  	v39 =	vld [tilespmem:$0x1FF30];
	[tilespmem:v38+s24+$0x0] =	vst.idx.msk $0xffff, v4  }
0x2fa: {  	v5 =	vld.idx.msk [tilespmem:v5+s12+$0x0], $0xffff  }
0x2fb: {  	v54 =	vmov v23;
	v4 =	vor.u32 v7, v0;
	v23 =	vor.u32 v7, v8;
	v7 =	vld [tilespmem:$0x1FB70];
	[tilespmem:v25+s24+$0x0] =	vst.idx.msk $0xffff, v19  }
0x2fc: {  	v25 =	vld.idx.msk [tilespmem:v26+s12+$0x0], $0xffff  }
0x2fd: {  	v29 =	vor.u32 v22, v21;
	[tilespmem:v3+s24+$0x0] =	vst.idx.msk $0xffff, v10;
	v3 =	vld [tilespmem:$0x1FA20];
	_ =	sdelay $0x1  }
0x2fe: {  	v50 =	vld [tilespmem:$0x1FBB0]  }
0x2ff: {  	v18 =	vld.idx.msk [tilespmem:v4+s12+$0x0], $0xffff;
	v19 =	vor.u32 v39, v54;
	_ =	sdelay $0x1  }
0x300: {  	v61 =	vld [tilespmem:$0x1FBC0];
	[tilespmem:v29+s24+$0x0] =	vst.idx.msk $0xffff, v5;
	v26 =	vor.u32 v7, v0  }
0x301: {  	v23 =	vld.idx.msk [tilespmem:v23+s12+$0x0], $0xffff  }
0x302: {  	v29 =	vor.u32 v39, v20;
	v40 =	vor.u32 v7, v6;
	v13 =	vor.u32 v7, v8;
	v16 =	vld [tilespmem:$0x1FB90]  }
0x303: {  	[tilespmem:v19+s24+$0x0] =	vst.idx.msk $0xffff, v18;
	v10 =	vor.u32 v7, v1;
	v7 =	vld.idx.msk [tilespmem:v3+s12+$0x0], $0xffff;
	v3 =	vor.u32 v50, v1  }
0x304: {  	v41 =	vor.u32 v39, v21;
	v60 =	vor.u32 v45, v0;
	v15 =	vor.u32 v32, v2;
	[tilespmem:$0x1FB80] =	vst v3;
	v3 =	vld [tilespmem:$0x1FA30]  }
0x305: {  	v32 =	vor.u32 v63, v2;
	v43 =	vor.u32 v63, v54;
	v5 =	vmov v21;
	v21 =	vld.idx.msk [tilespmem:v26+s12+$0x0], $0xffff  }
0x306: {  	v34 =	vor.u32 v45, v1;
	v30 =	vor.u32 v47, v2;
	v9 =	vor.u32 v39, v2  }
0x307: {  	s8 =	sadd.s32 $0x4, s8;
	v47 =	vor.u32 v61, v1;
	v4 =	vmov v20;
	v53 =	vor.u32 v16, v0;
	[tilespmem:v29+s24+$0x0] =	vst.idx.msk $0xffff, v25  }
0x308: {  	p1 =	slt.u32 s8, $0x1C;
	v57 =	vor.u32 v61, v8;
	v56 =	vor.u32 v42, v1;
	v62 =	vor.u32 v63, v4;
	v52 =	vld.idx.msk [tilespmem:v40+s12+$0x0], $0xffff  }
.Ltmp1:
0x309: {  	v55 =	vor.u32 v42, v8;
	v42 =	vor.u32 v42, v6;
	[tilespmem:v41+s24+$0x0] =	vst.idx.msk $0xffff, v23;
	(pc) =	sbr.rel @p1 .LBB2_6-.Ltmp1, $4  }
0x30a: {  	v51 =	vld [tilespmem:$0x1FBD0];
	v12 =	vor.u32 v50, v8;
	v22 =	vor.u32 v50, v0;
	[tilespmem:v43+s24+$0x0] =	vst.idx.msk $0xffff, v21  }
0x30b: {  	v20 =	vor.u32 v16, v1;
	v33 =	vor.u32 v16, v6;
	v26 =	vld.idx.msk [tilespmem:v13+s12+$0x0], $0xffff;
	[tilespmem:v9+s24+$0x0] =	vst.idx.msk $0xffff, v11  }
0x30c: {  	v23 =	vor.u32 v16, v8;
	v18 =	vor.u32 v50, v6;
	v21 =	vld.idx.msk [tilespmem:v53+s12+$0x0], $0xffff;
	[tilespmem:v3+s24+$0x0] =	vst.idx.msk $0xffff, v7  }
0x30d: {  	s9 =	sadd.s32 $0x40, s9;
	v44 =	vlaneseq.u32;
	v19 =	vor.u32 v61, v6;
	v29 =	vor.u32 v63, v5;
	v25 =	vld.idx.msk [tilespmem:v10+s12+$0x0], $0xffff;
	[tilespmem:v62+s24+$0x0] =	vst.idx.msk $0xffff, v52  }
0x30e: {  	v62 =	vld [tilespmem:$0x1FB70]  }
0x30f: {  	v59 =	vld [tilespmem:$0x1FB50]  }
0x310: {  	v58 =	vld [tilespmem:$0x1FCB0]  }
0x311: {  	v46 =	vld [tilespmem:$0x1FCA0]  }
0x312: {  	v45 =	vld [tilespmem:$0x1FC90]  }
0x313: {  	v40 =	vld [tilespmem:$0x1FC80]  }
0x314: {  	v43 =	vld [tilespmem:$0x1FC70]  }
0x315: {  	v41 =	vld [tilespmem:$0x1FC60]  }
0x316: {  	v39 =	vld [tilespmem:$0x1FC50]  }
0x317: {  	v38 =	vld [tilespmem:$0x1FC40]  }
0x318: {  	v36 =	vld [tilespmem:$0x1FC30]  }
0x319: {  	v35 =	vld [tilespmem:$0x1FC20]  }
0x31a: {  	v53 =	vld [tilespmem:$0x1FC10]  }
0x31b: {  	v52 =	vld [tilespmem:$0x1FC00];
	[tilespmem:v29+s24+$0x0] =	vst.idx.msk $0xffff, v26  }
0x31c: {  	v13 =	vld [tilespmem:$0x1FFB0]  }
0x31d: {  	[tilespmem:v32+s24+$0x0] =	vst.idx.msk $0xffff, v25;
	v25 =	vld.idx.msk [tilespmem:v33+s12+$0x0], $0xffff  }
0x31e: {  	v33 =	vld [tilespmem:$0x1FA40];
	_ =	sdelay $0x3  }
0x31f: {  	v9 =	vld.idx.msk [tilespmem:v23+s12+$0x0], $0xffff;
	v7 =	vor.u32 v13, v5;
	_ =	sdelay $0x3  }
0x320: {  	[tilespmem:v33+s24+$0x0] =	vst.idx.msk $0xffff, v21  }
0x321: {  	v10 =	vor.u32 v51, v0;
	v11 =	vld.idx.msk [tilespmem:v20+s12+$0x0], $0xffff;
	[tilespmem:v7+s24+$0x0] =	vst.idx.msk $0xffff, v9  }
0x322: {  	v26 =	vor.u32 v13, v4;
	v13 =	vld [tilespmem:$0x1FFC0]  }
0x323: {  	v20 =	vor.u32 v51, v8;
	_ =	sdelay $0x2  }
0x324: {  	v50 =	vld.idx.msk [tilespmem:v10+s12+$0x0], $0xffff;
	[tilespmem:v30+s24+$0x0] =	vst.idx.msk $0xffff, v11  }
0x325: {  	v29 =	vor.u32 v51, v6;
	v23 =	vor.u32 v51, v1;
	v63 =	vld [tilespmem:$0x1FB40];
	v51 =	vor.u32 v13, v54  }
0x326: {  	v3 =	vld.idx.msk [tilespmem:v20+s12+$0x0], $0xffff;
	v16 =	vor.u32 v13, v5;
	_ =	sdelay $0x2  }
0x327: {  	[tilespmem:v26+s24+$0x0] =	vst.idx.msk $0xffff, v25  }
0x328: {  	v21 =	vld.idx.msk [tilespmem:v23+s12+$0x0], $0xffff;
	v20 =	vor.u32 v63, v0;
	[tilespmem:v51+s24+$0x0] =	vst.idx.msk $0xffff, v50  }
0x329: {  	v25 =	vor.u32 v63, v1;
	[tilespmem:v16+s24+$0x0] =	vst.idx.msk $0xffff, v3  }
0x32a: {  	v32 =	vld [tilespmem:$0x1FF50]  }
0x32b: {  	v23 =	vor.u32 v63, v8  }
0x32c: {  	v26 =	vld.idx.msk [tilespmem:v29+s12+$0x0], $0xffff  }
0x32d: {  	v29 =	vor.u32 v13, v4;
	v7 =	vld.idx.msk [tilespmem:v20+s12+$0x0], $0xffff;
	[tilespmem:v37+s24+$0x0] =	vst.idx.msk $0xffff, v21  }
0x32e: {  	v20 =	vld.idx.msk [tilespmem:v25+s12+$0x0], $0xffff  }
0x32f: {  	v33 =	vor.u32 v32, v54  }
0x330: {  	v10 =	vld.idx.msk [tilespmem:v23+s12+$0x0], $0xffff;
	v50 =	vor.u32 v32, v5  }
0x331: {  	v37 =	vld [tilespmem:$0x1FB10]  }
0x332: {  	[tilespmem:v29+s24+$0x0] =	vst.idx.msk $0xffff, v26  }
0x333: {  	v30 =	vor.u32 v63, v6;
	[tilespmem:v15+s24+$0x0] =	vst.idx.msk $0xffff, v20  }
0x334: {  	[tilespmem:v33+s24+$0x0] =	vst.idx.msk $0xffff, v7  }
0x335: {  	[tilespmem:v50+s24+$0x0] =	vst.idx.msk $0xffff, v10  }
0x336: {  	v21 =	vor.u32 v37, v8;
	v51 =	vld [tilespmem:$0x1FFE0];
	_ =	sdelay $0x1  }
0x337: {  	v23 =	vld.idx.msk [tilespmem:v30+s12+$0x0], $0xffff;
	v25 =	vor.u32 v32, v4  }
0x338: {  	v63 =	vld.idx.msk [tilespmem:v34+s12+$0x0], $0xffff  }
0x339: {  	v7 =	vld.idx.msk [tilespmem:v60+s12+$0x0], $0xffff  }
0x33a: {  	v10 =	vld.idx.msk [tilespmem:v21+s12+$0x0], $0xffff;
	v60 =	vor.u32 v51, v5;
	_ =	sdelay $0x1  }
0x33b: {  	[tilespmem:v25+s24+$0x0] =	vst.idx.msk $0xffff, v23  }
0x33c: {  	v25 =	vld [tilespmem:$0x1FAE0];
	[tilespmem:v14+s24+$0x0] =	vst.idx.msk $0xffff, v63  }
0x33d: {  	v26 =	vor.u32 v37, v6;
	[tilespmem:v24+s24+$0x0] =	vst.idx.msk $0xffff, v7  }
0x33e: {  	[tilespmem:v60+s24+$0x0] =	vst.idx.msk $0xffff, v10  }
0x33f: {  	v3 =	vld [tilespmem:$0x1FFF0];
	_ =	sdelay $0x2  }
0x340: {  	v20 =	vld.idx.msk [tilespmem:v26+s12+$0x0], $0xffff;
	v21 =	vor.u32 v51, v4  }
0x341: {  	v7 =	vld.idx.msk [tilespmem:v28+s12+$0x0], $0xffff  }
0x342: {  	v10 =	vld.idx.msk [tilespmem:v31+s12+$0x0], $0xffff;
	v14 =	vor.u32 v3, v5;
	_ =	sdelay $0x2  }
0x343: {  	[tilespmem:v21+s24+$0x0] =	vst.idx.msk $0xffff, v20  }
0x344: {  	v16 =	vld [tilespmem:$0x1FAB0];
	[tilespmem:v17+s24+$0x0] =	vst.idx.msk $0xffff, v7  }
0x345: {  	[tilespmem:v14+s24+$0x0] =	vst.idx.msk $0xffff, v10  }
0x346: {  	v23 =	vor.u32 v25, v6;
	v9 =	vld [tilespmem:$0x1FA70];
	_ =	sdelay $0x2  }
0x347: {  	v11 =	vld.idx.msk [tilespmem:v27+s12+$0x0], $0xffff;
	_ =	sdelay $0x1  }
0x348: {  	v20 =	vld.idx.msk [tilespmem:v23+s12+$0x0], $0xffff;
	v21 =	vor.u32 v3, v4  }
0x349: {  	v3 =	vld [tilespmem:$0x1FAA0];
	_ =	sdelay $0x1  }
0x34a: {  	[tilespmem:v9+s24+$0x0] =	vst.idx.msk $0xffff, v11  }
0x34b: {  	v23 =	vld [tilespmem:$0x1FB60]  }
0x34c: {  	v34 =	vld [tilespmem:$0x1FAC0];
	[tilespmem:v21+s24+$0x0] =	vst.idx.msk $0xffff, v20  }
0x34d: {  	v63 =	vld [tilespmem:$0x1FA60];
	_ =	sdelay $0x2  }
0x34e: {  	v7 =	vld.idx.msk [tilespmem:v3+s12+$0x0], $0xffff;
	_ =	sdelay $0x3  }
0x34f: {  	v37 =	vld [tilespmem:$0x1FA90]  }
0x350: {  	v50 =	vld [tilespmem:$0x1FFD0];
	[tilespmem:v63+s24+$0x0] =	vst.idx.msk $0xffff, v7  }
0x351: {  	v7 =	vld [tilespmem:$0x1FA80];
	_ =	sdelay $0x2  }
0x352: {  	v10 =	vld.idx.msk [tilespmem:v34+s12+$0x0], $0xffff;
	_ =	sdelay $0x3  }
0x353: {  	v16 =	vor.u32 v16, v6  }
0x354: {  	[tilespmem:v7+s24+$0x0] =	vst.idx.msk $0xffff, v10  }
0x355: {  	v33 =	vor.u32 v23, v0;
	v13 =	vld [tilespmem:$0x1FF60]  }
0x356: {  	v10 =	vld [tilespmem:$0x1FA50];
	_ =	sdelay $0x1  }
0x357: {  	v60 =	vld.idx.msk [tilespmem:v16+s12+$0x0], $0xffff;
	v51 =	vor.u32 v50, v4  }
0x358: {  	v11 =	vld.idx.msk [tilespmem:v37+s12+$0x0], $0xffff  }
0x359: {  	v3 =	vld.idx.msk [tilespmem:v33+s12+$0x0], $0xffff;
	v32 =	vor.u32 v13, v54  }
0x35a: {  	v33 =	vld.idx.msk [tilespmem:v55+s12+$0x0], $0xffff;
	v34 =	vor.u32 v13, v5;
	_ =	sdelay $0x1  }
0x35b: {  	[tilespmem:v51+s24+$0x0] =	vst.idx.msk $0xffff, v60  }
0x35c: {  	[tilespmem:v10+s24+$0x0] =	vst.idx.msk $0xffff, v11  }
0x35d: {  	v55 =	vld.idx.msk [tilespmem:v42+s12+$0x0], $0xffff;
	v51 =	vor.u32 v13, v4;
	[tilespmem:v32+s24+$0x0] =	vst.idx.msk $0xffff, v3  }
0x35e: {  	v50 =	vor.u32 v13, v2;
	v37 =	vld.idx.msk [tilespmem:v56+s12+$0x0], $0xffff;
	[tilespmem:v34+s24+$0x0] =	vst.idx.msk $0xffff, v33  }
0x35f: {  	v56 =	vld [tilespmem:$0x1FF70];
	_ =	sdelay $0x2  }
0x360: {  	[tilespmem:v51+s24+$0x0] =	vst.idx.msk $0xffff, v55  }
0x361: {  	v7 =	vld.idx.msk [tilespmem:v22+s12+$0x0], $0xffff;
	[tilespmem:v50+s24+$0x0] =	vst.idx.msk $0xffff, v37  }
0x362: {  	v33 =	vld [tilespmem:$0x1FB80];
	v60 =	vor.u32 v56, v54  }
0x363: {  	v11 =	vld.idx.msk [tilespmem:v12+s12+$0x0], $0xffff;
	v63 =	vor.u32 v56, v5;
	_ =	sdelay $0x3  }
0x364: {  	[tilespmem:v60+s24+$0x0] =	vst.idx.msk $0xffff, v7  }
0x365: {  	v61 =	vor.u32 v61, v0;
	v18 =	vld.idx.msk [tilespmem:v18+s12+$0x0], $0xffff;
	[tilespmem:v63+s24+$0x0] =	vst.idx.msk $0xffff, v11  }
0x366: {  	v37 =	vor.u32 v56, v4;
	v13 =	vld [tilespmem:$0x1FE00]  }
0x367: {  	v32 =	vor.u32 v56, v2;
	v34 =	vld.idx.msk [tilespmem:v33+s12+$0x0], $0xffff;
	_ =	sdelay $0x2  }
0x368: {  	v7 =	vld.idx.msk [tilespmem:v61+s12+$0x0], $0xffff  }
0x369: {  	v24 =	vld [tilespmem:$0x1FBA0];
	[tilespmem:v37+s24+$0x0] =	vst.idx.msk $0xffff, v18  }
0x36a: {  	v11 =	vld.idx.msk [tilespmem:v57+s12+$0x0], $0xffff;
	v42 =	vor.u32 v13, v54;
	[tilespmem:v32+s24+$0x0] =	vst.idx.msk $0xffff, v34  }
0x36b: {  	v51 =	vor.u32 v13, v5;
	v20 =	vld [tilespmem:$0x1FB20]  }
0x36c: {  	v21 =	vld [tilespmem:$0x1FB30];
	_ =	sdelay $0x2  }
0x36d: {  	v61 =	vld.idx.msk [tilespmem:v19+s12+$0x0], $0xffff;
	[tilespmem:v42+s24+$0x0] =	vst.idx.msk $0xffff, v7  }
0x36e: {  	v50 =	vor.u32 v24, v0;
	v56 =	vor.u32 v13, v2;
	v57 =	vld.idx.msk [tilespmem:v47+s12+$0x0], $0xffff;
	[tilespmem:v51+s24+$0x0] =	vst.idx.msk $0xffff, v11  }
0x36f: {  	v55 =	vor.u32 v24, v8;
	v18 =	vor.u32 v13, v4;
	v20 =	vcombine.low v20, v21;
	v21 =	vld [tilespmem:$0x1FF80];
	_ =	sdelay $0x3  }
0x370: {  	v7 =	vld.idx.msk [tilespmem:v50+s12+$0x0], $0xffff;
	[tilespmem:v56+s24+$0x0] =	vst.idx.msk $0xffff, v57  }
0x371: {  	v11 =	vld.idx.msk [tilespmem:v55+s12+$0x0], $0xffff;
	[tilespmem:v18+s24+$0x0] =	vst.idx.msk $0xffff, v61;
	v63 =	vor.u32 v21, v54  }
0x372: {  	v22 =	vld [tilespmem:$0x1FB00];
	v32 =	vor.u32 v21, v5  }
0x373: {  	v34 =	vor.u32 v21, v2;
	v42 =	vor.u32 v21, v4;
	v21 =	vld [tilespmem:$0x1FAF0];
	_ =	sdelay $0x2  }
0x374: {  	v60 =	vor.u32 v24, v1;
	[tilespmem:v63+s24+$0x0] =	vst.idx.msk $0xffff, v7  }
0x375: {  	v19 =	vor.u32 v24, v6;
	[tilespmem:v32+s24+$0x0] =	vst.idx.msk $0xffff, v11  }
0x376: {  	v3 =	vor.u32 v20, v0;
	v21 =	vcombine.low v22, v21;
	v22 =	vld [tilespmem:$0x1FE10]  }
0x377: {  	v33 =	vor.u32 v20, v8;
	_ =	sdelay $0x1  }
0x378: {  	v16 =	vld.idx.msk [tilespmem:v60+s12+$0x0], $0xffff  }
0x379: {  	v18 =	vld.idx.msk [tilespmem:v19+s12+$0x0], $0xffff  }
0x37a: {  	v7 =	vld.idx.msk [tilespmem:v3+s12+$0x0], $0xffff;
	v47 =	vor.u32 v22, v54  }
0x37b: {  	v11 =	vld.idx.msk [tilespmem:v33+s12+$0x0], $0xffff;
	v51 =	vor.u32 v22, v5;
	_ =	sdelay $0x1  }
0x37c: {  	v37 =	vor.u32 v20, v1;
	[tilespmem:v34+s24+$0x0] =	vst.idx.msk $0xffff, v16  }
0x37d: {  	[tilespmem:v42+s24+$0x0] =	vst.idx.msk $0xffff, v18  }
0x37e: {  	[tilespmem:v47+s24+$0x0] =	vst.idx.msk $0xffff, v7  }
0x37f: {  	v19 =	vor.u32 v20, v6;
	[tilespmem:v51+s24+$0x0] =	vst.idx.msk $0xffff, v11  }
0x380: {  	v50 =	vor.u32 v21, v0;
	v56 =	vor.u32 v22, v2;
	v60 =	vor.u32 v22, v4;
	v22 =	vld [tilespmem:$0x1FF90]  }
0x381: {  	v55 =	vor.u32 v21, v8;
	v13 =	vld.idx.msk [tilespmem:v37+s12+$0x0], $0xffff;
	_ =	sdelay $0x2  }
0x382: {  	v18 =	vld.idx.msk [tilespmem:v19+s12+$0x0], $0xffff  }
0x383: {  	v7 =	vld.idx.msk [tilespmem:v50+s12+$0x0], $0xffff;
	v61 =	vor.u32 v22, v54  }
0x384: {  	[tilespmem:v56+s24+$0x0] =	vst.idx.msk $0xffff, v13;
	v33 =	vld.idx.msk [tilespmem:v55+s12+$0x0], $0xffff;
	v34 =	vor.u32 v22, v5  }
0x385: {  	v32 =	vld [tilespmem:$0x1FAD0]  }
0x386: {  	v57 =	vor.u32 v21, v1  }
0x387: {  	v19 =	vor.u32 v21, v6;
	[tilespmem:v60+s24+$0x0] =	vst.idx.msk $0xffff, v18  }
0x388: {  	[tilespmem:v61+s24+$0x0] =	vst.idx.msk $0xffff, v7  }
0x389: {  	[tilespmem:v34+s24+$0x0] =	vst.idx.msk $0xffff, v33  }
0x38a: {  	v63 =	vor.u32 v32, v0;
	v9 =	vld [tilespmem:$0x1FFA0]  }
0x38b: {  	v13 =	vld.idx.msk [tilespmem:v57+s12+$0x0], $0xffff;
	v42 =	vor.u32 v22, v2;
	v37 =	vor.u32 v32, v8  }
0x38c: {  	v51 =	vld.idx.msk [tilespmem:v19+s12+$0x0], $0xffff;
	v50 =	vor.u32 v22, v4;
	v47 =	vor.u32 v32, v1  }
0x38d: {  	v55 =	vor.u32 v32, v6;
	_ =	sdelay $0x1  }
0x38e: {  	v0 =	vld.idx.msk [tilespmem:v63+s12+$0x0], $0xffff;
	v56 =	vor.u32 v9, v54  }
0x38f: {  	[tilespmem:v42+s24+$0x0] =	vst.idx.msk $0xffff, v13;
	v60 =	vld.idx.msk [tilespmem:v37+s12+$0x0], $0xffff;
	v57 =	vor.u32 v9, v5  }
0x390: {  	[tilespmem:v50+s24+$0x0] =	vst.idx.msk $0xffff, v51;
	v1 =	vld.idx.msk [tilespmem:v47+s12+$0x0], $0xffff;
	v61 =	vor.u32 v9, v2  }
0x391: {  	v6 =	vld.idx.msk [tilespmem:v55+s12+$0x0], $0xffff;
	v63 =	vor.u32 v9, v4  }
0x392: {  	s6 =	sshll.u32 s31, $0x11;
	s13 =	simm.s32 $0x0  }
0x393: {  	s8 =	sadd.s32 s1, s6;
	s7 =	sand.u32 $0xC000, s13;
	s6 =	sand.u32 $0x3, s13;
	[tilespmem:v56+s24+$0x0] =	vst.idx.msk $0xffff, v0  }
0x394: {  	s9 =	sor.u32 s4, s6;
	s13 =	sshrl.u32 s7, $0x2;
	s6 =	sshll.u32 s6, $0x7;
	[tilespmem:v57+s24+$0x0] =	vst.idx.msk $0xffff, v60  }
0x395: {  	s7 =	sadd.s32 s7, s8;
	s9 =	sshll.u32 s9, $0x7;
	s6 =	sor.u32 s6, s13;
	[tilespmem:v61+s24+$0x0] =	vst.idx.msk $0xffff, v1  }
0x396: {  	s7 =	sadd.s32 s9, s7;
	s15 =	sor.u32 $0xC000, s6;
	[tilespmem:v63+s24+$0x0] =	vst.idx.msk $0xffff, v6  }
0x397: {  	v47 =	vld [tilespmem:$0x1FE50];
	[hbm4b:s7+s3] =	stream.linear.scatter [tilespmem:s15], [sflag:$0x3], $0x80, $0x38  }
0x398: {  	s17 =	sor.u32 $0xC200, s6;
	s29 =	sadd.s32 $0x10, s7;
	v34 =	vld [tilespmem:$0x1FE60]  }
0x399: {  	v31 =	vmov v40;
	v40 =	vld [tilespmem:$0x1FE70];
	[hbm4b:s29+s3] =	stream.linear.scatter [tilespmem:s17], [sflag:$0x3], $0x80, $0x38  }
0x39a: {  	s13 =	simm.s32 $0x2000;
	s30 =	sor.u32 $0xC400, s6;
	s10 =	sadd.s32 $0x20, s7;
	v30 =	vmov v46;
	v46 =	vld [tilespmem:$0x1FE80]  }
0x39b: {  	v42 =	vld [tilespmem:$0x1FE90];
	[hbm4b:s10+s3] =	stream.linear.scatter [tilespmem:s30], [sflag:$0x3], $0x80, $0x38  }
0x39c: {  	v54 =	vld [tilespmem:$0x1FEA0];
	s15 =	sor.u32 $0xC600, s6;
	s17 =	sadd.s32 $0x30, s7;
	s29 =	sor.u32 $0xC800, s6  }
0x39d: {  	v22 =	vld [tilespmem:$0x1FEE0];
	[hbm4b:s17+s3] =	stream.linear.scatter [tilespmem:s15], [sflag:$0x3], $0x80, $0x38  }
0x39e: {  	v23 =	vld [tilespmem:$0x1FEF0];
	s30 =	sadd.s32 $0x40, s7;
	s10 =	simm.s32 $0x1;
	s17 =	sor.u32 $0xCA00, s6  }
0x39f: {  	v26 =	vmov v41;
	v41 =	vld [tilespmem:$0x1FCD0];
	[hbm4b:s30+s3] =	stream.linear.scatter [tilespmem:s29], [sflag:$0x3], $0x80, $0x38  }
0x3a0: {  	[tilespmem:$0x1FBE0] =	vst v21;
	v63 =	vld [tilespmem:$0x1FE30];
	s15 =	sadd.s32 $0x50, s7;
	s29 =	simm.s32 $0x1000;
	s30 =	sor.u32 $0xCC00, s6  }
0x3a1: {  	v37 =	vld [tilespmem:$0x1FE40];
	[hbm4b:s15+s3] =	stream.linear.scatter [tilespmem:s17], [sflag:$0x3], $0x80, $0x38  }
0x3a2: {  	[tilespmem:$0x1FBF0] =	vst v20;
	v20 =	vld [tilespmem:$0x1FED0];
	s6 =	sor.u32 $0xCE00, s6;
	s9 =	sand.u32 $0xC000, s29;
	s17 =	sadd.s32 $0x60, s7  }
0x3a3: {  	v21 =	vld [tilespmem:$0x1FCC0];
	[hbm4b:s17+s3] =	stream.linear.scatter [tilespmem:s30], [sflag:$0x3], $0x80, $0x38  }
0x3a4: {  	v29 =	vmovc v45;
	v27 =	vmovc v43;
	v28 =	vmov v39;
	v39 =	vmov v62;
	v61 =	vmov v59;
	v24 =	vld [tilespmem:$0x1FF00];
	s15 =	sand.u32 $0x3, s10;
	s7 =	sadd.s32 $0x70, s7;
	s17 =	simm.s32 $0x2  }
.LBB2_8:
0x3a5: {  	[hbm4b:s7+s3] =	stream.linear.scatter [tilespmem:s6], [sflag:$0x3], $0x80, $0x38;
	[tilespmem:$0x14000] =	vst v63  }
0x3a6: {  	s6 =	smov.u32 s17  }
0x3a7: {  	s7 =	sshrl.u32 s9, $0x2;
	s6 =	sor.u32 s4, s15;
	s15 =	sshll.u32 s15, $0x7  }
0x3a8: {  	s9 =	sadd.s32 s9, s8;
	s6 =	sshll.u32 s6, $0x7;
	s7 =	sor.u32 s15, s7  }
0x3a9: {  	s10 =	sadd.s32 s6, s9;
	s6 =	sor.u32 $0xC000, s7;
	s29 =	sor.u32 $0xC200, s7  }
0x3aa: {  	[hbm4b:s10+s3] =	stream.linear.scatter [tilespmem:s6], [sflag:$0x3], $0x80, $0x38;
	[tilespmem:$0x14000] =	vst v63  }
0x3ab: {  	s15 =	sand.u32 $0x3, s17;
	s9 =	sand.u32 $0xC000, s13;
	s6 =	sadd.s32 $0x10, s10  }
0x3ac: {  	[hbm4b:s6+s3] =	stream.linear.scatter [tilespmem:s29], [sflag:$0x3], $0x80, $0x38;
	[tilespmem:$0x14000] =	vst v63  }
0x3ad: {  	s30 =	sadd.s32 $0x20, s10;
	s29 =	sadd.s32 $0x1, s17;
	s6 =	sor.u32 $0xC400, s7  }
0x3ae: {  	[hbm4b:s30+s3] =	stream.linear.scatter [tilespmem:s6], [sflag:$0x3], $0x80, $0x38;
	[tilespmem:$0x14000] =	vst v63  }
0x3af: {  	p1 =	sne.s32 s17, $0xF;
	s17 =	sadd.s32 $0x30, s10;
	s6 =	sor.u32 $0xC600, s7  }
0x3b0: {  	[hbm4b:s17+s3] =	stream.linear.scatter [tilespmem:s6], [sflag:$0x3], $0x80, $0x38;
	[tilespmem:$0x14000] =	vst v63  }
0x3b1: {  	s6 =	sor.u32 $0xC800, s7;
	s17 =	sadd.s32 $0x40, s10  }
0x3b2: {  	[hbm4b:s17+s3] =	stream.linear.scatter [tilespmem:s6], [sflag:$0x3], $0x80, $0x38;
	[tilespmem:$0x14000] =	vst v63  }
.Ltmp2:
0x3b3: {  	s6 =	sor.u32 $0xCA00, s7;
	s17 =	sadd.s32 $0x50, s10;
	(pc) =	sbr.rel @p1 .LBB2_8-.Ltmp2, $4  }
0x3b4: {  	[hbm4b:s17+s3] =	stream.linear.scatter [tilespmem:s6], [sflag:$0x3], $0x80, $0x38;
	[tilespmem:$0x14000] =	vst v63  }
0x3b5: {  	s13 =	sadd.s32 $0x1000, s13;
	s6 =	sor.u32 $0xCC00, s7;
	s17 =	sadd.s32 $0x60, s10  }
0x3b6: {  	[hbm4b:s17+s3] =	stream.linear.scatter [tilespmem:s6], [sflag:$0x3], $0x80, $0x38;
	[tilespmem:$0x14000] =	vst v63  }
0x3b7: {  	s6 =	sor.u32 $0xCE00, s7;
	s7 =	sadd.s32 $0x70, s10;
	s17 =	smov.u32 s29  }
0x3b8: {  	[hbm4b:s7+s3] =	stream.linear.scatter [tilespmem:s6], [sflag:$0x3], $0x80, $0x38;
	[tilespmem:$0x14000] =	vst v63  }
0x3b9: {  	s29 =	sor.u32 s4, s15;
	s30 =	sshrl.u32 s9, $0x2;
	s10 =	sshll.u32 s15, $0x7  }
0x3ba: {  	s8 =	sadd.s32 s9, s8;
	s6 =	sshll.u32 s29, $0x7;
	s7 =	sor.u32 s10, s30  }
0x3bb: {  	s6 =	sadd.s32 s6, s8;
	s9 =	sor.u32 $0xC000, s7  }
0x3bc: {  	[hbm4b:s6+s3] =	stream.linear.scatter [tilespmem:s9], [sflag:$0x3], $0x80, $0x38;
	[tilespmem:$0x14000] =	vst v63  }
0x3bd: {  	s10 =	sor.u32 $0xC200, s7;
	s13 =	sadd.s32 $0x10, s6  }
0x3be: {  	[hbm4b:s13+s3] =	stream.linear.scatter [tilespmem:s10], [sflag:$0x3], $0x80, $0x38;
	[tilespmem:$0x14000] =	vst v63  }
0x3bf: {  	s15 =	sor.u32 $0xC400, s7;
	s17 =	sadd.s32 $0x20, s6  }
0x3c0: {  	[hbm4b:s17+s3] =	stream.linear.scatter [tilespmem:s15], [sflag:$0x3], $0x80, $0x38;
	[tilespmem:$0x14000] =	vst v63  }
0x3c1: {  	s29 =	sor.u32 $0xC600, s7;
	s30 =	sadd.s32 $0x30, s6  }
0x3c2: {  	[hbm4b:s30+s3] =	stream.linear.scatter [tilespmem:s29], [sflag:$0x3], $0x80, $0x38;
	[tilespmem:$0x14000] =	vst v63  }
0x3c3: {  	s10 =	sor.u32 $0xC800, s7;
	s13 =	sadd.s32 $0x40, s6  }
0x3c4: {  	[hbm4b:s13+s3] =	stream.linear.scatter [tilespmem:s10], [sflag:$0x3], $0x80, $0x38;
	[tilespmem:$0x14000] =	vst v63  }
0x3c5: {  	p1 =	sne.s32 s31, $0xC;
	s15 =	sor.u32 $0xCA00, s7;
	s17 =	sadd.s32 $0x50, s6  }
0x3c6: {  	[hbm4b:s17+s3] =	stream.linear.scatter [tilespmem:s15], [sflag:$0x3], $0x80, $0x38;
	[tilespmem:$0x14000] =	vst v63  }
.Ltmp3:
0x3c7: {  	_ = 	snop;
	(pc) =	sbr.rel @p1 .LBB2_12-.Ltmp3, $4  }
0x3c8: {  	s29 =	sor.u32 $0xCC00, s7;
	s30 =	sadd.s32 $0x60, s6  }
0x3c9: {  	[hbm4b:s30+s3] =	stream.linear.scatter [tilespmem:s29], [sflag:$0x3], $0x80, $0x38;
	[tilespmem:$0x14000] =	vst v63  }
0x3ca: {  	s7 =	sor.u32 $0xCE00, s7;
	s6 =	sadd.s32 $0x70, s6  }
0x3cb: {  	[hbm4b:s6+s3] =	stream.linear.scatter [tilespmem:s7], [sflag:$0x3], $0x80, $0x38;
	[tilespmem:$0x14000] =	vst v63  }
.Ltmp4:
0x3cc: {  	(pc) =	sbr.rel .LBB2_11-.Ltmp4, $4  }
0x3cd: {  	_ = 	snop  }
0x3ce: {  	_ =	swait.ge [sflag:s25], $0x4000  }
0x3cf: {  	[sflag:s25] =	ssyncset.done $0x0  }
0x3d0: {  	[sflag:s25] =	ssyncadd.s32 $0xFFFFC000  }
.LBB2_12:
0x3d1: {  	s2 =	sadd.s32 $0x2, s2  }
0x3d2: {  	s6 =	sshll.u32 s2, $0x9;
	s2 =	sshll.u32 s2, $0x7  }
0x3d3: {  	s6 =	sand.u32 $0x7000, s6;
	s2 =	sand.u32 $0x300, s2  }
0x3d4: {  	s2 =	sor.u32 s2, s6  }
0x3d5: {  	[tilespmem:s12], [sflag:$0x1] =	stream.indirect.gather [hbm4b:s5+s11], $0x20, s2, s11, $0xb8;
	[tilespmem:$0x14000] =	vst v63  }
0x3d6: {  	s6 =	sor.u32 $0x400, s2  }
0x3d7: {  	[tilespmem:s14], [sflag:$0x1] =	stream.indirect.gather [hbm4b:s5+s11], $0x20, s6, s11, $0xb8;
	[tilespmem:$0x14000] =	vst v63  }
0x3d8: {  	s30 =	sor.u32 $0x800, s2  }
0x3d9: {  	[tilespmem:s16], [sflag:$0x1] =	stream.indirect.gather [hbm4b:s5+s11], $0x20, s30, s11, $0xb8;
	[tilespmem:$0x14000] =	vst v63  }
.Ltmp5:
0x3da: {  	s2 =	sor.u32 $0xC00, s2;
	(pc) =	sbr.rel @!p0 .LBB2_13-.Ltmp5, $4  }
0x3db: {  	[tilespmem:s18], [sflag:$0x1] =	stream.indirect.gather [hbm4b:s5+s11], $0x20, s2, s11, $0xb8;
	[tilespmem:$0x14000] =	vst v63  }
0x3dc: {  	_ =	swait.ge [sflag:s25], $0x4000  }
0x3dd: {  	[sflag:s25] =	ssyncset.done $0x0  }
0x3de: {  	[sflag:s25] =	ssyncadd.s32 $0xFFFFC000  }
.LBB2_11:
0x3df: {  	_ =	swait.ge [sflag:s26], $0x4000  }
0x3e0: {  	[sflag:s26] =	ssyncset.done $0x0  }
0x3e1: {  	[sflag:s26] =	ssyncadd.s32 $0xFFFFC000  }
.LBB2_13:
0x3e2: {  	s6 =	simm.s32 $0x0  }
0x3e3: {  	s7 =	simm.s32 $0x10;
	v0 =	vor.u32 s6, v44  }
0x3e4: {  	v1 =	vor.u32 s7, v44;
	v7 =	vshll.u32 v0, $0x5  }
0x3e5: {  	v3 =	vshll.u32 v1, $0x5;
	v4 =	vor.u32 v44, v7  }
0x3e6: {  	s30 =	simm.s32 $0x20;
	v8 =	vor.u32 v44, v3  }
0x3e7: {  	s2 =	simm.s32 $0x30;
	v9 =	vor.u32 s30, v44  }
0x3e8: {  	v10 =	vor.u32 s2, v44;
	v5 =	vshll.u32 v9, $0x5  }
0x3e9: {  	v2 =	vshll.u32 v10, $0x5;
	v6 =	vand.u32 $0x1C8, v0;
	v11 =	vor.u32 v44, v5  }
0x3ea: {  	v0 =	vand.u32 $0x1D8, v1;
	v12 =	vor.u32 v44, v2;
	v14 =	vor.u32 v52, v6;
	v13 =	vld.idx.msk [tilespmem:v4+s19+$0x0], $0xffff  }
0x3eb: {  	v15 =	vor.u32 v53, v7;
	v16 =	vor.u32 v52, v0;
	v8 =	vld.idx.msk [tilespmem:v8+s19+$0x0], $0xffff  }
0x3ec: {  	v17 =	vor.u32 v53, v3  }
0x3ed: {  	v4 =	vand.u32 $0x1E8, v9  }
0x3ee: {  	v1 =	vand.u32 $0x1F8, v10;
	v9 =	vld.idx.msk [tilespmem:v11+s19+$0x0], $0xffff;
	v10 =	vor.u32 v52, v4  }
0x3ef: {  	v18 =	vor.u32 v53, v5;
	v11 =	vld.idx.msk [tilespmem:v12+s19+$0x0], $0xffff;
	v12 =	vor.u32 v52, v1;
	[tilespmem:v14+s28+$0x0] =	vst.idx.msk $0xffff, v13  }
0x3f0: {  	v13 =	vor.u32 v53, v2;
	[tilespmem:v16+s28+$0x0] =	vst.idx.msk $0xffff, v8;
	v8 =	vor.u32 v35, v6;
	v14 =	vld.idx.msk [tilespmem:v15+s19+$0x0], $0xffff  }
0x3f1: {  	v16 =	vor.u32 v36, v7;
	v15 =	vld.idx.msk [tilespmem:v17+s19+$0x0], $0xffff;
	v17 =	vor.u32 v35, v0  }
0x3f2: {  	v19 =	vor.u32 v36, v3  }
0x3f3: {  	[tilespmem:v10+s28+$0x0] =	vst.idx.msk $0xffff, v9  }
0x3f4: {  	[tilespmem:v12+s28+$0x0] =	vst.idx.msk $0xffff, v11;
	v10 =	vor.u32 v35, v4;
	v9 =	vld.idx.msk [tilespmem:v18+s19+$0x0], $0xffff  }
0x3f5: {  	v12 =	vor.u32 v35, v1;
	v11 =	vld.idx.msk [tilespmem:v13+s19+$0x0], $0xffff;
	v13 =	vor.u32 v36, v5;
	[tilespmem:v8+s28+$0x0] =	vst.idx.msk $0xffff, v14  }
0x3f6: {  	v8 =	vor.u32 v36, v2;
	[tilespmem:v17+s28+$0x0] =	vst.idx.msk $0xffff, v15;
	v15 =	vor.u32 v38, v6;
	v14 =	vld.idx.msk [tilespmem:v16+s19+$0x0], $0xffff  }
0x3f7: {  	v18 =	vor.u32 v38, v0;
	v17 =	vor.u32 v28, v7;
	v16 =	vld.idx.msk [tilespmem:v19+s19+$0x0], $0xffff  }
0x3f8: {  	v19 =	vor.u32 v28, v3  }
0x3f9: {  	[tilespmem:v10+s28+$0x0] =	vst.idx.msk $0xffff, v9  }
0x3fa: {  	v10 =	vor.u32 v38, v4;
	[tilespmem:v12+s28+$0x0] =	vst.idx.msk $0xffff, v11;
	v9 =	vld.idx.msk [tilespmem:v13+s19+$0x0], $0xffff  }
0x3fb: {  	v11 =	vor.u32 v38, v1;
	v12 =	vor.u32 v28, v5;
	v8 =	vld.idx.msk [tilespmem:v8+s19+$0x0], $0xffff;
	[tilespmem:v15+s28+$0x0] =	vst.idx.msk $0xffff, v14  }
0x3fc: {  	v13 =	vor.u32 v28, v2;
	[tilespmem:v18+s28+$0x0] =	vst.idx.msk $0xffff, v16;
	v15 =	vor.u32 v26, v6;
	v14 =	vld.idx.msk [tilespmem:v17+s19+$0x0], $0xffff  }
0x3fd: {  	v18 =	vor.u32 v26, v0;
	v16 =	vld.idx.msk [tilespmem:v19+s19+$0x0], $0xffff;
	v17 =	vor.u32 v27, v7  }
0x3fe: {  	v19 =	vor.u32 v27, v3  }
0x3ff: {  	[tilespmem:v10+s28+$0x0] =	vst.idx.msk $0xffff, v9  }
0x400: {  	v9 =	vor.u32 v26, v4;
	[tilespmem:v11+s28+$0x0] =	vst.idx.msk $0xffff, v8;
	v8 =	vld.idx.msk [tilespmem:v12+s19+$0x0], $0xffff  }
0x401: {  	v11 =	vor.u32 v26, v1;
	v12 =	vor.u32 v27, v5;
	v10 =	vld.idx.msk [tilespmem:v13+s19+$0x0], $0xffff;
	[tilespmem:v15+s28+$0x0] =	vst.idx.msk $0xffff, v14  }
0x402: {  	v13 =	vor.u32 v27, v2;
	[tilespmem:v18+s28+$0x0] =	vst.idx.msk $0xffff, v16;
	v15 =	vor.u32 v31, v6;
	v14 =	vld.idx.msk [tilespmem:v17+s19+$0x0], $0xffff  }
0x403: {  	v18 =	vor.u32 v31, v0;
	v16 =	vld.idx.msk [tilespmem:v19+s19+$0x0], $0xffff;
	v17 =	vor.u32 v29, v7  }
0x404: {  	v19 =	vor.u32 v29, v3  }
0x405: {  	[tilespmem:v9+s28+$0x0] =	vst.idx.msk $0xffff, v8  }
0x406: {  	v9 =	vor.u32 v31, v4;
	[tilespmem:v11+s28+$0x0] =	vst.idx.msk $0xffff, v10;
	v8 =	vld.idx.msk [tilespmem:v12+s19+$0x0], $0xffff  }
0x407: {  	v11 =	vor.u32 v31, v1;
	v12 =	vor.u32 v29, v5;
	v10 =	vld.idx.msk [tilespmem:v13+s19+$0x0], $0xffff;
	[tilespmem:v15+s28+$0x0] =	vst.idx.msk $0xffff, v14  }
0x408: {  	v13 =	vor.u32 v29, v2;
	[tilespmem:v18+s28+$0x0] =	vst.idx.msk $0xffff, v16;
	v15 =	vor.u32 v30, v6;
	v14 =	vld.idx.msk [tilespmem:v17+s19+$0x0], $0xffff  }
0x409: {  	v18 =	vor.u32 v30, v0;
	v16 =	vld.idx.msk [tilespmem:v19+s19+$0x0], $0xffff;
	v17 =	vor.u32 v58, v7  }
0x40a: {  	v19 =	vor.u32 v58, v3  }
0x40b: {  	[tilespmem:v9+s28+$0x0] =	vst.idx.msk $0xffff, v8  }
0x40c: {  	v9 =	vor.u32 v30, v4;
	[tilespmem:v11+s28+$0x0] =	vst.idx.msk $0xffff, v10;
	v8 =	vld.idx.msk [tilespmem:v12+s19+$0x0], $0xffff  }
0x40d: {  	v11 =	vor.u32 v30, v1;
	v12 =	vor.u32 v58, v5;
	v10 =	vld.idx.msk [tilespmem:v13+s19+$0x0], $0xffff;
	[tilespmem:v15+s28+$0x0] =	vst.idx.msk $0xffff, v14  }
0x40e: {  	v13 =	vor.u32 v58, v2;
	[tilespmem:v18+s28+$0x0] =	vst.idx.msk $0xffff, v16;
	v15 =	vor.u32 v63, v6;
	v14 =	vld.idx.msk [tilespmem:v17+s19+$0x0], $0xffff  }
0x40f: {  	v18 =	vor.u32 v63, v0;
	v16 =	vld.idx.msk [tilespmem:v19+s19+$0x0], $0xffff;
	v17 =	vor.u32 v37, v7  }
0x410: {  	v19 =	vor.u32 v37, v3  }
0x411: {  	[tilespmem:v9+s28+$0x0] =	vst.idx.msk $0xffff, v8  }
0x412: {  	v9 =	vor.u32 v63, v4;
	[tilespmem:v11+s28+$0x0] =	vst.idx.msk $0xffff, v10;
	v8 =	vld.idx.msk [tilespmem:v12+s19+$0x0], $0xffff  }
0x413: {  	v11 =	vor.u32 v63, v1;
	v12 =	vor.u32 v37, v5;
	v10 =	vld.idx.msk [tilespmem:v13+s19+$0x0], $0xffff;
	[tilespmem:v15+s28+$0x0] =	vst.idx.msk $0xffff, v14  }
0x414: {  	v13 =	vor.u32 v37, v2;
	[tilespmem:v18+s28+$0x0] =	vst.idx.msk $0xffff, v16;
	v15 =	vor.u32 v47, v6;
	v14 =	vld.idx.msk [tilespmem:v17+s19+$0x0], $0xffff  }
0x415: {  	v18 =	vor.u32 v47, v0;
	v16 =	vld.idx.msk [tilespmem:v19+s19+$0x0], $0xffff;
	v17 =	vor.u32 v34, v7  }
0x416: {  	v19 =	vor.u32 v34, v3  }
0x417: {  	[tilespmem:v9+s28+$0x0] =	vst.idx.msk $0xffff, v8  }
0x418: {  	v9 =	vor.u32 v47, v4;
	[tilespmem:v11+s28+$0x0] =	vst.idx.msk $0xffff, v10;
	v8 =	vld.idx.msk [tilespmem:v12+s19+$0x0], $0xffff  }
0x419: {  	v11 =	vor.u32 v47, v1;
	v12 =	vor.u32 v34, v5;
	v10 =	vld.idx.msk [tilespmem:v13+s19+$0x0], $0xffff;
	[tilespmem:v15+s28+$0x0] =	vst.idx.msk $0xffff, v14  }
0x41a: {  	v13 =	vor.u32 v34, v2;
	[tilespmem:v18+s28+$0x0] =	vst.idx.msk $0xffff, v16;
	v15 =	vor.u32 v40, v6;
	v14 =	vld.idx.msk [tilespmem:v17+s19+$0x0], $0xffff  }
0x41b: {  	v18 =	vor.u32 v40, v0;
	v16 =	vld.idx.msk [tilespmem:v19+s19+$0x0], $0xffff;
	v17 =	vor.u32 v46, v7  }
0x41c: {  	v19 =	vor.u32 v46, v3  }
0x41d: {  	[tilespmem:v9+s28+$0x0] =	vst.idx.msk $0xffff, v8  }
0x41e: {  	v9 =	vor.u32 v40, v4;
	[tilespmem:v11+s28+$0x0] =	vst.idx.msk $0xffff, v10;
	v8 =	vld.idx.msk [tilespmem:v12+s19+$0x0], $0xffff  }
0x41f: {  	v11 =	vor.u32 v46, v5;
	v12 =	vor.u32 v40, v1;
	v10 =	vld.idx.msk [tilespmem:v13+s19+$0x0], $0xffff;
	[tilespmem:v15+s28+$0x0] =	vst.idx.msk $0xffff, v14  }
0x420: {  	v13 =	vor.u32 v46, v2;
	[tilespmem:v18+s28+$0x0] =	vst.idx.msk $0xffff, v16;
	v15 =	vor.u32 v42, v6;
	v14 =	vld.idx.msk [tilespmem:v17+s19+$0x0], $0xffff  }
0x421: {  	v18 =	vor.u32 v42, v0;
	v16 =	vld.idx.msk [tilespmem:v19+s19+$0x0], $0xffff;
	v17 =	vor.u32 v54, v7  }
0x422: {  	v19 =	vor.u32 v54, v3  }
0x423: {  	[tilespmem:v9+s28+$0x0] =	vst.idx.msk $0xffff, v8  }
0x424: {  	v9 =	vor.u32 v42, v4;
	v8 =	vld.idx.msk [tilespmem:v11+s19+$0x0], $0xffff;
	[tilespmem:v12+s28+$0x0] =	vst.idx.msk $0xffff, v10  }
0x425: {  	v11 =	vor.u32 v54, v5;
	v12 =	vor.u32 v42, v1;
	v10 =	vld.idx.msk [tilespmem:v13+s19+$0x0], $0xffff;
	[tilespmem:v15+s28+$0x0] =	vst.idx.msk $0xffff, v14  }
0x426: {  	v13 =	vor.u32 v54, v2;
	[tilespmem:v18+s28+$0x0] =	vst.idx.msk $0xffff, v16;
	v15 =	vor.u32 v49, v6;
	v14 =	vld.idx.msk [tilespmem:v17+s19+$0x0], $0xffff  }
0x427: {  	v18 =	vor.u32 v49, v0;
	v16 =	vld.idx.msk [tilespmem:v19+s19+$0x0], $0xffff;
	v17 =	vor.u32 v48, v7  }
0x428: {  	v19 =	vor.u32 v48, v3  }
0x429: {  	[tilespmem:v9+s28+$0x0] =	vst.idx.msk $0xffff, v8  }
0x42a: {  	v9 =	vor.u32 v49, v4;
	v8 =	vld.idx.msk [tilespmem:v11+s19+$0x0], $0xffff;
	[tilespmem:v12+s28+$0x0] =	vst.idx.msk $0xffff, v10  }
0x42b: {  	v11 =	vor.u32 v48, v5;
	v12 =	vor.u32 v49, v1;
	v10 =	vld.idx.msk [tilespmem:v13+s19+$0x0], $0xffff;
	[tilespmem:v15+s28+$0x0] =	vst.idx.msk $0xffff, v14  }
0x42c: {  	v13 =	vor.u32 v48, v2;
	[tilespmem:v18+s28+$0x0] =	vst.idx.msk $0xffff, v16;
	v15 =	vor.u32 v20, v6;
	v14 =	vld.idx.msk [tilespmem:v17+s19+$0x0], $0xffff  }
0x42d: {  	v18 =	vor.u32 v20, v0;
	v16 =	vld.idx.msk [tilespmem:v19+s19+$0x0], $0xffff;
	v17 =	vor.u32 v21, v7  }
0x42e: {  	v19 =	vor.u32 v21, v3  }
0x42f: {  	[tilespmem:v9+s28+$0x0] =	vst.idx.msk $0xffff, v8  }
0x430: {  	v9 =	vor.u32 v20, v4;
	v8 =	vld.idx.msk [tilespmem:v11+s19+$0x0], $0xffff;
	[tilespmem:v12+s28+$0x0] =	vst.idx.msk $0xffff, v10  }
0x431: {  	v11 =	vor.u32 v21, v5;
	v12 =	vor.u32 v20, v1;
	v10 =	vld.idx.msk [tilespmem:v13+s19+$0x0], $0xffff;
	[tilespmem:v15+s28+$0x0] =	vst.idx.msk $0xffff, v14  }
0x432: {  	v13 =	vor.u32 v21, v2;
	[tilespmem:v18+s28+$0x0] =	vst.idx.msk $0xffff, v16;
	v15 =	vor.u32 v22, v6;
	v14 =	vld.idx.msk [tilespmem:v17+s19+$0x0], $0xffff  }
0x433: {  	v18 =	vor.u32 v22, v0;
	v16 =	vld.idx.msk [tilespmem:v19+s19+$0x0], $0xffff;
	v17 =	vor.u32 v23, v7  }
0x434: {  	v19 =	vor.u32 v23, v3  }
0x435: {  	[tilespmem:v9+s28+$0x0] =	vst.idx.msk $0xffff, v8  }
0x436: {  	v9 =	vor.u32 v22, v4;
	v8 =	vld.idx.msk [tilespmem:v11+s19+$0x0], $0xffff;
	[tilespmem:v12+s28+$0x0] =	vst.idx.msk $0xffff, v10  }
0x437: {  	v12 =	vor.u32 v22, v1;
	v10 =	vld.idx.msk [tilespmem:v13+s19+$0x0], $0xffff;
	[tilespmem:v15+s28+$0x0] =	vst.idx.msk $0xffff, v14  }
0x438: {  	[tilespmem:v18+s28+$0x0] =	vst.idx.msk $0xffff, v16;
	v15 =	vor.u32 v24, v6;
	v14 =	vld.idx.msk [tilespmem:v17+s19+$0x0], $0xffff  }
0x439: {  	v18 =	vor.u32 v24, v0;
	v16 =	vld.idx.msk [tilespmem:v19+s19+$0x0], $0xffff;
	_ =	sdelay $0x1  }
0x43a: {  	[tilespmem:v9+s28+$0x0] =	vst.idx.msk $0xffff, v8  }
0x43b: {  	[tilespmem:v12+s28+$0x0] =	vst.idx.msk $0xffff, v10  }
0x43c: {  	v11 =	vor.u32 v23, v5;
	[tilespmem:v15+s28+$0x0] =	vst.idx.msk $0xffff, v14  }
0x43d: {  	v13 =	vor.u32 v23, v2;
	[tilespmem:v18+s28+$0x0] =	vst.idx.msk $0xffff, v16  }
0x43e: {  	v17 =	vor.u32 v41, v7;
	v20 =	vld [tilespmem:$0x1FF10]  }
0x43f: {  	v19 =	vor.u32 v41, v3;
	_ =	sdelay $0x1  }
0x440: {  	v9 =	vor.u32 v24, v4;
	v8 =	vld.idx.msk [tilespmem:v11+s19+$0x0], $0xffff  }
0x441: {  	v12 =	vor.u32 v24, v1;
	v10 =	vld.idx.msk [tilespmem:v13+s19+$0x0], $0xffff  }
0x442: {  	v14 =	vld.idx.msk [tilespmem:v17+s19+$0x0], $0xffff;
	v15 =	vor.u32 v20, v6  }
0x443: {  	v16 =	vld.idx.msk [tilespmem:v19+s19+$0x0], $0xffff;
	v18 =	vor.u32 v20, v0  }
0x444: {  	v58 =	vld [tilespmem:$0x1FF20]  }
0x445: {  	[tilespmem:v9+s28+$0x0] =	vst.idx.msk $0xffff, v8  }
0x446: {  	[tilespmem:v12+s28+$0x0] =	vst.idx.msk $0xffff, v10  }
0x447: {  	v11 =	vor.u32 v41, v5;
	[tilespmem:v15+s28+$0x0] =	vst.idx.msk $0xffff, v14  }
0x448: {  	v13 =	vor.u32 v41, v2;
	[tilespmem:v18+s28+$0x0] =	vst.idx.msk $0xffff, v16  }
0x449: {  	v17 =	vor.u32 v58, v7;
	v9 =	vor.u32 v20, v4;
	v12 =	vor.u32 v20, v1;
	v20 =	vld [tilespmem:$0x1FCE0]  }
0x44a: {  	v19 =	vor.u32 v58, v3;
	_ =	sdelay $0x1  }
0x44b: {  	v8 =	vld.idx.msk [tilespmem:v11+s19+$0x0], $0xffff  }
0x44c: {  	v10 =	vld.idx.msk [tilespmem:v13+s19+$0x0], $0xffff  }
0x44d: {  	v14 =	vld.idx.msk [tilespmem:v17+s19+$0x0], $0xffff;
	v15 =	vor.u32 v20, v6  }
0x44e: {  	v16 =	vld.idx.msk [tilespmem:v19+s19+$0x0], $0xffff;
	v18 =	vor.u32 v20, v0  }
0x44f: {  	v59 =	vld [tilespmem:$0x1FE20]  }
0x450: {  	[tilespmem:v9+s28+$0x0] =	vst.idx.msk $0xffff, v8  }
0x451: {  	[tilespmem:v12+s28+$0x0] =	vst.idx.msk $0xffff, v10  }
0x452: {  	v11 =	vor.u32 v58, v5;
	[tilespmem:v15+s28+$0x0] =	vst.idx.msk $0xffff, v14  }
0x453: {  	v13 =	vor.u32 v58, v2;
	[tilespmem:v18+s28+$0x0] =	vst.idx.msk $0xffff, v16  }
0x454: {  	v17 =	vor.u32 v59, v7;
	v9 =	vor.u32 v20, v4;
	v12 =	vor.u32 v20, v1;
	v20 =	vld [tilespmem:$0x1FCF0]  }
0x455: {  	v19 =	vor.u32 v59, v3;
	_ =	sdelay $0x1  }
0x456: {  	v8 =	vld.idx.msk [tilespmem:v11+s19+$0x0], $0xffff  }
0x457: {  	v10 =	vld.idx.msk [tilespmem:v13+s19+$0x0], $0xffff  }
0x458: {  	v14 =	vld.idx.msk [tilespmem:v17+s19+$0x0], $0xffff;
	v15 =	vor.u32 v20, v6  }
0x459: {  	v16 =	vld.idx.msk [tilespmem:v19+s19+$0x0], $0xffff;
	v18 =	vor.u32 v20, v0;
	_ =	sdelay $0x1  }
0x45a: {  	[tilespmem:v9+s28+$0x0] =	vst.idx.msk $0xffff, v8  }
0x45b: {  	[tilespmem:v12+s28+$0x0] =	vst.idx.msk $0xffff, v10  }
0x45c: {  	v11 =	vor.u32 v59, v5;
	[tilespmem:v15+s28+$0x0] =	vst.idx.msk $0xffff, v14  }
0x45d: {  	v13 =	vor.u32 v59, v2;
	[tilespmem:v18+s28+$0x0] =	vst.idx.msk $0xffff, v16  }
0x45e: {  	v17 =	vor.u32 v61, v7;
	v8 =	vld [tilespmem:$0x1FF30];
	_ =	sdelay $0x2  }
0x45f: {  	v9 =	vld.idx.msk [tilespmem:v11+s19+$0x0], $0xffff;
	v10 =	vor.u32 v20, v4  }
0x460: {  	v11 =	vld.idx.msk [tilespmem:v13+s19+$0x0], $0xffff;
	v13 =	vor.u32 v20, v1  }
0x461: {  	v19 =	vor.u32 v61, v3;
	v20 =	vld.idx.msk [tilespmem:v17+s19+$0x0], $0xffff;
	v16 =	vor.u32 v8, v6;
	_ =	sdelay $0x2  }
0x462: {  	v12 =	vor.u32 v61, v5;
	[tilespmem:v10+s28+$0x0] =	vst.idx.msk $0xffff, v9  }
0x463: {  	v15 =	vor.u32 v61, v2;
	v9 =	vld [tilespmem:$0x1FF40];
	[tilespmem:v13+s28+$0x0] =	vst.idx.msk $0xffff, v11  }
0x464: {  	v60 =	vor.u32 v39, v7;
	v19 =	vld.idx.msk [tilespmem:v19+s19+$0x0], $0xffff;
	[tilespmem:v16+s28+$0x0] =	vst.idx.msk $0xffff, v20  }
0x465: {  	v62 =	vor.u32 v8, v0;
	v13 =	vld [tilespmem:$0x1FB90];
	_ =	sdelay $0x1  }
0x466: {  	v51 =	vmovc v35;
	v43 =	vor.u32 v39, v3;
	v52 =	vmov v34;
	v53 =	vmov v54;
	v10 =	vld.idx.msk [tilespmem:v12+s19+$0x0], $0xffff  }
0x467: {  	v49 =	vmovc v39;
	v48 =	vmov v37;
	v18 =	vor.u32 v39, v2;
	v12 =	vor.u32 v39, v5;
	v11 =	vld.idx.msk [tilespmem:v15+s19+$0x0], $0xffff  }
0x468: {  	v14 =	vor.u32 v8, v4;
	v17 =	vor.u32 v8, v1;
	v9 =	vor.u32 v9, v6;
	v16 =	vld.idx.msk [tilespmem:v60+s19+$0x0], $0xffff  }
0x469: {  	s31 =	sadd.s32 $0x1, s31;
	s8 =	simm.s32 $0x70;
	s2 =	simm.s32 $0x0;
	[tilespmem:v62+s28+$0x0] =	vst.idx.msk $0xffff, v19;
	v62 =	vmovc v30;
	v60 =	vmov v31;
	v15 =	vor.u32 v13, v7;
	v30 =	vmov v13  }
.LBB2_14:
0x46a: {  	v8 =	vld [tilespmem:$0x1FB90];
	_ =	sdelay $0x4  }
0x46b: {  	v33 =	vor.u32 v8, v5;
	v8 =	vld [tilespmem:$0x1FB90]  }
0x46c: {  	s7 =	sadd.s32 $0xFFFFFFE0, s8;
	v36 =	vld [tilespmem:$0x1FF40]  }
0x46d: {  	v19 =	vor.u32 s8, v44;
	v41 =	vld [tilespmem:$0x1FBD0];
	v23 =	vor.u32 s7, v44  }
0x46e: {  	s6 =	sadd.s32 $0xFFFFFFD0, s8;
	v59 =	vld [tilespmem:$0x1FFB0];
	v13 =	vshll.u32 v19, $0x5;
	[tilespmem:v17+s28+$0x0] =	vst.idx.msk $0xffff, v11;
	v11 =	vshll.u32 v23, $0x5  }
0x46f: {  	v37 =	vld [tilespmem:$0x1FC10];
	v22 =	vor.u32 s6, v44;
	v24 =	vor.u32 v44, v13;
	[tilespmem:v14+s28+$0x0] =	vst.idx.msk $0xffff, v10;
	v27 =	vor.u32 v49, v11  }
0x470: {  	v14 =	vshll.u32 v22, $0x5;
	[tilespmem:v9+s28+$0x0] =	vst.idx.msk $0xffff, v16;
	v9 =	vld.idx.msk [tilespmem:v43+s19+$0x0], $0xffff;
	v34 =	vor.u32 v8, v3;
	v8 =	vmov v27  }
0x471: {  	v17 =	vor.u32 v44, v14;
	[tilespmem:$0x1F910] =	vst v8;
	v8 =	vld [tilespmem:$0x1FC00]  }
0x472: {  	v21 =	vor.u32 v36, v1;
	v18 =	vld.idx.msk [tilespmem:v18+s19+$0x0], $0xffff;
	v26 =	vor.u32 v44, v11  }
0x473: {  	v25 =	vld.idx.msk [tilespmem:v12+s19+$0x0], $0xffff;
	v32 =	vor.u32 v36, v0  }
0x474: {  	v29 =	vor.u32 v30, v2;
	v20 =	vor.u32 v36, v4;
	v30 =	vld.idx.msk [tilespmem:v15+s19+$0x0], $0xffff  }
0x475: {  	s30 =	sadd.s32 $0xFFFFFFF0, s8;
	v15 =	vand.u32 $0x1F8, v19;
	v19 =	vor.u32 v59, v6;
	v24 =	vld.idx.msk [tilespmem:v24+s19+$0x0], $0xffff  }
0x476: {  	v55 =	vor.u32 s30, v44;
	v10 =	vand.u32 $0x1D8, v23;
	v57 =	vld.idx.msk [tilespmem:v17+s19+$0x0], $0xffff;
	v58 =	vor.u32 v8, v15  }
0x477: {  	v12 =	vshll.u32 v55, $0x5;
	v43 =	vld.idx.msk [tilespmem:v26+s19+$0x0], $0xffff;
	[tilespmem:v21+s28+$0x0] =	vst.idx.msk $0xffff, v18;
	v50 =	vor.u32 v8, v10  }
0x478: {  	v28 =	vor.u32 v44, v12;
	[tilespmem:v32+s28+$0x0] =	vst.idx.msk $0xffff, v9;
	v9 =	vld [tilespmem:$0x1FC50]  }
0x479: {  	v31 =	vor.u32 v41, v7;
	[tilespmem:v20+s28+$0x0] =	vst.idx.msk $0xffff, v25;
	v23 =	vld.idx.msk [tilespmem:v29+s19+$0x0], $0xffff  }
0x47a: {  	[tilespmem:v19+s28+$0x0] =	vst.idx.msk $0xffff, v30;
	v19 =	vld.idx.msk [tilespmem:v34+s19+$0x0], $0xffff  }
0x47b: {  	v16 =	vand.u32 $0x1C8, v22;
	[tilespmem:v58+s28+$0x0] =	vst.idx.msk $0xffff, v24;
	v58 =	vld [tilespmem:$0x1FFC0]  }
0x47c: {  	v45 =	vor.u32 v37, v13;
	v20 =	vor.u32 v8, v16;
	[tilespmem:v50+s28+$0x0] =	vst.idx.msk $0xffff, v43;
	v43 =	vld [tilespmem:$0x1FB40]  }
0x47d: {  	v18 =	vor.u32 v37, v14;
	v17 =	vand.u32 $0x1E8, v55;
	v28 =	vld.idx.msk [tilespmem:v28+s19+$0x0], $0xffff  }
0x47e: {  	v29 =	vor.u32 v37, v11;
	v22 =	vld.idx.msk [tilespmem:v31+s19+$0x0], $0xffff;
	v35 =	vor.u32 v8, v17  }
0x47f: {  	v32 =	vor.u32 v37, v12;
	v37 =	vld [tilespmem:$0x1FC60];
	v8 =	vor.u32 v36, v16;
	v24 =	vor.u32 v59, v1  }
0x480: {  	v55 =	vor.u32 v41, v2;
	[tilespmem:$0x1F920] =	vst v8;
	v8 =	vld [tilespmem:$0x1FC30];
	v54 =	vor.u32 v58, v6  }
0x481: {  	v56 =	vor.u32 v51, v15;
	[tilespmem:v20+s28+$0x0] =	vst.idx.msk $0xffff, v57;
	v20 =	vld.idx.msk [tilespmem:v45+s19+$0x0], $0xffff;
	v57 =	vor.u32 v43, v7  }
0x482: {  	v30 =	vld.idx.msk [tilespmem:v18+s19+$0x0], $0xffff  }
0x483: {  	[tilespmem:v35+s28+$0x0] =	vst.idx.msk $0xffff, v28;
	v29 =	vld.idx.msk [tilespmem:v29+s19+$0x0], $0xffff  }
0x484: {  	v18 =	vld.idx.msk [tilespmem:v33+s19+$0x0], $0xffff;
	[tilespmem:v24+s28+$0x0] =	vst.idx.msk $0xffff, v23  }
0x485: {  	v31 =	vor.u32 v51, v16;
	v45 =	vor.u32 v8, v13;
	v24 =	vld.idx.msk [tilespmem:v55+s19+$0x0], $0xffff;
	[tilespmem:v54+s28+$0x0] =	vst.idx.msk $0xffff, v22  }
0x486: {  	v50 =	vor.u32 v8, v14;
	[tilespmem:v56+s28+$0x0] =	vst.idx.msk $0xffff, v20;
	v20 =	vld.idx.msk [tilespmem:v57+s19+$0x0], $0xffff  }
0x487: {  	v38 =	vor.u32 v51, v10;
	v57 =	vld [tilespmem:$0x1FC40]  }
0x488: {  	v32 =	vld.idx.msk [tilespmem:v32+s19+$0x0], $0xffff;
	v33 =	vor.u32 v51, v17  }
0x489: {  	v36 =	vor.u32 v59, v0;
	v28 =	vor.u32 v8, v11;
	v55 =	vld [tilespmem:$0x1FF50]  }
0x48a: {  	v23 =	vor.u32 v8, v12;
	v26 =	vld.idx.msk [tilespmem:v45+s19+$0x0], $0xffff;
	[tilespmem:v31+s28+$0x0] =	vst.idx.msk $0xffff, v30  }
0x48b: {  	v25 =	vor.u32 v58, v1;
	v31 =	vld.idx.msk [tilespmem:v50+s19+$0x0], $0xffff  }
0x48c: {  	[tilespmem:v38+s28+$0x0] =	vst.idx.msk $0xffff, v29;
	v30 =	vor.u32 v43, v2;
	v50 =	vld [tilespmem:$0x1FB10];
	v29 =	vor.u32 v57, v15  }
0x48d: {  	[tilespmem:v33+s28+$0x0] =	vst.idx.msk $0xffff, v32;
	v38 =	vld [tilespmem:$0x1FFE0];
	v45 =	vor.u32 v9, v13  }
0x48e: {  	v56 =	vor.u32 v9, v11;
	v28 =	vld.idx.msk [tilespmem:v28+s19+$0x0], $0xffff;
	[tilespmem:v36+s28+$0x0] =	vst.idx.msk $0xffff, v19  }
0x48f: {  	v19 =	vor.u32 v9, v14;
	v22 =	vor.u32 v41, v3;
	v23 =	vld.idx.msk [tilespmem:v23+s19+$0x0], $0xffff;
	v27 =	vor.u32 v55, v6  }
0x490: {  	[tilespmem:v25+s28+$0x0] =	vst.idx.msk $0xffff, v24;
	v25 =	vor.u32 v9, v12;
	v9 =	vld [tilespmem:$0x1FAE0];
	v54 =	vor.u32 v57, v10  }
0x491: {  	v35 =	vor.u32 v57, v16;
	v24 =	vld.idx.msk [tilespmem:v30+s19+$0x0], $0xffff;
	v34 =	vor.u32 v50, v7;
	[tilespmem:v29+s28+$0x0] =	vst.idx.msk $0xffff, v26  }
0x492: {  	v29 =	vld.idx.msk [tilespmem:v45+s19+$0x0], $0xffff  }
0x493: {  	v57 =	vor.u32 v57, v17;
	v45 =	vld [tilespmem:$0x1FC70]  }
0x494: {  	v21 =	vor.u32 v58, v0;
	v22 =	vld.idx.msk [tilespmem:v22+s19+$0x0], $0xffff;
	[tilespmem:v27+s28+$0x0] =	vst.idx.msk $0xffff, v20  }
0x495: {  	v20 =	vor.u32 v43, v3;
	v27 =	vor.u32 v55, v1;
	[tilespmem:v54+s28+$0x0] =	vst.idx.msk $0xffff, v28  }
0x496: {  	v30 =	vor.u32 v38, v6;
	v26 =	vld.idx.msk [tilespmem:v34+s19+$0x0], $0xffff;
	[tilespmem:v35+s28+$0x0] =	vst.idx.msk $0xffff, v31;
	v31 =	vor.u32 v50, v2  }
0x497: {  	v28 =	vor.u32 v37, v15;
	v34 =	vor.u32 v9, v7;
	v32 =	vld.idx.msk [tilespmem:v56+s19+$0x0], $0xffff  }
0x498: {  	[tilespmem:v57+s28+$0x0] =	vst.idx.msk $0xffff, v23;
	v35 =	vor.u32 v37, v16;
	v19 =	vld.idx.msk [tilespmem:v19+s19+$0x0], $0xffff;
	v36 =	vor.u32 v45, v13  }
0x499: {  	[tilespmem:v21+s28+$0x0] =	vst.idx.msk $0xffff, v22;
	v25 =	vld.idx.msk [tilespmem:v25+s19+$0x0], $0xffff  }
0x49a: {  	[tilespmem:v27+s28+$0x0] =	vst.idx.msk $0xffff, v24;
	v20 =	vld.idx.msk [tilespmem:v20+s19+$0x0], $0xffff;
	v54 =	vor.u32 v45, v14  }
0x49b: {  	[tilespmem:v30+s28+$0x0] =	vst.idx.msk $0xffff, v26;
	v26 =	vld.idx.msk [tilespmem:v31+s19+$0x0], $0xffff  }
0x49c: {  	v56 =	vor.u32 v37, v10;
	[tilespmem:v28+s28+$0x0] =	vst.idx.msk $0xffff, v29;
	v28 =	vld.idx.msk [tilespmem:v34+s19+$0x0], $0xffff  }
0x49d: {  	[tilespmem:v35+s28+$0x0] =	vst.idx.msk $0xffff, v19;
	v19 =	vld.idx.msk [tilespmem:v36+s19+$0x0], $0xffff  }
0x49e: {  	v36 =	vld [tilespmem:$0x1FFF0]  }
0x49f: {  	v21 =	vld.idx.msk [tilespmem:v54+s19+$0x0], $0xffff  }
0x4a0: {  	v24 =	vor.u32 v37, v17;
	v57 =	vor.u32 v45, v11;
	v54 =	vld [tilespmem:$0x1FAB0]  }
0x4a1: {  	v33 =	vor.u32 v55, v0;
	v27 =	vor.u32 v45, v12;
	[tilespmem:v56+s28+$0x0] =	vst.idx.msk $0xffff, v32;
	v56 =	vld [tilespmem:$0x1FC90]  }
0x4a2: {  	v29 =	vor.u32 v38, v1  }
0x4a3: {  	v31 =	vor.u32 v9, v2  }
0x4a4: {  	v30 =	vor.u32 v36, v6  }
0x4a5: {  	v22 =	vor.u32 v60, v15;
	[tilespmem:v24+s28+$0x0] =	vst.idx.msk $0xffff, v25;
	v23 =	vld.idx.msk [tilespmem:v57+s19+$0x0], $0xffff;
	v32 =	vor.u32 v54, v7  }
0x4a6: {  	v34 =	vor.u32 v60, v16;
	v57 =	vor.u32 v56, v13;
	[tilespmem:v33+s28+$0x0] =	vst.idx.msk $0xffff, v20;
	v25 =	vld.idx.msk [tilespmem:v27+s19+$0x0], $0xffff  }
0x4a7: {  	v33 =	vor.u32 v60, v10;
	v27 =	vor.u32 v59, v4;
	[tilespmem:v29+s28+$0x0] =	vst.idx.msk $0xffff, v26;
	v59 =	vld [tilespmem:$0x1FFD0]  }
0x4a8: {  	v24 =	vor.u32 v56, v11;
	v29 =	vld.idx.msk [tilespmem:v31+s19+$0x0], $0xffff  }
0x4a9: {  	v26 =	vor.u32 v60, v17;
	[tilespmem:v30+s28+$0x0] =	vst.idx.msk $0xffff, v28;
	v28 =	vor.u32 v41, v5;
	v41 =	vld [tilespmem:$0x1FCB0]  }
0x4aa: {  	[tilespmem:v22+s28+$0x0] =	vst.idx.msk $0xffff, v19;
	v19 =	vld.idx.msk [tilespmem:v32+s19+$0x0], $0xffff  }
0x4ab: {  	v30 =	vor.u32 v56, v12;
	[tilespmem:v34+s28+$0x0] =	vst.idx.msk $0xffff, v21;
	v21 =	vld.idx.msk [tilespmem:v57+s19+$0x0], $0xffff  }
0x4ac: {  	[tilespmem:v33+s28+$0x0] =	vst.idx.msk $0xffff, v23;
	v57 =	vld [tilespmem:$0x1FB60]  }
0x4ad: {  	v20 =	vor.u32 v56, v14;
	v22 =	vor.u32 v36, v1;
	[tilespmem:v27+s28+$0x0] =	vst.idx.msk $0xffff, v18  }
0x4ae: {  	v45 =	vor.u32 v62, v10;
	v24 =	vld.idx.msk [tilespmem:v24+s19+$0x0], $0xffff;
	[tilespmem:v26+s28+$0x0] =	vst.idx.msk $0xffff, v25  }
0x4af: {  	v31 =	vor.u32 v59, v6;
	v32 =	vor.u32 v54, v2;
	v25 =	vld.idx.msk [tilespmem:v28+s19+$0x0], $0xffff  }
0x4b0: {  	v23 =	vor.u32 v62, v15;
	v26 =	vor.u32 v41, v11;
	v28 =	vld.idx.msk [tilespmem:v30+s19+$0x0], $0xffff  }
0x4b1: {  	v30 =	vor.u32 v58, v4;
	v58 =	vld [tilespmem:$0x1FF60];
	v33 =	vor.u32 v57, v7  }
0x4b2: {  	v34 =	vor.u32 v62, v16;
	[tilespmem:v22+s28+$0x0] =	vst.idx.msk $0xffff, v29;
	v20 =	vld.idx.msk [tilespmem:v20+s19+$0x0], $0xffff;
	v56 =	vor.u32 v41, v13  }
0x4b3: {  	v22 =	vor.u32 v62, v17;
	[tilespmem:v45+s28+$0x0] =	vst.idx.msk $0xffff, v24;
	v45 =	vld [tilespmem:$0x1FBB0];
	v18 =	vor.u32 v41, v14  }
0x4b4: {  	[tilespmem:v31+s28+$0x0] =	vst.idx.msk $0xffff, v19;
	v19 =	vor.u32 v43, v5;
	v29 =	vld.idx.msk [tilespmem:v32+s19+$0x0], $0xffff  }
0x4b5: {  	v31 =	vor.u32 v41, v12;
	[tilespmem:v23+s28+$0x0] =	vst.idx.msk $0xffff, v21;
	v23 =	vor.u32 v59, v1;
	v26 =	vld.idx.msk [tilespmem:v26+s19+$0x0], $0xffff  }
0x4b6: {  	v32 =	vor.u32 v58, v6;
	[tilespmem:v30+s28+$0x0] =	vst.idx.msk $0xffff, v25;
	v21 =	vld.idx.msk [tilespmem:v33+s19+$0x0], $0xffff  }
0x4b7: {  	v24 =	vor.u32 v63, v15;
	[tilespmem:v34+s28+$0x0] =	vst.idx.msk $0xffff, v20;
	v20 =	vld.idx.msk [tilespmem:v56+s19+$0x0], $0xffff;
	v33 =	vor.u32 v57, v2  }
0x4b8: {  	v27 =	vor.u32 v45, v7;
	v56 =	vor.u32 v63, v16;
	[tilespmem:v22+s28+$0x0] =	vst.idx.msk $0xffff, v28;
	v18 =	vld.idx.msk [tilespmem:v18+s19+$0x0], $0xffff  }
0x4b9: {  	v43 =	vor.u32 v48, v14;
	v19 =	vld.idx.msk [tilespmem:v19+s19+$0x0], $0xffff  }
0x4ba: {  	[tilespmem:v23+s28+$0x0] =	vst.idx.msk $0xffff, v29;
	v28 =	vld.idx.msk [tilespmem:v31+s19+$0x0], $0xffff  }
0x4bb: {  	v31 =	vor.u32 v55, v4;
	v55 =	vld [tilespmem:$0x1FF70];
	[tilespmem:v32+s28+$0x0] =	vst.idx.msk $0xffff, v21  }
0x4bc: {  	v29 =	vld.idx.msk [tilespmem:v33+s19+$0x0], $0xffff;
	[tilespmem:v24+s28+$0x0] =	vst.idx.msk $0xffff, v20  }
0x4bd: {  	v30 =	vor.u32 v63, v10;
	v20 =	vld.idx.msk [tilespmem:v27+s19+$0x0], $0xffff;
	[tilespmem:v56+s28+$0x0] =	vst.idx.msk $0xffff, v18  }
0x4be: {  	v41 =	vor.u32 v48, v13;
	v25 =	vld.idx.msk [tilespmem:v43+s19+$0x0], $0xffff  }
0x4bf: {  	v22 =	vor.u32 v48, v11;
	v23 =	vor.u32 v63, v17;
	v43 =	vld [tilespmem:$0x1FBC0]  }
0x4c0: {  	v21 =	vor.u32 v50, v5  }
0x4c1: {  	v32 =	vor.u32 v48, v12;
	v24 =	vor.u32 v58, v1  }
0x4c2: {  	[tilespmem:v30+s28+$0x0] =	vst.idx.msk $0xffff, v26;
	v33 =	vor.u32 v45, v2;
	v27 =	vor.u32 v55, v6  }
0x4c3: {  	v26 =	vor.u32 v47, v15;
	v18 =	vld.idx.msk [tilespmem:v41+s19+$0x0], $0xffff;
	v41 =	vor.u32 v50, v3;
	[tilespmem:v31+s28+$0x0] =	vst.idx.msk $0xffff, v19  }
0x4c4: {  	v22 =	vld.idx.msk [tilespmem:v22+s19+$0x0], $0xffff;
	v31 =	vor.u32 v47, v10;
	[tilespmem:v23+s28+$0x0] =	vst.idx.msk $0xffff, v28;
	v30 =	vor.u32 v43, v7  }
0x4c5: {  	v56 =	vor.u32 v47, v16;
	v21 =	vld.idx.msk [tilespmem:v21+s19+$0x0], $0xffff  }
0x4c6: {  	v28 =	vld.idx.msk [tilespmem:v32+s19+$0x0], $0xffff;
	[tilespmem:v24+s28+$0x0] =	vst.idx.msk $0xffff, v29  }
0x4c7: {  	v50 =	vor.u32 v38, v4;
	v23 =	vor.u32 v52, v11;
	[tilespmem:v27+s28+$0x0] =	vst.idx.msk $0xffff, v20;
	v27 =	vld.idx.msk [tilespmem:v33+s19+$0x0], $0xffff  }
0x4c8: {  	[tilespmem:v26+s28+$0x0] =	vst.idx.msk $0xffff, v18;
	v33 =	vld.idx.msk [tilespmem:v41+s19+$0x0], $0xffff  }
0x4c9: {  	[tilespmem:v31+s28+$0x0] =	vst.idx.msk $0xffff, v22;
	v31 =	vor.u32 v38, v0;
	v18 =	vld.idx.msk [tilespmem:v30+s19+$0x0], $0xffff  }
0x4ca: {  	v35 =	vor.u32 v9, v3;
	[tilespmem:v56+s28+$0x0] =	vst.idx.msk $0xffff, v25;
	v56 =	vld [tilespmem:$0x1FE00]  }
0x4cb: {  	v19 =	vor.u32 v52, v14;
	v24 =	vor.u32 v47, v17;
	v41 =	vld [tilespmem:$0x1FBA0]  }
0x4cc: {  	v23 =	vld.idx.msk [tilespmem:v23+s19+$0x0], $0xffff;
	[tilespmem:v50+s28+$0x0] =	vst.idx.msk $0xffff, v21;
	v50 =	vor.u32 v40, v10  }
0x4cd: {  	v20 =	vor.u32 v9, v5  }
0x4ce: {  	v29 =	vor.u32 v52, v12;
	v9 =	vld [tilespmem:$0x1FF80];
	[tilespmem:v31+s28+$0x0] =	vst.idx.msk $0xffff, v33  }
0x4cf: {  	v33 =	vld.idx.msk [tilespmem:v35+s19+$0x0], $0xffff;
	v30 =	vor.u32 v56, v6  }
0x4d0: {  	v26 =	vor.u32 v55, v1;
	v22 =	vor.u32 v41, v7;
	[tilespmem:v24+s28+$0x0] =	vst.idx.msk $0xffff, v28;
	v19 =	vld.idx.msk [tilespmem:v19+s19+$0x0], $0xffff  }
0x4d1: {  	v34 =	vor.u32 v40, v16;
	v24 =	vor.u32 v46, v11;
	[tilespmem:v50+s28+$0x0] =	vst.idx.msk $0xffff, v23;
	v50 =	vld [tilespmem:$0x1FBF0]  }
0x4d2: {  	v38 =	vor.u32 v46, v14;
	v20 =	vld.idx.msk [tilespmem:v20+s19+$0x0], $0xffff  }
0x4d3: {  	v25 =	vor.u32 v52, v13;
	v28 =	vld.idx.msk [tilespmem:v29+s19+$0x0], $0xffff;
	v29 =	vor.u32 v36, v4  }
0x4d4: {  	v36 =	vor.u32 v36, v0;
	[tilespmem:v30+s28+$0x0] =	vst.idx.msk $0xffff, v18  }
0x4d5: {  	[tilespmem:v26+s28+$0x0] =	vst.idx.msk $0xffff, v27;
	v31 =	vor.u32 v9, v6;
	v35 =	vor.u32 v54, v3;
	v22 =	vld.idx.msk [tilespmem:v22+s19+$0x0], $0xffff  }
0x4d6: {  	v26 =	vor.u32 v40, v17;
	v24 =	vld.idx.msk [tilespmem:v24+s19+$0x0], $0xffff;
	v23 =	vor.u32 v50, v7;
	[tilespmem:v34+s28+$0x0] =	vst.idx.msk $0xffff, v19  }
0x4d7: {  	v21 =	vld.idx.msk [tilespmem:v38+s19+$0x0], $0xffff;
	v38 =	vor.u32 v42, v16  }
0x4d8: {  	v25 =	vld.idx.msk [tilespmem:v25+s19+$0x0], $0xffff;
	[tilespmem:v29+s28+$0x0] =	vst.idx.msk $0xffff, v20;
	v29 =	vor.u32 v42, v10  }
0x4d9: {  	[tilespmem:v36+s28+$0x0] =	vst.idx.msk $0xffff, v33;
	v36 =	vld [tilespmem:$0x1FBE0];
	v18 =	vor.u32 v54, v5  }
0x4da: {  	v27 =	vor.u32 v46, v12;
	v33 =	vld.idx.msk [tilespmem:v35+s19+$0x0], $0xffff;
	[tilespmem:v31+s28+$0x0] =	vst.idx.msk $0xffff, v22  }
0x4db: {  	[tilespmem:v26+s28+$0x0] =	vst.idx.msk $0xffff, v28;
	v26 =	vor.u32 v53, v11;
	v30 =	vor.u32 v40, v15;
	v23 =	vld.idx.msk [tilespmem:v23+s19+$0x0], $0xffff  }
0x4dc: {  	v19 =	vor.u32 v46, v13;
	[tilespmem:v38+s28+$0x0] =	vst.idx.msk $0xffff, v21;
	v38 =	vld [tilespmem:$0x1FE10]  }
0x4dd: {  	v54 =	vor.u32 v59, v4;
	[tilespmem:v29+s28+$0x0] =	vst.idx.msk $0xffff, v24;
	v29 =	vor.u32 v59, v0;
	v59 =	vld [tilespmem:$0x1FEB0]  }
0x4de: {  	v20 =	vor.u32 v53, v14;
	v18 =	vld.idx.msk [tilespmem:v18+s19+$0x0], $0xffff  }
0x4df: {  	v28 =	vor.u32 v42, v17;
	v35 =	vor.u32 v57, v3;
	v27 =	vld.idx.msk [tilespmem:v27+s19+$0x0], $0xffff  }
0x4e0: {  	v26 =	vld.idx.msk [tilespmem:v26+s19+$0x0], $0xffff;
	[tilespmem:v30+s28+$0x0] =	vst.idx.msk $0xffff, v25;
	v22 =	vor.u32 v57, v5  }
0x4e1: {  	v30 =	vor.u32 v53, v12;
	v19 =	vld.idx.msk [tilespmem:v19+s19+$0x0], $0xffff;
	v32 =	vor.u32 v38, v6  }
0x4e2: {  	v24 =	vor.u32 v36, v7;
	[tilespmem:v29+s28+$0x0] =	vst.idx.msk $0xffff, v33;
	v31 =	vor.u32 v42, v15;
	v57 =	vld [tilespmem:$0x1FEC0]  }
0x4e3: {  	v34 =	vor.u32 v59, v16;
	v20 =	vld.idx.msk [tilespmem:v20+s19+$0x0], $0xffff;
	[tilespmem:v54+s28+$0x0] =	vst.idx.msk $0xffff, v18  }
0x4e4: {  	v33 =	vld.idx.msk [tilespmem:v35+s19+$0x0], $0xffff;
	[tilespmem:v28+s28+$0x0] =	vst.idx.msk $0xffff, v27  }
0x4e5: {  	v22 =	vld.idx.msk [tilespmem:v22+s19+$0x0], $0xffff  }
0x4e6: {  	v25 =	vor.u32 v59, v10;
	v21 =	vor.u32 v53, v13;
	v28 =	vld.idx.msk [tilespmem:v30+s19+$0x0], $0xffff;
	[tilespmem:v32+s28+$0x0] =	vst.idx.msk $0xffff, v23  }
0x4e7: {  	v18 =	vor.u32 v57, v14;
	v27 =	vor.u32 v57, v11;
	[tilespmem:v31+s28+$0x0] =	vst.idx.msk $0xffff, v19;
	v24 =	vld.idx.msk [tilespmem:v24+s19+$0x0], $0xffff  }
0x4e8: {  	v31 =	vor.u32 v57, v12;
	[tilespmem:v34+s28+$0x0] =	vst.idx.msk $0xffff, v20;
	v20 =	vor.u32 v57, v13;
	v57 =	vld [tilespmem:$0x1FF90]  }
0x4e9: {  	v19 =	vor.u32 v58, v4;
	v30 =	vor.u32 v59, v17;
	v32 =	vor.u32 v59, v15;
	v59 =	vld [tilespmem:$0x1FAD0]  }
0x4ea: {  	v35 =	vld [tilespmem:$0x1FED0]  }
0x4eb: {  	v39 =	vld [tilespmem:$0x1FEF0];
	[tilespmem:v25+s28+$0x0] =	vst.idx.msk $0xffff, v26;
	v25 =	vor.u32 v58, v0;
	v23 =	vor.u32 v45, v5  }
0x4ec: {  	v37 =	vld [tilespmem:$0x1FCC0];
	v34 =	vor.u32 v45, v3  }
0x4ed: {  	v21 =	vld.idx.msk [tilespmem:v21+s19+$0x0], $0xffff;
	v29 =	vor.u32 v57, v6  }
0x4ee: {  	v27 =	vld.idx.msk [tilespmem:v27+s19+$0x0], $0xffff;
	[tilespmem:v19+s28+$0x0] =	vst.idx.msk $0xffff, v22;
	v7 =	vor.u32 v59, v7  }
0x4ef: {  	v58 =	vor.u32 v35, v16;
	[tilespmem:v30+s28+$0x0] =	vst.idx.msk $0xffff, v28;
	v18 =	vld.idx.msk [tilespmem:v18+s19+$0x0], $0xffff  }
0x4f0: {  	[tilespmem:v25+s28+$0x0] =	vst.idx.msk $0xffff, v33;
	v23 =	vld.idx.msk [tilespmem:v23+s19+$0x0], $0xffff  }
0x4f1: {  	v54 =	vor.u32 v35, v10;
	v25 =	vld.idx.msk [tilespmem:v34+s19+$0x0], $0xffff  }
0x4f2: {  	v45 =	vor.u32 v55, v4;
	v34 =	vld [tilespmem:$0x1FEE0];
	[tilespmem:v29+s28+$0x0] =	vst.idx.msk $0xffff, v24  }
0x4f3: {  	v22 =	vor.u32 v55, v0;
	v28 =	vor.u32 v37, v11;
	v7 =	vld.idx.msk [tilespmem:v7+s19+$0x0], $0xffff  }
0x4f4: {  	v55 =	vor.u32 v43, v3;
	[tilespmem:v58+s28+$0x0] =	vst.idx.msk $0xffff, v18;
	v58 =	vld [tilespmem:$0x1FFA0]  }
0x4f5: {  	v19 =	vor.u32 v37, v14;
	v30 =	vld.idx.msk [tilespmem:v31+s19+$0x0], $0xffff;
	v31 =	vor.u32 v35, v17;
	[tilespmem:v32+s28+$0x0] =	vst.idx.msk $0xffff, v21  }
0x4f6: {  	v8 =	vld [tilespmem:$0x1FF00];
	[tilespmem:v54+s28+$0x0] =	vst.idx.msk $0xffff, v27;
	v24 =	vor.u32 v43, v5  }
0x4f7: {  	v32 =	vor.u32 v35, v15;
	v20 =	vld.idx.msk [tilespmem:v20+s19+$0x0], $0xffff;
	[tilespmem:v45+s28+$0x0] =	vst.idx.msk $0xffff, v23;
	v29 =	vor.u32 v37, v12  }
0x4f8: {  	v28 =	vld.idx.msk [tilespmem:v28+s19+$0x0], $0xffff;
	v45 =	vor.u32 v34, v10;
	[tilespmem:v22+s28+$0x0] =	vst.idx.msk $0xffff, v25  }
0x4f9: {  	v18 =	vor.u32 v37, v13;
	v25 =	vld.idx.msk [tilespmem:v55+s19+$0x0], $0xffff;
	v6 =	vor.u32 v58, v6  }
0x4fa: {  	v54 =	vor.u32 v43, v2;
	[tilespmem:v31+s28+$0x0] =	vst.idx.msk $0xffff, v30;
	v37 =	vor.u32 v34, v16;
	v19 =	vld.idx.msk [tilespmem:v19+s19+$0x0], $0xffff  }
0x4fb: {  	v23 =	vor.u32 v56, v0;
	v30 =	vor.u32 v39, v11;
	v24 =	vld.idx.msk [tilespmem:v24+s19+$0x0], $0xffff  }
0x4fc: {  	v33 =	vor.u32 v41, v3;
	[tilespmem:v32+s28+$0x0] =	vst.idx.msk $0xffff, v20;
	v20 =	vor.u32 v56, v4;
	v29 =	vld.idx.msk [tilespmem:v29+s19+$0x0], $0xffff  }
0x4fd: {  	v21 =	vor.u32 v39, v14;
	v31 =	vor.u32 v34, v17;
	[tilespmem:v45+s28+$0x0] =	vst.idx.msk $0xffff, v28;
	v45 =	vld [tilespmem:$0x1FCD0]  }
0x4fe: {  	v32 =	vor.u32 v34, v15;
	v18 =	vld.idx.msk [tilespmem:v18+s19+$0x0], $0xffff;
	[tilespmem:v6+s28+$0x0] =	vst.idx.msk $0xffff, v7;
	v6 =	vor.u32 v41, v5  }
0x4ff: {  	v54 =	vld.idx.msk [tilespmem:v54+s19+$0x0], $0xffff;
	[tilespmem:v37+s28+$0x0] =	vst.idx.msk $0xffff, v19;
	v19 =	vor.u32 v39, v13  }
0x500: {  	v55 =	vor.u32 v56, v1;
	v30 =	vld.idx.msk [tilespmem:v30+s19+$0x0], $0xffff;
	[tilespmem:v23+s28+$0x0] =	vst.idx.msk $0xffff, v25  }
0x501: {  	v25 =	vld.idx.msk [tilespmem:v33+s19+$0x0], $0xffff;
	[tilespmem:v20+s28+$0x0] =	vst.idx.msk $0xffff, v24;
	v24 =	vor.u32 v8, v10;
	v7 =	vor.u32 v39, v12  }
0x502: {  	[tilespmem:v31+s28+$0x0] =	vst.idx.msk $0xffff, v29;
	v29 =	vor.u32 v45, v11;
	v21 =	vld.idx.msk [tilespmem:v21+s19+$0x0], $0xffff  }
0x503: {  	v26 =	vor.u32 v8, v15;
	[tilespmem:v32+s28+$0x0] =	vst.idx.msk $0xffff, v18;
	v6 =	vld.idx.msk [tilespmem:v6+s19+$0x0], $0xffff  }
0x504: {  	v27 =	vor.u32 v41, v2;
	v28 =	vor.u32 v8, v16;
	v20 =	vor.u32 v45, v14;
	v19 =	vld.idx.msk [tilespmem:v19+s19+$0x0], $0xffff  }
0x505: {  	v18 =	vor.u32 v9, v4;
	v31 =	vor.u32 v8, v17;
	[tilespmem:v55+s28+$0x0] =	vst.idx.msk $0xffff, v54;
	v55 =	vmov v8;
	v8 =	vld [tilespmem:$0x1FF10]  }
0x506: {  	[tilespmem:v24+s28+$0x0] =	vst.idx.msk $0xffff, v30;
	v7 =	vld.idx.msk [tilespmem:v7+s19+$0x0], $0xffff  }
0x507: {  	v22 =	vor.u32 v45, v12;
	v32 =	vor.u32 v50, v5;
	v29 =	vld.idx.msk [tilespmem:v29+s19+$0x0], $0xffff  }
0x508: {  	v41 =	vor.u32 v45, v13;
	v45 =	vor.u32 v9, v1;
	v54 =	vor.u32 v9, v0;
	v9 =	vld [tilespmem:$0x1FF20]  }
0x509: {  	v56 =	vor.u32 v50, v3;
	v23 =	vld.idx.msk [tilespmem:v27+s19+$0x0], $0xffff;
	[tilespmem:v28+s28+$0x0] =	vst.idx.msk $0xffff, v21;
	v28 =	vor.u32 v50, v2  }
0x50a: {  	v20 =	vld.idx.msk [tilespmem:v20+s19+$0x0], $0xffff;
	[tilespmem:v18+s28+$0x0] =	vst.idx.msk $0xffff, v6;
	v30 =	vor.u32 v8, v16;
	v18 =	vor.u32 v8, v10  }
0x50b: {  	v37 =	vmov v39;
	[tilespmem:v31+s28+$0x0] =	vst.idx.msk $0xffff, v7;
	v39 =	vor.u32 v8, v17;
	v50 =	vor.u32 v8, v15;
	v8 =	vld [tilespmem:$0x1FCE0]  }
0x50c: {  	v7 =	vld.idx.msk [tilespmem:v32+s19+$0x0], $0xffff  }
0x50d: {  	v6 =	vor.u32 v9, v14;
	[tilespmem:v26+s28+$0x0] =	vst.idx.msk $0xffff, v19;
	v19 =	vor.u32 v38, v4;
	v22 =	vld.idx.msk [tilespmem:v22+s19+$0x0], $0xffff  }
0x50e: {  	v31 =	vor.u32 v9, v11;
	[tilespmem:v54+s28+$0x0] =	vst.idx.msk $0xffff, v25;
	v21 =	vld.idx.msk [tilespmem:v41+s19+$0x0], $0xffff  }
0x50f: {  	v41 =	vor.u32 v36, v5;
	[tilespmem:v45+s28+$0x0] =	vst.idx.msk $0xffff, v23;
	v25 =	vld.idx.msk [tilespmem:v56+s19+$0x0], $0xffff  }
0x510: {  	v45 =	vor.u32 v9, v12;
	[tilespmem:v30+s28+$0x0] =	vst.idx.msk $0xffff, v20;
	v20 =	vor.u32 v9, v13;
	v9 =	vld [tilespmem:$0x1FE20]  }
0x511: {  	v54 =	vld.idx.msk [tilespmem:v28+s19+$0x0], $0xffff;
	v28 =	vor.u32 v38, v1;
	[tilespmem:v18+s28+$0x0] =	vst.idx.msk $0xffff, v29  }
0x512: {  	v18 =	vor.u32 v38, v0;
	v6 =	vld.idx.msk [tilespmem:v6+s19+$0x0], $0xffff;
	[tilespmem:v19+s28+$0x0] =	vst.idx.msk $0xffff, v7  }
0x513: {  	v29 =	vor.u32 v36, v2;
	v30 =	vor.u32 v8, v16;
	v31 =	vld.idx.msk [tilespmem:v31+s19+$0x0], $0xffff;
	[tilespmem:v39+s28+$0x0] =	vst.idx.msk $0xffff, v22  }
0x514: {  	v56 =	vor.u32 v36, v3;
	v19 =	vor.u32 v8, v10;
	v22 =	vld.idx.msk [tilespmem:v41+s19+$0x0], $0xffff  }
0x515: {  	v38 =	vor.u32 v57, v4;
	[tilespmem:v50+s28+$0x0] =	vst.idx.msk $0xffff, v21;
	v23 =	vld.idx.msk [tilespmem:v45+s19+$0x0], $0xffff;
	v7 =	vor.u32 v9, v14  }
0x516: {  	v39 =	vor.u32 v8, v17;
	v36 =	vor.u32 v9, v11;
	v20 =	vld.idx.msk [tilespmem:v20+s19+$0x0], $0xffff;
	[tilespmem:v28+s28+$0x0] =	vst.idx.msk $0xffff, v54  }
0x517: {  	v5 =	vor.u32 v59, v5;
	v28 =	vor.u32 v8, v15;
	[tilespmem:v18+s28+$0x0] =	vst.idx.msk $0xffff, v25;
	v8 =	vld [tilespmem:$0x1FCF0]  }
0x518: {  	v41 =	vor.u32 v9, v12;
	v18 =	vld.idx.msk [tilespmem:v29+s19+$0x0], $0xffff;
	[tilespmem:v30+s28+$0x0] =	vst.idx.msk $0xffff, v6  }
0x519: {  	v25 =	vld.idx.msk [tilespmem:v56+s19+$0x0], $0xffff;
	[tilespmem:v19+s28+$0x0] =	vst.idx.msk $0xffff, v31  }
0x51a: {  	v6 =	vor.u32 v9, v13;
	v29 =	vor.u32 v57, v1;
	[tilespmem:v38+s28+$0x0] =	vst.idx.msk $0xffff, v22;
	v30 =	vld.idx.msk [tilespmem:v7+s19+$0x0], $0xffff  }
0x51b: {  	v19 =	vor.u32 v57, v0;
	v31 =	vor.u32 v59, v2;
	[tilespmem:v39+s28+$0x0] =	vst.idx.msk $0xffff, v23;
	v26 =	vld.idx.msk [tilespmem:v36+s19+$0x0], $0xffff  }
0x51c: {  	v3 =	vor.u32 v59, v3;
	v45 =	vor.u32 v8, v16;
	v5 =	vld.idx.msk [tilespmem:v5+s19+$0x0], $0xffff  }
0x51d: {  	v4 =	vor.u32 v58, v4;
	v50 =	vor.u32 v61, v14;
	v54 =	vor.u32 v8, v10;
	v24 =	vld.idx.msk [tilespmem:v41+s19+$0x0], $0xffff  }
0x51e: {  	[tilespmem:v28+s28+$0x0] =	vst.idx.msk $0xffff, v20;
	v20 =	vor.u32 v8, v17;
	v7 =	vmov v14;
	v14 =	vor.u32 v8, v15;
	v8 =	vld [tilespmem:$0x1FF30]  }
0x51f: {  	v56 =	vor.u32 v61, v11;
	v57 =	vld.idx.msk [tilespmem:v6+s19+$0x0], $0xffff;
	[tilespmem:v29+s28+$0x0] =	vst.idx.msk $0xffff, v18  }
0x520: {  	v2 =	vmov v13;
	[tilespmem:v19+s28+$0x0] =	vst.idx.msk $0xffff, v25;
	v18 =	vld.idx.msk [tilespmem:v31+s19+$0x0], $0xffff  }
0x521: {  	v28 =	vor.u32 v58, v1;
	v19 =	vor.u32 v61, v2;
	v25 =	vld.idx.msk [tilespmem:v3+s19+$0x0], $0xffff;
	[tilespmem:v45+s28+$0x0] =	vst.idx.msk $0xffff, v30  }
0x522: {  	v13 =	vor.u32 v61, v12;
	v58 =	vor.u32 v58, v0;
	v30 =	vld [tilespmem:$0x1FB90];
	[tilespmem:v54+s28+$0x0] =	vst.idx.msk $0xffff, v26  }
0x523: {  	s2 =	sadd.s32 $0x4, s2;
	v0 =	vmov v10;
	v1 =	vmov v15;
	v59 =	vor.u32 v8, v16;
	[tilespmem:v4+s28+$0x0] =	vst.idx.msk $0xffff, v5;
	v21 =	vld.idx.msk [tilespmem:v50+s19+$0x0], $0xffff  }
0x524: {  	p0 =	slt.u32 s2, $0x1C;
	v15 =	vor.u32 v49, v7;
	v29 =	vor.u32 v8, v0;
	v23 =	vld.idx.msk [tilespmem:v56+s19+$0x0], $0xffff;
	[tilespmem:v20+s28+$0x0] =	vst.idx.msk $0xffff, v24  }
.Ltmp6:
0x525: {  	v43 =	vld [tilespmem:$0x1F910];
	[tilespmem:v14+s28+$0x0] =	vst.idx.msk $0xffff, v57;
	(pc) =	sbr.rel @p0 .LBB2_14-.Ltmp6, $4  }
0x526: {  	v3 =	vmov v11;
	v11 =	vld.idx.msk [tilespmem:v19+s19+$0x0], $0xffff;
	[tilespmem:v28+s28+$0x0] =	vst.idx.msk $0xffff, v18  }
0x527: {  	v9 =	vld [tilespmem:$0x1F920];
	v6 =	vmovc v16;
	v5 =	vmov v12;
	v4 =	vmov v17;
	v17 =	vor.u32 v8, v1;
	[tilespmem:v58+s28+$0x0] =	vst.idx.msk $0xffff, v25  }
0x528: {  	v14 =	vor.u32 v8, v4;
	v12 =	vor.u32 v49, v5;
	v10 =	vld.idx.msk [tilespmem:v13+s19+$0x0], $0xffff;
	[tilespmem:v59+s28+$0x0] =	vst.idx.msk $0xffff, v21  }
0x529: {  	s8 =	sadd.s32 $0x40, s8;
	v18 =	vor.u32 v49, v2;
	[tilespmem:v29+s28+$0x0] =	vst.idx.msk $0xffff, v23;
	v16 =	vld.idx.msk [tilespmem:v15+s19+$0x0], $0xffff;
	v15 =	vor.u32 v30, v7  }
0x52a: {  	_ =	sdelay $0x2  }
0x52b: {  	v21 =	vld [tilespmem:$0x1FEC0]  }
0x52c: {  	v20 =	vld [tilespmem:$0x1FEB0];
	[tilespmem:v14+s28+$0x0] =	vst.idx.msk $0xffff, v10  }
0x52d: {  	v25 =	vmov v63;
	v63 =	vld [tilespmem:$0x1FF40];
	_ =	sdelay $0x2  }
0x52e: {  	[tilespmem:v17+s28+$0x0] =	vst.idx.msk $0xffff, v11  }
0x52f: {  	v39 =	vor.u32 v30, v5;
	v12 =	vld.idx.msk [tilespmem:v12+s19+$0x0], $0xffff;
	[tilespmem:v9+s28+$0x0] =	vst.idx.msk $0xffff, v16  }
0x530: {  	v23 =	vmovc v40;
	v40 =	vor.u32 v30, v2;
	v19 =	vor.u32 v30, v3;
	v30 =	vld [tilespmem:$0x1FFB0];
	v36 =	vor.u32 v63, v4;
	_ =	sdelay $0x2  }
0x531: {  	v13 =	vld.idx.msk [tilespmem:v18+s19+$0x0], $0xffff;
	v38 =	vor.u32 v63, v1  }
0x532: {  	v8 =	vld.idx.msk [tilespmem:v43+s19+$0x0], $0xffff;
	v18 =	vor.u32 v63, v0  }
0x533: {  	v9 =	vld.idx.msk [tilespmem:v15+s19+$0x0], $0xffff;
	v41 =	vor.u32 v30, v6;
	[tilespmem:v36+s28+$0x0] =	vst.idx.msk $0xffff, v12  }
0x534: {  	v31 =	vld [tilespmem:$0x1FBD0];
	_ =	sdelay $0x1  }
0x535: {  	[tilespmem:v38+s28+$0x0] =	vst.idx.msk $0xffff, v13  }
0x536: {  	v49 =	vor.u32 v30, v4;
	v45 =	vld.idx.msk [tilespmem:v39+s19+$0x0], $0xffff;
	[tilespmem:v18+s28+$0x0] =	vst.idx.msk $0xffff, v8  }
0x537: {  	[tilespmem:v41+s28+$0x0] =	vst.idx.msk $0xffff, v9;
	v13 =	vld.idx.msk [tilespmem:v40+s19+$0x0], $0xffff  }
0x538: {  	v40 =	vld [tilespmem:$0x1FFC0];
	v43 =	vor.u32 v31, v7;
	_ =	sdelay $0x1  }
0x539: {  	v26 =	vmov v52  }
0x53a: {  	v50 =	vor.u32 v30, v1;
	v18 =	vor.u32 v30, v0;
	v52 =	vld.idx.msk [tilespmem:v19+s19+$0x0], $0xffff;
	[tilespmem:v49+s28+$0x0] =	vst.idx.msk $0xffff, v45  }
0x53b: {  	v51 =	vor.u32 v31, v5;
	v54 =	vor.u32 v31, v2;
	v19 =	vor.u32 v31, v3;
	v31 =	vld [tilespmem:$0x1FB40]  }
0x53c: {  	v56 =	vor.u32 v40, v6;
	v9 =	vld.idx.msk [tilespmem:v43+s19+$0x0], $0xffff;
	_ =	sdelay $0x2  }
0x53d: {  	[tilespmem:v50+s28+$0x0] =	vst.idx.msk $0xffff, v13  }
0x53e: {  	[tilespmem:v18+s28+$0x0] =	vst.idx.msk $0xffff, v52;
	v58 =	vld.idx.msk [tilespmem:v51+s19+$0x0], $0xffff  }
0x53f: {  	v59 =	vor.u32 v40, v4;
	v18 =	vld.idx.msk [tilespmem:v19+s19+$0x0], $0xffff;
	v57 =	vor.u32 v31, v7;
	[tilespmem:v56+s28+$0x0] =	vst.idx.msk $0xffff, v9  }
0x540: {  	v61 =	vor.u32 v31, v5;
	v36 =	vor.u32 v31, v2;
	v19 =	vor.u32 v31, v3;
	v31 =	vld [tilespmem:$0x1FF50];
	_ =	sdelay $0x2  }
0x541: {  	v60 =	vor.u32 v40, v1;
	v13 =	vld.idx.msk [tilespmem:v54+s19+$0x0], $0xffff  }
0x542: {  	v62 =	vor.u32 v40, v0  }
0x543: {  	v9 =	vld.idx.msk [tilespmem:v57+s19+$0x0], $0xffff;
	[tilespmem:v59+s28+$0x0] =	vst.idx.msk $0xffff, v58;
	v38 =	vor.u32 v31, v6  }
0x544: {  	v32 =	vld [tilespmem:$0x1FB10];
	_ =	sdelay $0x1  }
0x545: {  	[tilespmem:v60+s28+$0x0] =	vst.idx.msk $0xffff, v13  }
0x546: {  	[tilespmem:v62+s28+$0x0] =	vst.idx.msk $0xffff, v18  }
0x547: {  	v41 =	vld.idx.msk [tilespmem:v61+s19+$0x0], $0xffff;
	[tilespmem:v38+s28+$0x0] =	vst.idx.msk $0xffff, v9  }
0x548: {  	v43 =	vor.u32 v31, v4;
	v39 =	vor.u32 v32, v7;
	v59 =	vld [tilespmem:$0x1FFE0];
	_ =	sdelay $0x2  }
0x549: {  	v13 =	vld.idx.msk [tilespmem:v36+s19+$0x0], $0xffff;
	v45 =	vor.u32 v31, v1  }
0x54a: {  	v51 =	vld.idx.msk [tilespmem:v19+s19+$0x0], $0xffff;
	v18 =	vor.u32 v31, v0  }
0x54b: {  	v49 =	vor.u32 v32, v5;
	v8 =	vld.idx.msk [tilespmem:v39+s19+$0x0], $0xffff;
	[tilespmem:v43+s28+$0x0] =	vst.idx.msk $0xffff, v41;
	v52 =	vor.u32 v59, v6  }
0x54c: {  	v54 =	vld [tilespmem:$0x1FAE0];
	_ =	sdelay $0x1  }
0x54d: {  	[tilespmem:v45+s28+$0x0] =	vst.idx.msk $0xffff, v13  }
0x54e: {  	v50 =	vor.u32 v32, v2;
	[tilespmem:v18+s28+$0x0] =	vst.idx.msk $0xffff, v51  }
0x54f: {  	v19 =	vor.u32 v32, v3;
	v11 =	vld.idx.msk [tilespmem:v49+s19+$0x0], $0xffff;
	[tilespmem:v52+s28+$0x0] =	vst.idx.msk $0xffff, v8  }
0x550: {  	v57 =	vor.u32 v59, v4;
	v56 =	vor.u32 v54, v7;
	v52 =	vld [tilespmem:$0x1FFF0];
	_ =	sdelay $0x2  }
0x551: {  	v13 =	vld.idx.msk [tilespmem:v50+s19+$0x0], $0xffff;
	v58 =	vor.u32 v59, v1  }
0x552: {  	v17 =	vld.idx.msk [tilespmem:v19+s19+$0x0], $0xffff;
	v18 =	vor.u32 v59, v0  }
0x553: {  	v60 =	vor.u32 v54, v5;
	v8 =	vld.idx.msk [tilespmem:v56+s19+$0x0], $0xffff;
	[tilespmem:v57+s28+$0x0] =	vst.idx.msk $0xffff, v11;
	v62 =	vor.u32 v52, v6  }
0x554: {  	v36 =	vld [tilespmem:$0x1FAB0];
	_ =	sdelay $0x1  }
0x555: {  	[tilespmem:v58+s28+$0x0] =	vst.idx.msk $0xffff, v13  }
0x556: {  	v61 =	vor.u32 v54, v2;
	[tilespmem:v18+s28+$0x0] =	vst.idx.msk $0xffff, v17  }
0x557: {  	v19 =	vor.u32 v54, v3;
	v11 =	vld.idx.msk [tilespmem:v60+s19+$0x0], $0xffff;
	[tilespmem:v62+s28+$0x0] =	vst.idx.msk $0xffff, v8  }
0x558: {  	v39 =	vor.u32 v52, v4;
	v38 =	vor.u32 v36, v7;
	v50 =	vld [tilespmem:$0x1FFD0];
	_ =	sdelay $0x2  }
0x559: {  	v13 =	vld.idx.msk [tilespmem:v61+s19+$0x0], $0xffff;
	v41 =	vor.u32 v52, v1  }
0x55a: {  	v17 =	vld.idx.msk [tilespmem:v19+s19+$0x0], $0xffff;
	v18 =	vor.u32 v52, v0  }
0x55b: {  	v43 =	vor.u32 v36, v5;
	v8 =	vld.idx.msk [tilespmem:v38+s19+$0x0], $0xffff;
	[tilespmem:v39+s28+$0x0] =	vst.idx.msk $0xffff, v11;
	v49 =	vor.u32 v50, v6  }
0x55c: {  	v51 =	vld [tilespmem:$0x1FB60];
	_ =	sdelay $0x1  }
0x55d: {  	[tilespmem:v41+s28+$0x0] =	vst.idx.msk $0xffff, v13  }
0x55e: {  	v45 =	vor.u32 v36, v2;
	[tilespmem:v18+s28+$0x0] =	vst.idx.msk $0xffff, v17  }
0x55f: {  	v19 =	vor.u32 v36, v3;
	v11 =	vld.idx.msk [tilespmem:v43+s19+$0x0], $0xffff;
	[tilespmem:v49+s28+$0x0] =	vst.idx.msk $0xffff, v8  }
0x560: {  	v56 =	vor.u32 v50, v4;
	v54 =	vor.u32 v51, v7;
	v62 =	vld [tilespmem:$0x1FF60];
	_ =	sdelay $0x2  }
0x561: {  	v13 =	vld.idx.msk [tilespmem:v45+s19+$0x0], $0xffff;
	v57 =	vor.u32 v50, v1  }
0x562: {  	v17 =	vld.idx.msk [tilespmem:v19+s19+$0x0], $0xffff;
	v18 =	vor.u32 v50, v0  }
0x563: {  	v58 =	vor.u32 v51, v5;
	v8 =	vld.idx.msk [tilespmem:v54+s19+$0x0], $0xffff;
	[tilespmem:v56+s28+$0x0] =	vst.idx.msk $0xffff, v11;
	v38 =	vor.u32 v62, v6  }
0x564: {  	v39 =	vld [tilespmem:$0x1FBB0];
	_ =	sdelay $0x1  }
0x565: {  	[tilespmem:v57+s28+$0x0] =	vst.idx.msk $0xffff, v13  }
0x566: {  	v36 =	vor.u32 v51, v2;
	[tilespmem:v18+s28+$0x0] =	vst.idx.msk $0xffff, v17  }
0x567: {  	v19 =	vor.u32 v51, v3;
	v11 =	vld.idx.msk [tilespmem:v58+s19+$0x0], $0xffff;
	[tilespmem:v38+s28+$0x0] =	vst.idx.msk $0xffff, v8  }
0x568: {  	v43 =	vor.u32 v62, v4;
	v41 =	vor.u32 v39, v7;
	v56 =	vld [tilespmem:$0x1FF70];
	_ =	sdelay $0x2  }
0x569: {  	v13 =	vld.idx.msk [tilespmem:v36+s19+$0x0], $0xffff;
	v45 =	vor.u32 v62, v1  }
0x56a: {  	v17 =	vld.idx.msk [tilespmem:v19+s19+$0x0], $0xffff;
	v18 =	vor.u32 v62, v0  }
0x56b: {  	v49 =	vor.u32 v39, v5;
	v8 =	vld.idx.msk [tilespmem:v41+s19+$0x0], $0xffff;
	[tilespmem:v43+s28+$0x0] =	vst.idx.msk $0xffff, v11;
	v57 =	vor.u32 v56, v6  }
0x56c: {  	v58 =	vld [tilespmem:$0x1FBC0];
	_ =	sdelay $0x1  }
0x56d: {  	[tilespmem:v45+s28+$0x0] =	vst.idx.msk $0xffff, v13  }
0x56e: {  	v51 =	vor.u32 v39, v2;
	[tilespmem:v18+s28+$0x0] =	vst.idx.msk $0xffff, v17  }
0x56f: {  	v19 =	vor.u32 v39, v3;
	v11 =	vld.idx.msk [tilespmem:v49+s19+$0x0], $0xffff;
	[tilespmem:v57+s28+$0x0] =	vst.idx.msk $0xffff, v8  }
0x570: {  	v61 =	vor.u32 v56, v4;
	v60 =	vor.u32 v58, v7;
	v41 =	vld [tilespmem:$0x1FE00];
	_ =	sdelay $0x2  }
0x571: {  	v13 =	vld.idx.msk [tilespmem:v51+s19+$0x0], $0xffff;
	v62 =	vor.u32 v56, v1  }
0x572: {  	v38 =	vld.idx.msk [tilespmem:v19+s19+$0x0], $0xffff;
	v39 =	vor.u32 v56, v0  }
0x573: {  	v36 =	vor.u32 v58, v5;
	v8 =	vld.idx.msk [tilespmem:v60+s19+$0x0], $0xffff;
	[tilespmem:v61+s28+$0x0] =	vst.idx.msk $0xffff, v11;
	v43 =	vor.u32 v41, v6  }
0x574: {  	v33 =	vld [tilespmem:$0x1FBA0];
	_ =	sdelay $0x1  }
0x575: {  	[tilespmem:v62+s28+$0x0] =	vst.idx.msk $0xffff, v13  }
0x576: {  	v18 =	vor.u32 v58, v2;
	[tilespmem:v39+s28+$0x0] =	vst.idx.msk $0xffff, v38  }
0x577: {  	v19 =	vor.u32 v58, v3;
	v11 =	vld.idx.msk [tilespmem:v36+s19+$0x0], $0xffff;
	[tilespmem:v43+s28+$0x0] =	vst.idx.msk $0xffff, v8  }
0x578: {  	v49 =	vor.u32 v41, v4;
	v45 =	vor.u32 v33, v7;
	v57 =	vld [tilespmem:$0x1FF80];
	_ =	sdelay $0x2  }
0x579: {  	v14 =	vld.idx.msk [tilespmem:v18+s19+$0x0], $0xffff;
	v54 =	vor.u32 v41, v1  }
0x57a: {  	v16 =	vld.idx.msk [tilespmem:v19+s19+$0x0], $0xffff;
	v60 =	vor.u32 v41, v0  }
0x57b: {  	v51 =	vor.u32 v33, v5;
	v8 =	vld.idx.msk [tilespmem:v45+s19+$0x0], $0xffff;
	[tilespmem:v49+s28+$0x0] =	vst.idx.msk $0xffff, v11;
	v61 =	vor.u32 v57, v6  }
0x57c: {  	v62 =	vld [tilespmem:$0x1FBF0];
	_ =	sdelay $0x1  }
0x57d: {  	[tilespmem:v54+s28+$0x0] =	vst.idx.msk $0xffff, v14  }
0x57e: {  	v18 =	vor.u32 v33, v2;
	[tilespmem:v60+s28+$0x0] =	vst.idx.msk $0xffff, v16  }
0x57f: {  	v19 =	vor.u32 v33, v3;
	v11 =	vld.idx.msk [tilespmem:v51+s19+$0x0], $0xffff;
	[tilespmem:v61+s28+$0x0] =	vst.idx.msk $0xffff, v8  }
0x580: {  	v36 =	vor.u32 v57, v4;
	v33 =	vor.u32 v62, v7;
	v43 =	vld [tilespmem:$0x1FE10];
	_ =	sdelay $0x2  }
0x581: {  	v14 =	vld.idx.msk [tilespmem:v18+s19+$0x0], $0xffff;
	v39 =	vor.u32 v57, v1  }
0x582: {  	v16 =	vld.idx.msk [tilespmem:v19+s19+$0x0], $0xffff;
	v41 =	vor.u32 v57, v0  }
0x583: {  	v38 =	vor.u32 v62, v5;
	v8 =	vld.idx.msk [tilespmem:v33+s19+$0x0], $0xffff;
	[tilespmem:v36+s28+$0x0] =	vst.idx.msk $0xffff, v11;
	v45 =	vor.u32 v43, v6  }
0x584: {  	v49 =	vld [tilespmem:$0x1FBE0];
	_ =	sdelay $0x1  }
0x585: {  	[tilespmem:v39+s28+$0x0] =	vst.idx.msk $0xffff, v14  }
0x586: {  	v18 =	vor.u32 v62, v2;
	[tilespmem:v41+s28+$0x0] =	vst.idx.msk $0xffff, v16  }
0x587: {  	v19 =	vor.u32 v62, v3;
	v11 =	vld.idx.msk [tilespmem:v38+s19+$0x0], $0xffff;
	[tilespmem:v45+s28+$0x0] =	vst.idx.msk $0xffff, v8  }
0x588: {  	v54 =	vor.u32 v43, v4;
	v51 =	vor.u32 v49, v7;
	v60 =	vld [tilespmem:$0x1FF90];
	_ =	sdelay $0x2  }
0x589: {  	v14 =	vld.idx.msk [tilespmem:v18+s19+$0x0], $0xffff;
	v57 =	vor.u32 v43, v1  }
0x58a: {  	v16 =	vld.idx.msk [tilespmem:v19+s19+$0x0], $0xffff;
	v58 =	vor.u32 v43, v0  }
0x58b: {  	v56 =	vor.u32 v49, v5;
	v8 =	vld.idx.msk [tilespmem:v51+s19+$0x0], $0xffff;
	[tilespmem:v54+s28+$0x0] =	vst.idx.msk $0xffff, v11;
	v61 =	vor.u32 v60, v6  }
0x58c: {  	v62 =	vld [tilespmem:$0x1FAD0]  }
0x58d: {  	v18 =	vor.u32 v49, v2  }
0x58e: {  	v19 =	vor.u32 v49, v3;
	[tilespmem:v57+s28+$0x0] =	vst.idx.msk $0xffff, v14  }
0x58f: {  	[tilespmem:v58+s28+$0x0] =	vst.idx.msk $0xffff, v16  }
0x590: {  	v38 =	vld.idx.msk [tilespmem:v56+s19+$0x0], $0xffff;
	[tilespmem:v61+s28+$0x0] =	vst.idx.msk $0xffff, v8  }
0x591: {  	v39 =	vor.u32 v60, v4;
	v36 =	vor.u32 v62, v7;
	v61 =	vld [tilespmem:$0x1FFA0]  }
0x592: {  	v43 =	vld.idx.msk [tilespmem:v18+s19+$0x0], $0xffff;
	v45 =	vor.u32 v60, v1;
	v41 =	vor.u32 v62, v5  }
0x593: {  	v49 =	vld.idx.msk [tilespmem:v19+s19+$0x0], $0xffff;
	v51 =	vor.u32 v60, v0;
	v54 =	vor.u32 v62, v2  }
0x594: {  	v56 =	vor.u32 v62, v3;
	_ =	sdelay $0x1  }
0x595: {  	v7 =	vld.idx.msk [tilespmem:v36+s19+$0x0], $0xffff;
	[tilespmem:v39+s28+$0x0] =	vst.idx.msk $0xffff, v38;
	v57 =	vor.u32 v61, v6  }
0x596: {  	[tilespmem:v45+s28+$0x0] =	vst.idx.msk $0xffff, v43;
	v5 =	vld.idx.msk [tilespmem:v41+s19+$0x0], $0xffff;
	v58 =	vor.u32 v61, v4  }
0x597: {  	[tilespmem:v51+s28+$0x0] =	vst.idx.msk $0xffff, v49;
	v2 =	vld.idx.msk [tilespmem:v54+s19+$0x0], $0xffff;
	v60 =	vor.u32 v61, v1  }
0x598: {  	v3 =	vld.idx.msk [tilespmem:v56+s19+$0x0], $0xffff;
	v62 =	vor.u32 v61, v0  }
0x599: {  	s0 =	sshll.u32 s0, $0x10;
	s2 =	simm.s32 $0x0  }
0x59a: {  	s0 =	sadd.s32 s1, s0;
	s6 =	sand.u32 $0xC000, s2;
	s2 =	sand.u32 $0x3, s2;
	[tilespmem:v57+s28+$0x0] =	vst.idx.msk $0xffff, v7  }
0x59b: {  	s7 =	sor.u32 s4, s2;
	s8 =	sshrl.u32 s6, $0x2;
	s2 =	sshll.u32 s2, $0x7;
	[tilespmem:v58+s28+$0x0] =	vst.idx.msk $0xffff, v5  }
0x59c: {  	s6 =	sadd.s32 s6, s0;
	s7 =	sshll.u32 s7, $0x7;
	s10 =	sor.u32 s2, s8;
	[tilespmem:v60+s28+$0x0] =	vst.idx.msk $0xffff, v2  }
0x59d: {  	s7 =	sadd.s32 s7, s6;
	s2 =	sor.u32 $0x10000, s10;
	[tilespmem:v62+s28+$0x0] =	vst.idx.msk $0xffff, v3  }
0x59e: {  	[hbm4b:s7+s3] =	stream.linear.scatter [tilespmem:s2], [sflag:$0x4], $0x80, $0x38;
	[tilespmem:$0x14000] =	vst v63  }
0x59f: {  	s13 =	sor.u32 $0x10200, s10;
	s6 =	sadd.s32 $0x10, s7  }
0x5a0: {  	[hbm4b:s6+s3] =	stream.linear.scatter [tilespmem:s13], [sflag:$0x4], $0x80, $0x38;
	[tilespmem:$0x14000] =	vst v63  }
0x5a1: {  	s15 =	sor.u32 $0x10400, s10;
	s29 =	sor.u32 $0x10600, s10;
	s17 =	sadd.s32 $0x20, s7  }
0x5a2: {  	[hbm4b:s17+s3] =	stream.linear.scatter [tilespmem:s15], [sflag:$0x4], $0x80, $0x38;
	[tilespmem:$0x14000] =	vst v63  }
0x5a3: {  	s8 =	sor.u32 $0x10800, s10;
	s30 =	sadd.s32 $0x30, s7;
	s9 =	sadd.s32 $0x40, s7  }
0x5a4: {  	[hbm4b:s30+s3] =	stream.linear.scatter [tilespmem:s29], [sflag:$0x4], $0x80, $0x38;
	[tilespmem:$0x14000] =	vst v63  }
0x5a5: {  	s13 =	simm.s32 $0x1;
	s6 =	sor.u32 $0x10E00, s10;
	s15 =	sor.u32 $0x10A00, s10  }
0x5a6: {  	[hbm4b:s9+s3] =	stream.linear.scatter [tilespmem:s8], [sflag:$0x4], $0x80, $0x38;
	[tilespmem:$0x14000] =	vst v63  }
0x5a7: {  	s17 =	sadd.s32 $0x50, s7;
	s29 =	simm.s32 $0x1000;
	s30 =	sor.u32 $0x10C00, s10  }
0x5a8: {  	[hbm4b:s17+s3] =	stream.linear.scatter [tilespmem:s15], [sflag:$0x4], $0x80, $0x38;
	[tilespmem:$0x14000] =	vst v63  }
0x5a9: {  	v28 =	vmov v48;
	v48 =	vld [tilespmem:$0x1FF10];
	s2 =	sand.u32 $0xC000, s29;
	s9 =	sadd.s32 $0x60, s7;
	s8 =	simm.s32 $0x2000  }
0x5aa: {  	v39 =	vld [tilespmem:$0x1FF20];
	[hbm4b:s9+s3] =	stream.linear.scatter [tilespmem:s30], [sflag:$0x4], $0x80, $0x38  }
0x5ab: {  	v32 =	vmov v31;
	v58 =	vld [tilespmem:$0x1FF30];
	s7 =	sadd.s32 $0x70, s7;
	s9 =	sand.u32 $0x3, s13;
	s13 =	simm.s32 $0x2  }
.LBB2_16:
0x5ac: {  	[hbm4b:s7+s3] =	stream.linear.scatter [tilespmem:s6], [sflag:$0x4], $0x80, $0x38;
	[tilespmem:$0x14000] =	vst v63  }
0x5ad: {  	s6 =	smov.u32 s13  }
0x5ae: {  	s7 =	sshrl.u32 s2, $0x2;
	s6 =	sor.u32 s4, s9;
	s9 =	sshll.u32 s9, $0x7  }
0x5af: {  	s2 =	sadd.s32 s2, s0;
	s6 =	sshll.u32 s6, $0x7;
	s7 =	sor.u32 s9, s7  }
0x5b0: {  	s10 =	sadd.s32 s6, s2;
	s2 =	sor.u32 $0x10000, s7;
	s6 =	sor.u32 $0x10200, s7  }
0x5b1: {  	[hbm4b:s10+s3] =	stream.linear.scatter [tilespmem:s2], [sflag:$0x4], $0x80, $0x38;
	[tilespmem:$0x14000] =	vst v63  }
0x5b2: {  	s9 =	sand.u32 $0x3, s13;
	s2 =	sand.u32 $0xC000, s8;
	s15 =	sadd.s32 $0x10, s10  }
0x5b3: {  	[hbm4b:s15+s3] =	stream.linear.scatter [tilespmem:s6], [sflag:$0x4], $0x80, $0x38;
	[tilespmem:$0x14000] =	vst v63  }
0x5b4: {  	s17 =	sadd.s32 $0x20, s10;
	s15 =	sadd.s32 $0x1, s13;
	s6 =	sor.u32 $0x10400, s7  }
0x5b5: {  	[hbm4b:s17+s3] =	stream.linear.scatter [tilespmem:s6], [sflag:$0x4], $0x80, $0x38;
	[tilespmem:$0x14000] =	vst v63  }
0x5b6: {  	p0 =	seq.s32 s13, $0xF;
	s13 =	sadd.s32 $0x30, s10;
	s6 =	sor.u32 $0x10600, s7  }
0x5b7: {  	[hbm4b:s13+s3] =	stream.linear.scatter [tilespmem:s6], [sflag:$0x4], $0x80, $0x38;
	[tilespmem:$0x14000] =	vst v63  }
0x5b8: {  	s6 =	sor.u32 $0x10800, s7;
	s13 =	sadd.s32 $0x40, s10  }
0x5b9: {  	[hbm4b:s13+s3] =	stream.linear.scatter [tilespmem:s6], [sflag:$0x4], $0x80, $0x38;
	[tilespmem:$0x14000] =	vst v63  }
.Ltmp7:
0x5ba: {  	s6 =	sor.u32 $0x10A00, s7;
	s13 =	sadd.s32 $0x50, s10;
	(pc) =	sbr.rel @!p0 .LBB2_16-.Ltmp7, $4  }
0x5bb: {  	[hbm4b:s13+s3] =	stream.linear.scatter [tilespmem:s6], [sflag:$0x4], $0x80, $0x38;
	[tilespmem:$0x14000] =	vst v63  }
0x5bc: {  	s8 =	sadd.s32 $0x1000, s8;
	s6 =	sor.u32 $0x10C00, s7;
	s13 =	sadd.s32 $0x60, s10  }
0x5bd: {  	[hbm4b:s13+s3] =	stream.linear.scatter [tilespmem:s6], [sflag:$0x4], $0x80, $0x38;
	[tilespmem:$0x14000] =	vst v63  }
0x5be: {  	s6 =	sor.u32 $0x10E00, s7;
	s7 =	sadd.s32 $0x70, s10;
	s13 =	smov.u32 s15  }
0x5bf: {  	[hbm4b:s7+s3] =	stream.linear.scatter [tilespmem:s6], [sflag:$0x4], $0x80, $0x38;
	[tilespmem:$0x14000] =	vst v63  }
0x5c0: {  	s7 =	sor.u32 s4, s9;
	s10 =	sshrl.u32 s2, $0x2;
	s8 =	sshll.u32 s9, $0x7  }
0x5c1: {  	s0 =	sadd.s32 s2, s0;
	s6 =	sshll.u32 s7, $0x7;
	s2 =	sor.u32 s8, s10  }
0x5c2: {  	s0 =	sadd.s32 s6, s0;
	s13 =	sor.u32 $0x10000, s2  }
0x5c3: {  	[hbm4b:s0+s3] =	stream.linear.scatter [tilespmem:s13], [sflag:$0x4], $0x80, $0x38;
	[tilespmem:$0x14000] =	vst v63  }
0x5c4: {  	s15 =	sor.u32 $0x10200, s2;
	s17 =	sadd.s32 $0x10, s0  }
0x5c5: {  	[hbm4b:s17+s3] =	stream.linear.scatter [tilespmem:s15], [sflag:$0x4], $0x80, $0x38;
	[tilespmem:$0x14000] =	vst v63  }
0x5c6: {  	s29 =	sor.u32 $0x10400, s2;
	s30 =	sadd.s32 $0x20, s0  }
0x5c7: {  	[hbm4b:s30+s3] =	stream.linear.scatter [tilespmem:s29], [sflag:$0x4], $0x80, $0x38;
	[tilespmem:$0x14000] =	vst v63  }
0x5c8: {  	s8 =	sor.u32 $0x10600, s2;
	s9 =	sadd.s32 $0x30, s0  }
0x5c9: {  	[hbm4b:s9+s3] =	stream.linear.scatter [tilespmem:s8], [sflag:$0x4], $0x80, $0x38;
	[tilespmem:$0x14000] =	vst v63  }
0x5ca: {  	s10 =	sor.u32 $0x10800, s2;
	s13 =	sadd.s32 $0x40, s0  }
0x5cb: {  	[hbm4b:s13+s3] =	stream.linear.scatter [tilespmem:s10], [sflag:$0x4], $0x80, $0x38;
	[tilespmem:$0x14000] =	vst v63  }
0x5cc: {  	s15 =	sor.u32 $0x10A00, s2;
	s17 =	sadd.s32 $0x50, s0  }
0x5cd: {  	[hbm4b:s17+s3] =	stream.linear.scatter [tilespmem:s15], [sflag:$0x4], $0x80, $0x38;
	[tilespmem:$0x14000] =	vst v63  }
0x5ce: {  	s29 =	sor.u32 $0x10C00, s2;
	s30 =	sadd.s32 $0x60, s0  }
0x5cf: {  	[hbm4b:s30+s3] =	stream.linear.scatter [tilespmem:s29], [sflag:$0x4], $0x80, $0x38;
	[tilespmem:$0x14000] =	vst v63  }
0x5d0: {  	s2 =	sor.u32 $0x10E00, s2;
	s0 =	sadd.s32 $0x70, s0  }
0x5d1: {  	[hbm4b:s0+s3] =	stream.linear.scatter [tilespmem:s2], [sflag:$0x4], $0x80, $0x38;
	[tilespmem:$0x14000] =	vst v63  }
0x5d2: {  	p0 =	seq.s32 s31, $0xD  }
.Ltmp8:
0x5d3: {  	_ = 	snop;
	(pc) =	sbr.rel @!p0 .LBB2_5-.Ltmp8, $1  }
0x5d4: {  	_ =	sdelay $0x3  }
0x5d5: {  	s0 =	simm.s32 $0x3  }
0x5d6: {  	_ =	swait.ge [sflag:s0], $0x4000  }
0x5d7: {  	[sflag:s0] =	ssyncset.done $0x0  }
0x5d8: {  	[sflag:s0] =	ssyncadd.s32 $0xFFFFC000  }
0x5d9: {  	_ =	swait.ge [sflag:s26], $0x4000  }
0x5da: {  	s2 =	rddreg [dreg:$0x5]  }
0x5db: {  	s31 =	rddreg [dreg:$0x4];
	s2 =	sadd.s32 $0x1, s2  }
0x5dc: {  	p0 =	sne.s32 s2, s31  }
.Ltmp9:
0x5dd: {  	_ = 	snop;
	(pc) =	sbr.rel @p0 .LBB2_1-.Ltmp9, $3  }
0x5de: {  	_ =	sdelay $0x1  }
0x5df: {  	[sflag:s26] =	ssyncset.done $0x0  }
0x5e0: {  	[sflag:s26] =	ssyncadd.s32 $0xFFFFC000  }
0x5e1: {  	_ =	sfence.sel $0x180000  }
0x5e2: {  	[bflag:$0x0] =	sbarrier.arrive $0xFFFF  }
0x5e3: {  	_ =	strace $0x90000047  }
0x5e4: {  	s0 =	stileid.u32;
	[bflag:$0x2] =	sbarrier.arrive $0xFFFF  }
0x5e5: {  	p0 =	sne.s32 s0, $0x0;
	s0 =	rddreg [dreg:$0x2]  }
0x5e6: {  	s0 =	sadd.s32 @!p0 $0x100000, s0  }
0x5e7: {  	[sflag:s0] =	ssyncadd.tile.s32 @!p0 $0x1;
	_ =	shalt  }
.Lfunc_end2:
_tile_overlayer_lowered:
.L_overlay_start_2:
0x5e8: {  	(tag) =	ssettag $0x2  }
0x5e9: {  	s0 =	rddreg [dreg:$0x0];
	s2 =	stileid.u32  }
0x5ea: {  	s1 =	rddreg [dreg:$0x1];
	p0 =	sne.s32 s2, $0x0  }
0x5eb: {  	s3 =	rddreg [dreg:$0x2];
	[bflag:$0x3] =	sbarrier.arrive $0xFFFF;
	s2 =	simm.s32 @!p0 $0x1C05  }
0x5ec: {  	[timem:s3], [sflag:s2] =	dma.local @!p0 [hbm:s0], s1  }
0x5ed: {  	s0 =	simm.s32 @!p0 $0x5  }
0x5ee: {  	_ =	swait.ge @!p0 [sflag:s0], s1  }
0x5ef: {  	s1 =	ssub.s32 @!p0 $0x0, s1;
	[sflag:s0] =	ssyncset.done @!p0 $0x0  }
0x5f0: {  	[sflag:s0] =	ssyncadd.s32 @!p0 s1  }
0x5f1: {  	[bflag:$0x3] =	sbarrier.arrive $0xFFFF  }
0x5f2: {  	_ =	shalt  }

</sc_bundles>
